<compile_context>
chip_gen: v7x
topology: tpu7x:2x2x1
jax: 0.10.2.dev20260603
libtpu: 0.0.44.dev20260713+nightly
codegen_flags: <defaults>
</compile_context>

<pallas_src>
import jax
import jax.numpy as jnp
from jax import lax
from jax.experimental import pallas as pl
from jax.experimental.pallas import tpu as pltpu
from jax.experimental.pallas import tpu_sc as plsc

N = 10000
NPAD = 10240
F = 256
H = 128
NS = 16
NC = 2
EPT = 10240
EB = 128
NB = EPT // EB
NBUF = 4
ROWS_PT = NPAD // NS
TRASH = N
PK = 16384


def _mesh():
    return plsc.VectorSubcoreMesh(core_axis_name="c", subcore_axis_name="s")


_SC_PARAMS = pltpu.CompilerParams(needs_layout_passes=False,
                                  use_tc_tiling_on_sc=False)


def _deg_body(pk_hbm, deg_out, pk_v, hist, tmp, red, hist_sh):
    c = lax.axis_index("c")
    s = lax.axis_index("s")

    pltpu.sync_copy(pk_hbm.at[pl.ds(s * NB + c * (NB // 2), NB // 2)], pk_v)

    def zero_hist(i, _):
        hist[pl.ds(i * 16, 16)] = jnp.zeros((16,), jnp.float32)
        return ()
    lax.fori_loop(0, NPAD // 16, zero_hist, ())

    ones = jnp.ones((16,), jnp.float32)

    def batch_body(j, _):
        for v in range(EB // 16):
            idx = lax.bitwise_and(pk_v[j, pl.ds(v * 16, 16)], PK - 1)
            plsc.addupdate_scatter(hist, [idx], ones)
        return ()
    lax.fori_loop(0, NB // 2, batch_body, ())

    pltpu.sync_copy(hist, hist_sh.at[pl.ds(s * NPAD, NPAD)])
    plsc.subcore_barrier()

    base = s * ROWS_PT

    def zero_red(i, _):
        red[pl.ds(i * 16, 16)] = jnp.zeros((16,), jnp.float32)
        return ()
    lax.fori_loop(0, ROWS_PT // 16, zero_red, ())

    for t in range(NS):
        pltpu.sync_copy(hist_sh.at[pl.ds(t * NPAD + base, ROWS_PT)], tmp)

        def acc_body(i, _):
            sl = pl.ds(i * 16, 16)
            red[sl] = red[sl] + tmp[sl]
            return ()
        lax.fori_loop(0, ROWS_PT // 16, acc_body, ())

    pltpu.sync_copy(red, deg_out.at[pl.ds(c * NPAD + base, ROWS_PT)])


def _deg_call(pk_flat):
    return pl.kernel(
        _deg_body,
        out_type=jax.ShapeDtypeStruct((NC * NPAD,), jnp.float32),
        mesh=_mesh(),
        scratch_types=[
            pltpu.VMEM((NB // 2, EB), jnp.int32),
            pltpu.VMEM((NPAD,), jnp.float32),
            pltpu.VMEM((ROWS_PT,), jnp.float32),
            pltpu.VMEM((ROWS_PT,), jnp.float32),
            pltpu.VMEM_SHARED((NS * NPAD,), jnp.float32),
        ],
        compiler_params=_SC_PARAMS,
    )(pk_flat)


def _agg_body(xs0_hbm, xs1_hbm, pk_hbm, out0_hbm, out1_hbm,
              pk_v, sidx, didx, gbuf, xs_sh, acc,
              gsem0, gsem1, gsem2, gsem3, ssem0, ssem1, ssem2, ssem3):
    c = lax.axis_index("c")
    s = lax.axis_index("s")
    gsems = (gsem0, gsem1, gsem2, gsem3)
    ssems = (ssem0, ssem1, ssem2, ssem3)

    pltpu.sync_copy(pk_hbm.at[pl.ds(s * NB, NB)], pk_v)

    base = s * ROWS_PT
    rows = pl.ds(base, ROWS_PT)

    @pl.when(c == 0)
    def _():
        pltpu.sync_copy(xs0_hbm.at[rows], xs_sh.at[rows])
        pltpu.sync_copy(xs0_hbm.at[rows], acc.at[rows])

    @pl.when(c == 1)
    def _():
        pltpu.sync_copy(xs1_hbm.at[rows], xs_sh.at[rows])
        pltpu.sync_copy(xs1_hbm.at[rows], acc.at[rows])

    plsc.subcore_barrier()

    def unpack(bi, b):
        for v in range(EB // 16):
            sl = pl.ds(v * 16, 16)
            p = pk_v[bi, sl]
            sidx[b, sl] = lax.shift_right_logical(p, 14)
            didx[b, sl] = lax.bitwise_and(p, PK - 1)

    def start_gather(bi, b):
        unpack(bi, b)
        pltpu.async_copy(xs_sh.at[sidx.at[b]], gbuf.at[b], gsems[b])

    def wait_gather(b):
        pltpu.make_async_copy(xs_sh.at[sidx.at[b]], gbuf.at[b],
                              gsems[b]).wait()

    def start_scatter(b):
        pltpu.async_copy(gbuf.at[b], acc.at[didx.at[b]], ssems[b], add=True)

    def wait_scatter(b):
        pltpu.make_async_copy(gbuf.at[b], acc.at[didx.at[b]],
                              ssems[b]).wait()

    for b in range(2):
        start_gather(b, b)

    def loop_body(k, _):
        for j in range(NBUF):
            bi = k * NBUF + j
            wait_gather(j)
            start_scatter(j)
            jf = (j + 2) % NBUF
            nxt = bi + 2

            @pl.when(nxt < NB)
            def _():
                @pl.when(bi >= 2)
                def _():
                    wait_scatter(jf)
                start_gather(nxt, jf)
        return ()
    lax.fori_loop(0, NB // NBUF, loop_body, ())

    for b in range(NBUF):
        wait_scatter(b)

    plsc.subcore_barrier()

    @pl.when(c == 0)
    def _():
        pltpu.sync_copy(acc.at[rows], out0_hbm.at[rows])

    @pl.when(c == 1)
    def _():
        pltpu.sync_copy(acc.at[rows], out1_hbm.at[rows])


def _agg_call(xs0, xs1, pk_flat):
    return pl.kernel(
        _agg_body,
        out_type=[jax.ShapeDtypeStruct((NPAD, H), jnp.bfloat16),
                  jax.ShapeDtypeStruct((NPAD, H), jnp.bfloat16)],
        mesh=_mesh(),
        scratch_types=[
            pltpu.VMEM((NB, EB), jnp.int32),
            pltpu.VMEM((NBUF, EB), jnp.int32),
            pltpu.VMEM((NBUF, EB), jnp.int32),
            pltpu.VMEM((NBUF, EB, H), jnp.bfloat16),
            pltpu.VMEM_SHARED((NPAD, H), jnp.bfloat16),
            pltpu.VMEM_SHARED((NPAD, H), jnp.bfloat16),
        ] + [pltpu.SemaphoreType.DMA] * (2 * NBUF),
        compiler_params=_SC_PARAMS,
    )(xs0, xs1, pk_flat)


_RB = 1024


def _prep_body(dega_ref, degb_ref, x_ref, xs0_ref, xs1_ref, dinv_ref):
    deg = (dega_ref[...] + degb_ref[...] + 1.0).reshape(_RB, 1)
    dinv = lax.rsqrt(deg)
    dinv_ref[...] = dinv
    xb = x_ref[...]
    xs0_ref[...] = (xb[:, :H] * dinv).astype(jnp.bfloat16)
    xs1_ref[...] = (xb[:, H:] * dinv).astype(jnp.bfloat16)


def _prep_call(deg2, x_pad):
    return pl.pallas_call(
        _prep_body,
        grid=(NPAD // _RB,),
        in_specs=[
            pl.BlockSpec((_RB,), lambda i: (i,)),
            pl.BlockSpec((_RB,), lambda i: (NPAD // _RB + i,)),
            pl.BlockSpec((_RB, F), lambda i: (i, 0)),
        ],
        out_specs=[
            pl.BlockSpec((_RB, H), lambda i: (i, 0)),
            pl.BlockSpec((_RB, H), lambda i: (i, 0)),
            pl.BlockSpec((_RB, 1), lambda i: (i, 0)),
        ],
        out_shape=[
            jax.ShapeDtypeStruct((NPAD, H), jnp.bfloat16),
            jax.ShapeDtypeStruct((NPAD, H), jnp.bfloat16),
            jax.ShapeDtypeStruct((NPAD, 1), jnp.float32),
        ],
    )(deg2, deg2, x_pad)


def _mid_body(a0_ref, a1_ref, dinv_ref, w1_ref, b1_ref, w2_ref,
              o0_ref, o1_ref):
    dv = dinv_ref[...]
    a0 = a0_ref[...].astype(jnp.float32) * dv
    a1 = a1_ref[...].astype(jnp.float32) * dv
    h1 = jnp.dot(a0, w1_ref[0], preferred_element_type=jnp.float32)
    h1 = h1 + jnp.dot(a1, w1_ref[1], preferred_element_type=jnp.float32)
    h1 = jnp.maximum(h1 + b1_ref[...], 0.0)
    t = jnp.dot(h1, w2_ref[...], preferred_element_type=jnp.float32)
    o0_ref[...] = (t[:, :H] * dv).astype(jnp.bfloat16)
    o1_ref[...] = (t[:, H:] * dv).astype(jnp.bfloat16)


def _mid_call(a0, a1, dinv, w1r, b1r, w2):
    return pl.pallas_call(
        _mid_body,
        grid=(NPAD // _RB,),
        in_specs=[
            pl.BlockSpec((_RB, H), lambda i: (i, 0)),
            pl.BlockSpec((_RB, H), lambda i: (i, 0)),
            pl.BlockSpec((_RB, 1), lambda i: (i, 0)),
            pl.BlockSpec((2, H, 512), lambda i: (0, 0, 0)),
            pl.BlockSpec((1, 512), lambda i: (0, 0)),
            pl.BlockSpec((512, F), lambda i: (0, 0)),
        ],
        out_specs=[
            pl.BlockSpec((_RB, H), lambda i: (i, 0)),
            pl.BlockSpec((_RB, H), lambda i: (i, 0)),
        ],
        out_shape=[
            jax.ShapeDtypeStruct((NPAD, H), jnp.bfloat16),
            jax.ShapeDtypeStruct((NPAD, H), jnp.bfloat16),
        ],
    )(a0, a1, dinv, w1r, b1r, w2)


def _fin_body(a0_ref, a1_ref, dinv_ref, b2_ref, o_ref):
    dv = dinv_ref[...]
    a0 = a0_ref[...].astype(jnp.float32) * dv
    a1 = a1_ref[...].astype(jnp.float32) * dv
    o_ref[...] = jnp.concatenate([a0, a1], axis=1) + b2_ref[...]


def _fin_call(a0, a1, dinv, b2r):
    return pl.pallas_call(
        _fin_body,
        grid=(NPAD // _RB,),
        in_specs=[
            pl.BlockSpec((_RB, H), lambda i: (i, 0)),
            pl.BlockSpec((_RB, H), lambda i: (i, 0)),
            pl.BlockSpec((_RB, 1), lambda i: (i, 0)),
            pl.BlockSpec((1, F), lambda i: (0, 0)),
        ],
        out_specs=pl.BlockSpec((_RB, F), lambda i: (i, 0)),
        out_shape=jax.ShapeDtypeStruct((NPAD, F), jnp.float32),
    )(a0, a1, dinv, b2r)


def kernel(x, edge_index, W1, b1, W2, b2):
    E = edge_index.shape[1]
    src = edge_index[0].astype(jnp.int32)
    dst = edge_index[1].astype(jnp.int32)

    tot = NS * EPT
    pad = tot - E
    pk = src * PK + dst
    pk_p = jnp.concatenate([pk, jnp.full((pad,), TRASH, jnp.int32)])
    pk_flat = pk_p.reshape(NS * NB, EB)

    x_pad = jnp.pad(x, ((0, NPAD - N), (0, 0)))
    w1r = W1.reshape(2, H, 512)
    b1r = b1.reshape(1, 512)
    b2r = b2.reshape(1, F)

    deg = _deg_call(pk_flat)
    xs0, xs1, dinv = _prep_call(deg, x_pad)
    a0, a1 = _agg_call(xs0, xs1, pk_flat)
    m0, m1 = _mid_call(a0, a1, dinv, w1r, b1r, W2)
    g0, g1 = _agg_call(m0, m1, pk_flat)
    out = _fin_call(g0, g1, dinv, b2r)
    return out[:N]

# --- scband reference (transcript-rebuilt; emitter-appended) ---
"""Pipeline reference for scband-gcn-46505905881798 (READ-ONLY COPY).

The authoritative reference and input builder live on the scoring server;
editing this copy changes nothing except your own understanding.
"""

import jax, jax.numpy as jnp
import numpy as np

N_NODES = 10000

def glorot(key, shape):
    limit = jnp.sqrt(6.0 / (shape[0] + shape[1]))
    return jax.random.uniform(key, shape, minval=-limit, maxval=limit, dtype=jnp.float32)

def setup_inputs(seed: int = 0) -> dict:
    key = jax.random.key(seed)
    k1, k2, k3, k4 = jax.random.split(key, 4)
    x = jax.random.normal(k1, (N_NODES, 256), dtype=jnp.float32)
    edge_index = jax.random.randint(k2, (2, 160000), 0, N_NODES, dtype=jnp.int64)
    W1 = glorot(k3, (256, 512))
    b1 = jnp.zeros((512,), dtype=jnp.float32)
    W2 = glorot(k4, (512, 256))
    b2 = jnp.zeros((256,), dtype=jnp.float32)
    return {"x": x, "edge_index": edge_index, "W1": W1, "b1": b1, "W2": W2, "b2": b2}

def gcn_conv(x, edge_index, W, b):
    num_nodes = x.shape[0]
    loop = jnp.arange(num_nodes, dtype=edge_index.dtype)
    src = jnp.concatenate([edge_index[0], loop])
    dst = jnp.concatenate([edge_index[1], loop])
    h = x @ W
    deg = jnp.zeros((num_nodes,), dtype=h.dtype).at[dst].add(1.0)
    dinv = jnp.where(deg > 0, jax.lax.rsqrt(deg), 0.0)
    norm = dinv[src] * dinv[dst]
    msg = h[src] * norm[:, None]
    out = jax.ops.segment_sum(msg, dst, num_segments=num_nodes)
    return out + b

def reference(x, edge_index, W1, b1, W2, b2):
    # eval mode: F.dropout(p=0.6, training=False) is identity
    h = gcn_conv(x, edge_index, W1, b1)
    h = jax.nn.relu(h)
    out = gcn_conv(h, edge_index, W2, b2)
    return out

if __name__ == "__main__":
    import jax
    _d = setup_inputs()
    print(jax.jit(kernel)(*tuple(_d.values())))

</pallas_src>

<mosaic_0001>
#map = affine_map<(d0, d1) -> (0, 0)>
#map1 = affine_map<(d0, d1) -> (0)>
module attributes {stable_mosaic.version = 14 : i64} {
  func.func @_deg_body(%arg0: i32, %arg1: i32, %arg2: memref<1280x128xi32, #tpu.memory_space<hbm>>, %arg3: memref<20480xf32, #tpu.memory_space<hbm>>, %arg4: memref<40x128xi32, #tpu.memory_space<vmem>>, %arg5: memref<10240xf32, #tpu.memory_space<vmem>>, %arg6: memref<640xf32, #tpu.memory_space<vmem>>, %arg7: memref<640xf32, #tpu.memory_space<vmem>>, %arg8: memref<163840xf32, #tpu.memory_space<vmem_shared>>) attributes {dimension_semantics = [#tpu.dimension_semantics<core_parallel>, #tpu.dimension_semantics<subcore_parallel>], iteration_bounds = array<i64: 2, 16>, scalar_prefetch = 0 : i64, scratch_operands = 5 : i64, tpu.core_type = #tpu.core_type<sc_vector_subcore>, window_params = [{transform_indices = #map}, {transform_indices = #map1}]} {
    %mul3A = arith.constant 80 : i32
    %mul3A_0 = arith.muli %arg1, %mul3A : i32
    %mul3A_1 = arith.constant 40 : i32
    %mul3A_2 = arith.muli %arg0, %mul3A_1 : i32
    %add3A = arith.addi %mul3A_0, %mul3A_2 : i32
    "tpu.region"() ({
      %run_scoped3A = tpu.sem_alloc : memref<!tpu.dma_semaphore, #tpu.memory_space<semaphore_mem>>
      %dma_start3A = arith.constant 0 : i32
      %dma_start3A_137 = tpu.memref_slice %arg2[%add3A, %dma_start3A] : memref<1280x128xi32, #tpu.memory_space<hbm>> -> memref<40x128xi32, #tpu.memory_space<hbm>>
      %dma_start3A_138 = arith.constant 0 : i32
      %dma_start3A_139 = tpu.memref_slice %arg2[%add3A, %dma_start3A_138] : memref<1280x128xi32, #tpu.memory_space<hbm>> -> memref<40x128xi32, #tpu.memory_space<hbm>>
      tpu.enqueue_dma source(%dma_start3A_139 : memref<40x128xi32, #tpu.memory_space<hbm>>) target(%arg4 : memref<40x128xi32, #tpu.memory_space<vmem>>) target_semaphore(%run_scoped3A : memref<!tpu.dma_semaphore, #tpu.memory_space<semaphore_mem>>)
      %dma_wait3A = arith.constant 0 : i32
      %dma_wait3A_140 = tpu.memref_slice %arg2[%add3A, %dma_wait3A] : memref<1280x128xi32, #tpu.memory_space<hbm>> -> memref<40x128xi32, #tpu.memory_space<hbm>>
      %dma_wait3A_141 = arith.constant 0 : i32
      %dma_wait3A_142 = tpu.memref_slice %arg2[%add3A, %dma_wait3A_141] : memref<1280x128xi32, #tpu.memory_space<hbm>> -> memref<40x128xi32, #tpu.memory_space<hbm>>
      tpu.wait_dma2 semaphore(%run_scoped3A : memref<!tpu.dma_semaphore, #tpu.memory_space<semaphore_mem>>) src(%dma_wait3A_142 : memref<40x128xi32, #tpu.memory_space<hbm>>) dst(%arg4 : memref<40x128xi32, #tpu.memory_space<vmem>>)
      tpu.yield
    }) : () -> ()
    %scan3A = arith.constant 0 : i32
    %scan3A_3 = arith.constant 640 : i32
    %scan3A_4 = arith.addi %scan3A, %scan3A_3 : i32
    %scan3A_5 = arith.constant 1 : i32
    scf.for %scan3A_137 = %scan3A to %scan3A_4 step %scan3A_5  : i32 {
      %broadcast_in_dim3A_138 = arith.constant 0.000000e+00 : f32
      %broadcast_in_dim3A_139 = vector.broadcast %broadcast_in_dim3A_138 : f32 to vector<16xf32>
      %mul3A_140 = arith.constant 16 : i32
      %mul3A_141 = arith.muli %scan3A_137, %mul3A_140 : i32
      %swap3A = arith.index_cast %mul3A_141 : i32 to index
      %swap3A_142 = tpu.vector_load %arg5[%swap3A] {strides = array<i32>} : memref<10240xf32, #tpu.memory_space<vmem>>, vector<16xf32>,
      tpu.vector_store %arg5[%swap3A], %broadcast_in_dim3A_139 {strides = array<i32>} : memref<10240xf32, #tpu.memory_space<vmem>>, vector<16xf32>,
    }
    %scan3A_6 = arith.constant 640 : i32
    %broadcast_in_dim3A = arith.constant 1.000000e+00 : f32
    %broadcast_in_dim3A_7 = vector.broadcast %broadcast_in_dim3A : f32 to vector<16xf32>
    %scan3A_8 = arith.constant 0 : i32
    %scan3A_9 = arith.constant 40 : i32
    %scan3A_10 = arith.addi %scan3A_8, %scan3A_9 : i32
    %scan3A_11 = arith.constant 1 : i32
    scf.for %scan3A_137 = %scan3A_8 to %scan3A_10 step %scan3A_11  : i32 {
      %get3A = arith.index_cast %scan3A_137 : i32 to index
      %get3A_138 = arith.constant 0 : index
      %get3A_139 = tpu.vector_load %arg4[%get3A, %get3A_138] {strides = array<i32>} : memref<40x128xi32, #tpu.memory_space<vmem>>, vector<16xi32>,
      %and3A = arith.constant 16383 : i32
      %and3A_140 = vector.broadcast %and3A : i32 to vector<16xi32>
      %and3A_141 = arith.andi %get3A_139, %and3A_140 : vector<16xi32>
      tpu.vector_store_idx %arg5[%and3A_141], %broadcast_in_dim3A_7 {add = true} : memref<10240xf32, #tpu.memory_space<vmem>>[vector<16xi32>], vector<16xf32>,
      %get3A_142 = arith.index_cast %scan3A_137 : i32 to index
      %get3A_143 = arith.constant 16 : index
      %get3A_144 = tpu.vector_load %arg4[%get3A_142, %get3A_143] {strides = array<i32>} : memref<40x128xi32, #tpu.memory_space<vmem>>, vector<16xi32>,
      %and3A_145 = arith.constant 16383 : i32
      %and3A_146 = vector.broadcast %and3A_145 : i32 to vector<16xi32>
      %and3A_147 = arith.andi %get3A_144, %and3A_146 : vector<16xi32>
      tpu.vector_store_idx %arg5[%and3A_147], %broadcast_in_dim3A_7 {add = true} : memref<10240xf32, #tpu.memory_space<vmem>>[vector<16xi32>], vector<16xf32>,
      %get3A_148 = arith.index_cast %scan3A_137 : i32 to index
      %get3A_149 = arith.constant 32 : index
      %get3A_150 = tpu.vector_load %arg4[%get3A_148, %get3A_149] {strides = array<i32>} : memref<40x128xi32, #tpu.memory_space<vmem>>, vector<16xi32>,
      %and3A_151 = arith.constant 16383 : i32
      %and3A_152 = vector.broadcast %and3A_151 : i32 to vector<16xi32>
      %and3A_153 = arith.andi %get3A_150, %and3A_152 : vector<16xi32>
      tpu.vector_store_idx %arg5[%and3A_153], %broadcast_in_dim3A_7 {add = true} : memref<10240xf32, #tpu.memory_space<vmem>>[vector<16xi32>], vector<16xf32>,
      %get3A_154 = arith.index_cast %scan3A_137 : i32 to index
      %get3A_155 = arith.constant 48 : index
      %get3A_156 = tpu.vector_load %arg4[%get3A_154, %get3A_155] {strides = array<i32>} : memref<40x128xi32, #tpu.memory_space<vmem>>, vector<16xi32>,
      %and3A_157 = arith.constant 16383 : i32
      %and3A_158 = vector.broadcast %and3A_157 : i32 to vector<16xi32>
      %and3A_159 = arith.andi %get3A_156, %and3A_158 : vector<16xi32>
      tpu.vector_store_idx %arg5[%and3A_159], %broadcast_in_dim3A_7 {add = true} : memref<10240xf32, #tpu.memory_space<vmem>>[vector<16xi32>], vector<16xf32>,
      %get3A_160 = arith.index_cast %scan3A_137 : i32 to index
      %get3A_161 = arith.constant 64 : index
      %get3A_162 = tpu.vector_load %arg4[%get3A_160, %get3A_161] {strides = array<i32>} : memref<40x128xi32, #tpu.memory_space<vmem>>, vector<16xi32>,
      %and3A_163 = arith.constant 16383 : i32
      %and3A_164 = vector.broadcast %and3A_163 : i32 to vector<16xi32>
      %and3A_165 = arith.andi %get3A_162, %and3A_164 : vector<16xi32>
      tpu.vector_store_idx %arg5[%and3A_165], %broadcast_in_dim3A_7 {add = true} : memref<10240xf32, #tpu.memory_space<vmem>>[vector<16xi32>], vector<16xf32>,
      %get3A_166 = arith.index_cast %scan3A_137 : i32 to index
      %get3A_167 = arith.constant 80 : index
      %get3A_168 = tpu.vector_load %arg4[%get3A_166, %get3A_167] {strides = array<i32>} : memref<40x128xi32, #tpu.memory_space<vmem>>, vector<16xi32>,
      %and3A_169 = arith.constant 16383 : i32
      %and3A_170 = vector.broadcast %and3A_169 : i32 to vector<16xi32>
      %and3A_171 = arith.andi %get3A_168, %and3A_170 : vector<16xi32>
      tpu.vector_store_idx %arg5[%and3A_171], %broadcast_in_dim3A_7 {add = true} : memref<10240xf32, #tpu.memory_space<vmem>>[vector<16xi32>], vector<16xf32>,
      %get3A_172 = arith.index_cast %scan3A_137 : i32 to index
      %get3A_173 = arith.constant 96 : index
      %get3A_174 = tpu.vector_load %arg4[%get3A_172, %get3A_173] {strides = array<i32>} : memref<40x128xi32, #tpu.memory_space<vmem>>, vector<16xi32>,
      %and3A_175 = arith.constant 16383 : i32
      %and3A_176 = vector.broadcast %and3A_175 : i32 to vector<16xi32>
      %and3A_177 = arith.andi %get3A_174, %and3A_176 : vector<16xi32>
      tpu.vector_store_idx %arg5[%and3A_177], %broadcast_in_dim3A_7 {add = true} : memref<10240xf32, #tpu.memory_space<vmem>>[vector<16xi32>], vector<16xf32>,
      %get3A_178 = arith.index_cast %scan3A_137 : i32 to index
      %get3A_179 = arith.constant 112 : index
      %get3A_180 = tpu.vector_load %arg4[%get3A_178, %get3A_179] {strides = array<i32>} : memref<40x128xi32, #tpu.memory_space<vmem>>, vector<16xi32>,
      %and3A_181 = arith.constant 16383 : i32
      %and3A_182 = vector.broadcast %and3A_181 : i32 to vector<16xi32>
      %and3A_183 = arith.andi %get3A_180, %and3A_182 : vector<16xi32>
      tpu.vector_store_idx %arg5[%and3A_183], %broadcast_in_dim3A_7 {add = true} : memref<10240xf32, #tpu.memory_space<vmem>>[vector<16xi32>], vector<16xf32>,
    }
    %scan3A_12 = arith.constant 40 : i32
    %mul3A_13 = arith.constant 10240 : i32
    %mul3A_14 = arith.muli %arg1, %mul3A_13 : i32
    "tpu.region"() ({
      %run_scoped3A = tpu.sem_alloc : memref<!tpu.dma_semaphore, #tpu.memory_space<semaphore_mem>>
      %dma_start3A = tpu.memref_slice %arg8[%mul3A_14] : memref<163840xf32, #tpu.memory_space<vmem_shared>> -> memref<10240xf32, #tpu.memory_space<vmem_shared>>
      %dma_start3A_137 = tpu.memref_slice %arg8[%mul3A_14] : memref<163840xf32, #tpu.memory_space<vmem_shared>> -> memref<10240xf32, #tpu.memory_space<vmem_shared>>
      tpu.enqueue_dma source(%arg5 : memref<10240xf32, #tpu.memory_space<vmem>>) target(%dma_start3A_137 : memref<10240xf32, #tpu.memory_space<vmem_shared>>) target_semaphore(%run_scoped3A : memref<!tpu.dma_semaphore, #tpu.memory_space<semaphore_mem>>)
      %dma_wait3A = tpu.memref_slice %arg8[%mul3A_14] : memref<163840xf32, #tpu.memory_space<vmem_shared>> -> memref<10240xf32, #tpu.memory_space<vmem_shared>>
      %dma_wait3A_138 = tpu.memref_slice %arg8[%mul3A_14] : memref<163840xf32, #tpu.memory_space<vmem_shared>> -> memref<10240xf32, #tpu.memory_space<vmem_shared>>
      tpu.wait_dma2 semaphore(%run_scoped3A : memref<!tpu.dma_semaphore, #tpu.memory_space<semaphore_mem>>) src(%arg5 : memref<10240xf32, #tpu.memory_space<vmem>>) dst(%dma_wait3A_138 : memref<10240xf32, #tpu.memory_space<vmem_shared>>)
      tpu.yield
    }) : () -> ()
    %barrier3A = arith.constant 0 : index
    tpu.barrier barrier_id(%barrier3A)
    %mul3A_15 = arith.constant 640 : i32
    %mul3A_16 = arith.muli %arg1, %mul3A_15 : i32
    %scan3A_17 = arith.constant 0 : i32
    %scan3A_18 = arith.constant 40 : i32
    %scan3A_19 = arith.addi %scan3A_17, %scan3A_18 : i32
    %scan3A_20 = arith.constant 1 : i32
    scf.for %scan3A_137 = %scan3A_17 to %scan3A_19 step %scan3A_20  : i32 {
      %broadcast_in_dim3A_138 = arith.constant 0.000000e+00 : f32
      %broadcast_in_dim3A_139 = vector.broadcast %broadcast_in_dim3A_138 : f32 to vector<16xf32>
      %mul3A_140 = arith.constant 16 : i32
      %mul3A_141 = arith.muli %scan3A_137, %mul3A_140 : i32
      %swap3A = arith.index_cast %mul3A_141 : i32 to index
      %swap3A_142 = tpu.vector_load %arg7[%swap3A] {strides = array<i32>} : memref<640xf32, #tpu.memory_space<vmem>>, vector<16xf32>,
      tpu.vector_store %arg7[%swap3A], %broadcast_in_dim3A_139 {strides = array<i32>} : memref<640xf32, #tpu.memory_space<vmem>>, vector<16xf32>,
    }
    %scan3A_21 = arith.constant 40 : i32
    %add3A_22 = arith.constant 0 : i32
    %add3A_23 = arith.addi %add3A_22, %mul3A_16 : i32
    "tpu.region"() ({
      %run_scoped3A = tpu.sem_alloc : memref<!tpu.dma_semaphore, #tpu.memory_space<semaphore_mem>>
      %dma_start3A = tpu.memref_slice %arg8[%add3A_23] : memref<163840xf32, #tpu.memory_space<vmem_shared>> -> memref<640xf32, #tpu.memory_space<vmem_shared>>
      %dma_start3A_137 = tpu.memref_slice %arg8[%add3A_23] : memref<163840xf32, #tpu.memory_space<vmem_shared>> -> memref<640xf32, #tpu.memory_space<vmem_shared>>
      tpu.enqueue_dma source(%dma_start3A_137 : memref<640xf32, #tpu.memory_space<vmem_shared>>) target(%arg6 : memref<640xf32, #tpu.memory_space<vmem>>) target_semaphore(%run_scoped3A : memref<!tpu.dma_semaphore, #tpu.memory_space<semaphore_mem>>)
      %dma_wait3A = tpu.memref_slice %arg8[%add3A_23] : memref<163840xf32, #tpu.memory_space<vmem_shared>> -> memref<640xf32, #tpu.memory_space<vmem_shared>>
      %dma_wait3A_138 = tpu.memref_slice %arg8[%add3A_23] : memref<163840xf32, #tpu.memory_space<vmem_shared>> -> memref<640xf32, #tpu.memory_space<vmem_shared>>
      tpu.wait_dma2 semaphore(%run_scoped3A : memref<!tpu.dma_semaphore, #tpu.memory_space<semaphore_mem>>) src(%dma_wait3A_138 : memref<640xf32, #tpu.memory_space<vmem_shared>>) dst(%arg6 : memref<640xf32, #tpu.memory_space<vmem>>)
      tpu.yield
    }) : () -> ()
    %scan3A_24 = arith.constant 0 : i32
    %scan3A_25 = arith.constant 40 : i32
    %scan3A_26 = arith.addi %scan3A_24, %scan3A_25 : i32
    %scan3A_27 = arith.constant 1 : i32
    scf.for %scan3A_137 = %scan3A_24 to %scan3A_26 step %scan3A_27  : i32 {
      %mul3A_138 = arith.constant 16 : i32
      %mul3A_139 = arith.muli %scan3A_137, %mul3A_138 : i32
      %get3A = arith.index_cast %mul3A_139 : i32 to index
      %get3A_140 = tpu.vector_load %arg7[%get3A] {strides = array<i32>} : memref<640xf32, #tpu.memory_space<vmem>>, vector<16xf32>,
      %get3A_141 = arith.index_cast %mul3A_139 : i32 to index
      %get3A_142 = tpu.vector_load %arg6[%get3A_141] {strides = array<i32>} : memref<640xf32, #tpu.memory_space<vmem>>, vector<16xf32>,
      %add3A_143 = arith.addf %get3A_140, %get3A_142 : vector<16xf32>
      %swap3A = arith.index_cast %mul3A_139 : i32 to index
      %swap3A_144 = tpu.vector_load %arg7[%swap3A] {strides = array<i32>} : memref<640xf32, #tpu.memory_space<vmem>>, vector<16xf32>,
      tpu.vector_store %arg7[%swap3A], %add3A_143 {strides = array<i32>} : memref<640xf32, #tpu.memory_space<vmem>>, vector<16xf32>,
    }
    %scan3A_28 = arith.constant 40 : i32
    %add3A_29 = arith.constant 10240 : i32
    %add3A_30 = arith.addi %add3A_29, %mul3A_16 : i32
    "tpu.region"() ({
      %run_scoped3A = tpu.sem_alloc : memref<!tpu.dma_semaphore, #tpu.memory_space<semaphore_mem>>
      %dma_start3A = tpu.memref_slice %arg8[%add3A_30] : memref<163840xf32, #tpu.memory_space<vmem_shared>> -> memref<640xf32, #tpu.memory_space<vmem_shared>>
      %dma_start3A_137 = tpu.memref_slice %arg8[%add3A_30] : memref<163840xf32, #tpu.memory_space<vmem_shared>> -> memref<640xf32, #tpu.memory_space<vmem_shared>>
      tpu.enqueue_dma source(%dma_start3A_137 : memref<640xf32, #tpu.memory_space<vmem_shared>>) target(%arg6 : memref<640xf32, #tpu.memory_space<vmem>>) target_semaphore(%run_scoped3A : memref<!tpu.dma_semaphore, #tpu.memory_space<semaphore_mem>>)
      %dma_wait3A = tpu.memref_slice %arg8[%add3A_30] : memref<163840xf32, #tpu.memory_space<vmem_shared>> -> memref<640xf32, #tpu.memory_space<vmem_shared>>
      %dma_wait3A_138 = tpu.memref_slice %arg8[%add3A_30] : memref<163840xf32, #tpu.memory_space<vmem_shared>> -> memref<640xf32, #tpu.memory_space<vmem_shared>>
      tpu.wait_dma2 semaphore(%run_scoped3A : memref<!tpu.dma_semaphore, #tpu.memory_space<semaphore_mem>>) src(%dma_wait3A_138 : memref<640xf32, #tpu.memory_space<vmem_shared>>) dst(%arg6 : memref<640xf32, #tpu.memory_space<vmem>>)
      tpu.yield
    }) : () -> ()
    %scan3A_31 = arith.constant 0 : i32
    %scan3A_32 = arith.constant 40 : i32
    %scan3A_33 = arith.addi %scan3A_31, %scan3A_32 : i32
    %scan3A_34 = arith.constant 1 : i32
    scf.for %scan3A_137 = %scan3A_31 to %scan3A_33 step %scan3A_34  : i32 {
      %mul3A_138 = arith.constant 16 : i32
      %mul3A_139 = arith.muli %scan3A_137, %mul3A_138 : i32
      %get3A = arith.index_cast %mul3A_139 : i32 to index
      %get3A_140 = tpu.vector_load %arg7[%get3A] {strides = array<i32>} : memref<640xf32, #tpu.memory_space<vmem>>, vector<16xf32>,
      %get3A_141 = arith.index_cast %mul3A_139 : i32 to index
      %get3A_142 = tpu.vector_load %arg6[%get3A_141] {strides = array<i32>} : memref<640xf32, #tpu.memory_space<vmem>>, vector<16xf32>,
      %add3A_143 = arith.addf %get3A_140, %get3A_142 : vector<16xf32>
      %swap3A = arith.index_cast %mul3A_139 : i32 to index
      %swap3A_144 = tpu.vector_load %arg7[%swap3A] {strides = array<i32>} : memref<640xf32, #tpu.memory_space<vmem>>, vector<16xf32>,
      tpu.vector_store %arg7[%swap3A], %add3A_143 {strides = array<i32>} : memref<640xf32, #tpu.memory_space<vmem>>, vector<16xf32>,
    }
    %scan3A_35 = arith.constant 40 : i32
    %add3A_36 = arith.constant 20480 : i32
    %add3A_37 = arith.addi %add3A_36, %mul3A_16 : i32
    "tpu.region"() ({
      %run_scoped3A = tpu.sem_alloc : memref<!tpu.dma_semaphore, #tpu.memory_space<semaphore_mem>>
      %dma_start3A = tpu.memref_slice %arg8[%add3A_37] : memref<163840xf32, #tpu.memory_space<vmem_shared>> -> memref<640xf32, #tpu.memory_space<vmem_shared>>
      %dma_start3A_137 = tpu.memref_slice %arg8[%add3A_37] : memref<163840xf32, #tpu.memory_space<vmem_shared>> -> memref<640xf32, #tpu.memory_space<vmem_shared>>
      tpu.enqueue_dma source(%dma_start3A_137 : memref<640xf32, #tpu.memory_space<vmem_shared>>) target(%arg6 : memref<640xf32, #tpu.memory_space<vmem>>) target_semaphore(%run_scoped3A : memref<!tpu.dma_semaphore, #tpu.memory_space<semaphore_mem>>)
      %dma_wait3A = tpu.memref_slice %arg8[%add3A_37] : memref<163840xf32, #tpu.memory_space<vmem_shared>> -> memref<640xf32, #tpu.memory_space<vmem_shared>>
      %dma_wait3A_138 = tpu.memref_slice %arg8[%add3A_37] : memref<163840xf32, #tpu.memory_space<vmem_shared>> -> memref<640xf32, #tpu.memory_space<vmem_shared>>
      tpu.wait_dma2 semaphore(%run_scoped3A : memref<!tpu.dma_semaphore, #tpu.memory_space<semaphore_mem>>) src(%dma_wait3A_138 : memref<640xf32, #tpu.memory_space<vmem_shared>>) dst(%arg6 : memref<640xf32, #tpu.memory_space<vmem>>)
      tpu.yield
    }) : () -> ()
    %scan3A_38 = arith.constant 0 : i32
    %scan3A_39 = arith.constant 40 : i32
    %scan3A_40 = arith.addi %scan3A_38, %scan3A_39 : i32
    %scan3A_41 = arith.constant 1 : i32
    scf.for %scan3A_137 = %scan3A_38 to %scan3A_40 step %scan3A_41  : i32 {
      %mul3A_138 = arith.constant 16 : i32
      %mul3A_139 = arith.muli %scan3A_137, %mul3A_138 : i32
      %get3A = arith.index_cast %mul3A_139 : i32 to index
      %get3A_140 = tpu.vector_load %arg7[%get3A] {strides = array<i32>} : memref<640xf32, #tpu.memory_space<vmem>>, vector<16xf32>,
      %get3A_141 = arith.index_cast %mul3A_139 : i32 to index
      %get3A_142 = tpu.vector_load %arg6[%get3A_141] {strides = array<i32>} : memref<640xf32, #tpu.memory_space<vmem>>, vector<16xf32>,
      %add3A_143 = arith.addf %get3A_140, %get3A_142 : vector<16xf32>
      %swap3A = arith.index_cast %mul3A_139 : i32 to index
      %swap3A_144 = tpu.vector_load %arg7[%swap3A] {strides = array<i32>} : memref<640xf32, #tpu.memory_space<vmem>>, vector<16xf32>,
      tpu.vector_store %arg7[%swap3A], %add3A_143 {strides = array<i32>} : memref<640xf32, #tpu.memory_space<vmem>>, vector<16xf32>,
    }
    %scan3A_42 = arith.constant 40 : i32
    %add3A_43 = arith.constant 30720 : i32
    %add3A_44 = arith.addi %add3A_43, %mul3A_16 : i32
    "tpu.region"() ({
      %run_scoped3A = tpu.sem_alloc : memref<!tpu.dma_semaphore, #tpu.memory_space<semaphore_mem>>
      %dma_start3A = tpu.memref_slice %arg8[%add3A_44] : memref<163840xf32, #tpu.memory_space<vmem_shared>> -> memref<640xf32, #tpu.memory_space<vmem_shared>>
      %dma_start3A_137 = tpu.memref_slice %arg8[%add3A_44] : memref<163840xf32, #tpu.memory_space<vmem_shared>> -> memref<640xf32, #tpu.memory_space<vmem_shared>>
      tpu.enqueue_dma source(%dma_start3A_137 : memref<640xf32, #tpu.memory_space<vmem_shared>>) target(%arg6 : memref<640xf32, #tpu.memory_space<vmem>>) target_semaphore(%run_scoped3A : memref<!tpu.dma_semaphore, #tpu.memory_space<semaphore_mem>>)
      %dma_wait3A = tpu.memref_slice %arg8[%add3A_44] : memref<163840xf32, #tpu.memory_space<vmem_shared>> -> memref<640xf32, #tpu.memory_space<vmem_shared>>
      %dma_wait3A_138 = tpu.memref_slice %arg8[%add3A_44] : memref<163840xf32, #tpu.memory_space<vmem_shared>> -> memref<640xf32, #tpu.memory_space<vmem_shared>>
      tpu.wait_dma2 semaphore(%run_scoped3A : memref<!tpu.dma_semaphore, #tpu.memory_space<semaphore_mem>>) src(%dma_wait3A_138 : memref<640xf32, #tpu.memory_space<vmem_shared>>) dst(%arg6 : memref<640xf32, #tpu.memory_space<vmem>>)
      tpu.yield
    }) : () -> ()
    %scan3A_45 = arith.constant 0 : i32
    %scan3A_46 = arith.constant 40 : i32
    %scan3A_47 = arith.addi %scan3A_45, %scan3A_46 : i32
    %scan3A_48 = arith.constant 1 : i32
    scf.for %scan3A_137 = %scan3A_45 to %scan3A_47 step %scan3A_48  : i32 {
      %mul3A_138 = arith.constant 16 : i32
      %mul3A_139 = arith.muli %scan3A_137, %mul3A_138 : i32
      %get3A = arith.index_cast %mul3A_139 : i32 to index
      %get3A_140 = tpu.vector_load %arg7[%get3A] {strides = array<i32>} : memref<640xf32, #tpu.memory_space<vmem>>, vector<16xf32>,
      %get3A_141 = arith.index_cast %mul3A_139 : i32 to index
      %get3A_142 = tpu.vector_load %arg6[%get3A_141] {strides = array<i32>} : memref<640xf32, #tpu.memory_space<vmem>>, vector<16xf32>,
      %add3A_143 = arith.addf %get3A_140, %get3A_142 : vector<16xf32>
      %swap3A = arith.index_cast %mul3A_139 : i32 to index
      %swap3A_144 = tpu.vector_load %arg7[%swap3A] {strides = array<i32>} : memref<640xf32, #tpu.memory_space<vmem>>, vector<16xf32>,
      tpu.vector_store %arg7[%swap3A], %add3A_143 {strides = array<i32>} : memref<640xf32, #tpu.memory_space<vmem>>, vector<16xf32>,
    }
    %scan3A_49 = arith.constant 40 : i32
    %add3A_50 = arith.constant 40960 : i32
    %add3A_51 = arith.addi %add3A_50, %mul3A_16 : i32
    "tpu.region"() ({
      %run_scoped3A = tpu.sem_alloc : memref<!tpu.dma_semaphore, #tpu.memory_space<semaphore_mem>>
      %dma_start3A = tpu.memref_slice %arg8[%add3A_51] : memref<163840xf32, #tpu.memory_space<vmem_shared>> -> memref<640xf32, #tpu.memory_space<vmem_shared>>
      %dma_start3A_137 = tpu.memref_slice %arg8[%add3A_51] : memref<163840xf32, #tpu.memory_space<vmem_shared>> -> memref<640xf32, #tpu.memory_space<vmem_shared>>
      tpu.enqueue_dma source(%dma_start3A_137 : memref<640xf32, #tpu.memory_space<vmem_shared>>) target(%arg6 : memref<640xf32, #tpu.memory_space<vmem>>) target_semaphore(%run_scoped3A : memref<!tpu.dma_semaphore, #tpu.memory_space<semaphore_mem>>)
      %dma_wait3A = tpu.memref_slice %arg8[%add3A_51] : memref<163840xf32, #tpu.memory_space<vmem_shared>> -> memref<640xf32, #tpu.memory_space<vmem_shared>>
      %dma_wait3A_138 = tpu.memref_slice %arg8[%add3A_51] : memref<163840xf32, #tpu.memory_space<vmem_shared>> -> memref<640xf32, #tpu.memory_space<vmem_shared>>
      tpu.wait_dma2 semaphore(%run_scoped3A : memref<!tpu.dma_semaphore, #tpu.memory_space<semaphore_mem>>) src(%dma_wait3A_138 : memref<640xf32, #tpu.memory_space<vmem_shared>>) dst(%arg6 : memref<640xf32, #tpu.memory_space<vmem>>)
      tpu.yield
    }) : () -> ()
    %scan3A_52 = arith.constant 0 : i32
    %scan3A_53 = arith.constant 40 : i32
    %scan3A_54 = arith.addi %scan3A_52, %scan3A_53 : i32
    %scan3A_55 = arith.constant 1 : i32
    scf.for %scan3A_137 = %scan3A_52 to %scan3A_54 step %scan3A_55  : i32 {
      %mul3A_138 = arith.constant 16 : i32
      %mul3A_139 = arith.muli %scan3A_137, %mul3A_138 : i32
      %get3A = arith.index_cast %mul3A_139 : i32 to index
      %get3A_140 = tpu.vector_load %arg7[%get3A] {strides = array<i32>} : memref<640xf32, #tpu.memory_space<vmem>>, vector<16xf32>,
      %get3A_141 = arith.index_cast %mul3A_139 : i32 to index
      %get3A_142 = tpu.vector_load %arg6[%get3A_141] {strides = array<i32>} : memref<640xf32, #tpu.memory_space<vmem>>, vector<16xf32>,
      %add3A_143 = arith.addf %get3A_140, %get3A_142 : vector<16xf32>
      %swap3A = arith.index_cast %mul3A_139 : i32 to index
      %swap3A_144 = tpu.vector_load %arg7[%swap3A] {strides = array<i32>} : memref<640xf32, #tpu.memory_space<vmem>>, vector<16xf32>,
      tpu.vector_store %arg7[%swap3A], %add3A_143 {strides = array<i32>} : memref<640xf32, #tpu.memory_space<vmem>>, vector<16xf32>,
    }
    %scan3A_56 = arith.constant 40 : i32
    %add3A_57 = arith.constant 51200 : i32
    %add3A_58 = arith.addi %add3A_57, %mul3A_16 : i32
    "tpu.region"() ({
      %run_scoped3A = tpu.sem_alloc : memref<!tpu.dma_semaphore, #tpu.memory_space<semaphore_mem>>
      %dma_start3A = tpu.memref_slice %arg8[%add3A_58] : memref<163840xf32, #tpu.memory_space<vmem_shared>> -> memref<640xf32, #tpu.memory_space<vmem_shared>>
      %dma_start3A_137 = tpu.memref_slice %arg8[%add3A_58] : memref<163840xf32, #tpu.memory_space<vmem_shared>> -> memref<640xf32, #tpu.memory_space<vmem_shared>>
      tpu.enqueue_dma source(%dma_start3A_137 : memref<640xf32, #tpu.memory_space<vmem_shared>>) target(%arg6 : memref<640xf32, #tpu.memory_space<vmem>>) target_semaphore(%run_scoped3A : memref<!tpu.dma_semaphore, #tpu.memory_space<semaphore_mem>>)
      %dma_wait3A = tpu.memref_slice %arg8[%add3A_58] : memref<163840xf32, #tpu.memory_space<vmem_shared>> -> memref<640xf32, #tpu.memory_space<vmem_shared>>
      %dma_wait3A_138 = tpu.memref_slice %arg8[%add3A_58] : memref<163840xf32, #tpu.memory_space<vmem_shared>> -> memref<640xf32, #tpu.memory_space<vmem_shared>>
      tpu.wait_dma2 semaphore(%run_scoped3A : memref<!tpu.dma_semaphore, #tpu.memory_space<semaphore_mem>>) src(%dma_wait3A_138 : memref<640xf32, #tpu.memory_space<vmem_shared>>) dst(%arg6 : memref<640xf32, #tpu.memory_space<vmem>>)
      tpu.yield
    }) : () -> ()
    %scan3A_59 = arith.constant 0 : i32
    %scan3A_60 = arith.constant 40 : i32
    %scan3A_61 = arith.addi %scan3A_59, %scan3A_60 : i32
    %scan3A_62 = arith.constant 1 : i32
    scf.for %scan3A_137 = %scan3A_59 to %scan3A_61 step %scan3A_62  : i32 {
      %mul3A_138 = arith.constant 16 : i32
      %mul3A_139 = arith.muli %scan3A_137, %mul3A_138 : i32
      %get3A = arith.index_cast %mul3A_139 : i32 to index
      %get3A_140 = tpu.vector_load %arg7[%get3A] {strides = array<i32>} : memref<640xf32, #tpu.memory_space<vmem>>, vector<16xf32>,
      %get3A_141 = arith.index_cast %mul3A_139 : i32 to index
      %get3A_142 = tpu.vector_load %arg6[%get3A_141] {strides = array<i32>} : memref<640xf32, #tpu.memory_space<vmem>>, vector<16xf32>,
      %add3A_143 = arith.addf %get3A_140, %get3A_142 : vector<16xf32>
      %swap3A = arith.index_cast %mul3A_139 : i32 to index
      %swap3A_144 = tpu.vector_load %arg7[%swap3A] {strides = array<i32>} : memref<640xf32, #tpu.memory_space<vmem>>, vector<16xf32>,
      tpu.vector_store %arg7[%swap3A], %add3A_143 {strides = array<i32>} : memref<640xf32, #tpu.memory_space<vmem>>, vector<16xf32>,
    }
    %scan3A_63 = arith.constant 40 : i32
    %add3A_64 = arith.constant 61440 : i32
    %add3A_65 = arith.addi %add3A_64, %mul3A_16 : i32
    "tpu.region"() ({
      %run_scoped3A = tpu.sem_alloc : memref<!tpu.dma_semaphore, #tpu.memory_space<semaphore_mem>>
      %dma_start3A = tpu.memref_slice %arg8[%add3A_65] : memref<163840xf32, #tpu.memory_space<vmem_shared>> -> memref<640xf32, #tpu.memory_space<vmem_shared>>
      %dma_start3A_137 = tpu.memref_slice %arg8[%add3A_65] : memref<163840xf32, #tpu.memory_space<vmem_shared>> -> memref<640xf32, #tpu.memory_space<vmem_shared>>
      tpu.enqueue_dma source(%dma_start3A_137 : memref<640xf32, #tpu.memory_space<vmem_shared>>) target(%arg6 : memref<640xf32, #tpu.memory_space<vmem>>) target_semaphore(%run_scoped3A : memref<!tpu.dma_semaphore, #tpu.memory_space<semaphore_mem>>)
      %dma_wait3A = tpu.memref_slice %arg8[%add3A_65] : memref<163840xf32, #tpu.memory_space<vmem_shared>> -> memref<640xf32, #tpu.memory_space<vmem_shared>>
      %dma_wait3A_138 = tpu.memref_slice %arg8[%add3A_65] : memref<163840xf32, #tpu.memory_space<vmem_shared>> -> memref<640xf32, #tpu.memory_space<vmem_shared>>
      tpu.wait_dma2 semaphore(%run_scoped3A : memref<!tpu.dma_semaphore, #tpu.memory_space<semaphore_mem>>) src(%dma_wait3A_138 : memref<640xf32, #tpu.memory_space<vmem_shared>>) dst(%arg6 : memref<640xf32, #tpu.memory_space<vmem>>)
      tpu.yield
    }) : () -> ()
    %scan3A_66 = arith.constant 0 : i32
    %scan3A_67 = arith.constant 40 : i32
    %scan3A_68 = arith.addi %scan3A_66, %scan3A_67 : i32
    %scan3A_69 = arith.constant 1 : i32
    scf.for %scan3A_137 = %scan3A_66 to %scan3A_68 step %scan3A_69  : i32 {
      %mul3A_138 = arith.constant 16 : i32
      %mul3A_139 = arith.muli %scan3A_137, %mul3A_138 : i32
      %get3A = arith.index_cast %mul3A_139 : i32 to index
      %get3A_140 = tpu.vector_load %arg7[%get3A] {strides = array<i32>} : memref<640xf32, #tpu.memory_space<vmem>>, vector<16xf32>,
      %get3A_141 = arith.index_cast %mul3A_139 : i32 to index
      %get3A_142 = tpu.vector_load %arg6[%get3A_141] {strides = array<i32>} : memref<640xf32, #tpu.memory_space<vmem>>, vector<16xf32>,
      %add3A_143 = arith.addf %get3A_140, %get3A_142 : vector<16xf32>
      %swap3A = arith.index_cast %mul3A_139 : i32 to index
      %swap3A_144 = tpu.vector_load %arg7[%swap3A] {strides = array<i32>} : memref<640xf32, #tpu.memory_space<vmem>>, vector<16xf32>,
      tpu.vector_store %arg7[%swap3A], %add3A_143 {strides = array<i32>} : memref<640xf32, #tpu.memory_space<vmem>>, vector<16xf32>,
    }
    %scan3A_70 = arith.constant 40 : i32
    %add3A_71 = arith.constant 71680 : i32
    %add3A_72 = arith.addi %add3A_71, %mul3A_16 : i32
    "tpu.region"() ({
      %run_scoped3A = tpu.sem_alloc : memref<!tpu.dma_semaphore, #tpu.memory_space<semaphore_mem>>
      %dma_start3A = tpu.memref_slice %arg8[%add3A_72] : memref<163840xf32, #tpu.memory_space<vmem_shared>> -> memref<640xf32, #tpu.memory_space<vmem_shared>>
      %dma_start3A_137 = tpu.memref_slice %arg8[%add3A_72] : memref<163840xf32, #tpu.memory_space<vmem_shared>> -> memref<640xf32, #tpu.memory_space<vmem_shared>>
      tpu.enqueue_dma source(%dma_start3A_137 : memref<640xf32, #tpu.memory_space<vmem_shared>>) target(%arg6 : memref<640xf32, #tpu.memory_space<vmem>>) target_semaphore(%run_scoped3A : memref<!tpu.dma_semaphore, #tpu.memory_space<semaphore_mem>>)
      %dma_wait3A = tpu.memref_slice %arg8[%add3A_72] : memref<163840xf32, #tpu.memory_space<vmem_shared>> -> memref<640xf32, #tpu.memory_space<vmem_shared>>
      %dma_wait3A_138 = tpu.memref_slice %arg8[%add3A_72] : memref<163840xf32, #tpu.memory_space<vmem_shared>> -> memref<640xf32, #tpu.memory_space<vmem_shared>>
      tpu.wait_dma2 semaphore(%run_scoped3A : memref<!tpu.dma_semaphore, #tpu.memory_space<semaphore_mem>>) src(%dma_wait3A_138 : memref<640xf32, #tpu.memory_space<vmem_shared>>) dst(%arg6 : memref<640xf32, #tpu.memory_space<vmem>>)
      tpu.yield
    }) : () -> ()
    %scan3A_73 = arith.constant 0 : i32
    %scan3A_74 = arith.constant 40 : i32
    %scan3A_75 = arith.addi %scan3A_73, %scan3A_74 : i32
    %scan3A_76 = arith.constant 1 : i32
    scf.for %scan3A_137 = %scan3A_73 to %scan3A_75 step %scan3A_76  : i32 {
      %mul3A_138 = arith.constant 16 : i32
      %mul3A_139 = arith.muli %scan3A_137, %mul3A_138 : i32
      %get3A = arith.index_cast %mul3A_139 : i32 to index
      %get3A_140 = tpu.vector_load %arg7[%get3A] {strides = array<i32>} : memref<640xf32, #tpu.memory_space<vmem>>, vector<16xf32>,
      %get3A_141 = arith.index_cast %mul3A_139 : i32 to index
      %get3A_142 = tpu.vector_load %arg6[%get3A_141] {strides = array<i32>} : memref<640xf32, #tpu.memory_space<vmem>>, vector<16xf32>,
      %add3A_143 = arith.addf %get3A_140, %get3A_142 : vector<16xf32>
      %swap3A = arith.index_cast %mul3A_139 : i32 to index
      %swap3A_144 = tpu.vector_load %arg7[%swap3A] {strides = array<i32>} : memref<640xf32, #tpu.memory_space<vmem>>, vector<16xf32>,
      tpu.vector_store %arg7[%swap3A], %add3A_143 {strides = array<i32>} : memref<640xf32, #tpu.memory_space<vmem>>, vector<16xf32>,
    }
    %scan3A_77 = arith.constant 40 : i32
    %add3A_78 = arith.constant 81920 : i32
    %add3A_79 = arith.addi %add3A_78, %mul3A_16 : i32
    "tpu.region"() ({
      %run_scoped3A = tpu.sem_alloc : memref<!tpu.dma_semaphore, #tpu.memory_space<semaphore_mem>>
      %dma_start3A = tpu.memref_slice %arg8[%add3A_79] : memref<163840xf32, #tpu.memory_space<vmem_shared>> -> memref<640xf32, #tpu.memory_space<vmem_shared>>
      %dma_start3A_137 = tpu.memref_slice %arg8[%add3A_79] : memref<163840xf32, #tpu.memory_space<vmem_shared>> -> memref<640xf32, #tpu.memory_space<vmem_shared>>
      tpu.enqueue_dma source(%dma_start3A_137 : memref<640xf32, #tpu.memory_space<vmem_shared>>) target(%arg6 : memref<640xf32, #tpu.memory_space<vmem>>) target_semaphore(%run_scoped3A : memref<!tpu.dma_semaphore, #tpu.memory_space<semaphore_mem>>)
      %dma_wait3A = tpu.memref_slice %arg8[%add3A_79] : memref<163840xf32, #tpu.memory_space<vmem_shared>> -> memref<640xf32, #tpu.memory_space<vmem_shared>>
      %dma_wait3A_138 = tpu.memref_slice %arg8[%add3A_79] : memref<163840xf32, #tpu.memory_space<vmem_shared>> -> memref<640xf32, #tpu.memory_space<vmem_shared>>
      tpu.wait_dma2 semaphore(%run_scoped3A : memref<!tpu.dma_semaphore, #tpu.memory_space<semaphore_mem>>) src(%dma_wait3A_138 : memref<640xf32, #tpu.memory_space<vmem_shared>>) dst(%arg6 : memref<640xf32, #tpu.memory_space<vmem>>)
      tpu.yield
    }) : () -> ()
    %scan3A_80 = arith.constant 0 : i32
    %scan3A_81 = arith.constant 40 : i32
    %scan3A_82 = arith.addi %scan3A_80, %scan3A_81 : i32
    %scan3A_83 = arith.constant 1 : i32
    scf.for %scan3A_137 = %scan3A_80 to %scan3A_82 step %scan3A_83  : i32 {
      %mul3A_138 = arith.constant 16 : i32
      %mul3A_139 = arith.muli %scan3A_137, %mul3A_138 : i32
      %get3A = arith.index_cast %mul3A_139 : i32 to index
      %get3A_140 = tpu.vector_load %arg7[%get3A] {strides = array<i32>} : memref<640xf32, #tpu.memory_space<vmem>>, vector<16xf32>,
      %get3A_141 = arith.index_cast %mul3A_139 : i32 to index
      %get3A_142 = tpu.vector_load %arg6[%get3A_141] {strides = array<i32>} : memref<640xf32, #tpu.memory_space<vmem>>, vector<16xf32>,
      %add3A_143 = arith.addf %get3A_140, %get3A_142 : vector<16xf32>
      %swap3A = arith.index_cast %mul3A_139 : i32 to index
      %swap3A_144 = tpu.vector_load %arg7[%swap3A] {strides = array<i32>} : memref<640xf32, #tpu.memory_space<vmem>>, vector<16xf32>,
      tpu.vector_store %arg7[%swap3A], %add3A_143 {strides = array<i32>} : memref<640xf32, #tpu.memory_space<vmem>>, vector<16xf32>,
    }
    %scan3A_84 = arith.constant 40 : i32
    %add3A_85 = arith.constant 92160 : i32
    %add3A_86 = arith.addi %add3A_85, %mul3A_16 : i32
    "tpu.region"() ({
      %run_scoped3A = tpu.sem_alloc : memref<!tpu.dma_semaphore, #tpu.memory_space<semaphore_mem>>
      %dma_start3A = tpu.memref_slice %arg8[%add3A_86] : memref<163840xf32, #tpu.memory_space<vmem_shared>> -> memref<640xf32, #tpu.memory_space<vmem_shared>>
      %dma_start3A_137 = tpu.memref_slice %arg8[%add3A_86] : memref<163840xf32, #tpu.memory_space<vmem_shared>> -> memref<640xf32, #tpu.memory_space<vmem_shared>>
      tpu.enqueue_dma source(%dma_start3A_137 : memref<640xf32, #tpu.memory_space<vmem_shared>>) target(%arg6 : memref<640xf32, #tpu.memory_space<vmem>>) target_semaphore(%run_scoped3A : memref<!tpu.dma_semaphore, #tpu.memory_space<semaphore_mem>>)
      %dma_wait3A = tpu.memref_slice %arg8[%add3A_86] : memref<163840xf32, #tpu.memory_space<vmem_shared>> -> memref<640xf32, #tpu.memory_space<vmem_shared>>
      %dma_wait3A_138 = tpu.memref_slice %arg8[%add3A_86] : memref<163840xf32, #tpu.memory_space<vmem_shared>> -> memref<640xf32, #tpu.memory_space<vmem_shared>>
      tpu.wait_dma2 semaphore(%run_scoped3A : memref<!tpu.dma_semaphore, #tpu.memory_space<semaphore_mem>>) src(%dma_wait3A_138 : memref<640xf32, #tpu.memory_space<vmem_shared>>) dst(%arg6 : memref<640xf32, #tpu.memory_space<vmem>>)
      tpu.yield
    }) : () -> ()
    %scan3A_87 = arith.constant 0 : i32
    %scan3A_88 = arith.constant 40 : i32
    %scan3A_89 = arith.addi %scan3A_87, %scan3A_88 : i32
    %scan3A_90 = arith.constant 1 : i32
    scf.for %scan3A_137 = %scan3A_87 to %scan3A_89 step %scan3A_90  : i32 {
      %mul3A_138 = arith.constant 16 : i32
      %mul3A_139 = arith.muli %scan3A_137, %mul3A_138 : i32
      %get3A = arith.index_cast %mul3A_139 : i32 to index
      %get3A_140 = tpu.vector_load %arg7[%get3A] {strides = array<i32>} : memref<640xf32, #tpu.memory_space<vmem>>, vector<16xf32>,
      %get3A_141 = arith.index_cast %mul3A_139 : i32 to index
      %get3A_142 = tpu.vector_load %arg6[%get3A_141] {strides = array<i32>} : memref<640xf32, #tpu.memory_space<vmem>>, vector<16xf32>,
      %add3A_143 = arith.addf %get3A_140, %get3A_142 : vector<16xf32>
      %swap3A = arith.index_cast %mul3A_139 : i32 to index
      %swap3A_144 = tpu.vector_load %arg7[%swap3A] {strides = array<i32>} : memref<640xf32, #tpu.memory_space<vmem>>, vector<16xf32>,
      tpu.vector_store %arg7[%swap3A], %add3A_143 {strides = array<i32>} : memref<640xf32, #tpu.memory_space<vmem>>, vector<16xf32>,
    }
    %scan3A_91 = arith.constant 40 : i32
    %add3A_92 = arith.constant 102400 : i32
    %add3A_93 = arith.addi %add3A_92, %mul3A_16 : i32
    "tpu.region"() ({
      %run_scoped3A = tpu.sem_alloc : memref<!tpu.dma_semaphore, #tpu.memory_space<semaphore_mem>>
      %dma_start3A = tpu.memref_slice %arg8[%add3A_93] : memref<163840xf32, #tpu.memory_space<vmem_shared>> -> memref<640xf32, #tpu.memory_space<vmem_shared>>
      %dma_start3A_137 = tpu.memref_slice %arg8[%add3A_93] : memref<163840xf32, #tpu.memory_space<vmem_shared>> -> memref<640xf32, #tpu.memory_space<vmem_shared>>
      tpu.enqueue_dma source(%dma_start3A_137 : memref<640xf32, #tpu.memory_space<vmem_shared>>) target(%arg6 : memref<640xf32, #tpu.memory_space<vmem>>) target_semaphore(%run_scoped3A : memref<!tpu.dma_semaphore, #tpu.memory_space<semaphore_mem>>)
      %dma_wait3A = tpu.memref_slice %arg8[%add3A_93] : memref<163840xf32, #tpu.memory_space<vmem_shared>> -> memref<640xf32, #tpu.memory_space<vmem_shared>>
      %dma_wait3A_138 = tpu.memref_slice %arg8[%add3A_93] : memref<163840xf32, #tpu.memory_space<vmem_shared>> -> memref<640xf32, #tpu.memory_space<vmem_shared>>
      tpu.wait_dma2 semaphore(%run_scoped3A : memref<!tpu.dma_semaphore, #tpu.memory_space<semaphore_mem>>) src(%dma_wait3A_138 : memref<640xf32, #tpu.memory_space<vmem_shared>>) dst(%arg6 : memref<640xf32, #tpu.memory_space<vmem>>)
      tpu.yield
    }) : () -> ()
    %scan3A_94 = arith.constant 0 : i32
    %scan3A_95 = arith.constant 40 : i32
    %scan3A_96 = arith.addi %scan3A_94, %scan3A_95 : i32
    %scan3A_97 = arith.constant 1 : i32
    scf.for %scan3A_137 = %scan3A_94 to %scan3A_96 step %scan3A_97  : i32 {
      %mul3A_138 = arith.constant 16 : i32
      %mul3A_139 = arith.muli %scan3A_137, %mul3A_138 : i32
      %get3A = arith.index_cast %mul3A_139 : i32 to index
      %get3A_140 = tpu.vector_load %arg7[%get3A] {strides = array<i32>} : memref<640xf32, #tpu.memory_space<vmem>>, vector<16xf32>,
      %get3A_141 = arith.index_cast %mul3A_139 : i32 to index
      %get3A_142 = tpu.vector_load %arg6[%get3A_141] {strides = array<i32>} : memref<640xf32, #tpu.memory_space<vmem>>, vector<16xf32>,
      %add3A_143 = arith.addf %get3A_140, %get3A_142 : vector<16xf32>
      %swap3A = arith.index_cast %mul3A_139 : i32 to index
      %swap3A_144 = tpu.vector_load %arg7[%swap3A] {strides = array<i32>} : memref<640xf32, #tpu.memory_space<vmem>>, vector<16xf32>,
      tpu.vector_store %arg7[%swap3A], %add3A_143 {strides = array<i32>} : memref<640xf32, #tpu.memory_space<vmem>>, vector<16xf32>,
    }
    %scan3A_98 = arith.constant 40 : i32
    %add3A_99 = arith.constant 112640 : i32
    %add3A_100 = arith.addi %add3A_99, %mul3A_16 : i32
    "tpu.region"() ({
      %run_scoped3A = tpu.sem_alloc : memref<!tpu.dma_semaphore, #tpu.memory_space<semaphore_mem>>
      %dma_start3A = tpu.memref_slice %arg8[%add3A_100] : memref<163840xf32, #tpu.memory_space<vmem_shared>> -> memref<640xf32, #tpu.memory_space<vmem_shared>>
      %dma_start3A_137 = tpu.memref_slice %arg8[%add3A_100] : memref<163840xf32, #tpu.memory_space<vmem_shared>> -> memref<640xf32, #tpu.memory_space<vmem_shared>>
      tpu.enqueue_dma source(%dma_start3A_137 : memref<640xf32, #tpu.memory_space<vmem_shared>>) target(%arg6 : memref<640xf32, #tpu.memory_space<vmem>>) target_semaphore(%run_scoped3A : memref<!tpu.dma_semaphore, #tpu.memory_space<semaphore_mem>>)
      %dma_wait3A = tpu.memref_slice %arg8[%add3A_100] : memref<163840xf32, #tpu.memory_space<vmem_shared>> -> memref<640xf32, #tpu.memory_space<vmem_shared>>
      %dma_wait3A_138 = tpu.memref_slice %arg8[%add3A_100] : memref<163840xf32, #tpu.memory_space<vmem_shared>> -> memref<640xf32, #tpu.memory_space<vmem_shared>>
      tpu.wait_dma2 semaphore(%run_scoped3A : memref<!tpu.dma_semaphore, #tpu.memory_space<semaphore_mem>>) src(%dma_wait3A_138 : memref<640xf32, #tpu.memory_space<vmem_shared>>) dst(%arg6 : memref<640xf32, #tpu.memory_space<vmem>>)
      tpu.yield
    }) : () -> ()
    %scan3A_101 = arith.constant 0 : i32
    %scan3A_102 = arith.constant 40 : i32
    %scan3A_103 = arith.addi %scan3A_101, %scan3A_102 : i32
    %scan3A_104 = arith.constant 1 : i32
    scf.for %scan3A_137 = %scan3A_101 to %scan3A_103 step %scan3A_104  : i32 {
      %mul3A_138 = arith.constant 16 : i32
      %mul3A_139 = arith.muli %scan3A_137, %mul3A_138 : i32
      %get3A = arith.index_cast %mul3A_139 : i32 to index
      %get3A_140 = tpu.vector_load %arg7[%get3A] {strides = array<i32>} : memref<640xf32, #tpu.memory_space<vmem>>, vector<16xf32>,
      %get3A_141 = arith.index_cast %mul3A_139 : i32 to index
      %get3A_142 = tpu.vector_load %arg6[%get3A_141] {strides = array<i32>} : memref<640xf32, #tpu.memory_space<vmem>>, vector<16xf32>,
      %add3A_143 = arith.addf %get3A_140, %get3A_142 : vector<16xf32>
      %swap3A = arith.index_cast %mul3A_139 : i32 to index
      %swap3A_144 = tpu.vector_load %arg7[%swap3A] {strides = array<i32>} : memref<640xf32, #tpu.memory_space<vmem>>, vector<16xf32>,
      tpu.vector_store %arg7[%swap3A], %add3A_143 {strides = array<i32>} : memref<640xf32, #tpu.memory_space<vmem>>, vector<16xf32>,
    }
    %scan3A_105 = arith.constant 40 : i32
    %add3A_106 = arith.constant 122880 : i32
    %add3A_107 = arith.addi %add3A_106, %mul3A_16 : i32
    "tpu.region"() ({
      %run_scoped3A = tpu.sem_alloc : memref<!tpu.dma_semaphore, #tpu.memory_space<semaphore_mem>>
      %dma_start3A = tpu.memref_slice %arg8[%add3A_107] : memref<163840xf32, #tpu.memory_space<vmem_shared>> -> memref<640xf32, #tpu.memory_space<vmem_shared>>
      %dma_start3A_137 = tpu.memref_slice %arg8[%add3A_107] : memref<163840xf32, #tpu.memory_space<vmem_shared>> -> memref<640xf32, #tpu.memory_space<vmem_shared>>
      tpu.enqueue_dma source(%dma_start3A_137 : memref<640xf32, #tpu.memory_space<vmem_shared>>) target(%arg6 : memref<640xf32, #tpu.memory_space<vmem>>) target_semaphore(%run_scoped3A : memref<!tpu.dma_semaphore, #tpu.memory_space<semaphore_mem>>)
      %dma_wait3A = tpu.memref_slice %arg8[%add3A_107] : memref<163840xf32, #tpu.memory_space<vmem_shared>> -> memref<640xf32, #tpu.memory_space<vmem_shared>>
      %dma_wait3A_138 = tpu.memref_slice %arg8[%add3A_107] : memref<163840xf32, #tpu.memory_space<vmem_shared>> -> memref<640xf32, #tpu.memory_space<vmem_shared>>
      tpu.wait_dma2 semaphore(%run_scoped3A : memref<!tpu.dma_semaphore, #tpu.memory_space<semaphore_mem>>) src(%dma_wait3A_138 : memref<640xf32, #tpu.memory_space<vmem_shared>>) dst(%arg6 : memref<640xf32, #tpu.memory_space<vmem>>)
      tpu.yield
    }) : () -> ()
    %scan3A_108 = arith.constant 0 : i32
    %scan3A_109 = arith.constant 40 : i32
    %scan3A_110 = arith.addi %scan3A_108, %scan3A_109 : i32
    %scan3A_111 = arith.constant 1 : i32
    scf.for %scan3A_137 = %scan3A_108 to %scan3A_110 step %scan3A_111  : i32 {
      %mul3A_138 = arith.constant 16 : i32
      %mul3A_139 = arith.muli %scan3A_137, %mul3A_138 : i32
      %get3A = arith.index_cast %mul3A_139 : i32 to index
      %get3A_140 = tpu.vector_load %arg7[%get3A] {strides = array<i32>} : memref<640xf32, #tpu.memory_space<vmem>>, vector<16xf32>,
      %get3A_141 = arith.index_cast %mul3A_139 : i32 to index
      %get3A_142 = tpu.vector_load %arg6[%get3A_141] {strides = array<i32>} : memref<640xf32, #tpu.memory_space<vmem>>, vector<16xf32>,
      %add3A_143 = arith.addf %get3A_140, %get3A_142 : vector<16xf32>
      %swap3A = arith.index_cast %mul3A_139 : i32 to index
      %swap3A_144 = tpu.vector_load %arg7[%swap3A] {strides = array<i32>} : memref<640xf32, #tpu.memory_space<vmem>>, vector<16xf32>,
      tpu.vector_store %arg7[%swap3A], %add3A_143 {strides = array<i32>} : memref<640xf32, #tpu.memory_space<vmem>>, vector<16xf32>,
    }
    %scan3A_112 = arith.constant 40 : i32
    %add3A_113 = arith.constant 133120 : i32
    %add3A_114 = arith.addi %add3A_113, %mul3A_16 : i32
    "tpu.region"() ({
      %run_scoped3A = tpu.sem_alloc : memref<!tpu.dma_semaphore, #tpu.memory_space<semaphore_mem>>
      %dma_start3A = tpu.memref_slice %arg8[%add3A_114] : memref<163840xf32, #tpu.memory_space<vmem_shared>> -> memref<640xf32, #tpu.memory_space<vmem_shared>>
      %dma_start3A_137 = tpu.memref_slice %arg8[%add3A_114] : memref<163840xf32, #tpu.memory_space<vmem_shared>> -> memref<640xf32, #tpu.memory_space<vmem_shared>>
      tpu.enqueue_dma source(%dma_start3A_137 : memref<640xf32, #tpu.memory_space<vmem_shared>>) target(%arg6 : memref<640xf32, #tpu.memory_space<vmem>>) target_semaphore(%run_scoped3A : memref<!tpu.dma_semaphore, #tpu.memory_space<semaphore_mem>>)
      %dma_wait3A = tpu.memref_slice %arg8[%add3A_114] : memref<163840xf32, #tpu.memory_space<vmem_shared>> -> memref<640xf32, #tpu.memory_space<vmem_shared>>
      %dma_wait3A_138 = tpu.memref_slice %arg8[%add3A_114] : memref<163840xf32, #tpu.memory_space<vmem_shared>> -> memref<640xf32, #tpu.memory_space<vmem_shared>>
      tpu.wait_dma2 semaphore(%run_scoped3A : memref<!tpu.dma_semaphore, #tpu.memory_space<semaphore_mem>>) src(%dma_wait3A_138 : memref<640xf32, #tpu.memory_space<vmem_shared>>) dst(%arg6 : memref<640xf32, #tpu.memory_space<vmem>>)
      tpu.yield
    }) : () -> ()
    %scan3A_115 = arith.constant 0 : i32
    %scan3A_116 = arith.constant 40 : i32
    %scan3A_117 = arith.addi %scan3A_115, %scan3A_116 : i32
    %scan3A_118 = arith.constant 1 : i32
    scf.for %scan3A_137 = %scan3A_115 to %scan3A_117 step %scan3A_118  : i32 {
      %mul3A_138 = arith.constant 16 : i32
      %mul3A_139 = arith.muli %scan3A_137, %mul3A_138 : i32
      %get3A = arith.index_cast %mul3A_139 : i32 to index
      %get3A_140 = tpu.vector_load %arg7[%get3A] {strides = array<i32>} : memref<640xf32, #tpu.memory_space<vmem>>, vector<16xf32>,
      %get3A_141 = arith.index_cast %mul3A_139 : i32 to index
      %get3A_142 = tpu.vector_load %arg6[%get3A_141] {strides = array<i32>} : memref<640xf32, #tpu.memory_space<vmem>>, vector<16xf32>,
      %add3A_143 = arith.addf %get3A_140, %get3A_142 : vector<16xf32>
      %swap3A = arith.index_cast %mul3A_139 : i32 to index
      %swap3A_144 = tpu.vector_load %arg7[%swap3A] {strides = array<i32>} : memref<640xf32, #tpu.memory_space<vmem>>, vector<16xf32>,
      tpu.vector_store %arg7[%swap3A], %add3A_143 {strides = array<i32>} : memref<640xf32, #tpu.memory_space<vmem>>, vector<16xf32>,
    }
    %scan3A_119 = arith.constant 40 : i32
    %add3A_120 = arith.constant 143360 : i32
    %add3A_121 = arith.addi %add3A_120, %mul3A_16 : i32
    "tpu.region"() ({
      %run_scoped3A = tpu.sem_alloc : memref<!tpu.dma_semaphore, #tpu.memory_space<semaphore_mem>>
      %dma_start3A = tpu.memref_slice %arg8[%add3A_121] : memref<163840xf32, #tpu.memory_space<vmem_shared>> -> memref<640xf32, #tpu.memory_space<vmem_shared>>
      %dma_start3A_137 = tpu.memref_slice %arg8[%add3A_121] : memref<163840xf32, #tpu.memory_space<vmem_shared>> -> memref<640xf32, #tpu.memory_space<vmem_shared>>
      tpu.enqueue_dma source(%dma_start3A_137 : memref<640xf32, #tpu.memory_space<vmem_shared>>) target(%arg6 : memref<640xf32, #tpu.memory_space<vmem>>) target_semaphore(%run_scoped3A : memref<!tpu.dma_semaphore, #tpu.memory_space<semaphore_mem>>)
      %dma_wait3A = tpu.memref_slice %arg8[%add3A_121] : memref<163840xf32, #tpu.memory_space<vmem_shared>> -> memref<640xf32, #tpu.memory_space<vmem_shared>>
      %dma_wait3A_138 = tpu.memref_slice %arg8[%add3A_121] : memref<163840xf32, #tpu.memory_space<vmem_shared>> -> memref<640xf32, #tpu.memory_space<vmem_shared>>
      tpu.wait_dma2 semaphore(%run_scoped3A : memref<!tpu.dma_semaphore, #tpu.memory_space<semaphore_mem>>) src(%dma_wait3A_138 : memref<640xf32, #tpu.memory_space<vmem_shared>>) dst(%arg6 : memref<640xf32, #tpu.memory_space<vmem>>)
      tpu.yield
    }) : () -> ()
    %scan3A_122 = arith.constant 0 : i32
    %scan3A_123 = arith.constant 40 : i32
    %scan3A_124 = arith.addi %scan3A_122, %scan3A_123 : i32
    %scan3A_125 = arith.constant 1 : i32
    scf.for %scan3A_137 = %scan3A_122 to %scan3A_124 step %scan3A_125  : i32 {
      %mul3A_138 = arith.constant 16 : i32
      %mul3A_139 = arith.muli %scan3A_137, %mul3A_138 : i32
      %get3A = arith.index_cast %mul3A_139 : i32 to index
      %get3A_140 = tpu.vector_load %arg7[%get3A] {strides = array<i32>} : memref<640xf32, #tpu.memory_space<vmem>>, vector<16xf32>,
      %get3A_141 = arith.index_cast %mul3A_139 : i32 to index
      %get3A_142 = tpu.vector_load %arg6[%get3A_141] {strides = array<i32>} : memref<640xf32, #tpu.memory_space<vmem>>, vector<16xf32>,
      %add3A_143 = arith.addf %get3A_140, %get3A_142 : vector<16xf32>
      %swap3A = arith.index_cast %mul3A_139 : i32 to index
      %swap3A_144 = tpu.vector_load %arg7[%swap3A] {strides = array<i32>} : memref<640xf32, #tpu.memory_space<vmem>>, vector<16xf32>,
      tpu.vector_store %arg7[%swap3A], %add3A_143 {strides = array<i32>} : memref<640xf32, #tpu.memory_space<vmem>>, vector<16xf32>,
    }
    %scan3A_126 = arith.constant 40 : i32
    %add3A_127 = arith.constant 153600 : i32
    %add3A_128 = arith.addi %add3A_127, %mul3A_16 : i32
    "tpu.region"() ({
      %run_scoped3A = tpu.sem_alloc : memref<!tpu.dma_semaphore, #tpu.memory_space<semaphore_mem>>
      %dma_start3A = tpu.memref_slice %arg8[%add3A_128] : memref<163840xf32, #tpu.memory_space<vmem_shared>> -> memref<640xf32, #tpu.memory_space<vmem_shared>>
      %dma_start3A_137 = tpu.memref_slice %arg8[%add3A_128] : memref<163840xf32, #tpu.memory_space<vmem_shared>> -> memref<640xf32, #tpu.memory_space<vmem_shared>>
      tpu.enqueue_dma source(%dma_start3A_137 : memref<640xf32, #tpu.memory_space<vmem_shared>>) target(%arg6 : memref<640xf32, #tpu.memory_space<vmem>>) target_semaphore(%run_scoped3A : memref<!tpu.dma_semaphore, #tpu.memory_space<semaphore_mem>>)
      %dma_wait3A = tpu.memref_slice %arg8[%add3A_128] : memref<163840xf32, #tpu.memory_space<vmem_shared>> -> memref<640xf32, #tpu.memory_space<vmem_shared>>
      %dma_wait3A_138 = tpu.memref_slice %arg8[%add3A_128] : memref<163840xf32, #tpu.memory_space<vmem_shared>> -> memref<640xf32, #tpu.memory_space<vmem_shared>>
      tpu.wait_dma2 semaphore(%run_scoped3A : memref<!tpu.dma_semaphore, #tpu.memory_space<semaphore_mem>>) src(%dma_wait3A_138 : memref<640xf32, #tpu.memory_space<vmem_shared>>) dst(%arg6 : memref<640xf32, #tpu.memory_space<vmem>>)
      tpu.yield
    }) : () -> ()
    %scan3A_129 = arith.constant 0 : i32
    %scan3A_130 = arith.constant 40 : i32
    %scan3A_131 = arith.addi %scan3A_129, %scan3A_130 : i32
    %scan3A_132 = arith.constant 1 : i32
    scf.for %scan3A_137 = %scan3A_129 to %scan3A_131 step %scan3A_132  : i32 {
      %mul3A_138 = arith.constant 16 : i32
      %mul3A_139 = arith.muli %scan3A_137, %mul3A_138 : i32
      %get3A = arith.index_cast %mul3A_139 : i32 to index
      %get3A_140 = tpu.vector_load %arg7[%get3A] {strides = array<i32>} : memref<640xf32, #tpu.memory_space<vmem>>, vector<16xf32>,
      %get3A_141 = arith.index_cast %mul3A_139 : i32 to index
      %get3A_142 = tpu.vector_load %arg6[%get3A_141] {strides = array<i32>} : memref<640xf32, #tpu.memory_space<vmem>>, vector<16xf32>,
      %add3A_143 = arith.addf %get3A_140, %get3A_142 : vector<16xf32>
      %swap3A = arith.index_cast %mul3A_139 : i32 to index
      %swap3A_144 = tpu.vector_load %arg7[%swap3A] {strides = array<i32>} : memref<640xf32, #tpu.memory_space<vmem>>, vector<16xf32>,
      tpu.vector_store %arg7[%swap3A], %add3A_143 {strides = array<i32>} : memref<640xf32, #tpu.memory_space<vmem>>, vector<16xf32>,
    }
    %scan3A_133 = arith.constant 40 : i32
    %mul3A_134 = arith.constant 10240 : i32
    %mul3A_135 = arith.muli %arg0, %mul3A_134 : i32
    %add3A_136 = arith.addi %mul3A_135, %mul3A_16 : i32
    "tpu.region"() ({
      %run_scoped3A = tpu.sem_alloc : memref<!tpu.dma_semaphore, #tpu.memory_space<semaphore_mem>>
      %dma_start3A = tpu.memref_slice %arg3[%add3A_136] : memref<20480xf32, #tpu.memory_space<hbm>> -> memref<640xf32, #tpu.memory_space<hbm>>
      %dma_start3A_137 = tpu.memref_slice %arg3[%add3A_136] : memref<20480xf32, #tpu.memory_space<hbm>> -> memref<640xf32, #tpu.memory_space<hbm>>
      tpu.enqueue_dma source(%arg7 : memref<640xf32, #tpu.memory_space<vmem>>) target(%dma_start3A_137 : memref<640xf32, #tpu.memory_space<hbm>>) target_semaphore(%run_scoped3A : memref<!tpu.dma_semaphore, #tpu.memory_space<semaphore_mem>>)
      %dma_wait3A = tpu.memref_slice %arg3[%add3A_136] : memref<20480xf32, #tpu.memory_space<hbm>> -> memref<640xf32, #tpu.memory_space<hbm>>
      %dma_wait3A_138 = tpu.memref_slice %arg3[%add3A_136] : memref<20480xf32, #tpu.memory_space<hbm>> -> memref<640xf32, #tpu.memory_space<hbm>>
      tpu.wait_dma2 semaphore(%run_scoped3A : memref<!tpu.dma_semaphore, #tpu.memory_space<semaphore_mem>>) src(%arg7 : memref<640xf32, #tpu.memory_space<vmem>>) dst(%dma_wait3A_138 : memref<640xf32, #tpu.memory_space<hbm>>)
      tpu.yield
    }) : () -> ()
    return
  }
}

#map = affine_map<(d0, d1) -> (0, 0)>
module attributes {stable_mosaic.version = 14 : i64} {
  func.func @_agg_body(%arg0: i32, %arg1: i32, %arg2: memref<10240x128xbf16, #tpu.memory_space<hbm>>, %arg3: memref<10240x128xbf16, #tpu.memory_space<hbm>>, %arg4: memref<1280x128xi32, #tpu.memory_space<hbm>>, %arg5: memref<10240x128xbf16, #tpu.memory_space<hbm>>, %arg6: memref<10240x128xbf16, #tpu.memory_space<hbm>>, %arg7: memref<80x128xi32, #tpu.memory_space<vmem>>, %arg8: memref<4x128xi32, #tpu.memory_space<vmem>>, %arg9: memref<4x128xi32, #tpu.memory_space<vmem>>, %arg10: memref<4x128x128xbf16, #tpu.memory_space<vmem>>, %arg11: memref<10240x128xbf16, #tpu.memory_space<vmem_shared>>, %arg12: memref<10240x128xbf16, #tpu.memory_space<vmem_shared>>, %arg13: memref<!tpu.dma_semaphore, #tpu.memory_space<semaphore_mem>>, %arg14: memref<!tpu.dma_semaphore, #tpu.memory_space<semaphore_mem>>, %arg15: memref<!tpu.dma_semaphore, #tpu.memory_space<semaphore_mem>>, %arg16: memref<!tpu.dma_semaphore, #tpu.memory_space<semaphore_mem>>, %arg17: memref<!tpu.dma_semaphore, #tpu.memory_space<semaphore_mem>>, %arg18: memref<!tpu.dma_semaphore, #tpu.memory_space<semaphore_mem>>, %arg19: memref<!tpu.dma_semaphore, #tpu.memory_space<semaphore_mem>>, %arg20: memref<!tpu.dma_semaphore, #tpu.memory_space<semaphore_mem>>) attributes {dimension_semantics = [#tpu.dimension_semantics<core_parallel>, #tpu.dimension_semantics<subcore_parallel>], iteration_bounds = array<i64: 2, 16>, scalar_prefetch = 0 : i64, scratch_operands = 14 : i64, tpu.core_type = #tpu.core_type<sc_vector_subcore>, window_params = [{transform_indices = #map}, {transform_indices = #map}, {transform_indices = #map}, {transform_indices = #map}, {transform_indices = #map}]} {
    %mul3A = arith.constant 80 : i32
    %mul3A_0 = arith.muli %arg1, %mul3A : i32
    "tpu.region"() ({
      %run_scoped3A = tpu.sem_alloc : memref<!tpu.dma_semaphore, #tpu.memory_space<semaphore_mem>>
      %dma_start3A_379 = arith.constant 0 : i32
      %dma_start3A_380 = tpu.memref_slice %arg4[%mul3A_0, %dma_start3A_379] : memref<1280x128xi32, #tpu.memory_space<hbm>> -> memref<80x128xi32, #tpu.memory_space<hbm>>
      %dma_start3A_381 = arith.constant 0 : i32
      %dma_start3A_382 = tpu.memref_slice %arg4[%mul3A_0, %dma_start3A_381] : memref<1280x128xi32, #tpu.memory_space<hbm>> -> memref<80x128xi32, #tpu.memory_space<hbm>>
      tpu.enqueue_dma source(%dma_start3A_382 : memref<80x128xi32, #tpu.memory_space<hbm>>) target(%arg7 : memref<80x128xi32, #tpu.memory_space<vmem>>) target_semaphore(%run_scoped3A : memref<!tpu.dma_semaphore, #tpu.memory_space<semaphore_mem>>)
      %dma_wait3A_383 = arith.constant 0 : i32
      %dma_wait3A_384 = tpu.memref_slice %arg4[%mul3A_0, %dma_wait3A_383] : memref<1280x128xi32, #tpu.memory_space<hbm>> -> memref<80x128xi32, #tpu.memory_space<hbm>>
      %dma_wait3A_385 = arith.constant 0 : i32
      %dma_wait3A_386 = tpu.memref_slice %arg4[%mul3A_0, %dma_wait3A_385] : memref<1280x128xi32, #tpu.memory_space<hbm>> -> memref<80x128xi32, #tpu.memory_space<hbm>>
      tpu.wait_dma2 semaphore(%run_scoped3A : memref<!tpu.dma_semaphore, #tpu.memory_space<semaphore_mem>>) src(%dma_wait3A_386 : memref<80x128xi32, #tpu.memory_space<hbm>>) dst(%arg7 : memref<80x128xi32, #tpu.memory_space<vmem>>)
      tpu.yield
    }) : () -> ()
    %mul3A_1 = arith.constant 640 : i32
    %mul3A_2 = arith.muli %arg1, %mul3A_1 : i32
    %eq3A = arith.constant 0 : i32
    %eq3A_3 = arith.cmpi eq, %arg0, %eq3A : i32
    %convert_element_type3A = arith.extui %eq3A_3 : i1 to i32
    %cond3A = arith.constant 0 : i32
    %cond3A_4 = arith.cmpi ne, %convert_element_type3A, %cond3A : i32
    scf.if %cond3A_4 {
      "tpu.region"() ({
        %run_scoped3A = tpu.sem_alloc : memref<!tpu.dma_semaphore, #tpu.memory_space<semaphore_mem>>
        %dma_start3A_379 = arith.constant 0 : i32
        %dma_start3A_380 = tpu.memref_slice %arg11[%mul3A_2, %dma_start3A_379] : memref<10240x128xbf16, #tpu.memory_space<vmem_shared>> -> memref<640x128xbf16, #tpu.memory_space<vmem_shared>>
        %dma_start3A_381 = arith.constant 0 : i32
        %dma_start3A_382 = tpu.memref_slice %arg2[%mul3A_2, %dma_start3A_381] : memref<10240x128xbf16, #tpu.memory_space<hbm>> -> memref<640x128xbf16, #tpu.memory_space<hbm>>
        tpu.enqueue_dma source(%dma_start3A_382 : memref<640x128xbf16, #tpu.memory_space<hbm>>) target(%dma_start3A_380 : memref<640x128xbf16, #tpu.memory_space<vmem_shared>>) target_semaphore(%run_scoped3A : memref<!tpu.dma_semaphore, #tpu.memory_space<semaphore_mem>>)
        %dma_wait3A_383 = arith.constant 0 : i32
        %dma_wait3A_384 = tpu.memref_slice %arg11[%mul3A_2, %dma_wait3A_383] : memref<10240x128xbf16, #tpu.memory_space<vmem_shared>> -> memref<640x128xbf16, #tpu.memory_space<vmem_shared>>
        %dma_wait3A_385 = arith.constant 0 : i32
        %dma_wait3A_386 = tpu.memref_slice %arg2[%mul3A_2, %dma_wait3A_385] : memref<10240x128xbf16, #tpu.memory_space<hbm>> -> memref<640x128xbf16, #tpu.memory_space<hbm>>
        tpu.wait_dma2 semaphore(%run_scoped3A : memref<!tpu.dma_semaphore, #tpu.memory_space<semaphore_mem>>) src(%dma_wait3A_386 : memref<640x128xbf16, #tpu.memory_space<hbm>>) dst(%dma_wait3A_384 : memref<640x128xbf16, #tpu.memory_space<vmem_shared>>)
        tpu.yield
      }) : () -> ()
      "tpu.region"() ({
        %run_scoped3A = tpu.sem_alloc : memref<!tpu.dma_semaphore, #tpu.memory_space<semaphore_mem>>
        %dma_start3A_379 = arith.constant 0 : i32
        %dma_start3A_380 = tpu.memref_slice %arg12[%mul3A_2, %dma_start3A_379] : memref<10240x128xbf16, #tpu.memory_space<vmem_shared>> -> memref<640x128xbf16, #tpu.memory_space<vmem_shared>>
        %dma_start3A_381 = arith.constant 0 : i32
        %dma_start3A_382 = tpu.memref_slice %arg2[%mul3A_2, %dma_start3A_381] : memref<10240x128xbf16, #tpu.memory_space<hbm>> -> memref<640x128xbf16, #tpu.memory_space<hbm>>
        tpu.enqueue_dma source(%dma_start3A_382 : memref<640x128xbf16, #tpu.memory_space<hbm>>) target(%dma_start3A_380 : memref<640x128xbf16, #tpu.memory_space<vmem_shared>>) target_semaphore(%run_scoped3A : memref<!tpu.dma_semaphore, #tpu.memory_space<semaphore_mem>>)
        %dma_wait3A_383 = arith.constant 0 : i32
        %dma_wait3A_384 = tpu.memref_slice %arg12[%mul3A_2, %dma_wait3A_383] : memref<10240x128xbf16, #tpu.memory_space<vmem_shared>> -> memref<640x128xbf16, #tpu.memory_space<vmem_shared>>
        %dma_wait3A_385 = arith.constant 0 : i32
        %dma_wait3A_386 = tpu.memref_slice %arg2[%mul3A_2, %dma_wait3A_385] : memref<10240x128xbf16, #tpu.memory_space<hbm>> -> memref<640x128xbf16, #tpu.memory_space<hbm>>
        tpu.wait_dma2 semaphore(%run_scoped3A : memref<!tpu.dma_semaphore, #tpu.memory_space<semaphore_mem>>) src(%dma_wait3A_386 : memref<640x128xbf16, #tpu.memory_space<hbm>>) dst(%dma_wait3A_384 : memref<640x128xbf16, #tpu.memory_space<vmem_shared>>)
        tpu.yield
      }) : () -> ()
    } else {
    }
    %eq3A_5 = arith.constant 1 : i32
    %eq3A_6 = arith.cmpi eq, %arg0, %eq3A_5 : i32
    %convert_element_type3A_7 = arith.extui %eq3A_6 : i1 to i32
    %cond3A_8 = arith.constant 0 : i32
    %cond3A_9 = arith.cmpi ne, %convert_element_type3A_7, %cond3A_8 : i32
    scf.if %cond3A_9 {
      "tpu.region"() ({
        %run_scoped3A = tpu.sem_alloc : memref<!tpu.dma_semaphore, #tpu.memory_space<semaphore_mem>>
        %dma_start3A_379 = arith.constant 0 : i32
        %dma_start3A_380 = tpu.memref_slice %arg11[%mul3A_2, %dma_start3A_379] : memref<10240x128xbf16, #tpu.memory_space<vmem_shared>> -> memref<640x128xbf16, #tpu.memory_space<vmem_shared>>
        %dma_start3A_381 = arith.constant 0 : i32
        %dma_start3A_382 = tpu.memref_slice %arg3[%mul3A_2, %dma_start3A_381] : memref<10240x128xbf16, #tpu.memory_space<hbm>> -> memref<640x128xbf16, #tpu.memory_space<hbm>>
        tpu.enqueue_dma source(%dma_start3A_382 : memref<640x128xbf16, #tpu.memory_space<hbm>>) target(%dma_start3A_380 : memref<640x128xbf16, #tpu.memory_space<vmem_shared>>) target_semaphore(%run_scoped3A : memref<!tpu.dma_semaphore, #tpu.memory_space<semaphore_mem>>)
        %dma_wait3A_383 = arith.constant 0 : i32
        %dma_wait3A_384 = tpu.memref_slice %arg11[%mul3A_2, %dma_wait3A_383] : memref<10240x128xbf16, #tpu.memory_space<vmem_shared>> -> memref<640x128xbf16, #tpu.memory_space<vmem_shared>>
        %dma_wait3A_385 = arith.constant 0 : i32
        %dma_wait3A_386 = tpu.memref_slice %arg3[%mul3A_2, %dma_wait3A_385] : memref<10240x128xbf16, #tpu.memory_space<hbm>> -> memref<640x128xbf16, #tpu.memory_space<hbm>>
        tpu.wait_dma2 semaphore(%run_scoped3A : memref<!tpu.dma_semaphore, #tpu.memory_space<semaphore_mem>>) src(%dma_wait3A_386 : memref<640x128xbf16, #tpu.memory_space<hbm>>) dst(%dma_wait3A_384 : memref<640x128xbf16, #tpu.memory_space<vmem_shared>>)
        tpu.yield
      }) : () -> ()
      "tpu.region"() ({
        %run_scoped3A = tpu.sem_alloc : memref<!tpu.dma_semaphore, #tpu.memory_space<semaphore_mem>>
        %dma_start3A_379 = arith.constant 0 : i32
        %dma_start3A_380 = tpu.memref_slice %arg12[%mul3A_2, %dma_start3A_379] : memref<10240x128xbf16, #tpu.memory_space<vmem_shared>> -> memref<640x128xbf16, #tpu.memory_space<vmem_shared>>
        %dma_start3A_381 = arith.constant 0 : i32
        %dma_start3A_382 = tpu.memref_slice %arg3[%mul3A_2, %dma_start3A_381] : memref<10240x128xbf16, #tpu.memory_space<hbm>> -> memref<640x128xbf16, #tpu.memory_space<hbm>>
        tpu.enqueue_dma source(%dma_start3A_382 : memref<640x128xbf16, #tpu.memory_space<hbm>>) target(%dma_start3A_380 : memref<640x128xbf16, #tpu.memory_space<vmem_shared>>) target_semaphore(%run_scoped3A : memref<!tpu.dma_semaphore, #tpu.memory_space<semaphore_mem>>)
        %dma_wait3A_383 = arith.constant 0 : i32
        %dma_wait3A_384 = tpu.memref_slice %arg12[%mul3A_2, %dma_wait3A_383] : memref<10240x128xbf16, #tpu.memory_space<vmem_shared>> -> memref<640x128xbf16, #tpu.memory_space<vmem_shared>>
        %dma_wait3A_385 = arith.constant 0 : i32
        %dma_wait3A_386 = tpu.memref_slice %arg3[%mul3A_2, %dma_wait3A_385] : memref<10240x128xbf16, #tpu.memory_space<hbm>> -> memref<640x128xbf16, #tpu.memory_space<hbm>>
        tpu.wait_dma2 semaphore(%run_scoped3A : memref<!tpu.dma_semaphore, #tpu.memory_space<semaphore_mem>>) src(%dma_wait3A_386 : memref<640x128xbf16, #tpu.memory_space<hbm>>) dst(%dma_wait3A_384 : memref<640x128xbf16, #tpu.memory_space<vmem_shared>>)
        tpu.yield
      }) : () -> ()
    } else {
    }
    %barrier3A = arith.constant 0 : index
    tpu.barrier barrier_id(%barrier3A)
    %get3A = arith.constant 0 : i32
    %get3A_10 = arith.index_cast %get3A : i32 to index
    %get3A_11 = arith.constant 0 : index
    %get3A_12 = tpu.vector_load %arg7[%get3A_10, %get3A_11] {strides = array<i32>} : memref<80x128xi32, #tpu.memory_space<vmem>>, vector<16xi32>,
    %shift_right_logical3A = arith.constant 14 : i32
    %shift_right_logical3A_13 = vector.broadcast %shift_right_logical3A : i32 to vector<16xi32>
    %shift_right_logical3A_14 = arith.shrui %get3A_12, %shift_right_logical3A_13 : vector<16xi32>
    %swap3A = arith.constant 0 : i32
    %swap3A_15 = arith.index_cast %swap3A : i32 to index
    %swap3A_16 = arith.constant 0 : index
    %swap3A_17 = tpu.vector_load %arg8[%swap3A_15, %swap3A_16] {strides = array<i32>} : memref<4x128xi32, #tpu.memory_space<vmem>>, vector<16xi32>,
    tpu.vector_store %arg8[%swap3A_15, %swap3A_16], %shift_right_logical3A_14 {strides = array<i32>} : memref<4x128xi32, #tpu.memory_space<vmem>>, vector<16xi32>,
    %and3A = arith.constant 16383 : i32
    %and3A_18 = vector.broadcast %and3A : i32 to vector<16xi32>
    %and3A_19 = arith.andi %get3A_12, %and3A_18 : vector<16xi32>
    %swap3A_20 = arith.constant 0 : i32
    %swap3A_21 = arith.index_cast %swap3A_20 : i32 to index
    %swap3A_22 = arith.constant 0 : index
    %swap3A_23 = tpu.vector_load %arg9[%swap3A_21, %swap3A_22] {strides = array<i32>} : memref<4x128xi32, #tpu.memory_space<vmem>>, vector<16xi32>,
    tpu.vector_store %arg9[%swap3A_21, %swap3A_22], %and3A_19 {strides = array<i32>} : memref<4x128xi32, #tpu.memory_space<vmem>>, vector<16xi32>,
    %get3A_24 = arith.constant 0 : i32
    %get3A_25 = arith.index_cast %get3A_24 : i32 to index
    %get3A_26 = arith.constant 16 : index
    %get3A_27 = tpu.vector_load %arg7[%get3A_25, %get3A_26] {strides = array<i32>} : memref<80x128xi32, #tpu.memory_space<vmem>>, vector<16xi32>,
    %shift_right_logical3A_28 = arith.constant 14 : i32
    %shift_right_logical3A_29 = vector.broadcast %shift_right_logical3A_28 : i32 to vector<16xi32>
    %shift_right_logical3A_30 = arith.shrui %get3A_27, %shift_right_logical3A_29 : vector<16xi32>
    %swap3A_31 = arith.constant 0 : i32
    %swap3A_32 = arith.index_cast %swap3A_31 : i32 to index
    %swap3A_33 = arith.constant 16 : index
    %swap3A_34 = tpu.vector_load %arg8[%swap3A_32, %swap3A_33] {strides = array<i32>} : memref<4x128xi32, #tpu.memory_space<vmem>>, vector<16xi32>,
    tpu.vector_store %arg8[%swap3A_32, %swap3A_33], %shift_right_logical3A_30 {strides = array<i32>} : memref<4x128xi32, #tpu.memory_space<vmem>>, vector<16xi32>,
    %and3A_35 = arith.constant 16383 : i32
    %and3A_36 = vector.broadcast %and3A_35 : i32 to vector<16xi32>
    %and3A_37 = arith.andi %get3A_27, %and3A_36 : vector<16xi32>
    %swap3A_38 = arith.constant 0 : i32
    %swap3A_39 = arith.index_cast %swap3A_38 : i32 to index
    %swap3A_40 = arith.constant 16 : index
    %swap3A_41 = tpu.vector_load %arg9[%swap3A_39, %swap3A_40] {strides = array<i32>} : memref<4x128xi32, #tpu.memory_space<vmem>>, vector<16xi32>,
    tpu.vector_store %arg9[%swap3A_39, %swap3A_40], %and3A_37 {strides = array<i32>} : memref<4x128xi32, #tpu.memory_space<vmem>>, vector<16xi32>,
    %get3A_42 = arith.constant 0 : i32
    %get3A_43 = arith.index_cast %get3A_42 : i32 to index
    %get3A_44 = arith.constant 32 : index
    %get3A_45 = tpu.vector_load %arg7[%get3A_43, %get3A_44] {strides = array<i32>} : memref<80x128xi32, #tpu.memory_space<vmem>>, vector<16xi32>,
    %shift_right_logical3A_46 = arith.constant 14 : i32
    %shift_right_logical3A_47 = vector.broadcast %shift_right_logical3A_46 : i32 to vector<16xi32>
    %shift_right_logical3A_48 = arith.shrui %get3A_45, %shift_right_logical3A_47 : vector<16xi32>
    %swap3A_49 = arith.constant 0 : i32
    %swap3A_50 = arith.index_cast %swap3A_49 : i32 to index
    %swap3A_51 = arith.constant 32 : index
    %swap3A_52 = tpu.vector_load %arg8[%swap3A_50, %swap3A_51] {strides = array<i32>} : memref<4x128xi32, #tpu.memory_space<vmem>>, vector<16xi32>,
    tpu.vector_store %arg8[%swap3A_50, %swap3A_51], %shift_right_logical3A_48 {strides = array<i32>} : memref<4x128xi32, #tpu.memory_space<vmem>>, vector<16xi32>,
    %and3A_53 = arith.constant 16383 : i32
    %and3A_54 = vector.broadcast %and3A_53 : i32 to vector<16xi32>
    %and3A_55 = arith.andi %get3A_45, %and3A_54 : vector<16xi32>
    %swap3A_56 = arith.constant 0 : i32
    %swap3A_57 = arith.index_cast %swap3A_56 : i32 to index
    %swap3A_58 = arith.constant 32 : index
    %swap3A_59 = tpu.vector_load %arg9[%swap3A_57, %swap3A_58] {strides = array<i32>} : memref<4x128xi32, #tpu.memory_space<vmem>>, vector<16xi32>,
    tpu.vector_store %arg9[%swap3A_57, %swap3A_58], %and3A_55 {strides = array<i32>} : memref<4x128xi32, #tpu.memory_space<vmem>>, vector<16xi32>,
    %get3A_60 = arith.constant 0 : i32
    %get3A_61 = arith.index_cast %get3A_60 : i32 to index
    %get3A_62 = arith.constant 48 : index
    %get3A_63 = tpu.vector_load %arg7[%get3A_61, %get3A_62] {strides = array<i32>} : memref<80x128xi32, #tpu.memory_space<vmem>>, vector<16xi32>,
    %shift_right_logical3A_64 = arith.constant 14 : i32
    %shift_right_logical3A_65 = vector.broadcast %shift_right_logical3A_64 : i32 to vector<16xi32>
    %shift_right_logical3A_66 = arith.shrui %get3A_63, %shift_right_logical3A_65 : vector<16xi32>
    %swap3A_67 = arith.constant 0 : i32
    %swap3A_68 = arith.index_cast %swap3A_67 : i32 to index
    %swap3A_69 = arith.constant 48 : index
    %swap3A_70 = tpu.vector_load %arg8[%swap3A_68, %swap3A_69] {strides = array<i32>} : memref<4x128xi32, #tpu.memory_space<vmem>>, vector<16xi32>,
    tpu.vector_store %arg8[%swap3A_68, %swap3A_69], %shift_right_logical3A_66 {strides = array<i32>} : memref<4x128xi32, #tpu.memory_space<vmem>>, vector<16xi32>,
    %and3A_71 = arith.constant 16383 : i32
    %and3A_72 = vector.broadcast %and3A_71 : i32 to vector<16xi32>
    %and3A_73 = arith.andi %get3A_63, %and3A_72 : vector<16xi32>
    %swap3A_74 = arith.constant 0 : i32
    %swap3A_75 = arith.index_cast %swap3A_74 : i32 to index
    %swap3A_76 = arith.constant 48 : index
    %swap3A_77 = tpu.vector_load %arg9[%swap3A_75, %swap3A_76] {strides = array<i32>} : memref<4x128xi32, #tpu.memory_space<vmem>>, vector<16xi32>,
    tpu.vector_store %arg9[%swap3A_75, %swap3A_76], %and3A_73 {strides = array<i32>} : memref<4x128xi32, #tpu.memory_space<vmem>>, vector<16xi32>,
    %get3A_78 = arith.constant 0 : i32
    %get3A_79 = arith.index_cast %get3A_78 : i32 to index
    %get3A_80 = arith.constant 64 : index
    %get3A_81 = tpu.vector_load %arg7[%get3A_79, %get3A_80] {strides = array<i32>} : memref<80x128xi32, #tpu.memory_space<vmem>>, vector<16xi32>,
    %shift_right_logical3A_82 = arith.constant 14 : i32
    %shift_right_logical3A_83 = vector.broadcast %shift_right_logical3A_82 : i32 to vector<16xi32>
    %shift_right_logical3A_84 = arith.shrui %get3A_81, %shift_right_logical3A_83 : vector<16xi32>
    %swap3A_85 = arith.constant 0 : i32
    %swap3A_86 = arith.index_cast %swap3A_85 : i32 to index
    %swap3A_87 = arith.constant 64 : index
    %swap3A_88 = tpu.vector_load %arg8[%swap3A_86, %swap3A_87] {strides = array<i32>} : memref<4x128xi32, #tpu.memory_space<vmem>>, vector<16xi32>,
    tpu.vector_store %arg8[%swap3A_86, %swap3A_87], %shift_right_logical3A_84 {strides = array<i32>} : memref<4x128xi32, #tpu.memory_space<vmem>>, vector<16xi32>,
    %and3A_89 = arith.constant 16383 : i32
    %and3A_90 = vector.broadcast %and3A_89 : i32 to vector<16xi32>
    %and3A_91 = arith.andi %get3A_81, %and3A_90 : vector<16xi32>
    %swap3A_92 = arith.constant 0 : i32
    %swap3A_93 = arith.index_cast %swap3A_92 : i32 to index
    %swap3A_94 = arith.constant 64 : index
    %swap3A_95 = tpu.vector_load %arg9[%swap3A_93, %swap3A_94] {strides = array<i32>} : memref<4x128xi32, #tpu.memory_space<vmem>>, vector<16xi32>,
    tpu.vector_store %arg9[%swap3A_93, %swap3A_94], %and3A_91 {strides = array<i32>} : memref<4x128xi32, #tpu.memory_space<vmem>>, vector<16xi32>,
    %get3A_96 = arith.constant 0 : i32
    %get3A_97 = arith.index_cast %get3A_96 : i32 to index
    %get3A_98 = arith.constant 80 : index
    %get3A_99 = tpu.vector_load %arg7[%get3A_97, %get3A_98] {strides = array<i32>} : memref<80x128xi32, #tpu.memory_space<vmem>>, vector<16xi32>,
    %shift_right_logical3A_100 = arith.constant 14 : i32
    %shift_right_logical3A_101 = vector.broadcast %shift_right_logical3A_100 : i32 to vector<16xi32>
    %shift_right_logical3A_102 = arith.shrui %get3A_99, %shift_right_logical3A_101 : vector<16xi32>
    %swap3A_103 = arith.constant 0 : i32
    %swap3A_104 = arith.index_cast %swap3A_103 : i32 to index
    %swap3A_105 = arith.constant 80 : index
    %swap3A_106 = tpu.vector_load %arg8[%swap3A_104, %swap3A_105] {strides = array<i32>} : memref<4x128xi32, #tpu.memory_space<vmem>>, vector<16xi32>,
    tpu.vector_store %arg8[%swap3A_104, %swap3A_105], %shift_right_logical3A_102 {strides = array<i32>} : memref<4x128xi32, #tpu.memory_space<vmem>>, vector<16xi32>,
    %and3A_107 = arith.constant 16383 : i32
    %and3A_108 = vector.broadcast %and3A_107 : i32 to vector<16xi32>
    %and3A_109 = arith.andi %get3A_99, %and3A_108 : vector<16xi32>
    %swap3A_110 = arith.constant 0 : i32
    %swap3A_111 = arith.index_cast %swap3A_110 : i32 to index
    %swap3A_112 = arith.constant 80 : index
    %swap3A_113 = tpu.vector_load %arg9[%swap3A_111, %swap3A_112] {strides = array<i32>} : memref<4x128xi32, #tpu.memory_space<vmem>>, vector<16xi32>,
    tpu.vector_store %arg9[%swap3A_111, %swap3A_112], %and3A_109 {strides = array<i32>} : memref<4x128xi32, #tpu.memory_space<vmem>>, vector<16xi32>,
    %get3A_114 = arith.constant 0 : i32
    %get3A_115 = arith.index_cast %get3A_114 : i32 to index
    %get3A_116 = arith.constant 96 : index
    %get3A_117 = tpu.vector_load %arg7[%get3A_115, %get3A_116] {strides = array<i32>} : memref<80x128xi32, #tpu.memory_space<vmem>>, vector<16xi32>,
    %shift_right_logical3A_118 = arith.constant 14 : i32
    %shift_right_logical3A_119 = vector.broadcast %shift_right_logical3A_118 : i32 to vector<16xi32>
    %shift_right_logical3A_120 = arith.shrui %get3A_117, %shift_right_logical3A_119 : vector<16xi32>
    %swap3A_121 = arith.constant 0 : i32
    %swap3A_122 = arith.index_cast %swap3A_121 : i32 to index
    %swap3A_123 = arith.constant 96 : index
    %swap3A_124 = tpu.vector_load %arg8[%swap3A_122, %swap3A_123] {strides = array<i32>} : memref<4x128xi32, #tpu.memory_space<vmem>>, vector<16xi32>,
    tpu.vector_store %arg8[%swap3A_122, %swap3A_123], %shift_right_logical3A_120 {strides = array<i32>} : memref<4x128xi32, #tpu.memory_space<vmem>>, vector<16xi32>,
    %and3A_125 = arith.constant 16383 : i32
    %and3A_126 = vector.broadcast %and3A_125 : i32 to vector<16xi32>
    %and3A_127 = arith.andi %get3A_117, %and3A_126 : vector<16xi32>
    %swap3A_128 = arith.constant 0 : i32
    %swap3A_129 = arith.index_cast %swap3A_128 : i32 to index
    %swap3A_130 = arith.constant 96 : index
    %swap3A_131 = tpu.vector_load %arg9[%swap3A_129, %swap3A_130] {strides = array<i32>} : memref<4x128xi32, #tpu.memory_space<vmem>>, vector<16xi32>,
    tpu.vector_store %arg9[%swap3A_129, %swap3A_130], %and3A_127 {strides = array<i32>} : memref<4x128xi32, #tpu.memory_space<vmem>>, vector<16xi32>,
    %get3A_132 = arith.constant 0 : i32
    %get3A_133 = arith.index_cast %get3A_132 : i32 to index
    %get3A_134 = arith.constant 112 : index
    %get3A_135 = tpu.vector_load %arg7[%get3A_133, %get3A_134] {strides = array<i32>} : memref<80x128xi32, #tpu.memory_space<vmem>>, vector<16xi32>,
    %shift_right_logical3A_136 = arith.constant 14 : i32
    %shift_right_logical3A_137 = vector.broadcast %shift_right_logical3A_136 : i32 to vector<16xi32>
    %shift_right_logical3A_138 = arith.shrui %get3A_135, %shift_right_logical3A_137 : vector<16xi32>
    %swap3A_139 = arith.constant 0 : i32
    %swap3A_140 = arith.index_cast %swap3A_139 : i32 to index
    %swap3A_141 = arith.constant 112 : index
    %swap3A_142 = tpu.vector_load %arg8[%swap3A_140, %swap3A_141] {strides = array<i32>} : memref<4x128xi32, #tpu.memory_space<vmem>>, vector<16xi32>,
    tpu.vector_store %arg8[%swap3A_140, %swap3A_141], %shift_right_logical3A_138 {strides = array<i32>} : memref<4x128xi32, #tpu.memory_space<vmem>>, vector<16xi32>,
    %and3A_143 = arith.constant 16383 : i32
    %and3A_144 = vector.broadcast %and3A_143 : i32 to vector<16xi32>
    %and3A_145 = arith.andi %get3A_135, %and3A_144 : vector<16xi32>
    %swap3A_146 = arith.constant 0 : i32
    %swap3A_147 = arith.index_cast %swap3A_146 : i32 to index
    %swap3A_148 = arith.constant 112 : index
    %swap3A_149 = tpu.vector_load %arg9[%swap3A_147, %swap3A_148] {strides = array<i32>} : memref<4x128xi32, #tpu.memory_space<vmem>>, vector<16xi32>,
    tpu.vector_store %arg9[%swap3A_147, %swap3A_148], %and3A_145 {strides = array<i32>} : memref<4x128xi32, #tpu.memory_space<vmem>>, vector<16xi32>,
    %dma_start3A = arith.constant 0 : i32
    %dma_start3A_150 = arith.constant 0 : i32
    %dma_start3A_151 = arith.constant 0 : i32
    %dma_start3A_152 = arith.constant 0 : i32
    %dma_start3A_153 = tpu.memref_slice %arg10[%dma_start3A_150, %dma_start3A_151, %dma_start3A_152] : memref<4x128x128xbf16, #tpu.memory_space<vmem>> -> memref<1x128x128xbf16, #tpu.memory_space<vmem>>
    %dma_start3A_154 = tpu.memref_squeeze %dma_start3A_153 : memref<1x128x128xbf16, #tpu.memory_space<vmem>> -> memref<128x128xbf16, #tpu.memory_space<vmem>>
    %dma_start3A_155 = arith.constant 0 : i32
    %dma_start3A_156 = tpu.memref_slice %arg8[%dma_start3A, %dma_start3A_155] : memref<4x128xi32, #tpu.memory_space<vmem>> -> memref<1x128xi32, #tpu.memory_space<vmem>>
    %dma_start3A_157 = tpu.memref_squeeze %dma_start3A_156 : memref<1x128xi32, #tpu.memory_space<vmem>> -> memref<128xi32, #tpu.memory_space<vmem>>
    %dma_start3A_158 = arith.constant 0 : i32
    %dma_start3A_159 = arith.constant 0 : i32
    %dma_start3A_160 = tpu.memref_slice %arg11[%dma_start3A_158, %dma_start3A_159] : memref<10240x128xbf16, #tpu.memory_space<vmem_shared>> -> memref<10240x128xbf16, #tpu.memory_space<vmem_shared>>
    tpu.enqueue_indirect_dma source(%dma_start3A_160 : memref<10240x128xbf16, #tpu.memory_space<vmem_shared>>) target(%dma_start3A_154 : memref<128x128xbf16, #tpu.memory_space<vmem>>) offsets(%dma_start3A_157 : memref<128xi32, #tpu.memory_space<vmem>>) semaphore(%arg13 : memref<!tpu.dma_semaphore, #tpu.memory_space<semaphore_mem>>)
    %get3A_161 = arith.constant 1 : i32
    %get3A_162 = arith.index_cast %get3A_161 : i32 to index
    %get3A_163 = arith.constant 0 : index
    %get3A_164 = tpu.vector_load %arg7[%get3A_162, %get3A_163] {strides = array<i32>} : memref<80x128xi32, #tpu.memory_space<vmem>>, vector<16xi32>,
    %shift_right_logical3A_165 = arith.constant 14 : i32
    %shift_right_logical3A_166 = vector.broadcast %shift_right_logical3A_165 : i32 to vector<16xi32>
    %shift_right_logical3A_167 = arith.shrui %get3A_164, %shift_right_logical3A_166 : vector<16xi32>
    %swap3A_168 = arith.constant 1 : i32
    %swap3A_169 = arith.index_cast %swap3A_168 : i32 to index
    %swap3A_170 = arith.constant 0 : index
    %swap3A_171 = tpu.vector_load %arg8[%swap3A_169, %swap3A_170] {strides = array<i32>} : memref<4x128xi32, #tpu.memory_space<vmem>>, vector<16xi32>,
    tpu.vector_store %arg8[%swap3A_169, %swap3A_170], %shift_right_logical3A_167 {strides = array<i32>} : memref<4x128xi32, #tpu.memory_space<vmem>>, vector<16xi32>,
    %and3A_172 = arith.constant 16383 : i32
    %and3A_173 = vector.broadcast %and3A_172 : i32 to vector<16xi32>
    %and3A_174 = arith.andi %get3A_164, %and3A_173 : vector<16xi32>
    %swap3A_175 = arith.constant 1 : i32
    %swap3A_176 = arith.index_cast %swap3A_175 : i32 to index
    %swap3A_177 = arith.constant 0 : index
    %swap3A_178 = tpu.vector_load %arg9[%swap3A_176, %swap3A_177] {strides = array<i32>} : memref<4x128xi32, #tpu.memory_space<vmem>>, vector<16xi32>,
    tpu.vector_store %arg9[%swap3A_176, %swap3A_177], %and3A_174 {strides = array<i32>} : memref<4x128xi32, #tpu.memory_space<vmem>>, vector<16xi32>,
    %get3A_179 = arith.constant 1 : i32
    %get3A_180 = arith.index_cast %get3A_179 : i32 to index
    %get3A_181 = arith.constant 16 : index
    %get3A_182 = tpu.vector_load %arg7[%get3A_180, %get3A_181] {strides = array<i32>} : memref<80x128xi32, #tpu.memory_space<vmem>>, vector<16xi32>,
    %shift_right_logical3A_183 = arith.constant 14 : i32
    %shift_right_logical3A_184 = vector.broadcast %shift_right_logical3A_183 : i32 to vector<16xi32>
    %shift_right_logical3A_185 = arith.shrui %get3A_182, %shift_right_logical3A_184 : vector<16xi32>
    %swap3A_186 = arith.constant 1 : i32
    %swap3A_187 = arith.index_cast %swap3A_186 : i32 to index
    %swap3A_188 = arith.constant 16 : index
    %swap3A_189 = tpu.vector_load %arg8[%swap3A_187, %swap3A_188] {strides = array<i32>} : memref<4x128xi32, #tpu.memory_space<vmem>>, vector<16xi32>,
    tpu.vector_store %arg8[%swap3A_187, %swap3A_188], %shift_right_logical3A_185 {strides = array<i32>} : memref<4x128xi32, #tpu.memory_space<vmem>>, vector<16xi32>,
    %and3A_190 = arith.constant 16383 : i32
    %and3A_191 = vector.broadcast %and3A_190 : i32 to vector<16xi32>
    %and3A_192 = arith.andi %get3A_182, %and3A_191 : vector<16xi32>
    %swap3A_193 = arith.constant 1 : i32
    %swap3A_194 = arith.index_cast %swap3A_193 : i32 to index
    %swap3A_195 = arith.constant 16 : index
    %swap3A_196 = tpu.vector_load %arg9[%swap3A_194, %swap3A_195] {strides = array<i32>} : memref<4x128xi32, #tpu.memory_space<vmem>>, vector<16xi32>,
    tpu.vector_store %arg9[%swap3A_194, %swap3A_195], %and3A_192 {strides = array<i32>} : memref<4x128xi32, #tpu.memory_space<vmem>>, vector<16xi32>,
    %get3A_197 = arith.constant 1 : i32
    %get3A_198 = arith.index_cast %get3A_197 : i32 to index
    %get3A_199 = arith.constant 32 : index
    %get3A_200 = tpu.vector_load %arg7[%get3A_198, %get3A_199] {strides = array<i32>} : memref<80x128xi32, #tpu.memory_space<vmem>>, vector<16xi32>,
    %shift_right_logical3A_201 = arith.constant 14 : i32
    %shift_right_logical3A_202 = vector.broadcast %shift_right_logical3A_201 : i32 to vector<16xi32>
    %shift_right_logical3A_203 = arith.shrui %get3A_200, %shift_right_logical3A_202 : vector<16xi32>
    %swap3A_204 = arith.constant 1 : i32
    %swap3A_205 = arith.index_cast %swap3A_204 : i32 to index
    %swap3A_206 = arith.constant 32 : index
    %swap3A_207 = tpu.vector_load %arg8[%swap3A_205, %swap3A_206] {strides = array<i32>} : memref<4x128xi32, #tpu.memory_space<vmem>>, vector<16xi32>,
    tpu.vector_store %arg8[%swap3A_205, %swap3A_206], %shift_right_logical3A_203 {strides = array<i32>} : memref<4x128xi32, #tpu.memory_space<vmem>>, vector<16xi32>,
    %and3A_208 = arith.constant 16383 : i32
    %and3A_209 = vector.broadcast %and3A_208 : i32 to vector<16xi32>
    %and3A_210 = arith.andi %get3A_200, %and3A_209 : vector<16xi32>
    %swap3A_211 = arith.constant 1 : i32
    %swap3A_212 = arith.index_cast %swap3A_211 : i32 to index
    %swap3A_213 = arith.constant 32 : index
    %swap3A_214 = tpu.vector_load %arg9[%swap3A_212, %swap3A_213] {strides = array<i32>} : memref<4x128xi32, #tpu.memory_space<vmem>>, vector<16xi32>,
    tpu.vector_store %arg9[%swap3A_212, %swap3A_213], %and3A_210 {strides = array<i32>} : memref<4x128xi32, #tpu.memory_space<vmem>>, vector<16xi32>,
    %get3A_215 = arith.constant 1 : i32
    %get3A_216 = arith.index_cast %get3A_215 : i32 to index
    %get3A_217 = arith.constant 48 : index
    %get3A_218 = tpu.vector_load %arg7[%get3A_216, %get3A_217] {strides = array<i32>} : memref<80x128xi32, #tpu.memory_space<vmem>>, vector<16xi32>,
    %shift_right_logical3A_219 = arith.constant 14 : i32
    %shift_right_logical3A_220 = vector.broadcast %shift_right_logical3A_219 : i32 to vector<16xi32>
    %shift_right_logical3A_221 = arith.shrui %get3A_218, %shift_right_logical3A_220 : vector<16xi32>
    %swap3A_222 = arith.constant 1 : i32
    %swap3A_223 = arith.index_cast %swap3A_222 : i32 to index
    %swap3A_224 = arith.constant 48 : index
    %swap3A_225 = tpu.vector_load %arg8[%swap3A_223, %swap3A_224] {strides = array<i32>} : memref<4x128xi32, #tpu.memory_space<vmem>>, vector<16xi32>,
    tpu.vector_store %arg8[%swap3A_223, %swap3A_224], %shift_right_logical3A_221 {strides = array<i32>} : memref<4x128xi32, #tpu.memory_space<vmem>>, vector<16xi32>,
    %and3A_226 = arith.constant 16383 : i32
    %and3A_227 = vector.broadcast %and3A_226 : i32 to vector<16xi32>
    %and3A_228 = arith.andi %get3A_218, %and3A_227 : vector<16xi32>
    %swap3A_229 = arith.constant 1 : i32
    %swap3A_230 = arith.index_cast %swap3A_229 : i32 to index
    %swap3A_231 = arith.constant 48 : index
    %swap3A_232 = tpu.vector_load %arg9[%swap3A_230, %swap3A_231] {strides = array<i32>} : memref<4x128xi32, #tpu.memory_space<vmem>>, vector<16xi32>,
    tpu.vector_store %arg9[%swap3A_230, %swap3A_231], %and3A_228 {strides = array<i32>} : memref<4x128xi32, #tpu.memory_space<vmem>>, vector<16xi32>,
    %get3A_233 = arith.constant 1 : i32
    %get3A_234 = arith.index_cast %get3A_233 : i32 to index
    %get3A_235 = arith.constant 64 : index
    %get3A_236 = tpu.vector_load %arg7[%get3A_234, %get3A_235] {strides = array<i32>} : memref<80x128xi32, #tpu.memory_space<vmem>>, vector<16xi32>,
    %shift_right_logical3A_237 = arith.constant 14 : i32
    %shift_right_logical3A_238 = vector.broadcast %shift_right_logical3A_237 : i32 to vector<16xi32>
    %shift_right_logical3A_239 = arith.shrui %get3A_236, %shift_right_logical3A_238 : vector<16xi32>
    %swap3A_240 = arith.constant 1 : i32
    %swap3A_241 = arith.index_cast %swap3A_240 : i32 to index
    %swap3A_242 = arith.constant 64 : index
    %swap3A_243 = tpu.vector_load %arg8[%swap3A_241, %swap3A_242] {strides = array<i32>} : memref<4x128xi32, #tpu.memory_space<vmem>>, vector<16xi32>,
    tpu.vector_store %arg8[%swap3A_241, %swap3A_242], %shift_right_logical3A_239 {strides = array<i32>} : memref<4x128xi32, #tpu.memory_space<vmem>>, vector<16xi32>,
    %and3A_244 = arith.constant 16383 : i32
    %and3A_245 = vector.broadcast %and3A_244 : i32 to vector<16xi32>
    %and3A_246 = arith.andi %get3A_236, %and3A_245 : vector<16xi32>
    %swap3A_247 = arith.constant 1 : i32
    %swap3A_248 = arith.index_cast %swap3A_247 : i32 to index
    %swap3A_249 = arith.constant 64 : index
    %swap3A_250 = tpu.vector_load %arg9[%swap3A_248, %swap3A_249] {strides = array<i32>} : memref<4x128xi32, #tpu.memory_space<vmem>>, vector<16xi32>,
    tpu.vector_store %arg9[%swap3A_248, %swap3A_249], %and3A_246 {strides = array<i32>} : memref<4x128xi32, #tpu.memory_space<vmem>>, vector<16xi32>,
    %get3A_251 = arith.constant 1 : i32
    %get3A_252 = arith.index_cast %get3A_251 : i32 to index
    %get3A_253 = arith.constant 80 : index
    %get3A_254 = tpu.vector_load %arg7[%get3A_252, %get3A_253] {strides = array<i32>} : memref<80x128xi32, #tpu.memory_space<vmem>>, vector<16xi32>,
    %shift_right_logical3A_255 = arith.constant 14 : i32
    %shift_right_logical3A_256 = vector.broadcast %shift_right_logical3A_255 : i32 to vector<16xi32>
    %shift_right_logical3A_257 = arith.shrui %get3A_254, %shift_right_logical3A_256 : vector<16xi32>
    %swap3A_258 = arith.constant 1 : i32
    %swap3A_259 = arith.index_cast %swap3A_258 : i32 to index
    %swap3A_260 = arith.constant 80 : index
    %swap3A_261 = tpu.vector_load %arg8[%swap3A_259, %swap3A_260] {strides = array<i32>} : memref<4x128xi32, #tpu.memory_space<vmem>>, vector<16xi32>,
    tpu.vector_store %arg8[%swap3A_259, %swap3A_260], %shift_right_logical3A_257 {strides = array<i32>} : memref<4x128xi32, #tpu.memory_space<vmem>>, vector<16xi32>,
    %and3A_262 = arith.constant 16383 : i32
    %and3A_263 = vector.broadcast %and3A_262 : i32 to vector<16xi32>
    %and3A_264 = arith.andi %get3A_254, %and3A_263 : vector<16xi32>
    %swap3A_265 = arith.constant 1 : i32
    %swap3A_266 = arith.index_cast %swap3A_265 : i32 to index
    %swap3A_267 = arith.constant 80 : index
    %swap3A_268 = tpu.vector_load %arg9[%swap3A_266, %swap3A_267] {strides = array<i32>} : memref<4x128xi32, #tpu.memory_space<vmem>>, vector<16xi32>,
    tpu.vector_store %arg9[%swap3A_266, %swap3A_267], %and3A_264 {strides = array<i32>} : memref<4x128xi32, #tpu.memory_space<vmem>>, vector<16xi32>,
    %get3A_269 = arith.constant 1 : i32
    %get3A_270 = arith.index_cast %get3A_269 : i32 to index
    %get3A_271 = arith.constant 96 : index
    %get3A_272 = tpu.vector_load %arg7[%get3A_270, %get3A_271] {strides = array<i32>} : memref<80x128xi32, #tpu.memory_space<vmem>>, vector<16xi32>,
    %shift_right_logical3A_273 = arith.constant 14 : i32
    %shift_right_logical3A_274 = vector.broadcast %shift_right_logical3A_273 : i32 to vector<16xi32>
    %shift_right_logical3A_275 = arith.shrui %get3A_272, %shift_right_logical3A_274 : vector<16xi32>
    %swap3A_276 = arith.constant 1 : i32
    %swap3A_277 = arith.index_cast %swap3A_276 : i32 to index
    %swap3A_278 = arith.constant 96 : index
    %swap3A_279 = tpu.vector_load %arg8[%swap3A_277, %swap3A_278] {strides = array<i32>} : memref<4x128xi32, #tpu.memory_space<vmem>>, vector<16xi32>,
    tpu.vector_store %arg8[%swap3A_277, %swap3A_278], %shift_right_logical3A_275 {strides = array<i32>} : memref<4x128xi32, #tpu.memory_space<vmem>>, vector<16xi32>,
    %and3A_280 = arith.constant 16383 : i32
    %and3A_281 = vector.broadcast %and3A_280 : i32 to vector<16xi32>
    %and3A_282 = arith.andi %get3A_272, %and3A_281 : vector<16xi32>
    %swap3A_283 = arith.constant 1 : i32
    %swap3A_284 = arith.index_cast %swap3A_283 : i32 to index
    %swap3A_285 = arith.constant 96 : index
    %swap3A_286 = tpu.vector_load %arg9[%swap3A_284, %swap3A_285] {strides = array<i32>} : memref<4x128xi32, #tpu.memory_space<vmem>>, vector<16xi32>,
    tpu.vector_store %arg9[%swap3A_284, %swap3A_285], %and3A_282 {strides = array<i32>} : memref<4x128xi32, #tpu.memory_space<vmem>>, vector<16xi32>,
    %get3A_287 = arith.constant 1 : i32
    %get3A_288 = arith.index_cast %get3A_287 : i32 to index
    %get3A_289 = arith.constant 112 : index
    %get3A_290 = tpu.vector_load %arg7[%get3A_288, %get3A_289] {strides = array<i32>} : memref<80x128xi32, #tpu.memory_space<vmem>>, vector<16xi32>,
    %shift_right_logical3A_291 = arith.constant 14 : i32
    %shift_right_logical3A_292 = vector.broadcast %shift_right_logical3A_291 : i32 to vector<16xi32>
    %shift_right_logical3A_293 = arith.shrui %get3A_290, %shift_right_logical3A_292 : vector<16xi32>
    %swap3A_294 = arith.constant 1 : i32
    %swap3A_295 = arith.index_cast %swap3A_294 : i32 to index
    %swap3A_296 = arith.constant 112 : index
    %swap3A_297 = tpu.vector_load %arg8[%swap3A_295, %swap3A_296] {strides = array<i32>} : memref<4x128xi32, #tpu.memory_space<vmem>>, vector<16xi32>,
    tpu.vector_store %arg8[%swap3A_295, %swap3A_296], %shift_right_logical3A_293 {strides = array<i32>} : memref<4x128xi32, #tpu.memory_space<vmem>>, vector<16xi32>,
    %and3A_298 = arith.constant 16383 : i32
    %and3A_299 = vector.broadcast %and3A_298 : i32 to vector<16xi32>
    %and3A_300 = arith.andi %get3A_290, %and3A_299 : vector<16xi32>
    %swap3A_301 = arith.constant 1 : i32
    %swap3A_302 = arith.index_cast %swap3A_301 : i32 to index
    %swap3A_303 = arith.constant 112 : index
    %swap3A_304 = tpu.vector_load %arg9[%swap3A_302, %swap3A_303] {strides = array<i32>} : memref<4x128xi32, #tpu.memory_space<vmem>>, vector<16xi32>,
    tpu.vector_store %arg9[%swap3A_302, %swap3A_303], %and3A_300 {strides = array<i32>} : memref<4x128xi32, #tpu.memory_space<vmem>>, vector<16xi32>,
    %dma_start3A_305 = arith.constant 1 : i32
    %dma_start3A_306 = arith.constant 1 : i32
    %dma_start3A_307 = arith.constant 0 : i32
    %dma_start3A_308 = arith.constant 0 : i32
    %dma_start3A_309 = tpu.memref_slice %arg10[%dma_start3A_306, %dma_start3A_307, %dma_start3A_308] : memref<4x128x128xbf16, #tpu.memory_space<vmem>> -> memref<1x128x128xbf16, #tpu.memory_space<vmem>>
    %dma_start3A_310 = tpu.memref_squeeze %dma_start3A_309 : memref<1x128x128xbf16, #tpu.memory_space<vmem>> -> memref<128x128xbf16, #tpu.memory_space<vmem>>
    %dma_start3A_311 = arith.constant 0 : i32
    %dma_start3A_312 = tpu.memref_slice %arg8[%dma_start3A_305, %dma_start3A_311] : memref<4x128xi32, #tpu.memory_space<vmem>> -> memref<1x128xi32, #tpu.memory_space<vmem>>
    %dma_start3A_313 = tpu.memref_squeeze %dma_start3A_312 : memref<1x128xi32, #tpu.memory_space<vmem>> -> memref<128xi32, #tpu.memory_space<vmem>>
    %dma_start3A_314 = arith.constant 0 : i32
    %dma_start3A_315 = arith.constant 0 : i32
    %dma_start3A_316 = tpu.memref_slice %arg11[%dma_start3A_314, %dma_start3A_315] : memref<10240x128xbf16, #tpu.memory_space<vmem_shared>> -> memref<10240x128xbf16, #tpu.memory_space<vmem_shared>>
    tpu.enqueue_indirect_dma source(%dma_start3A_316 : memref<10240x128xbf16, #tpu.memory_space<vmem_shared>>) target(%dma_start3A_310 : memref<128x128xbf16, #tpu.memory_space<vmem>>) offsets(%dma_start3A_313 : memref<128xi32, #tpu.memory_space<vmem>>) semaphore(%arg14 : memref<!tpu.dma_semaphore, #tpu.memory_space<semaphore_mem>>)
    %scan3A = arith.constant 0 : i32
    %scan3A_317 = arith.constant 20 : i32
    %scan3A_318 = arith.addi %scan3A, %scan3A_317 : i32
    %scan3A_319 = arith.constant 1 : i32
    scf.for %scan3A_379 = %scan3A to %scan3A_318 step %scan3A_319  : i32 {
      %mul3A_380 = arith.constant 4 : i32
      %mul3A_381 = arith.muli %scan3A_379, %mul3A_380 : i32
      %add3A = arith.constant 0 : i32
      %add3A_382 = arith.addi %mul3A_381, %add3A : i32
      %dma_wait3A_383 = arith.constant 0 : i32
      %dma_wait3A_384 = arith.constant 0 : i32
      %dma_wait3A_385 = arith.constant 0 : i32
      %dma_wait3A_386 = arith.constant 0 : i32
      %dma_wait3A_387 = tpu.memref_slice %arg10[%dma_wait3A_384, %dma_wait3A_385, %dma_wait3A_386] : memref<4x128x128xbf16, #tpu.memory_space<vmem>> -> memref<1x128x128xbf16, #tpu.memory_space<vmem>>
      %dma_wait3A_388 = tpu.memref_squeeze %dma_wait3A_387 : memref<1x128x128xbf16, #tpu.memory_space<vmem>> -> memref<128x128xbf16, #tpu.memory_space<vmem>>
      %dma_wait3A_389 = arith.constant 0 : i32
      %dma_wait3A_390 = tpu.memref_slice %arg8[%dma_wait3A_383, %dma_wait3A_389] : memref<4x128xi32, #tpu.memory_space<vmem>> -> memref<1x128xi32, #tpu.memory_space<vmem>>
      %dma_wait3A_391 = tpu.memref_squeeze %dma_wait3A_390 : memref<1x128xi32, #tpu.memory_space<vmem>> -> memref<128xi32, #tpu.memory_space<vmem>>
      %dma_wait3A_392 = arith.constant 0 : i32
      %dma_wait3A_393 = arith.constant 0 : i32
      %dma_wait3A_394 = tpu.memref_slice %arg11[%dma_wait3A_392, %dma_wait3A_393] : memref<10240x128xbf16, #tpu.memory_space<vmem_shared>> -> memref<10240x128xbf16, #tpu.memory_space<vmem_shared>>
      tpu.wait_indirect_dma semaphore(%arg13 : memref<!tpu.dma_semaphore, #tpu.memory_space<semaphore_mem>>) src(%dma_wait3A_394 : memref<10240x128xbf16, #tpu.memory_space<vmem_shared>>) dst(%dma_wait3A_388 : memref<128x128xbf16, #tpu.memory_space<vmem>>)
      %dma_start3A_395 = arith.constant 0 : i32
      %dma_start3A_396 = arith.constant 0 : i32
      %dma_start3A_397 = arith.constant 0 : i32
      %dma_start3A_398 = arith.constant 0 : i32
      %dma_start3A_399 = tpu.memref_slice %arg10[%dma_start3A_395, %dma_start3A_397, %dma_start3A_398] : memref<4x128x128xbf16, #tpu.memory_space<vmem>> -> memref<1x128x128xbf16, #tpu.memory_space<vmem>>
      %dma_start3A_400 = tpu.memref_squeeze %dma_start3A_399 : memref<1x128x128xbf16, #tpu.memory_space<vmem>> -> memref<128x128xbf16, #tpu.memory_space<vmem>>
      %dma_start3A_401 = arith.constant 0 : i32
      %dma_start3A_402 = tpu.memref_slice %arg9[%dma_start3A_396, %dma_start3A_401] : memref<4x128xi32, #tpu.memory_space<vmem>> -> memref<1x128xi32, #tpu.memory_space<vmem>>
      %dma_start3A_403 = tpu.memref_squeeze %dma_start3A_402 : memref<1x128xi32, #tpu.memory_space<vmem>> -> memref<128xi32, #tpu.memory_space<vmem>>
      %dma_start3A_404 = arith.constant 0 : i32
      %dma_start3A_405 = arith.constant 0 : i32
      %dma_start3A_406 = tpu.memref_slice %arg12[%dma_start3A_404, %dma_start3A_405] : memref<10240x128xbf16, #tpu.memory_space<vmem_shared>> -> memref<10240x128xbf16, #tpu.memory_space<vmem_shared>>
      tpu.enqueue_indirect_dma source(%dma_start3A_400 : memref<128x128xbf16, #tpu.memory_space<vmem>>) target(%dma_start3A_406 : memref<10240x128xbf16, #tpu.memory_space<vmem_shared>>) offsets(%dma_start3A_403 : memref<128xi32, #tpu.memory_space<vmem>>) semaphore(%arg17 : memref<!tpu.dma_semaphore, #tpu.memory_space<semaphore_mem>>) {add = true}
      %add3A_407 = arith.constant 2 : i32
      %add3A_408 = arith.addi %add3A_382, %add3A_407 : i32
      %lt3A = arith.constant 80 : i32
      %lt3A_409 = arith.cmpi slt, %add3A_408, %lt3A : i32
      %convert_element_type3A_410 = arith.extui %lt3A_409 : i1 to i32
      %cond3A_411 = arith.constant 0 : i32
      %cond3A_412 = arith.cmpi ne, %convert_element_type3A_410, %cond3A_411 : i32
      scf.if %cond3A_412 {
        %ge3A = arith.constant 2 : i32
        %ge3A_518 = arith.cmpi sge, %add3A_382, %ge3A : i32
        %convert_element_type3A_519 = arith.extui %ge3A_518 : i1 to i32
        %cond3A_520 = arith.constant 0 : i32
        %cond3A_521 = arith.cmpi ne, %convert_element_type3A_519, %cond3A_520 : i32
        scf.if %cond3A_521 {
          %dma_wait3A_670 = arith.constant 2 : i32
          %dma_wait3A_671 = arith.constant 2 : i32
          %dma_wait3A_672 = arith.constant 0 : i32
          %dma_wait3A_673 = arith.constant 0 : i32
          %dma_wait3A_674 = tpu.memref_slice %arg10[%dma_wait3A_670, %dma_wait3A_672, %dma_wait3A_673] : memref<4x128x128xbf16, #tpu.memory_space<vmem>> -> memref<1x128x128xbf16, #tpu.memory_space<vmem>>
          %dma_wait3A_675 = tpu.memref_squeeze %dma_wait3A_674 : memref<1x128x128xbf16, #tpu.memory_space<vmem>> -> memref<128x128xbf16, #tpu.memory_space<vmem>>
          %dma_wait3A_676 = arith.constant 0 : i32
          %dma_wait3A_677 = tpu.memref_slice %arg9[%dma_wait3A_671, %dma_wait3A_676] : memref<4x128xi32, #tpu.memory_space<vmem>> -> memref<1x128xi32, #tpu.memory_space<vmem>>
          %dma_wait3A_678 = tpu.memref_squeeze %dma_wait3A_677 : memref<1x128xi32, #tpu.memory_space<vmem>> -> memref<128xi32, #tpu.memory_space<vmem>>
          %dma_wait3A_679 = arith.constant 0 : i32
          %dma_wait3A_680 = arith.constant 0 : i32
          %dma_wait3A_681 = tpu.memref_slice %arg12[%dma_wait3A_679, %dma_wait3A_680] : memref<10240x128xbf16, #tpu.memory_space<vmem_shared>> -> memref<10240x128xbf16, #tpu.memory_space<vmem_shared>>
          tpu.wait_indirect_dma semaphore(%arg19 : memref<!tpu.dma_semaphore, #tpu.memory_space<semaphore_mem>>) src(%dma_wait3A_675 : memref<128x128xbf16, #tpu.memory_space<vmem>>) dst(%dma_wait3A_681 : memref<10240x128xbf16, #tpu.memory_space<vmem_shared>>)
        } else {
        }
        %get3A_522 = arith.index_cast %add3A_408 : i32 to index
        %get3A_523 = arith.constant 0 : index
        %get3A_524 = tpu.vector_load %arg7[%get3A_522, %get3A_523] {strides = array<i32>} : memref<80x128xi32, #tpu.memory_space<vmem>>, vector<16xi32>,
        %shift_right_logical3A_525 = arith.constant 14 : i32
        %shift_right_logical3A_526 = vector.broadcast %shift_right_logical3A_525 : i32 to vector<16xi32>
        %shift_right_logical3A_527 = arith.shrui %get3A_524, %shift_right_logical3A_526 : vector<16xi32>
        %swap3A_528 = arith.constant 2 : i32
        %swap3A_529 = arith.index_cast %swap3A_528 : i32 to index
        %swap3A_530 = arith.constant 0 : index
        %swap3A_531 = tpu.vector_load %arg8[%swap3A_529, %swap3A_530] {strides = array<i32>} : memref<4x128xi32, #tpu.memory_space<vmem>>, vector<16xi32>,
        tpu.vector_store %arg8[%swap3A_529, %swap3A_530], %shift_right_logical3A_527 {strides = array<i32>} : memref<4x128xi32, #tpu.memory_space<vmem>>, vector<16xi32>,
        %and3A_532 = arith.constant 16383 : i32
        %and3A_533 = vector.broadcast %and3A_532 : i32 to vector<16xi32>
        %and3A_534 = arith.andi %get3A_524, %and3A_533 : vector<16xi32>
        %swap3A_535 = arith.constant 2 : i32
        %swap3A_536 = arith.index_cast %swap3A_535 : i32 to index
        %swap3A_537 = arith.constant 0 : index
        %swap3A_538 = tpu.vector_load %arg9[%swap3A_536, %swap3A_537] {strides = array<i32>} : memref<4x128xi32, #tpu.memory_space<vmem>>, vector<16xi32>,
        tpu.vector_store %arg9[%swap3A_536, %swap3A_537], %and3A_534 {strides = array<i32>} : memref<4x128xi32, #tpu.memory_space<vmem>>, vector<16xi32>,
        %get3A_539 = arith.index_cast %add3A_408 : i32 to index
        %get3A_540 = arith.constant 16 : index
        %get3A_541 = tpu.vector_load %arg7[%get3A_539, %get3A_540] {strides = array<i32>} : memref<80x128xi32, #tpu.memory_space<vmem>>, vector<16xi32>,
        %shift_right_logical3A_542 = arith.constant 14 : i32
        %shift_right_logical3A_543 = vector.broadcast %shift_right_logical3A_542 : i32 to vector<16xi32>
        %shift_right_logical3A_544 = arith.shrui %get3A_541, %shift_right_logical3A_543 : vector<16xi32>
        %swap3A_545 = arith.constant 2 : i32
        %swap3A_546 = arith.index_cast %swap3A_545 : i32 to index
        %swap3A_547 = arith.constant 16 : index
        %swap3A_548 = tpu.vector_load %arg8[%swap3A_546, %swap3A_547] {strides = array<i32>} : memref<4x128xi32, #tpu.memory_space<vmem>>, vector<16xi32>,
        tpu.vector_store %arg8[%swap3A_546, %swap3A_547], %shift_right_logical3A_544 {strides = array<i32>} : memref<4x128xi32, #tpu.memory_space<vmem>>, vector<16xi32>,
        %and3A_549 = arith.constant 16383 : i32
        %and3A_550 = vector.broadcast %and3A_549 : i32 to vector<16xi32>
        %and3A_551 = arith.andi %get3A_541, %and3A_550 : vector<16xi32>
        %swap3A_552 = arith.constant 2 : i32
        %swap3A_553 = arith.index_cast %swap3A_552 : i32 to index
        %swap3A_554 = arith.constant 16 : index
        %swap3A_555 = tpu.vector_load %arg9[%swap3A_553, %swap3A_554] {strides = array<i32>} : memref<4x128xi32, #tpu.memory_space<vmem>>, vector<16xi32>,
        tpu.vector_store %arg9[%swap3A_553, %swap3A_554], %and3A_551 {strides = array<i32>} : memref<4x128xi32, #tpu.memory_space<vmem>>, vector<16xi32>,
        %get3A_556 = arith.index_cast %add3A_408 : i32 to index
        %get3A_557 = arith.constant 32 : index
        %get3A_558 = tpu.vector_load %arg7[%get3A_556, %get3A_557] {strides = array<i32>} : memref<80x128xi32, #tpu.memory_space<vmem>>, vector<16xi32>,
        %shift_right_logical3A_559 = arith.constant 14 : i32
        %shift_right_logical3A_560 = vector.broadcast %shift_right_logical3A_559 : i32 to vector<16xi32>
        %shift_right_logical3A_561 = arith.shrui %get3A_558, %shift_right_logical3A_560 : vector<16xi32>
        %swap3A_562 = arith.constant 2 : i32
        %swap3A_563 = arith.index_cast %swap3A_562 : i32 to index
        %swap3A_564 = arith.constant 32 : index
        %swap3A_565 = tpu.vector_load %arg8[%swap3A_563, %swap3A_564] {strides = array<i32>} : memref<4x128xi32, #tpu.memory_space<vmem>>, vector<16xi32>,
        tpu.vector_store %arg8[%swap3A_563, %swap3A_564], %shift_right_logical3A_561 {strides = array<i32>} : memref<4x128xi32, #tpu.memory_space<vmem>>, vector<16xi32>,
        %and3A_566 = arith.constant 16383 : i32
        %and3A_567 = vector.broadcast %and3A_566 : i32 to vector<16xi32>
        %and3A_568 = arith.andi %get3A_558, %and3A_567 : vector<16xi32>
        %swap3A_569 = arith.constant 2 : i32
        %swap3A_570 = arith.index_cast %swap3A_569 : i32 to index
        %swap3A_571 = arith.constant 32 : index
        %swap3A_572 = tpu.vector_load %arg9[%swap3A_570, %swap3A_571] {strides = array<i32>} : memref<4x128xi32, #tpu.memory_space<vmem>>, vector<16xi32>,
        tpu.vector_store %arg9[%swap3A_570, %swap3A_571], %and3A_568 {strides = array<i32>} : memref<4x128xi32, #tpu.memory_space<vmem>>, vector<16xi32>,
        %get3A_573 = arith.index_cast %add3A_408 : i32 to index
        %get3A_574 = arith.constant 48 : index
        %get3A_575 = tpu.vector_load %arg7[%get3A_573, %get3A_574] {strides = array<i32>} : memref<80x128xi32, #tpu.memory_space<vmem>>, vector<16xi32>,
        %shift_right_logical3A_576 = arith.constant 14 : i32
        %shift_right_logical3A_577 = vector.broadcast %shift_right_logical3A_576 : i32 to vector<16xi32>
        %shift_right_logical3A_578 = arith.shrui %get3A_575, %shift_right_logical3A_577 : vector<16xi32>
        %swap3A_579 = arith.constant 2 : i32
        %swap3A_580 = arith.index_cast %swap3A_579 : i32 to index
        %swap3A_581 = arith.constant 48 : index
        %swap3A_582 = tpu.vector_load %arg8[%swap3A_580, %swap3A_581] {strides = array<i32>} : memref<4x128xi32, #tpu.memory_space<vmem>>, vector<16xi32>,
        tpu.vector_store %arg8[%swap3A_580, %swap3A_581], %shift_right_logical3A_578 {strides = array<i32>} : memref<4x128xi32, #tpu.memory_space<vmem>>, vector<16xi32>,
        %and3A_583 = arith.constant 16383 : i32
        %and3A_584 = vector.broadcast %and3A_583 : i32 to vector<16xi32>
        %and3A_585 = arith.andi %get3A_575, %and3A_584 : vector<16xi32>
        %swap3A_586 = arith.constant 2 : i32
        %swap3A_587 = arith.index_cast %swap3A_586 : i32 to index
        %swap3A_588 = arith.constant 48 : index
        %swap3A_589 = tpu.vector_load %arg9[%swap3A_587, %swap3A_588] {strides = array<i32>} : memref<4x128xi32, #tpu.memory_space<vmem>>, vector<16xi32>,
        tpu.vector_store %arg9[%swap3A_587, %swap3A_588], %and3A_585 {strides = array<i32>} : memref<4x128xi32, #tpu.memory_space<vmem>>, vector<16xi32>,
        %get3A_590 = arith.index_cast %add3A_408 : i32 to index
        %get3A_591 = arith.constant 64 : index
        %get3A_592 = tpu.vector_load %arg7[%get3A_590, %get3A_591] {strides = array<i32>} : memref<80x128xi32, #tpu.memory_space<vmem>>, vector<16xi32>,
        %shift_right_logical3A_593 = arith.constant 14 : i32
        %shift_right_logical3A_594 = vector.broadcast %shift_right_logical3A_593 : i32 to vector<16xi32>
        %shift_right_logical3A_595 = arith.shrui %get3A_592, %shift_right_logical3A_594 : vector<16xi32>
        %swap3A_596 = arith.constant 2 : i32
        %swap3A_597 = arith.index_cast %swap3A_596 : i32 to index
        %swap3A_598 = arith.constant 64 : index
        %swap3A_599 = tpu.vector_load %arg8[%swap3A_597, %swap3A_598] {strides = array<i32>} : memref<4x128xi32, #tpu.memory_space<vmem>>, vector<16xi32>,
        tpu.vector_store %arg8[%swap3A_597, %swap3A_598], %shift_right_logical3A_595 {strides = array<i32>} : memref<4x128xi32, #tpu.memory_space<vmem>>, vector<16xi32>,
        %and3A_600 = arith.constant 16383 : i32
        %and3A_601 = vector.broadcast %and3A_600 : i32 to vector<16xi32>
        %and3A_602 = arith.andi %get3A_592, %and3A_601 : vector<16xi32>
        %swap3A_603 = arith.constant 2 : i32
        %swap3A_604 = arith.index_cast %swap3A_603 : i32 to index
        %swap3A_605 = arith.constant 64 : index
        %swap3A_606 = tpu.vector_load %arg9[%swap3A_604, %swap3A_605] {strides = array<i32>} : memref<4x128xi32, #tpu.memory_space<vmem>>, vector<16xi32>,
        tpu.vector_store %arg9[%swap3A_604, %swap3A_605], %and3A_602 {strides = array<i32>} : memref<4x128xi32, #tpu.memory_space<vmem>>, vector<16xi32>,
        %get3A_607 = arith.index_cast %add3A_408 : i32 to index
        %get3A_608 = arith.constant 80 : index
        %get3A_609 = tpu.vector_load %arg7[%get3A_607, %get3A_608] {strides = array<i32>} : memref<80x128xi32, #tpu.memory_space<vmem>>, vector<16xi32>,
        %shift_right_logical3A_610 = arith.constant 14 : i32
        %shift_right_logical3A_611 = vector.broadcast %shift_right_logical3A_610 : i32 to vector<16xi32>
        %shift_right_logical3A_612 = arith.shrui %get3A_609, %shift_right_logical3A_611 : vector<16xi32>
        %swap3A_613 = arith.constant 2 : i32
        %swap3A_614 = arith.index_cast %swap3A_613 : i32 to index
        %swap3A_615 = arith.constant 80 : index
        %swap3A_616 = tpu.vector_load %arg8[%swap3A_614, %swap3A_615] {strides = array<i32>} : memref<4x128xi32, #tpu.memory_space<vmem>>, vector<16xi32>,
        tpu.vector_store %arg8[%swap3A_614, %swap3A_615], %shift_right_logical3A_612 {strides = array<i32>} : memref<4x128xi32, #tpu.memory_space<vmem>>, vector<16xi32>,
        %and3A_617 = arith.constant 16383 : i32
        %and3A_618 = vector.broadcast %and3A_617 : i32 to vector<16xi32>
        %and3A_619 = arith.andi %get3A_609, %and3A_618 : vector<16xi32>
        %swap3A_620 = arith.constant 2 : i32
        %swap3A_621 = arith.index_cast %swap3A_620 : i32 to index
        %swap3A_622 = arith.constant 80 : index
        %swap3A_623 = tpu.vector_load %arg9[%swap3A_621, %swap3A_622] {strides = array<i32>} : memref<4x128xi32, #tpu.memory_space<vmem>>, vector<16xi32>,
        tpu.vector_store %arg9[%swap3A_621, %swap3A_622], %and3A_619 {strides = array<i32>} : memref<4x128xi32, #tpu.memory_space<vmem>>, vector<16xi32>,
        %get3A_624 = arith.index_cast %add3A_408 : i32 to index
        %get3A_625 = arith.constant 96 : index
        %get3A_626 = tpu.vector_load %arg7[%get3A_624, %get3A_625] {strides = array<i32>} : memref<80x128xi32, #tpu.memory_space<vmem>>, vector<16xi32>,
        %shift_right_logical3A_627 = arith.constant 14 : i32
        %shift_right_logical3A_628 = vector.broadcast %shift_right_logical3A_627 : i32 to vector<16xi32>
        %shift_right_logical3A_629 = arith.shrui %get3A_626, %shift_right_logical3A_628 : vector<16xi32>
        %swap3A_630 = arith.constant 2 : i32
        %swap3A_631 = arith.index_cast %swap3A_630 : i32 to index
        %swap3A_632 = arith.constant 96 : index
        %swap3A_633 = tpu.vector_load %arg8[%swap3A_631, %swap3A_632] {strides = array<i32>} : memref<4x128xi32, #tpu.memory_space<vmem>>, vector<16xi32>,
        tpu.vector_store %arg8[%swap3A_631, %swap3A_632], %shift_right_logical3A_629 {strides = array<i32>} : memref<4x128xi32, #tpu.memory_space<vmem>>, vector<16xi32>,
        %and3A_634 = arith.constant 16383 : i32
        %and3A_635 = vector.broadcast %and3A_634 : i32 to vector<16xi32>
        %and3A_636 = arith.andi %get3A_626, %and3A_635 : vector<16xi32>
        %swap3A_637 = arith.constant 2 : i32
        %swap3A_638 = arith.index_cast %swap3A_637 : i32 to index
        %swap3A_639 = arith.constant 96 : index
        %swap3A_640 = tpu.vector_load %arg9[%swap3A_638, %swap3A_639] {strides = array<i32>} : memref<4x128xi32, #tpu.memory_space<vmem>>, vector<16xi32>,
        tpu.vector_store %arg9[%swap3A_638, %swap3A_639], %and3A_636 {strides = array<i32>} : memref<4x128xi32, #tpu.memory_space<vmem>>, vector<16xi32>,
        %get3A_641 = arith.index_cast %add3A_408 : i32 to index
        %get3A_642 = arith.constant 112 : index
        %get3A_643 = tpu.vector_load %arg7[%get3A_641, %get3A_642] {strides = array<i32>} : memref<80x128xi32, #tpu.memory_space<vmem>>, vector<16xi32>,
        %shift_right_logical3A_644 = arith.constant 14 : i32
        %shift_right_logical3A_645 = vector.broadcast %shift_right_logical3A_644 : i32 to vector<16xi32>
        %shift_right_logical3A_646 = arith.shrui %get3A_643, %shift_right_logical3A_645 : vector<16xi32>
        %swap3A_647 = arith.constant 2 : i32
        %swap3A_648 = arith.index_cast %swap3A_647 : i32 to index
        %swap3A_649 = arith.constant 112 : index
        %swap3A_650 = tpu.vector_load %arg8[%swap3A_648, %swap3A_649] {strides = array<i32>} : memref<4x128xi32, #tpu.memory_space<vmem>>, vector<16xi32>,
        tpu.vector_store %arg8[%swap3A_648, %swap3A_649], %shift_right_logical3A_646 {strides = array<i32>} : memref<4x128xi32, #tpu.memory_space<vmem>>, vector<16xi32>,
        %and3A_651 = arith.constant 16383 : i32
        %and3A_652 = vector.broadcast %and3A_651 : i32 to vector<16xi32>
        %and3A_653 = arith.andi %get3A_643, %and3A_652 : vector<16xi32>
        %swap3A_654 = arith.constant 2 : i32
        %swap3A_655 = arith.index_cast %swap3A_654 : i32 to index
        %swap3A_656 = arith.constant 112 : index
        %swap3A_657 = tpu.vector_load %arg9[%swap3A_655, %swap3A_656] {strides = array<i32>} : memref<4x128xi32, #tpu.memory_space<vmem>>, vector<16xi32>,
        tpu.vector_store %arg9[%swap3A_655, %swap3A_656], %and3A_653 {strides = array<i32>} : memref<4x128xi32, #tpu.memory_space<vmem>>, vector<16xi32>,
        %dma_start3A_658 = arith.constant 2 : i32
        %dma_start3A_659 = arith.constant 2 : i32
        %dma_start3A_660 = arith.constant 0 : i32
        %dma_start3A_661 = arith.constant 0 : i32
        %dma_start3A_662 = tpu.memref_slice %arg10[%dma_start3A_659, %dma_start3A_660, %dma_start3A_661] : memref<4x128x128xbf16, #tpu.memory_space<vmem>> -> memref<1x128x128xbf16, #tpu.memory_space<vmem>>
        %dma_start3A_663 = tpu.memref_squeeze %dma_start3A_662 : memref<1x128x128xbf16, #tpu.memory_space<vmem>> -> memref<128x128xbf16, #tpu.memory_space<vmem>>
        %dma_start3A_664 = arith.constant 0 : i32
        %dma_start3A_665 = tpu.memref_slice %arg8[%dma_start3A_658, %dma_start3A_664] : memref<4x128xi32, #tpu.memory_space<vmem>> -> memref<1x128xi32, #tpu.memory_space<vmem>>
        %dma_start3A_666 = tpu.memref_squeeze %dma_start3A_665 : memref<1x128xi32, #tpu.memory_space<vmem>> -> memref<128xi32, #tpu.memory_space<vmem>>
        %dma_start3A_667 = arith.constant 0 : i32
        %dma_start3A_668 = arith.constant 0 : i32
        %dma_start3A_669 = tpu.memref_slice %arg11[%dma_start3A_667, %dma_start3A_668] : memref<10240x128xbf16, #tpu.memory_space<vmem_shared>> -> memref<10240x128xbf16, #tpu.memory_space<vmem_shared>>
        tpu.enqueue_indirect_dma source(%dma_start3A_669 : memref<10240x128xbf16, #tpu.memory_space<vmem_shared>>) target(%dma_start3A_663 : memref<128x128xbf16, #tpu.memory_space<vmem>>) offsets(%dma_start3A_666 : memref<128xi32, #tpu.memory_space<vmem>>) semaphore(%arg15 : memref<!tpu.dma_semaphore, #tpu.memory_space<semaphore_mem>>)
      } else {
      }
      %mul3A_413 = arith.constant 4 : i32
      %mul3A_414 = arith.muli %scan3A_379, %mul3A_413 : i32
      %add3A_415 = arith.constant 1 : i32
      %add3A_416 = arith.addi %mul3A_414, %add3A_415 : i32
      %dma_wait3A_417 = arith.constant 1 : i32
      %dma_wait3A_418 = arith.constant 1 : i32
      %dma_wait3A_419 = arith.constant 0 : i32
      %dma_wait3A_420 = arith.constant 0 : i32
      %dma_wait3A_421 = tpu.memref_slice %arg10[%dma_wait3A_418, %dma_wait3A_419, %dma_wait3A_420] : memref<4x128x128xbf16, #tpu.memory_space<vmem>> -> memref<1x128x128xbf16, #tpu.memory_space<vmem>>
      %dma_wait3A_422 = tpu.memref_squeeze %dma_wait3A_421 : memref<1x128x128xbf16, #tpu.memory_space<vmem>> -> memref<128x128xbf16, #tpu.memory_space<vmem>>
      %dma_wait3A_423 = arith.constant 0 : i32
      %dma_wait3A_424 = tpu.memref_slice %arg8[%dma_wait3A_417, %dma_wait3A_423] : memref<4x128xi32, #tpu.memory_space<vmem>> -> memref<1x128xi32, #tpu.memory_space<vmem>>
      %dma_wait3A_425 = tpu.memref_squeeze %dma_wait3A_424 : memref<1x128xi32, #tpu.memory_space<vmem>> -> memref<128xi32, #tpu.memory_space<vmem>>
      %dma_wait3A_426 = arith.constant 0 : i32
      %dma_wait3A_427 = arith.constant 0 : i32
      %dma_wait3A_428 = tpu.memref_slice %arg11[%dma_wait3A_426, %dma_wait3A_427] : memref<10240x128xbf16, #tpu.memory_space<vmem_shared>> -> memref<10240x128xbf16, #tpu.memory_space<vmem_shared>>
      tpu.wait_indirect_dma semaphore(%arg14 : memref<!tpu.dma_semaphore, #tpu.memory_space<semaphore_mem>>) src(%dma_wait3A_428 : memref<10240x128xbf16, #tpu.memory_space<vmem_shared>>) dst(%dma_wait3A_422 : memref<128x128xbf16, #tpu.memory_space<vmem>>)
      %dma_start3A_429 = arith.constant 1 : i32
      %dma_start3A_430 = arith.constant 1 : i32
      %dma_start3A_431 = arith.constant 0 : i32
      %dma_start3A_432 = arith.constant 0 : i32
      %dma_start3A_433 = tpu.memref_slice %arg10[%dma_start3A_429, %dma_start3A_431, %dma_start3A_432] : memref<4x128x128xbf16, #tpu.memory_space<vmem>> -> memref<1x128x128xbf16, #tpu.memory_space<vmem>>
      %dma_start3A_434 = tpu.memref_squeeze %dma_start3A_433 : memref<1x128x128xbf16, #tpu.memory_space<vmem>> -> memref<128x128xbf16, #tpu.memory_space<vmem>>
      %dma_start3A_435 = arith.constant 0 : i32
      %dma_start3A_436 = tpu.memref_slice %arg9[%dma_start3A_430, %dma_start3A_435] : memref<4x128xi32, #tpu.memory_space<vmem>> -> memref<1x128xi32, #tpu.memory_space<vmem>>
      %dma_start3A_437 = tpu.memref_squeeze %dma_start3A_436 : memref<1x128xi32, #tpu.memory_space<vmem>> -> memref<128xi32, #tpu.memory_space<vmem>>
      %dma_start3A_438 = arith.constant 0 : i32
      %dma_start3A_439 = arith.constant 0 : i32
      %dma_start3A_440 = tpu.memref_slice %arg12[%dma_start3A_438, %dma_start3A_439] : memref<10240x128xbf16, #tpu.memory_space<vmem_shared>> -> memref<10240x128xbf16, #tpu.memory_space<vmem_shared>>
      tpu.enqueue_indirect_dma source(%dma_start3A_434 : memref<128x128xbf16, #tpu.memory_space<vmem>>) target(%dma_start3A_440 : memref<10240x128xbf16, #tpu.memory_space<vmem_shared>>) offsets(%dma_start3A_437 : memref<128xi32, #tpu.memory_space<vmem>>) semaphore(%arg18 : memref<!tpu.dma_semaphore, #tpu.memory_space<semaphore_mem>>) {add = true}
      %add3A_441 = arith.constant 2 : i32
      %add3A_442 = arith.addi %add3A_416, %add3A_441 : i32
      %lt3A_443 = arith.constant 80 : i32
      %lt3A_444 = arith.cmpi slt, %add3A_442, %lt3A_443 : i32
      %convert_element_type3A_445 = arith.extui %lt3A_444 : i1 to i32
      %cond3A_446 = arith.constant 0 : i32
      %cond3A_447 = arith.cmpi ne, %convert_element_type3A_445, %cond3A_446 : i32
      scf.if %cond3A_447 {
        %ge3A = arith.constant 2 : i32
        %ge3A_518 = arith.cmpi sge, %add3A_416, %ge3A : i32
        %convert_element_type3A_519 = arith.extui %ge3A_518 : i1 to i32
        %cond3A_520 = arith.constant 0 : i32
        %cond3A_521 = arith.cmpi ne, %convert_element_type3A_519, %cond3A_520 : i32
        scf.if %cond3A_521 {
          %dma_wait3A_670 = arith.constant 3 : i32
          %dma_wait3A_671 = arith.constant 3 : i32
          %dma_wait3A_672 = arith.constant 0 : i32
          %dma_wait3A_673 = arith.constant 0 : i32
          %dma_wait3A_674 = tpu.memref_slice %arg10[%dma_wait3A_670, %dma_wait3A_672, %dma_wait3A_673] : memref<4x128x128xbf16, #tpu.memory_space<vmem>> -> memref<1x128x128xbf16, #tpu.memory_space<vmem>>
          %dma_wait3A_675 = tpu.memref_squeeze %dma_wait3A_674 : memref<1x128x128xbf16, #tpu.memory_space<vmem>> -> memref<128x128xbf16, #tpu.memory_space<vmem>>
          %dma_wait3A_676 = arith.constant 0 : i32
          %dma_wait3A_677 = tpu.memref_slice %arg9[%dma_wait3A_671, %dma_wait3A_676] : memref<4x128xi32, #tpu.memory_space<vmem>> -> memref<1x128xi32, #tpu.memory_space<vmem>>
          %dma_wait3A_678 = tpu.memref_squeeze %dma_wait3A_677 : memref<1x128xi32, #tpu.memory_space<vmem>> -> memref<128xi32, #tpu.memory_space<vmem>>
          %dma_wait3A_679 = arith.constant 0 : i32
          %dma_wait3A_680 = arith.constant 0 : i32
          %dma_wait3A_681 = tpu.memref_slice %arg12[%dma_wait3A_679, %dma_wait3A_680] : memref<10240x128xbf16, #tpu.memory_space<vmem_shared>> -> memref<10240x128xbf16, #tpu.memory_space<vmem_shared>>
          tpu.wait_indirect_dma semaphore(%arg20 : memref<!tpu.dma_semaphore, #tpu.memory_space<semaphore_mem>>) src(%dma_wait3A_675 : memref<128x128xbf16, #tpu.memory_space<vmem>>) dst(%dma_wait3A_681 : memref<10240x128xbf16, #tpu.memory_space<vmem_shared>>)
        } else {
        }
        %get3A_522 = arith.index_cast %add3A_442 : i32 to index
        %get3A_523 = arith.constant 0 : index
        %get3A_524 = tpu.vector_load %arg7[%get3A_522, %get3A_523] {strides = array<i32>} : memref<80x128xi32, #tpu.memory_space<vmem>>, vector<16xi32>,
        %shift_right_logical3A_525 = arith.constant 14 : i32
        %shift_right_logical3A_526 = vector.broadcast %shift_right_logical3A_525 : i32 to vector<16xi32>
        %shift_right_logical3A_527 = arith.shrui %get3A_524, %shift_right_logical3A_526 : vector<16xi32>
        %swap3A_528 = arith.constant 3 : i32
        %swap3A_529 = arith.index_cast %swap3A_528 : i32 to index
        %swap3A_530 = arith.constant 0 : index
        %swap3A_531 = tpu.vector_load %arg8[%swap3A_529, %swap3A_530] {strides = array<i32>} : memref<4x128xi32, #tpu.memory_space<vmem>>, vector<16xi32>,
        tpu.vector_store %arg8[%swap3A_529, %swap3A_530], %shift_right_logical3A_527 {strides = array<i32>} : memref<4x128xi32, #tpu.memory_space<vmem>>, vector<16xi32>,
        %and3A_532 = arith.constant 16383 : i32
        %and3A_533 = vector.broadcast %and3A_532 : i32 to vector<16xi32>
        %and3A_534 = arith.andi %get3A_524, %and3A_533 : vector<16xi32>
        %swap3A_535 = arith.constant 3 : i32
        %swap3A_536 = arith.index_cast %swap3A_535 : i32 to index
        %swap3A_537 = arith.constant 0 : index
        %swap3A_538 = tpu.vector_load %arg9[%swap3A_536, %swap3A_537] {strides = array<i32>} : memref<4x128xi32, #tpu.memory_space<vmem>>, vector<16xi32>,
        tpu.vector_store %arg9[%swap3A_536, %swap3A_537], %and3A_534 {strides = array<i32>} : memref<4x128xi32, #tpu.memory_space<vmem>>, vector<16xi32>,
        %get3A_539 = arith.index_cast %add3A_442 : i32 to index
        %get3A_540 = arith.constant 16 : index
        %get3A_541 = tpu.vector_load %arg7[%get3A_539, %get3A_540] {strides = array<i32>} : memref<80x128xi32, #tpu.memory_space<vmem>>, vector<16xi32>,
        %shift_right_logical3A_542 = arith.constant 14 : i32
        %shift_right_logical3A_543 = vector.broadcast %shift_right_logical3A_542 : i32 to vector<16xi32>
        %shift_right_logical3A_544 = arith.shrui %get3A_541, %shift_right_logical3A_543 : vector<16xi32>
        %swap3A_545 = arith.constant 3 : i32
        %swap3A_546 = arith.index_cast %swap3A_545 : i32 to index
        %swap3A_547 = arith.constant 16 : index
        %swap3A_548 = tpu.vector_load %arg8[%swap3A_546, %swap3A_547] {strides = array<i32>} : memref<4x128xi32, #tpu.memory_space<vmem>>, vector<16xi32>,
        tpu.vector_store %arg8[%swap3A_546, %swap3A_547], %shift_right_logical3A_544 {strides = array<i32>} : memref<4x128xi32, #tpu.memory_space<vmem>>, vector<16xi32>,
        %and3A_549 = arith.constant 16383 : i32
        %and3A_550 = vector.broadcast %and3A_549 : i32 to vector<16xi32>
        %and3A_551 = arith.andi %get3A_541, %and3A_550 : vector<16xi32>
        %swap3A_552 = arith.constant 3 : i32
        %swap3A_553 = arith.index_cast %swap3A_552 : i32 to index
        %swap3A_554 = arith.constant 16 : index
        %swap3A_555 = tpu.vector_load %arg9[%swap3A_553, %swap3A_554] {strides = array<i32>} : memref<4x128xi32, #tpu.memory_space<vmem>>, vector<16xi32>,
        tpu.vector_store %arg9[%swap3A_553, %swap3A_554], %and3A_551 {strides = array<i32>} : memref<4x128xi32, #tpu.memory_space<vmem>>, vector<16xi32>,
        %get3A_556 = arith.index_cast %add3A_442 : i32 to index
        %get3A_557 = arith.constant 32 : index
        %get3A_558 = tpu.vector_load %arg7[%get3A_556, %get3A_557] {strides = array<i32>} : memref<80x128xi32, #tpu.memory_space<vmem>>, vector<16xi32>,
        %shift_right_logical3A_559 = arith.constant 14 : i32
        %shift_right_logical3A_560 = vector.broadcast %shift_right_logical3A_559 : i32 to vector<16xi32>
        %shift_right_logical3A_561 = arith.shrui %get3A_558, %shift_right_logical3A_560 : vector<16xi32>
        %swap3A_562 = arith.constant 3 : i32
        %swap3A_563 = arith.index_cast %swap3A_562 : i32 to index
        %swap3A_564 = arith.constant 32 : index
        %swap3A_565 = tpu.vector_load %arg8[%swap3A_563, %swap3A_564] {strides = array<i32>} : memref<4x128xi32, #tpu.memory_space<vmem>>, vector<16xi32>,
        tpu.vector_store %arg8[%swap3A_563, %swap3A_564], %shift_right_logical3A_561 {strides = array<i32>} : memref<4x128xi32, #tpu.memory_space<vmem>>, vector<16xi32>,
        %and3A_566 = arith.constant 16383 : i32
        %and3A_567 = vector.broadcast %and3A_566 : i32 to vector<16xi32>
        %and3A_568 = arith.andi %get3A_558, %and3A_567 : vector<16xi32>
        %swap3A_569 = arith.constant 3 : i32
        %swap3A_570 = arith.index_cast %swap3A_569 : i32 to index
        %swap3A_571 = arith.constant 32 : index
        %swap3A_572 = tpu.vector_load %arg9[%swap3A_570, %swap3A_571] {strides = array<i32>} : memref<4x128xi32, #tpu.memory_space<vmem>>, vector<16xi32>,
        tpu.vector_store %arg9[%swap3A_570, %swap3A_571], %and3A_568 {strides = array<i32>} : memref<4x128xi32, #tpu.memory_space<vmem>>, vector<16xi32>,
        %get3A_573 = arith.index_cast %add3A_442 : i32 to index
        %get3A_574 = arith.constant 48 : index
        %get3A_575 = tpu.vector_load %arg7[%get3A_573, %get3A_574] {strides = array<i32>} : memref<80x128xi32, #tpu.memory_space<vmem>>, vector<16xi32>,
        %shift_right_logical3A_576 = arith.constant 14 : i32
        %shift_right_logical3A_577 = vector.broadcast %shift_right_logical3A_576 : i32 to vector<16xi32>
        %shift_right_logical3A_578 = arith.shrui %get3A_575, %shift_right_logical3A_577 : vector<16xi32>
        %swap3A_579 = arith.constant 3 : i32
        %swap3A_580 = arith.index_cast %swap3A_579 : i32 to index
        %swap3A_581 = arith.constant 48 : index
        %swap3A_582 = tpu.vector_load %arg8[%swap3A_580, %swap3A_581] {strides = array<i32>} : memref<4x128xi32, #tpu.memory_space<vmem>>, vector<16xi32>,
        tpu.vector_store %arg8[%swap3A_580, %swap3A_581], %shift_right_logical3A_578 {strides = array<i32>} : memref<4x128xi32, #tpu.memory_space<vmem>>, vector<16xi32>,
        %and3A_583 = arith.constant 16383 : i32
        %and3A_584 = vector.broadcast %and3A_583 : i32 to vector<16xi32>
        %and3A_585 = arith.andi %get3A_575, %and3A_584 : vector<16xi32>
        %swap3A_586 = arith.constant 3 : i32
        %swap3A_587 = arith.index_cast %swap3A_586 : i32 to index
        %swap3A_588 = arith.constant 48 : index
        %swap3A_589 = tpu.vector_load %arg9[%swap3A_587, %swap3A_588] {strides = array<i32>} : memref<4x128xi32, #tpu.memory_space<vmem>>, vector<16xi32>,
        tpu.vector_store %arg9[%swap3A_587, %swap3A_588], %and3A_585 {strides = array<i32>} : memref<4x128xi32, #tpu.memory_space<vmem>>, vector<16xi32>,
        %get3A_590 = arith.index_cast %add3A_442 : i32 to index
        %get3A_591 = arith.constant 64 : index
        %get3A_592 = tpu.vector_load %arg7[%get3A_590, %get3A_591] {strides = array<i32>} : memref<80x128xi32, #tpu.memory_space<vmem>>, vector<16xi32>,
        %shift_right_logical3A_593 = arith.constant 14 : i32
        %shift_right_logical3A_594 = vector.broadcast %shift_right_logical3A_593 : i32 to vector<16xi32>
        %shift_right_logical3A_595 = arith.shrui %get3A_592, %shift_right_logical3A_594 : vector<16xi32>
        %swap3A_596 = arith.constant 3 : i32
        %swap3A_597 = arith.index_cast %swap3A_596 : i32 to index
        %swap3A_598 = arith.constant 64 : index
        %swap3A_599 = tpu.vector_load %arg8[%swap3A_597, %swap3A_598] {strides = array<i32>} : memref<4x128xi32, #tpu.memory_space<vmem>>, vector<16xi32>,
        tpu.vector_store %arg8[%swap3A_597, %swap3A_598], %shift_right_logical3A_595 {strides = array<i32>} : memref<4x128xi32, #tpu.memory_space<vmem>>, vector<16xi32>,
        %and3A_600 = arith.constant 16383 : i32
        %and3A_601 = vector.broadcast %and3A_600 : i32 to vector<16xi32>
        %and3A_602 = arith.andi %get3A_592, %and3A_601 : vector<16xi32>
        %swap3A_603 = arith.constant 3 : i32
        %swap3A_604 = arith.index_cast %swap3A_603 : i32 to index
        %swap3A_605 = arith.constant 64 : index
        %swap3A_606 = tpu.vector_load %arg9[%swap3A_604, %swap3A_605] {strides = array<i32>} : memref<4x128xi32, #tpu.memory_space<vmem>>, vector<16xi32>,
        tpu.vector_store %arg9[%swap3A_604, %swap3A_605], %and3A_602 {strides = array<i32>} : memref<4x128xi32, #tpu.memory_space<vmem>>, vector<16xi32>,
        %get3A_607 = arith.index_cast %add3A_442 : i32 to index
        %get3A_608 = arith.constant 80 : index
        %get3A_609 = tpu.vector_load %arg7[%get3A_607, %get3A_608] {strides = array<i32>} : memref<80x128xi32, #tpu.memory_space<vmem>>, vector<16xi32>,
        %shift_right_logical3A_610 = arith.constant 14 : i32
        %shift_right_logical3A_611 = vector.broadcast %shift_right_logical3A_610 : i32 to vector<16xi32>
        %shift_right_logical3A_612 = arith.shrui %get3A_609, %shift_right_logical3A_611 : vector<16xi32>
        %swap3A_613 = arith.constant 3 : i32
        %swap3A_614 = arith.index_cast %swap3A_613 : i32 to index
        %swap3A_615 = arith.constant 80 : index
        %swap3A_616 = tpu.vector_load %arg8[%swap3A_614, %swap3A_615] {strides = array<i32>} : memref<4x128xi32, #tpu.memory_space<vmem>>, vector<16xi32>,
        tpu.vector_store %arg8[%swap3A_614, %swap3A_615], %shift_right_logical3A_612 {strides = array<i32>} : memref<4x128xi32, #tpu.memory_space<vmem>>, vector<16xi32>,
        %and3A_617 = arith.constant 16383 : i32
        %and3A_618 = vector.broadcast %and3A_617 : i32 to vector<16xi32>
        %and3A_619 = arith.andi %get3A_609, %and3A_618 : vector<16xi32>
        %swap3A_620 = arith.constant 3 : i32
        %swap3A_621 = arith.index_cast %swap3A_620 : i32 to index
        %swap3A_622 = arith.constant 80 : index
        %swap3A_623 = tpu.vector_load %arg9[%swap3A_621, %swap3A_622] {strides = array<i32>} : memref<4x128xi32, #tpu.memory_space<vmem>>, vector<16xi32>,
        tpu.vector_store %arg9[%swap3A_621, %swap3A_622], %and3A_619 {strides = array<i32>} : memref<4x128xi32, #tpu.memory_space<vmem>>, vector<16xi32>,
        %get3A_624 = arith.index_cast %add3A_442 : i32 to index
        %get3A_625 = arith.constant 96 : index
        %get3A_626 = tpu.vector_load %arg7[%get3A_624, %get3A_625] {strides = array<i32>} : memref<80x128xi32, #tpu.memory_space<vmem>>, vector<16xi32>,
        %shift_right_logical3A_627 = arith.constant 14 : i32
        %shift_right_logical3A_628 = vector.broadcast %shift_right_logical3A_627 : i32 to vector<16xi32>
        %shift_right_logical3A_629 = arith.shrui %get3A_626, %shift_right_logical3A_628 : vector<16xi32>
        %swap3A_630 = arith.constant 3 : i32
        %swap3A_631 = arith.index_cast %swap3A_630 : i32 to index
        %swap3A_632 = arith.constant 96 : index
        %swap3A_633 = tpu.vector_load %arg8[%swap3A_631, %swap3A_632] {strides = array<i32>} : memref<4x128xi32, #tpu.memory_space<vmem>>, vector<16xi32>,
        tpu.vector_store %arg8[%swap3A_631, %swap3A_632], %shift_right_logical3A_629 {strides = array<i32>} : memref<4x128xi32, #tpu.memory_space<vmem>>, vector<16xi32>,
        %and3A_634 = arith.constant 16383 : i32
        %and3A_635 = vector.broadcast %and3A_634 : i32 to vector<16xi32>
        %and3A_636 = arith.andi %get3A_626, %and3A_635 : vector<16xi32>
        %swap3A_637 = arith.constant 3 : i32
        %swap3A_638 = arith.index_cast %swap3A_637 : i32 to index
        %swap3A_639 = arith.constant 96 : index
        %swap3A_640 = tpu.vector_load %arg9[%swap3A_638, %swap3A_639] {strides = array<i32>} : memref<4x128xi32, #tpu.memory_space<vmem>>, vector<16xi32>,
        tpu.vector_store %arg9[%swap3A_638, %swap3A_639], %and3A_636 {strides = array<i32>} : memref<4x128xi32, #tpu.memory_space<vmem>>, vector<16xi32>,
        %get3A_641 = arith.index_cast %add3A_442 : i32 to index
        %get3A_642 = arith.constant 112 : index
        %get3A_643 = tpu.vector_load %arg7[%get3A_641, %get3A_642] {strides = array<i32>} : memref<80x128xi32, #tpu.memory_space<vmem>>, vector<16xi32>,
        %shift_right_logical3A_644 = arith.constant 14 : i32
        %shift_right_logical3A_645 = vector.broadcast %shift_right_logical3A_644 : i32 to vector<16xi32>
        %shift_right_logical3A_646 = arith.shrui %get3A_643, %shift_right_logical3A_645 : vector<16xi32>
        %swap3A_647 = arith.constant 3 : i32
        %swap3A_648 = arith.index_cast %swap3A_647 : i32 to index
        %swap3A_649 = arith.constant 112 : index
        %swap3A_650 = tpu.vector_load %arg8[%swap3A_648, %swap3A_649] {strides = array<i32>} : memref<4x128xi32, #tpu.memory_space<vmem>>, vector<16xi32>,
        tpu.vector_store %arg8[%swap3A_648, %swap3A_649], %shift_right_logical3A_646 {strides = array<i32>} : memref<4x128xi32, #tpu.memory_space<vmem>>, vector<16xi32>,
        %and3A_651 = arith.constant 16383 : i32
        %and3A_652 = vector.broadcast %and3A_651 : i32 to vector<16xi32>
        %and3A_653 = arith.andi %get3A_643, %and3A_652 : vector<16xi32>
        %swap3A_654 = arith.constant 3 : i32
        %swap3A_655 = arith.index_cast %swap3A_654 : i32 to index
        %swap3A_656 = arith.constant 112 : index
        %swap3A_657 = tpu.vector_load %arg9[%swap3A_655, %swap3A_656] {strides = array<i32>} : memref<4x128xi32, #tpu.memory_space<vmem>>, vector<16xi32>,
        tpu.vector_store %arg9[%swap3A_655, %swap3A_656], %and3A_653 {strides = array<i32>} : memref<4x128xi32, #tpu.memory_space<vmem>>, vector<16xi32>,
        %dma_start3A_658 = arith.constant 3 : i32
        %dma_start3A_659 = arith.constant 3 : i32
        %dma_start3A_660 = arith.constant 0 : i32
        %dma_start3A_661 = arith.constant 0 : i32
        %dma_start3A_662 = tpu.memref_slice %arg10[%dma_start3A_659, %dma_start3A_660, %dma_start3A_661] : memref<4x128x128xbf16, #tpu.memory_space<vmem>> -> memref<1x128x128xbf16, #tpu.memory_space<vmem>>
        %dma_start3A_663 = tpu.memref_squeeze %dma_start3A_662 : memref<1x128x128xbf16, #tpu.memory_space<vmem>> -> memref<128x128xbf16, #tpu.memory_space<vmem>>
        %dma_start3A_664 = arith.constant 0 : i32
        %dma_start3A_665 = tpu.memref_slice %arg8[%dma_start3A_658, %dma_start3A_664] : memref<4x128xi32, #tpu.memory_space<vmem>> -> memref<1x128xi32, #tpu.memory_space<vmem>>
        %dma_start3A_666 = tpu.memref_squeeze %dma_start3A_665 : memref<1x128xi32, #tpu.memory_space<vmem>> -> memref<128xi32, #tpu.memory_space<vmem>>
        %dma_start3A_667 = arith.constant 0 : i32
        %dma_start3A_668 = arith.constant 0 : i32
        %dma_start3A_669 = tpu.memref_slice %arg11[%dma_start3A_667, %dma_start3A_668] : memref<10240x128xbf16, #tpu.memory_space<vmem_shared>> -> memref<10240x128xbf16, #tpu.memory_space<vmem_shared>>
        tpu.enqueue_indirect_dma source(%dma_start3A_669 : memref<10240x128xbf16, #tpu.memory_space<vmem_shared>>) target(%dma_start3A_663 : memref<128x128xbf16, #tpu.memory_space<vmem>>) offsets(%dma_start3A_666 : memref<128xi32, #tpu.memory_space<vmem>>) semaphore(%arg16 : memref<!tpu.dma_semaphore, #tpu.memory_space<semaphore_mem>>)
      } else {
      }
      %mul3A_448 = arith.constant 4 : i32
      %mul3A_449 = arith.muli %scan3A_379, %mul3A_448 : i32
      %add3A_450 = arith.constant 2 : i32
      %add3A_451 = arith.addi %mul3A_449, %add3A_450 : i32
      %dma_wait3A_452 = arith.constant 2 : i32
      %dma_wait3A_453 = arith.constant 2 : i32
      %dma_wait3A_454 = arith.constant 0 : i32
      %dma_wait3A_455 = arith.constant 0 : i32
      %dma_wait3A_456 = tpu.memref_slice %arg10[%dma_wait3A_453, %dma_wait3A_454, %dma_wait3A_455] : memref<4x128x128xbf16, #tpu.memory_space<vmem>> -> memref<1x128x128xbf16, #tpu.memory_space<vmem>>
      %dma_wait3A_457 = tpu.memref_squeeze %dma_wait3A_456 : memref<1x128x128xbf16, #tpu.memory_space<vmem>> -> memref<128x128xbf16, #tpu.memory_space<vmem>>
      %dma_wait3A_458 = arith.constant 0 : i32
      %dma_wait3A_459 = tpu.memref_slice %arg8[%dma_wait3A_452, %dma_wait3A_458] : memref<4x128xi32, #tpu.memory_space<vmem>> -> memref<1x128xi32, #tpu.memory_space<vmem>>
      %dma_wait3A_460 = tpu.memref_squeeze %dma_wait3A_459 : memref<1x128xi32, #tpu.memory_space<vmem>> -> memref<128xi32, #tpu.memory_space<vmem>>
      %dma_wait3A_461 = arith.constant 0 : i32
      %dma_wait3A_462 = arith.constant 0 : i32
      %dma_wait3A_463 = tpu.memref_slice %arg11[%dma_wait3A_461, %dma_wait3A_462] : memref<10240x128xbf16, #tpu.memory_space<vmem_shared>> -> memref<10240x128xbf16, #tpu.memory_space<vmem_shared>>
      tpu.wait_indirect_dma semaphore(%arg15 : memref<!tpu.dma_semaphore, #tpu.memory_space<semaphore_mem>>) src(%dma_wait3A_463 : memref<10240x128xbf16, #tpu.memory_space<vmem_shared>>) dst(%dma_wait3A_457 : memref<128x128xbf16, #tpu.memory_space<vmem>>)
      %dma_start3A_464 = arith.constant 2 : i32
      %dma_start3A_465 = arith.constant 2 : i32
      %dma_start3A_466 = arith.constant 0 : i32
      %dma_start3A_467 = arith.constant 0 : i32
      %dma_start3A_468 = tpu.memref_slice %arg10[%dma_start3A_464, %dma_start3A_466, %dma_start3A_467] : memref<4x128x128xbf16, #tpu.memory_space<vmem>> -> memref<1x128x128xbf16, #tpu.memory_space<vmem>>
      %dma_start3A_469 = tpu.memref_squeeze %dma_start3A_468 : memref<1x128x128xbf16, #tpu.memory_space<vmem>> -> memref<128x128xbf16, #tpu.memory_space<vmem>>
      %dma_start3A_470 = arith.constant 0 : i32
      %dma_start3A_471 = tpu.memref_slice %arg9[%dma_start3A_465, %dma_start3A_470] : memref<4x128xi32, #tpu.memory_space<vmem>> -> memref<1x128xi32, #tpu.memory_space<vmem>>
      %dma_start3A_472 = tpu.memref_squeeze %dma_start3A_471 : memref<1x128xi32, #tpu.memory_space<vmem>> -> memref<128xi32, #tpu.memory_space<vmem>>
      %dma_start3A_473 = arith.constant 0 : i32
      %dma_start3A_474 = arith.constant 0 : i32
      %dma_start3A_475 = tpu.memref_slice %arg12[%dma_start3A_473, %dma_start3A_474] : memref<10240x128xbf16, #tpu.memory_space<vmem_shared>> -> memref<10240x128xbf16, #tpu.memory_space<vmem_shared>>
      tpu.enqueue_indirect_dma source(%dma_start3A_469 : memref<128x128xbf16, #tpu.memory_space<vmem>>) target(%dma_start3A_475 : memref<10240x128xbf16, #tpu.memory_space<vmem_shared>>) offsets(%dma_start3A_472 : memref<128xi32, #tpu.memory_space<vmem>>) semaphore(%arg19 : memref<!tpu.dma_semaphore, #tpu.memory_space<semaphore_mem>>) {add = true}
      %add3A_476 = arith.constant 2 : i32
      %add3A_477 = arith.addi %add3A_451, %add3A_476 : i32
      %lt3A_478 = arith.constant 80 : i32
      %lt3A_479 = arith.cmpi slt, %add3A_477, %lt3A_478 : i32
      %convert_element_type3A_480 = arith.extui %lt3A_479 : i1 to i32
      %cond3A_481 = arith.constant 0 : i32
      %cond3A_482 = arith.cmpi ne, %convert_element_type3A_480, %cond3A_481 : i32
      scf.if %cond3A_482 {
        %ge3A = arith.constant 2 : i32
        %ge3A_518 = arith.cmpi sge, %add3A_451, %ge3A : i32
        %convert_element_type3A_519 = arith.extui %ge3A_518 : i1 to i32
        %cond3A_520 = arith.constant 0 : i32
        %cond3A_521 = arith.cmpi ne, %convert_element_type3A_519, %cond3A_520 : i32
        scf.if %cond3A_521 {
          %dma_wait3A_670 = arith.constant 0 : i32
          %dma_wait3A_671 = arith.constant 0 : i32
          %dma_wait3A_672 = arith.constant 0 : i32
          %dma_wait3A_673 = arith.constant 0 : i32
          %dma_wait3A_674 = tpu.memref_slice %arg10[%dma_wait3A_670, %dma_wait3A_672, %dma_wait3A_673] : memref<4x128x128xbf16, #tpu.memory_space<vmem>> -> memref<1x128x128xbf16, #tpu.memory_space<vmem>>
          %dma_wait3A_675 = tpu.memref_squeeze %dma_wait3A_674 : memref<1x128x128xbf16, #tpu.memory_space<vmem>> -> memref<128x128xbf16, #tpu.memory_space<vmem>>
          %dma_wait3A_676 = arith.constant 0 : i32
          %dma_wait3A_677 = tpu.memref_slice %arg9[%dma_wait3A_671, %dma_wait3A_676] : memref<4x128xi32, #tpu.memory_space<vmem>> -> memref<1x128xi32, #tpu.memory_space<vmem>>
          %dma_wait3A_678 = tpu.memref_squeeze %dma_wait3A_677 : memref<1x128xi32, #tpu.memory_space<vmem>> -> memref<128xi32, #tpu.memory_space<vmem>>
          %dma_wait3A_679 = arith.constant 0 : i32
          %dma_wait3A_680 = arith.constant 0 : i32
          %dma_wait3A_681 = tpu.memref_slice %arg12[%dma_wait3A_679, %dma_wait3A_680] : memref<10240x128xbf16, #tpu.memory_space<vmem_shared>> -> memref<10240x128xbf16, #tpu.memory_space<vmem_shared>>
          tpu.wait_indirect_dma semaphore(%arg17 : memref<!tpu.dma_semaphore, #tpu.memory_space<semaphore_mem>>) src(%dma_wait3A_675 : memref<128x128xbf16, #tpu.memory_space<vmem>>) dst(%dma_wait3A_681 : memref<10240x128xbf16, #tpu.memory_space<vmem_shared>>)
        } else {
        }
        %get3A_522 = arith.index_cast %add3A_477 : i32 to index
        %get3A_523 = arith.constant 0 : index
        %get3A_524 = tpu.vector_load %arg7[%get3A_522, %get3A_523] {strides = array<i32>} : memref<80x128xi32, #tpu.memory_space<vmem>>, vector<16xi32>,
        %shift_right_logical3A_525 = arith.constant 14 : i32
        %shift_right_logical3A_526 = vector.broadcast %shift_right_logical3A_525 : i32 to vector<16xi32>
        %shift_right_logical3A_527 = arith.shrui %get3A_524, %shift_right_logical3A_526 : vector<16xi32>
        %swap3A_528 = arith.constant 0 : i32
        %swap3A_529 = arith.index_cast %swap3A_528 : i32 to index
        %swap3A_530 = arith.constant 0 : index
        %swap3A_531 = tpu.vector_load %arg8[%swap3A_529, %swap3A_530] {strides = array<i32>} : memref<4x128xi32, #tpu.memory_space<vmem>>, vector<16xi32>,
        tpu.vector_store %arg8[%swap3A_529, %swap3A_530], %shift_right_logical3A_527 {strides = array<i32>} : memref<4x128xi32, #tpu.memory_space<vmem>>, vector<16xi32>,
        %and3A_532 = arith.constant 16383 : i32
        %and3A_533 = vector.broadcast %and3A_532 : i32 to vector<16xi32>
        %and3A_534 = arith.andi %get3A_524, %and3A_533 : vector<16xi32>
        %swap3A_535 = arith.constant 0 : i32
        %swap3A_536 = arith.index_cast %swap3A_535 : i32 to index
        %swap3A_537 = arith.constant 0 : index
        %swap3A_538 = tpu.vector_load %arg9[%swap3A_536, %swap3A_537] {strides = array<i32>} : memref<4x128xi32, #tpu.memory_space<vmem>>, vector<16xi32>,
        tpu.vector_store %arg9[%swap3A_536, %swap3A_537], %and3A_534 {strides = array<i32>} : memref<4x128xi32, #tpu.memory_space<vmem>>, vector<16xi32>,
        %get3A_539 = arith.index_cast %add3A_477 : i32 to index
        %get3A_540 = arith.constant 16 : index
        %get3A_541 = tpu.vector_load %arg7[%get3A_539, %get3A_540] {strides = array<i32>} : memref<80x128xi32, #tpu.memory_space<vmem>>, vector<16xi32>,
        %shift_right_logical3A_542 = arith.constant 14 : i32
        %shift_right_logical3A_543 = vector.broadcast %shift_right_logical3A_542 : i32 to vector<16xi32>
        %shift_right_logical3A_544 = arith.shrui %get3A_541, %shift_right_logical3A_543 : vector<16xi32>
        %swap3A_545 = arith.constant 0 : i32
        %swap3A_546 = arith.index_cast %swap3A_545 : i32 to index
        %swap3A_547 = arith.constant 16 : index
        %swap3A_548 = tpu.vector_load %arg8[%swap3A_546, %swap3A_547] {strides = array<i32>} : memref<4x128xi32, #tpu.memory_space<vmem>>, vector<16xi32>,
        tpu.vector_store %arg8[%swap3A_546, %swap3A_547], %shift_right_logical3A_544 {strides = array<i32>} : memref<4x128xi32, #tpu.memory_space<vmem>>, vector<16xi32>,
        %and3A_549 = arith.constant 16383 : i32
        %and3A_550 = vector.broadcast %and3A_549 : i32 to vector<16xi32>
        %and3A_551 = arith.andi %get3A_541, %and3A_550 : vector<16xi32>
        %swap3A_552 = arith.constant 0 : i32
        %swap3A_553 = arith.index_cast %swap3A_552 : i32 to index
        %swap3A_554 = arith.constant 16 : index
        %swap3A_555 = tpu.vector_load %arg9[%swap3A_553, %swap3A_554] {strides = array<i32>} : memref<4x128xi32, #tpu.memory_space<vmem>>, vector<16xi32>,
        tpu.vector_store %arg9[%swap3A_553, %swap3A_554], %and3A_551 {strides = array<i32>} : memref<4x128xi32, #tpu.memory_space<vmem>>, vector<16xi32>,
        %get3A_556 = arith.index_cast %add3A_477 : i32 to index
        %get3A_557 = arith.constant 32 : index
        %get3A_558 = tpu.vector_load %arg7[%get3A_556, %get3A_557] {strides = array<i32>} : memref<80x128xi32, #tpu.memory_space<vmem>>, vector<16xi32>,
        %shift_right_logical3A_559 = arith.constant 14 : i32
        %shift_right_logical3A_560 = vector.broadcast %shift_right_logical3A_559 : i32 to vector<16xi32>
        %shift_right_logical3A_561 = arith.shrui %get3A_558, %shift_right_logical3A_560 : vector<16xi32>
        %swap3A_562 = arith.constant 0 : i32
        %swap3A_563 = arith.index_cast %swap3A_562 : i32 to index
        %swap3A_564 = arith.constant 32 : index
        %swap3A_565 = tpu.vector_load %arg8[%swap3A_563, %swap3A_564] {strides = array<i32>} : memref<4x128xi32, #tpu.memory_space<vmem>>, vector<16xi32>,
        tpu.vector_store %arg8[%swap3A_563, %swap3A_564], %shift_right_logical3A_561 {strides = array<i32>} : memref<4x128xi32, #tpu.memory_space<vmem>>, vector<16xi32>,
        %and3A_566 = arith.constant 16383 : i32
        %and3A_567 = vector.broadcast %and3A_566 : i32 to vector<16xi32>
        %and3A_568 = arith.andi %get3A_558, %and3A_567 : vector<16xi32>
        %swap3A_569 = arith.constant 0 : i32
        %swap3A_570 = arith.index_cast %swap3A_569 : i32 to index
        %swap3A_571 = arith.constant 32 : index
        %swap3A_572 = tpu.vector_load %arg9[%swap3A_570, %swap3A_571] {strides = array<i32>} : memref<4x128xi32, #tpu.memory_space<vmem>>, vector<16xi32>,
        tpu.vector_store %arg9[%swap3A_570, %swap3A_571], %and3A_568 {strides = array<i32>} : memref<4x128xi32, #tpu.memory_space<vmem>>, vector<16xi32>,
        %get3A_573 = arith.index_cast %add3A_477 : i32 to index
        %get3A_574 = arith.constant 48 : index
        %get3A_575 = tpu.vector_load %arg7[%get3A_573, %get3A_574] {strides = array<i32>} : memref<80x128xi32, #tpu.memory_space<vmem>>, vector<16xi32>,
        %shift_right_logical3A_576 = arith.constant 14 : i32
        %shift_right_logical3A_577 = vector.broadcast %shift_right_logical3A_576 : i32 to vector<16xi32>
        %shift_right_logical3A_578 = arith.shrui %get3A_575, %shift_right_logical3A_577 : vector<16xi32>
        %swap3A_579 = arith.constant 0 : i32
        %swap3A_580 = arith.index_cast %swap3A_579 : i32 to index
        %swap3A_581 = arith.constant 48 : index
        %swap3A_582 = tpu.vector_load %arg8[%swap3A_580, %swap3A_581] {strides = array<i32>} : memref<4x128xi32, #tpu.memory_space<vmem>>, vector<16xi32>,
        tpu.vector_store %arg8[%swap3A_580, %swap3A_581], %shift_right_logical3A_578 {strides = array<i32>} : memref<4x128xi32, #tpu.memory_space<vmem>>, vector<16xi32>,
        %and3A_583 = arith.constant 16383 : i32
        %and3A_584 = vector.broadcast %and3A_583 : i32 to vector<16xi32>
        %and3A_585 = arith.andi %get3A_575, %and3A_584 : vector<16xi32>
        %swap3A_586 = arith.constant 0 : i32
        %swap3A_587 = arith.index_cast %swap3A_586 : i32 to index
        %swap3A_588 = arith.constant 48 : index
        %swap3A_589 = tpu.vector_load %arg9[%swap3A_587, %swap3A_588] {strides = array<i32>} : memref<4x128xi32, #tpu.memory_space<vmem>>, vector<16xi32>,
        tpu.vector_store %arg9[%swap3A_587, %swap3A_588], %and3A_585 {strides = array<i32>} : memref<4x128xi32, #tpu.memory_space<vmem>>, vector<16xi32>,
        %get3A_590 = arith.index_cast %add3A_477 : i32 to index
        %get3A_591 = arith.constant 64 : index
        %get3A_592 = tpu.vector_load %arg7[%get3A_590, %get3A_591] {strides = array<i32>} : memref<80x128xi32, #tpu.memory_space<vmem>>, vector<16xi32>,
        %shift_right_logical3A_593 = arith.constant 14 : i32
        %shift_right_logical3A_594 = vector.broadcast %shift_right_logical3A_593 : i32 to vector<16xi32>
        %shift_right_logical3A_595 = arith.shrui %get3A_592, %shift_right_logical3A_594 : vector<16xi32>
        %swap3A_596 = arith.constant 0 : i32
        %swap3A_597 = arith.index_cast %swap3A_596 : i32 to index
        %swap3A_598 = arith.constant 64 : index
        %swap3A_599 = tpu.vector_load %arg8[%swap3A_597, %swap3A_598] {strides = array<i32>} : memref<4x128xi32, #tpu.memory_space<vmem>>, vector<16xi32>,
        tpu.vector_store %arg8[%swap3A_597, %swap3A_598], %shift_right_logical3A_595 {strides = array<i32>} : memref<4x128xi32, #tpu.memory_space<vmem>>, vector<16xi32>,
        %and3A_600 = arith.constant 16383 : i32
        %and3A_601 = vector.broadcast %and3A_600 : i32 to vector<16xi32>
        %and3A_602 = arith.andi %get3A_592, %and3A_601 : vector<16xi32>
        %swap3A_603 = arith.constant 0 : i32
        %swap3A_604 = arith.index_cast %swap3A_603 : i32 to index
        %swap3A_605 = arith.constant 64 : index
        %swap3A_606 = tpu.vector_load %arg9[%swap3A_604, %swap3A_605] {strides = array<i32>} : memref<4x128xi32, #tpu.memory_space<vmem>>, vector<16xi32>,
        tpu.vector_store %arg9[%swap3A_604, %swap3A_605], %and3A_602 {strides = array<i32>} : memref<4x128xi32, #tpu.memory_space<vmem>>, vector<16xi32>,
        %get3A_607 = arith.index_cast %add3A_477 : i32 to index
        %get3A_608 = arith.constant 80 : index
        %get3A_609 = tpu.vector_load %arg7[%get3A_607, %get3A_608] {strides = array<i32>} : memref<80x128xi32, #tpu.memory_space<vmem>>, vector<16xi32>,
        %shift_right_logical3A_610 = arith.constant 14 : i32
        %shift_right_logical3A_611 = vector.broadcast %shift_right_logical3A_610 : i32 to vector<16xi32>
        %shift_right_logical3A_612 = arith.shrui %get3A_609, %shift_right_logical3A_611 : vector<16xi32>
        %swap3A_613 = arith.constant 0 : i32
        %swap3A_614 = arith.index_cast %swap3A_613 : i32 to index
        %swap3A_615 = arith.constant 80 : index
        %swap3A_616 = tpu.vector_load %arg8[%swap3A_614, %swap3A_615] {strides = array<i32>} : memref<4x128xi32, #tpu.memory_space<vmem>>, vector<16xi32>,
        tpu.vector_store %arg8[%swap3A_614, %swap3A_615], %shift_right_logical3A_612 {strides = array<i32>} : memref<4x128xi32, #tpu.memory_space<vmem>>, vector<16xi32>,
        %and3A_617 = arith.constant 16383 : i32
        %and3A_618 = vector.broadcast %and3A_617 : i32 to vector<16xi32>
        %and3A_619 = arith.andi %get3A_609, %and3A_618 : vector<16xi32>
        %swap3A_620 = arith.constant 0 : i32
        %swap3A_621 = arith.index_cast %swap3A_620 : i32 to index
        %swap3A_622 = arith.constant 80 : index
        %swap3A_623 = tpu.vector_load %arg9[%swap3A_621, %swap3A_622] {strides = array<i32>} : memref<4x128xi32, #tpu.memory_space<vmem>>, vector<16xi32>,
        tpu.vector_store %arg9[%swap3A_621, %swap3A_622], %and3A_619 {strides = array<i32>} : memref<4x128xi32, #tpu.memory_space<vmem>>, vector<16xi32>,
        %get3A_624 = arith.index_cast %add3A_477 : i32 to index
        %get3A_625 = arith.constant 96 : index
        %get3A_626 = tpu.vector_load %arg7[%get3A_624, %get3A_625] {strides = array<i32>} : memref<80x128xi32, #tpu.memory_space<vmem>>, vector<16xi32>,
        %shift_right_logical3A_627 = arith.constant 14 : i32
        %shift_right_logical3A_628 = vector.broadcast %shift_right_logical3A_627 : i32 to vector<16xi32>
        %shift_right_logical3A_629 = arith.shrui %get3A_626, %shift_right_logical3A_628 : vector<16xi32>
        %swap3A_630 = arith.constant 0 : i32
        %swap3A_631 = arith.index_cast %swap3A_630 : i32 to index
        %swap3A_632 = arith.constant 96 : index
        %swap3A_633 = tpu.vector_load %arg8[%swap3A_631, %swap3A_632] {strides = array<i32>} : memref<4x128xi32, #tpu.memory_space<vmem>>, vector<16xi32>,
        tpu.vector_store %arg8[%swap3A_631, %swap3A_632], %shift_right_logical3A_629 {strides = array<i32>} : memref<4x128xi32, #tpu.memory_space<vmem>>, vector<16xi32>,
        %and3A_634 = arith.constant 16383 : i32
        %and3A_635 = vector.broadcast %and3A_634 : i32 to vector<16xi32>
        %and3A_636 = arith.andi %get3A_626, %and3A_635 : vector<16xi32>
        %swap3A_637 = arith.constant 0 : i32
        %swap3A_638 = arith.index_cast %swap3A_637 : i32 to index
        %swap3A_639 = arith.constant 96 : index
        %swap3A_640 = tpu.vector_load %arg9[%swap3A_638, %swap3A_639] {strides = array<i32>} : memref<4x128xi32, #tpu.memory_space<vmem>>, vector<16xi32>,
        tpu.vector_store %arg9[%swap3A_638, %swap3A_639], %and3A_636 {strides = array<i32>} : memref<4x128xi32, #tpu.memory_space<vmem>>, vector<16xi32>,
        %get3A_641 = arith.index_cast %add3A_477 : i32 to index
        %get3A_642 = arith.constant 112 : index
        %get3A_643 = tpu.vector_load %arg7[%get3A_641, %get3A_642] {strides = array<i32>} : memref<80x128xi32, #tpu.memory_space<vmem>>, vector<16xi32>,
        %shift_right_logical3A_644 = arith.constant 14 : i32
        %shift_right_logical3A_645 = vector.broadcast %shift_right_logical3A_644 : i32 to vector<16xi32>
        %shift_right_logical3A_646 = arith.shrui %get3A_643, %shift_right_logical3A_645 : vector<16xi32>
        %swap3A_647 = arith.constant 0 : i32
        %swap3A_648 = arith.index_cast %swap3A_647 : i32 to index
        %swap3A_649 = arith.constant 112 : index
        %swap3A_650 = tpu.vector_load %arg8[%swap3A_648, %swap3A_649] {strides = array<i32>} : memref<4x128xi32, #tpu.memory_space<vmem>>, vector<16xi32>,
        tpu.vector_store %arg8[%swap3A_648, %swap3A_649], %shift_right_logical3A_646 {strides = array<i32>} : memref<4x128xi32, #tpu.memory_space<vmem>>, vector<16xi32>,
        %and3A_651 = arith.constant 16383 : i32
        %and3A_652 = vector.broadcast %and3A_651 : i32 to vector<16xi32>
        %and3A_653 = arith.andi %get3A_643, %and3A_652 : vector<16xi32>
        %swap3A_654 = arith.constant 0 : i32
        %swap3A_655 = arith.index_cast %swap3A_654 : i32 to index
        %swap3A_656 = arith.constant 112 : index
        %swap3A_657 = tpu.vector_load %arg9[%swap3A_655, %swap3A_656] {strides = array<i32>} : memref<4x128xi32, #tpu.memory_space<vmem>>, vector<16xi32>,
        tpu.vector_store %arg9[%swap3A_655, %swap3A_656], %and3A_653 {strides = array<i32>} : memref<4x128xi32, #tpu.memory_space<vmem>>, vector<16xi32>,
        %dma_start3A_658 = arith.constant 0 : i32
        %dma_start3A_659 = arith.constant 0 : i32
        %dma_start3A_660 = arith.constant 0 : i32
        %dma_start3A_661 = arith.constant 0 : i32
        %dma_start3A_662 = tpu.memref_slice %arg10[%dma_start3A_659, %dma_start3A_660, %dma_start3A_661] : memref<4x128x128xbf16, #tpu.memory_space<vmem>> -> memref<1x128x128xbf16, #tpu.memory_space<vmem>>
        %dma_start3A_663 = tpu.memref_squeeze %dma_start3A_662 : memref<1x128x128xbf16, #tpu.memory_space<vmem>> -> memref<128x128xbf16, #tpu.memory_space<vmem>>
        %dma_start3A_664 = arith.constant 0 : i32
        %dma_start3A_665 = tpu.memref_slice %arg8[%dma_start3A_658, %dma_start3A_664] : memref<4x128xi32, #tpu.memory_space<vmem>> -> memref<1x128xi32, #tpu.memory_space<vmem>>
        %dma_start3A_666 = tpu.memref_squeeze %dma_start3A_665 : memref<1x128xi32, #tpu.memory_space<vmem>> -> memref<128xi32, #tpu.memory_space<vmem>>
        %dma_start3A_667 = arith.constant 0 : i32
        %dma_start3A_668 = arith.constant 0 : i32
        %dma_start3A_669 = tpu.memref_slice %arg11[%dma_start3A_667, %dma_start3A_668] : memref<10240x128xbf16, #tpu.memory_space<vmem_shared>> -> memref<10240x128xbf16, #tpu.memory_space<vmem_shared>>
        tpu.enqueue_indirect_dma source(%dma_start3A_669 : memref<10240x128xbf16, #tpu.memory_space<vmem_shared>>) target(%dma_start3A_663 : memref<128x128xbf16, #tpu.memory_space<vmem>>) offsets(%dma_start3A_666 : memref<128xi32, #tpu.memory_space<vmem>>) semaphore(%arg13 : memref<!tpu.dma_semaphore, #tpu.memory_space<semaphore_mem>>)
      } else {
      }
      %mul3A_483 = arith.constant 4 : i32
      %mul3A_484 = arith.muli %scan3A_379, %mul3A_483 : i32
      %add3A_485 = arith.constant 3 : i32
      %add3A_486 = arith.addi %mul3A_484, %add3A_485 : i32
      %dma_wait3A_487 = arith.constant 3 : i32
      %dma_wait3A_488 = arith.constant 3 : i32
      %dma_wait3A_489 = arith.constant 0 : i32
      %dma_wait3A_490 = arith.constant 0 : i32
      %dma_wait3A_491 = tpu.memref_slice %arg10[%dma_wait3A_488, %dma_wait3A_489, %dma_wait3A_490] : memref<4x128x128xbf16, #tpu.memory_space<vmem>> -> memref<1x128x128xbf16, #tpu.memory_space<vmem>>
      %dma_wait3A_492 = tpu.memref_squeeze %dma_wait3A_491 : memref<1x128x128xbf16, #tpu.memory_space<vmem>> -> memref<128x128xbf16, #tpu.memory_space<vmem>>
      %dma_wait3A_493 = arith.constant 0 : i32
      %dma_wait3A_494 = tpu.memref_slice %arg8[%dma_wait3A_487, %dma_wait3A_493] : memref<4x128xi32, #tpu.memory_space<vmem>> -> memref<1x128xi32, #tpu.memory_space<vmem>>
      %dma_wait3A_495 = tpu.memref_squeeze %dma_wait3A_494 : memref<1x128xi32, #tpu.memory_space<vmem>> -> memref<128xi32, #tpu.memory_space<vmem>>
      %dma_wait3A_496 = arith.constant 0 : i32
      %dma_wait3A_497 = arith.constant 0 : i32
      %dma_wait3A_498 = tpu.memref_slice %arg11[%dma_wait3A_496, %dma_wait3A_497] : memref<10240x128xbf16, #tpu.memory_space<vmem_shared>> -> memref<10240x128xbf16, #tpu.memory_space<vmem_shared>>
      tpu.wait_indirect_dma semaphore(%arg16 : memref<!tpu.dma_semaphore, #tpu.memory_space<semaphore_mem>>) src(%dma_wait3A_498 : memref<10240x128xbf16, #tpu.memory_space<vmem_shared>>) dst(%dma_wait3A_492 : memref<128x128xbf16, #tpu.memory_space<vmem>>)
      %dma_start3A_499 = arith.constant 3 : i32
      %dma_start3A_500 = arith.constant 3 : i32
      %dma_start3A_501 = arith.constant 0 : i32
      %dma_start3A_502 = arith.constant 0 : i32
      %dma_start3A_503 = tpu.memref_slice %arg10[%dma_start3A_499, %dma_start3A_501, %dma_start3A_502] : memref<4x128x128xbf16, #tpu.memory_space<vmem>> -> memref<1x128x128xbf16, #tpu.memory_space<vmem>>
      %dma_start3A_504 = tpu.memref_squeeze %dma_start3A_503 : memref<1x128x128xbf16, #tpu.memory_space<vmem>> -> memref<128x128xbf16, #tpu.memory_space<vmem>>
      %dma_start3A_505 = arith.constant 0 : i32
      %dma_start3A_506 = tpu.memref_slice %arg9[%dma_start3A_500, %dma_start3A_505] : memref<4x128xi32, #tpu.memory_space<vmem>> -> memref<1x128xi32, #tpu.memory_space<vmem>>
      %dma_start3A_507 = tpu.memref_squeeze %dma_start3A_506 : memref<1x128xi32, #tpu.memory_space<vmem>> -> memref<128xi32, #tpu.memory_space<vmem>>
      %dma_start3A_508 = arith.constant 0 : i32
      %dma_start3A_509 = arith.constant 0 : i32
      %dma_start3A_510 = tpu.memref_slice %arg12[%dma_start3A_508, %dma_start3A_509] : memref<10240x128xbf16, #tpu.memory_space<vmem_shared>> -> memref<10240x128xbf16, #tpu.memory_space<vmem_shared>>
      tpu.enqueue_indirect_dma source(%dma_start3A_504 : memref<128x128xbf16, #tpu.memory_space<vmem>>) target(%dma_start3A_510 : memref<10240x128xbf16, #tpu.memory_space<vmem_shared>>) offsets(%dma_start3A_507 : memref<128xi32, #tpu.memory_space<vmem>>) semaphore(%arg20 : memref<!tpu.dma_semaphore, #tpu.memory_space<semaphore_mem>>) {add = true}
      %add3A_511 = arith.constant 2 : i32
      %add3A_512 = arith.addi %add3A_486, %add3A_511 : i32
      %lt3A_513 = arith.constant 80 : i32
      %lt3A_514 = arith.cmpi slt, %add3A_512, %lt3A_513 : i32
      %convert_element_type3A_515 = arith.extui %lt3A_514 : i1 to i32
      %cond3A_516 = arith.constant 0 : i32
      %cond3A_517 = arith.cmpi ne, %convert_element_type3A_515, %cond3A_516 : i32
      scf.if %cond3A_517 {
        %ge3A = arith.constant 2 : i32
        %ge3A_518 = arith.cmpi sge, %add3A_486, %ge3A : i32
        %convert_element_type3A_519 = arith.extui %ge3A_518 : i1 to i32
        %cond3A_520 = arith.constant 0 : i32
        %cond3A_521 = arith.cmpi ne, %convert_element_type3A_519, %cond3A_520 : i32
        scf.if %cond3A_521 {
          %dma_wait3A_670 = arith.constant 1 : i32
          %dma_wait3A_671 = arith.constant 1 : i32
          %dma_wait3A_672 = arith.constant 0 : i32
          %dma_wait3A_673 = arith.constant 0 : i32
          %dma_wait3A_674 = tpu.memref_slice %arg10[%dma_wait3A_670, %dma_wait3A_672, %dma_wait3A_673] : memref<4x128x128xbf16, #tpu.memory_space<vmem>> -> memref<1x128x128xbf16, #tpu.memory_space<vmem>>
          %dma_wait3A_675 = tpu.memref_squeeze %dma_wait3A_674 : memref<1x128x128xbf16, #tpu.memory_space<vmem>> -> memref<128x128xbf16, #tpu.memory_space<vmem>>
          %dma_wait3A_676 = arith.constant 0 : i32
          %dma_wait3A_677 = tpu.memref_slice %arg9[%dma_wait3A_671, %dma_wait3A_676] : memref<4x128xi32, #tpu.memory_space<vmem>> -> memref<1x128xi32, #tpu.memory_space<vmem>>
          %dma_wait3A_678 = tpu.memref_squeeze %dma_wait3A_677 : memref<1x128xi32, #tpu.memory_space<vmem>> -> memref<128xi32, #tpu.memory_space<vmem>>
          %dma_wait3A_679 = arith.constant 0 : i32
          %dma_wait3A_680 = arith.constant 0 : i32
          %dma_wait3A_681 = tpu.memref_slice %arg12[%dma_wait3A_679, %dma_wait3A_680] : memref<10240x128xbf16, #tpu.memory_space<vmem_shared>> -> memref<10240x128xbf16, #tpu.memory_space<vmem_shared>>
          tpu.wait_indirect_dma semaphore(%arg18 : memref<!tpu.dma_semaphore, #tpu.memory_space<semaphore_mem>>) src(%dma_wait3A_675 : memref<128x128xbf16, #tpu.memory_space<vmem>>) dst(%dma_wait3A_681 : memref<10240x128xbf16, #tpu.memory_space<vmem_shared>>)
        } else {
        }
        %get3A_522 = arith.index_cast %add3A_512 : i32 to index
        %get3A_523 = arith.constant 0 : index
        %get3A_524 = tpu.vector_load %arg7[%get3A_522, %get3A_523] {strides = array<i32>} : memref<80x128xi32, #tpu.memory_space<vmem>>, vector<16xi32>,
        %shift_right_logical3A_525 = arith.constant 14 : i32
        %shift_right_logical3A_526 = vector.broadcast %shift_right_logical3A_525 : i32 to vector<16xi32>
        %shift_right_logical3A_527 = arith.shrui %get3A_524, %shift_right_logical3A_526 : vector<16xi32>
        %swap3A_528 = arith.constant 1 : i32
        %swap3A_529 = arith.index_cast %swap3A_528 : i32 to index
        %swap3A_530 = arith.constant 0 : index
        %swap3A_531 = tpu.vector_load %arg8[%swap3A_529, %swap3A_530] {strides = array<i32>} : memref<4x128xi32, #tpu.memory_space<vmem>>, vector<16xi32>,
        tpu.vector_store %arg8[%swap3A_529, %swap3A_530], %shift_right_logical3A_527 {strides = array<i32>} : memref<4x128xi32, #tpu.memory_space<vmem>>, vector<16xi32>,
        %and3A_532 = arith.constant 16383 : i32
        %and3A_533 = vector.broadcast %and3A_532 : i32 to vector<16xi32>
        %and3A_534 = arith.andi %get3A_524, %and3A_533 : vector<16xi32>
        %swap3A_535 = arith.constant 1 : i32
        %swap3A_536 = arith.index_cast %swap3A_535 : i32 to index
        %swap3A_537 = arith.constant 0 : index
        %swap3A_538 = tpu.vector_load %arg9[%swap3A_536, %swap3A_537] {strides = array<i32>} : memref<4x128xi32, #tpu.memory_space<vmem>>, vector<16xi32>,
        tpu.vector_store %arg9[%swap3A_536, %swap3A_537], %and3A_534 {strides = array<i32>} : memref<4x128xi32, #tpu.memory_space<vmem>>, vector<16xi32>,
        %get3A_539 = arith.index_cast %add3A_512 : i32 to index
        %get3A_540 = arith.constant 16 : index
        %get3A_541 = tpu.vector_load %arg7[%get3A_539, %get3A_540] {strides = array<i32>} : memref<80x128xi32, #tpu.memory_space<vmem>>, vector<16xi32>,
        %shift_right_logical3A_542 = arith.constant 14 : i32
        %shift_right_logical3A_543 = vector.broadcast %shift_right_logical3A_542 : i32 to vector<16xi32>
        %shift_right_logical3A_544 = arith.shrui %get3A_541, %shift_right_logical3A_543 : vector<16xi32>
        %swap3A_545 = arith.constant 1 : i32
        %swap3A_546 = arith.index_cast %swap3A_545 : i32 to index
        %swap3A_547 = arith.constant 16 : index
        %swap3A_548 = tpu.vector_load %arg8[%swap3A_546, %swap3A_547] {strides = array<i32>} : memref<4x128xi32, #tpu.memory_space<vmem>>, vector<16xi32>,
        tpu.vector_store %arg8[%swap3A_546, %swap3A_547], %shift_right_logical3A_544 {strides = array<i32>} : memref<4x128xi32, #tpu.memory_space<vmem>>, vector<16xi32>,
        %and3A_549 = arith.constant 16383 : i32
        %and3A_550 = vector.broadcast %and3A_549 : i32 to vector<16xi32>
        %and3A_551 = arith.andi %get3A_541, %and3A_550 : vector<16xi32>
        %swap3A_552 = arith.constant 1 : i32
        %swap3A_553 = arith.index_cast %swap3A_552 : i32 to index
        %swap3A_554 = arith.constant 16 : index
        %swap3A_555 = tpu.vector_load %arg9[%swap3A_553, %swap3A_554] {strides = array<i32>} : memref<4x128xi32, #tpu.memory_space<vmem>>, vector<16xi32>,
        tpu.vector_store %arg9[%swap3A_553, %swap3A_554], %and3A_551 {strides = array<i32>} : memref<4x128xi32, #tpu.memory_space<vmem>>, vector<16xi32>,
        %get3A_556 = arith.index_cast %add3A_512 : i32 to index
        %get3A_557 = arith.constant 32 : index
        %get3A_558 = tpu.vector_load %arg7[%get3A_556, %get3A_557] {strides = array<i32>} : memref<80x128xi32, #tpu.memory_space<vmem>>, vector<16xi32>,
        %shift_right_logical3A_559 = arith.constant 14 : i32
        %shift_right_logical3A_560 = vector.broadcast %shift_right_logical3A_559 : i32 to vector<16xi32>
        %shift_right_logical3A_561 = arith.shrui %get3A_558, %shift_right_logical3A_560 : vector<16xi32>
        %swap3A_562 = arith.constant 1 : i32
        %swap3A_563 = arith.index_cast %swap3A_562 : i32 to index
        %swap3A_564 = arith.constant 32 : index
        %swap3A_565 = tpu.vector_load %arg8[%swap3A_563, %swap3A_564] {strides = array<i32>} : memref<4x128xi32, #tpu.memory_space<vmem>>, vector<16xi32>,
        tpu.vector_store %arg8[%swap3A_563, %swap3A_564], %shift_right_logical3A_561 {strides = array<i32>} : memref<4x128xi32, #tpu.memory_space<vmem>>, vector<16xi32>,
        %and3A_566 = arith.constant 16383 : i32
        %and3A_567 = vector.broadcast %and3A_566 : i32 to vector<16xi32>
        %and3A_568 = arith.andi %get3A_558, %and3A_567 : vector<16xi32>
        %swap3A_569 = arith.constant 1 : i32
        %swap3A_570 = arith.index_cast %swap3A_569 : i32 to index
        %swap3A_571 = arith.constant 32 : index
        %swap3A_572 = tpu.vector_load %arg9[%swap3A_570, %swap3A_571] {strides = array<i32>} : memref<4x128xi32, #tpu.memory_space<vmem>>, vector<16xi32>,
        tpu.vector_store %arg9[%swap3A_570, %swap3A_571], %and3A_568 {strides = array<i32>} : memref<4x128xi32, #tpu.memory_space<vmem>>, vector<16xi32>,
        %get3A_573 = arith.index_cast %add3A_512 : i32 to index
        %get3A_574 = arith.constant 48 : index
        %get3A_575 = tpu.vector_load %arg7[%get3A_573, %get3A_574] {strides = array<i32>} : memref<80x128xi32, #tpu.memory_space<vmem>>, vector<16xi32>,
        %shift_right_logical3A_576 = arith.constant 14 : i32
        %shift_right_logical3A_577 = vector.broadcast %shift_right_logical3A_576 : i32 to vector<16xi32>
        %shift_right_logical3A_578 = arith.shrui %get3A_575, %shift_right_logical3A_577 : vector<16xi32>
        %swap3A_579 = arith.constant 1 : i32
        %swap3A_580 = arith.index_cast %swap3A_579 : i32 to index
        %swap3A_581 = arith.constant 48 : index
        %swap3A_582 = tpu.vector_load %arg8[%swap3A_580, %swap3A_581] {strides = array<i32>} : memref<4x128xi32, #tpu.memory_space<vmem>>, vector<16xi32>,
        tpu.vector_store %arg8[%swap3A_580, %swap3A_581], %shift_right_logical3A_578 {strides = array<i32>} : memref<4x128xi32, #tpu.memory_space<vmem>>, vector<16xi32>,
        %and3A_583 = arith.constant 16383 : i32
        %and3A_584 = vector.broadcast %and3A_583 : i32 to vector<16xi32>
        %and3A_585 = arith.andi %get3A_575, %and3A_584 : vector<16xi32>
        %swap3A_586 = arith.constant 1 : i32
        %swap3A_587 = arith.index_cast %swap3A_586 : i32 to index
        %swap3A_588 = arith.constant 48 : index
        %swap3A_589 = tpu.vector_load %arg9[%swap3A_587, %swap3A_588] {strides = array<i32>} : memref<4x128xi32, #tpu.memory_space<vmem>>, vector<16xi32>,
        tpu.vector_store %arg9[%swap3A_587, %swap3A_588], %and3A_585 {strides = array<i32>} : memref<4x128xi32, #tpu.memory_space<vmem>>, vector<16xi32>,
        %get3A_590 = arith.index_cast %add3A_512 : i32 to index
        %get3A_591 = arith.constant 64 : index
        %get3A_592 = tpu.vector_load %arg7[%get3A_590, %get3A_591] {strides = array<i32>} : memref<80x128xi32, #tpu.memory_space<vmem>>, vector<16xi32>,
        %shift_right_logical3A_593 = arith.constant 14 : i32
        %shift_right_logical3A_594 = vector.broadcast %shift_right_logical3A_593 : i32 to vector<16xi32>
        %shift_right_logical3A_595 = arith.shrui %get3A_592, %shift_right_logical3A_594 : vector<16xi32>
        %swap3A_596 = arith.constant 1 : i32
        %swap3A_597 = arith.index_cast %swap3A_596 : i32 to index
        %swap3A_598 = arith.constant 64 : index
        %swap3A_599 = tpu.vector_load %arg8[%swap3A_597, %swap3A_598] {strides = array<i32>} : memref<4x128xi32, #tpu.memory_space<vmem>>, vector<16xi32>,
        tpu.vector_store %arg8[%swap3A_597, %swap3A_598], %shift_right_logical3A_595 {strides = array<i32>} : memref<4x128xi32, #tpu.memory_space<vmem>>, vector<16xi32>,
        %and3A_600 = arith.constant 16383 : i32
        %and3A_601 = vector.broadcast %and3A_600 : i32 to vector<16xi32>
        %and3A_602 = arith.andi %get3A_592, %and3A_601 : vector<16xi32>
        %swap3A_603 = arith.constant 1 : i32
        %swap3A_604 = arith.index_cast %swap3A_603 : i32 to index
        %swap3A_605 = arith.constant 64 : index
        %swap3A_606 = tpu.vector_load %arg9[%swap3A_604, %swap3A_605] {strides = array<i32>} : memref<4x128xi32, #tpu.memory_space<vmem>>, vector<16xi32>,
        tpu.vector_store %arg9[%swap3A_604, %swap3A_605], %and3A_602 {strides = array<i32>} : memref<4x128xi32, #tpu.memory_space<vmem>>, vector<16xi32>,
        %get3A_607 = arith.index_cast %add3A_512 : i32 to index
        %get3A_608 = arith.constant 80 : index
        %get3A_609 = tpu.vector_load %arg7[%get3A_607, %get3A_608] {strides = array<i32>} : memref<80x128xi32, #tpu.memory_space<vmem>>, vector<16xi32>,
        %shift_right_logical3A_610 = arith.constant 14 : i32
        %shift_right_logical3A_611 = vector.broadcast %shift_right_logical3A_610 : i32 to vector<16xi32>
        %shift_right_logical3A_612 = arith.shrui %get3A_609, %shift_right_logical3A_611 : vector<16xi32>
        %swap3A_613 = arith.constant 1 : i32
        %swap3A_614 = arith.index_cast %swap3A_613 : i32 to index
        %swap3A_615 = arith.constant 80 : index
        %swap3A_616 = tpu.vector_load %arg8[%swap3A_614, %swap3A_615] {strides = array<i32>} : memref<4x128xi32, #tpu.memory_space<vmem>>, vector<16xi32>,
        tpu.vector_store %arg8[%swap3A_614, %swap3A_615], %shift_right_logical3A_612 {strides = array<i32>} : memref<4x128xi32, #tpu.memory_space<vmem>>, vector<16xi32>,
        %and3A_617 = arith.constant 16383 : i32
        %and3A_618 = vector.broadcast %and3A_617 : i32 to vector<16xi32>
        %and3A_619 = arith.andi %get3A_609, %and3A_618 : vector<16xi32>
        %swap3A_620 = arith.constant 1 : i32
        %swap3A_621 = arith.index_cast %swap3A_620 : i32 to index
        %swap3A_622 = arith.constant 80 : index
        %swap3A_623 = tpu.vector_load %arg9[%swap3A_621, %swap3A_622] {strides = array<i32>} : memref<4x128xi32, #tpu.memory_space<vmem>>, vector<16xi32>,
        tpu.vector_store %arg9[%swap3A_621, %swap3A_622], %and3A_619 {strides = array<i32>} : memref<4x128xi32, #tpu.memory_space<vmem>>, vector<16xi32>,
        %get3A_624 = arith.index_cast %add3A_512 : i32 to index
        %get3A_625 = arith.constant 96 : index
        %get3A_626 = tpu.vector_load %arg7[%get3A_624, %get3A_625] {strides = array<i32>} : memref<80x128xi32, #tpu.memory_space<vmem>>, vector<16xi32>,
        %shift_right_logical3A_627 = arith.constant 14 : i32
        %shift_right_logical3A_628 = vector.broadcast %shift_right_logical3A_627 : i32 to vector<16xi32>
        %shift_right_logical3A_629 = arith.shrui %get3A_626, %shift_right_logical3A_628 : vector<16xi32>
        %swap3A_630 = arith.constant 1 : i32
        %swap3A_631 = arith.index_cast %swap3A_630 : i32 to index
        %swap3A_632 = arith.constant 96 : index
        %swap3A_633 = tpu.vector_load %arg8[%swap3A_631, %swap3A_632] {strides = array<i32>} : memref<4x128xi32, #tpu.memory_space<vmem>>, vector<16xi32>,
        tpu.vector_store %arg8[%swap3A_631, %swap3A_632], %shift_right_logical3A_629 {strides = array<i32>} : memref<4x128xi32, #tpu.memory_space<vmem>>, vector<16xi32>,
        %and3A_634 = arith.constant 16383 : i32
        %and3A_635 = vector.broadcast %and3A_634 : i32 to vector<16xi32>
        %and3A_636 = arith.andi %get3A_626, %and3A_635 : vector<16xi32>
        %swap3A_637 = arith.constant 1 : i32
        %swap3A_638 = arith.index_cast %swap3A_637 : i32 to index
        %swap3A_639 = arith.constant 96 : index
        %swap3A_640 = tpu.vector_load %arg9[%swap3A_638, %swap3A_639] {strides = array<i32>} : memref<4x128xi32, #tpu.memory_space<vmem>>, vector<16xi32>,
        tpu.vector_store %arg9[%swap3A_638, %swap3A_639], %and3A_636 {strides = array<i32>} : memref<4x128xi32, #tpu.memory_space<vmem>>, vector<16xi32>,
        %get3A_641 = arith.index_cast %add3A_512 : i32 to index
        %get3A_642 = arith.constant 112 : index
        %get3A_643 = tpu.vector_load %arg7[%get3A_641, %get3A_642] {strides = array<i32>} : memref<80x128xi32, #tpu.memory_space<vmem>>, vector<16xi32>,
        %shift_right_logical3A_644 = arith.constant 14 : i32
        %shift_right_logical3A_645 = vector.broadcast %shift_right_logical3A_644 : i32 to vector<16xi32>
        %shift_right_logical3A_646 = arith.shrui %get3A_643, %shift_right_logical3A_645 : vector<16xi32>
        %swap3A_647 = arith.constant 1 : i32
        %swap3A_648 = arith.index_cast %swap3A_647 : i32 to index
        %swap3A_649 = arith.constant 112 : index
        %swap3A_650 = tpu.vector_load %arg8[%swap3A_648, %swap3A_649] {strides = array<i32>} : memref<4x128xi32, #tpu.memory_space<vmem>>, vector<16xi32>,
        tpu.vector_store %arg8[%swap3A_648, %swap3A_649], %shift_right_logical3A_646 {strides = array<i32>} : memref<4x128xi32, #tpu.memory_space<vmem>>, vector<16xi32>,
        %and3A_651 = arith.constant 16383 : i32
        %and3A_652 = vector.broadcast %and3A_651 : i32 to vector<16xi32>
        %and3A_653 = arith.andi %get3A_643, %and3A_652 : vector<16xi32>
        %swap3A_654 = arith.constant 1 : i32
        %swap3A_655 = arith.index_cast %swap3A_654 : i32 to index
        %swap3A_656 = arith.constant 112 : index
        %swap3A_657 = tpu.vector_load %arg9[%swap3A_655, %swap3A_656] {strides = array<i32>} : memref<4x128xi32, #tpu.memory_space<vmem>>, vector<16xi32>,
        tpu.vector_store %arg9[%swap3A_655, %swap3A_656], %and3A_653 {strides = array<i32>} : memref<4x128xi32, #tpu.memory_space<vmem>>, vector<16xi32>,
        %dma_start3A_658 = arith.constant 1 : i32
        %dma_start3A_659 = arith.constant 1 : i32
        %dma_start3A_660 = arith.constant 0 : i32
        %dma_start3A_661 = arith.constant 0 : i32
        %dma_start3A_662 = tpu.memref_slice %arg10[%dma_start3A_659, %dma_start3A_660, %dma_start3A_661] : memref<4x128x128xbf16, #tpu.memory_space<vmem>> -> memref<1x128x128xbf16, #tpu.memory_space<vmem>>
        %dma_start3A_663 = tpu.memref_squeeze %dma_start3A_662 : memref<1x128x128xbf16, #tpu.memory_space<vmem>> -> memref<128x128xbf16, #tpu.memory_space<vmem>>
        %dma_start3A_664 = arith.constant 0 : i32
        %dma_start3A_665 = tpu.memref_slice %arg8[%dma_start3A_658, %dma_start3A_664] : memref<4x128xi32, #tpu.memory_space<vmem>> -> memref<1x128xi32, #tpu.memory_space<vmem>>
        %dma_start3A_666 = tpu.memref_squeeze %dma_start3A_665 : memref<1x128xi32, #tpu.memory_space<vmem>> -> memref<128xi32, #tpu.memory_space<vmem>>
        %dma_start3A_667 = arith.constant 0 : i32
        %dma_start3A_668 = arith.constant 0 : i32
        %dma_start3A_669 = tpu.memref_slice %arg11[%dma_start3A_667, %dma_start3A_668] : memref<10240x128xbf16, #tpu.memory_space<vmem_shared>> -> memref<10240x128xbf16, #tpu.memory_space<vmem_shared>>
        tpu.enqueue_indirect_dma source(%dma_start3A_669 : memref<10240x128xbf16, #tpu.memory_space<vmem_shared>>) target(%dma_start3A_663 : memref<128x128xbf16, #tpu.memory_space<vmem>>) offsets(%dma_start3A_666 : memref<128xi32, #tpu.memory_space<vmem>>) semaphore(%arg14 : memref<!tpu.dma_semaphore, #tpu.memory_space<semaphore_mem>>)
      } else {
      }
    }
    %scan3A_320 = arith.constant 20 : i32
    %dma_wait3A = arith.constant 0 : i32
    %dma_wait3A_321 = arith.constant 0 : i32
    %dma_wait3A_322 = arith.constant 0 : i32
    %dma_wait3A_323 = arith.constant 0 : i32
    %dma_wait3A_324 = tpu.memref_slice %arg10[%dma_wait3A, %dma_wait3A_322, %dma_wait3A_323] : memref<4x128x128xbf16, #tpu.memory_space<vmem>> -> memref<1x128x128xbf16, #tpu.memory_space<vmem>>
    %dma_wait3A_325 = tpu.memref_squeeze %dma_wait3A_324 : memref<1x128x128xbf16, #tpu.memory_space<vmem>> -> memref<128x128xbf16, #tpu.memory_space<vmem>>
    %dma_wait3A_326 = arith.constant 0 : i32
    %dma_wait3A_327 = tpu.memref_slice %arg9[%dma_wait3A_321, %dma_wait3A_326] : memref<4x128xi32, #tpu.memory_space<vmem>> -> memref<1x128xi32, #tpu.memory_space<vmem>>
    %dma_wait3A_328 = tpu.memref_squeeze %dma_wait3A_327 : memref<1x128xi32, #tpu.memory_space<vmem>> -> memref<128xi32, #tpu.memory_space<vmem>>
    %dma_wait3A_329 = arith.constant 0 : i32
    %dma_wait3A_330 = arith.constant 0 : i32
    %dma_wait3A_331 = tpu.memref_slice %arg12[%dma_wait3A_329, %dma_wait3A_330] : memref<10240x128xbf16, #tpu.memory_space<vmem_shared>> -> memref<10240x128xbf16, #tpu.memory_space<vmem_shared>>
    tpu.wait_indirect_dma semaphore(%arg17 : memref<!tpu.dma_semaphore, #tpu.memory_space<semaphore_mem>>) src(%dma_wait3A_325 : memref<128x128xbf16, #tpu.memory_space<vmem>>) dst(%dma_wait3A_331 : memref<10240x128xbf16, #tpu.memory_space<vmem_shared>>)
    %dma_wait3A_332 = arith.constant 1 : i32
    %dma_wait3A_333 = arith.constant 1 : i32
    %dma_wait3A_334 = arith.constant 0 : i32
    %dma_wait3A_335 = arith.constant 0 : i32
    %dma_wait3A_336 = tpu.memref_slice %arg10[%dma_wait3A_332, %dma_wait3A_334, %dma_wait3A_335] : memref<4x128x128xbf16, #tpu.memory_space<vmem>> -> memref<1x128x128xbf16, #tpu.memory_space<vmem>>
    %dma_wait3A_337 = tpu.memref_squeeze %dma_wait3A_336 : memref<1x128x128xbf16, #tpu.memory_space<vmem>> -> memref<128x128xbf16, #tpu.memory_space<vmem>>
    %dma_wait3A_338 = arith.constant 0 : i32
    %dma_wait3A_339 = tpu.memref_slice %arg9[%dma_wait3A_333, %dma_wait3A_338] : memref<4x128xi32, #tpu.memory_space<vmem>> -> memref<1x128xi32, #tpu.memory_space<vmem>>
    %dma_wait3A_340 = tpu.memref_squeeze %dma_wait3A_339 : memref<1x128xi32, #tpu.memory_space<vmem>> -> memref<128xi32, #tpu.memory_space<vmem>>
    %dma_wait3A_341 = arith.constant 0 : i32
    %dma_wait3A_342 = arith.constant 0 : i32
    %dma_wait3A_343 = tpu.memref_slice %arg12[%dma_wait3A_341, %dma_wait3A_342] : memref<10240x128xbf16, #tpu.memory_space<vmem_shared>> -> memref<10240x128xbf16, #tpu.memory_space<vmem_shared>>
    tpu.wait_indirect_dma semaphore(%arg18 : memref<!tpu.dma_semaphore, #tpu.memory_space<semaphore_mem>>) src(%dma_wait3A_337 : memref<128x128xbf16, #tpu.memory_space<vmem>>) dst(%dma_wait3A_343 : memref<10240x128xbf16, #tpu.memory_space<vmem_shared>>)
    %dma_wait3A_344 = arith.constant 2 : i32
    %dma_wait3A_345 = arith.constant 2 : i32
    %dma_wait3A_346 = arith.constant 0 : i32
    %dma_wait3A_347 = arith.constant 0 : i32
    %dma_wait3A_348 = tpu.memref_slice %arg10[%dma_wait3A_344, %dma_wait3A_346, %dma_wait3A_347] : memref<4x128x128xbf16, #tpu.memory_space<vmem>> -> memref<1x128x128xbf16, #tpu.memory_space<vmem>>
    %dma_wait3A_349 = tpu.memref_squeeze %dma_wait3A_348 : memref<1x128x128xbf16, #tpu.memory_space<vmem>> -> memref<128x128xbf16, #tpu.memory_space<vmem>>
    %dma_wait3A_350 = arith.constant 0 : i32
    %dma_wait3A_351 = tpu.memref_slice %arg9[%dma_wait3A_345, %dma_wait3A_350] : memref<4x128xi32, #tpu.memory_space<vmem>> -> memref<1x128xi32, #tpu.memory_space<vmem>>
    %dma_wait3A_352 = tpu.memref_squeeze %dma_wait3A_351 : memref<1x128xi32, #tpu.memory_space<vmem>> -> memref<128xi32, #tpu.memory_space<vmem>>
    %dma_wait3A_353 = arith.constant 0 : i32
    %dma_wait3A_354 = arith.constant 0 : i32
    %dma_wait3A_355 = tpu.memref_slice %arg12[%dma_wait3A_353, %dma_wait3A_354] : memref<10240x128xbf16, #tpu.memory_space<vmem_shared>> -> memref<10240x128xbf16, #tpu.memory_space<vmem_shared>>
    tpu.wait_indirect_dma semaphore(%arg19 : memref<!tpu.dma_semaphore, #tpu.memory_space<semaphore_mem>>) src(%dma_wait3A_349 : memref<128x128xbf16, #tpu.memory_space<vmem>>) dst(%dma_wait3A_355 : memref<10240x128xbf16, #tpu.memory_space<vmem_shared>>)
    %dma_wait3A_356 = arith.constant 3 : i32
    %dma_wait3A_357 = arith.constant 3 : i32
    %dma_wait3A_358 = arith.constant 0 : i32
    %dma_wait3A_359 = arith.constant 0 : i32
    %dma_wait3A_360 = tpu.memref_slice %arg10[%dma_wait3A_356, %dma_wait3A_358, %dma_wait3A_359] : memref<4x128x128xbf16, #tpu.memory_space<vmem>> -> memref<1x128x128xbf16, #tpu.memory_space<vmem>>
    %dma_wait3A_361 = tpu.memref_squeeze %dma_wait3A_360 : memref<1x128x128xbf16, #tpu.memory_space<vmem>> -> memref<128x128xbf16, #tpu.memory_space<vmem>>
    %dma_wait3A_362 = arith.constant 0 : i32
    %dma_wait3A_363 = tpu.memref_slice %arg9[%dma_wait3A_357, %dma_wait3A_362] : memref<4x128xi32, #tpu.memory_space<vmem>> -> memref<1x128xi32, #tpu.memory_space<vmem>>
    %dma_wait3A_364 = tpu.memref_squeeze %dma_wait3A_363 : memref<1x128xi32, #tpu.memory_space<vmem>> -> memref<128xi32, #tpu.memory_space<vmem>>
    %dma_wait3A_365 = arith.constant 0 : i32
    %dma_wait3A_366 = arith.constant 0 : i32
    %dma_wait3A_367 = tpu.memref_slice %arg12[%dma_wait3A_365, %dma_wait3A_366] : memref<10240x128xbf16, #tpu.memory_space<vmem_shared>> -> memref<10240x128xbf16, #tpu.memory_space<vmem_shared>>
    tpu.wait_indirect_dma semaphore(%arg20 : memref<!tpu.dma_semaphore, #tpu.memory_space<semaphore_mem>>) src(%dma_wait3A_361 : memref<128x128xbf16, #tpu.memory_space<vmem>>) dst(%dma_wait3A_367 : memref<10240x128xbf16, #tpu.memory_space<vmem_shared>>)
    %barrier3A_368 = arith.constant 0 : index
    tpu.barrier barrier_id(%barrier3A_368)
    %eq3A_369 = arith.constant 0 : i32
    %eq3A_370 = arith.cmpi eq, %arg0, %eq3A_369 : i32
    %convert_element_type3A_371 = arith.extui %eq3A_370 : i1 to i32
    %cond3A_372 = arith.constant 0 : i32
    %cond3A_373 = arith.cmpi ne, %convert_element_type3A_371, %cond3A_372 : i32
    scf.if %cond3A_373 {
      "tpu.region"() ({
        %run_scoped3A = tpu.sem_alloc : memref<!tpu.dma_semaphore, #tpu.memory_space<semaphore_mem>>
        %dma_start3A_379 = arith.constant 0 : i32
        %dma_start3A_380 = tpu.memref_slice %arg5[%mul3A_2, %dma_start3A_379] : memref<10240x128xbf16, #tpu.memory_space<hbm>> -> memref<640x128xbf16, #tpu.memory_space<hbm>>
        %dma_start3A_381 = arith.constant 0 : i32
        %dma_start3A_382 = tpu.memref_slice %arg12[%mul3A_2, %dma_start3A_381] : memref<10240x128xbf16, #tpu.memory_space<vmem_shared>> -> memref<640x128xbf16, #tpu.memory_space<vmem_shared>>
        tpu.enqueue_dma source(%dma_start3A_382 : memref<640x128xbf16, #tpu.memory_space<vmem_shared>>) target(%dma_start3A_380 : memref<640x128xbf16, #tpu.memory_space<hbm>>) target_semaphore(%run_scoped3A : memref<!tpu.dma_semaphore, #tpu.memory_space<semaphore_mem>>)
        %dma_wait3A_383 = arith.constant 0 : i32
        %dma_wait3A_384 = tpu.memref_slice %arg5[%mul3A_2, %dma_wait3A_383] : memref<10240x128xbf16, #tpu.memory_space<hbm>> -> memref<640x128xbf16, #tpu.memory_space<hbm>>
        %dma_wait3A_385 = arith.constant 0 : i32
        %dma_wait3A_386 = tpu.memref_slice %arg12[%mul3A_2, %dma_wait3A_385] : memref<10240x128xbf16, #tpu.memory_space<vmem_shared>> -> memref<640x128xbf16, #tpu.memory_space<vmem_shared>>
        tpu.wait_dma2 semaphore(%run_scoped3A : memref<!tpu.dma_semaphore, #tpu.memory_space<semaphore_mem>>) src(%dma_wait3A_386 : memref<640x128xbf16, #tpu.memory_space<vmem_shared>>) dst(%dma_wait3A_384 : memref<640x128xbf16, #tpu.memory_space<hbm>>)
        tpu.yield
      }) : () -> ()
    } else {
    }
    %eq3A_374 = arith.constant 1 : i32
    %eq3A_375 = arith.cmpi eq, %arg0, %eq3A_374 : i32
    %convert_element_type3A_376 = arith.extui %eq3A_375 : i1 to i32
    %cond3A_377 = arith.constant 0 : i32
    %cond3A_378 = arith.cmpi ne, %convert_element_type3A_376, %cond3A_377 : i32
    scf.if %cond3A_378 {
      "tpu.region"() ({
        %run_scoped3A = tpu.sem_alloc : memref<!tpu.dma_semaphore, #tpu.memory_space<semaphore_mem>>
        %dma_start3A_379 = arith.constant 0 : i32
        %dma_start3A_380 = tpu.memref_slice %arg6[%mul3A_2, %dma_start3A_379] : memref<10240x128xbf16, #tpu.memory_space<hbm>> -> memref<640x128xbf16, #tpu.memory_space<hbm>>
        %dma_start3A_381 = arith.constant 0 : i32
        %dma_start3A_382 = tpu.memref_slice %arg12[%mul3A_2, %dma_start3A_381] : memref<10240x128xbf16, #tpu.memory_space<vmem_shared>> -> memref<640x128xbf16, #tpu.memory_space<vmem_shared>>
        tpu.enqueue_dma source(%dma_start3A_382 : memref<640x128xbf16, #tpu.memory_space<vmem_shared>>) target(%dma_start3A_380 : memref<640x128xbf16, #tpu.memory_space<hbm>>) target_semaphore(%run_scoped3A : memref<!tpu.dma_semaphore, #tpu.memory_space<semaphore_mem>>)
        %dma_wait3A_383 = arith.constant 0 : i32
        %dma_wait3A_384 = tpu.memref_slice %arg6[%mul3A_2, %dma_wait3A_383] : memref<10240x128xbf16, #tpu.memory_space<hbm>> -> memref<640x128xbf16, #tpu.memory_space<hbm>>
        %dma_wait3A_385 = arith.constant 0 : i32
        %dma_wait3A_386 = tpu.memref_slice %arg12[%mul3A_2, %dma_wait3A_385] : memref<10240x128xbf16, #tpu.memory_space<vmem_shared>> -> memref<640x128xbf16, #tpu.memory_space<vmem_shared>>
        tpu.wait_dma2 semaphore(%run_scoped3A : memref<!tpu.dma_semaphore, #tpu.memory_space<semaphore_mem>>) src(%dma_wait3A_386 : memref<640x128xbf16, #tpu.memory_space<vmem_shared>>) dst(%dma_wait3A_384 : memref<640x128xbf16, #tpu.memory_space<hbm>>)
        tpu.yield
      }) : () -> ()
    } else {
    }
    return
  }
}

#map = affine_map<(d0, d1) -> (0, 0)>
module attributes {stable_mosaic.version = 14 : i64} {
  func.func @_agg_body(%arg0: i32, %arg1: i32, %arg2: memref<10240x128xbf16, #tpu.memory_space<hbm>>, %arg3: memref<10240x128xbf16, #tpu.memory_space<hbm>>, %arg4: memref<1280x128xi32, #tpu.memory_space<hbm>>, %arg5: memref<10240x128xbf16, #tpu.memory_space<hbm>>, %arg6: memref<10240x128xbf16, #tpu.memory_space<hbm>>, %arg7: memref<80x128xi32, #tpu.memory_space<vmem>>, %arg8: memref<4x128xi32, #tpu.memory_space<vmem>>, %arg9: memref<4x128xi32, #tpu.memory_space<vmem>>, %arg10: memref<4x128x128xbf16, #tpu.memory_space<vmem>>, %arg11: memref<10240x128xbf16, #tpu.memory_space<vmem_shared>>, %arg12: memref<10240x128xbf16, #tpu.memory_space<vmem_shared>>, %arg13: memref<!tpu.dma_semaphore, #tpu.memory_space<semaphore_mem>>, %arg14: memref<!tpu.dma_semaphore, #tpu.memory_space<semaphore_mem>>, %arg15: memref<!tpu.dma_semaphore, #tpu.memory_space<semaphore_mem>>, %arg16: memref<!tpu.dma_semaphore, #tpu.memory_space<semaphore_mem>>, %arg17: memref<!tpu.dma_semaphore, #tpu.memory_space<semaphore_mem>>, %arg18: memref<!tpu.dma_semaphore, #tpu.memory_space<semaphore_mem>>, %arg19: memref<!tpu.dma_semaphore, #tpu.memory_space<semaphore_mem>>, %arg20: memref<!tpu.dma_semaphore, #tpu.memory_space<semaphore_mem>>) attributes {dimension_semantics = [#tpu.dimension_semantics<core_parallel>, #tpu.dimension_semantics<subcore_parallel>], iteration_bounds = array<i64: 2, 16>, scalar_prefetch = 0 : i64, scratch_operands = 14 : i64, tpu.core_type = #tpu.core_type<sc_vector_subcore>, window_params = [{transform_indices = #map}, {transform_indices = #map}, {transform_indices = #map}, {transform_indices = #map}, {transform_indices = #map}]} {
    %mul3A = arith.constant 80 : i32
    %mul3A_0 = arith.muli %arg1, %mul3A : i32
    "tpu.region"() ({
      %run_scoped3A = tpu.sem_alloc : memref<!tpu.dma_semaphore, #tpu.memory_space<semaphore_mem>>
      %dma_start3A_379 = arith.constant 0 : i32
      %dma_start3A_380 = tpu.memref_slice %arg4[%mul3A_0, %dma_start3A_379] : memref<1280x128xi32, #tpu.memory_space<hbm>> -> memref<80x128xi32, #tpu.memory_space<hbm>>
      %dma_start3A_381 = arith.constant 0 : i32
      %dma_start3A_382 = tpu.memref_slice %arg4[%mul3A_0, %dma_start3A_381] : memref<1280x128xi32, #tpu.memory_space<hbm>> -> memref<80x128xi32, #tpu.memory_space<hbm>>
      tpu.enqueue_dma source(%dma_start3A_382 : memref<80x128xi32, #tpu.memory_space<hbm>>) target(%arg7 : memref<80x128xi32, #tpu.memory_space<vmem>>) target_semaphore(%run_scoped3A : memref<!tpu.dma_semaphore, #tpu.memory_space<semaphore_mem>>)
      %dma_wait3A_383 = arith.constant 0 : i32
      %dma_wait3A_384 = tpu.memref_slice %arg4[%mul3A_0, %dma_wait3A_383] : memref<1280x128xi32, #tpu.memory_space<hbm>> -> memref<80x128xi32, #tpu.memory_space<hbm>>
      %dma_wait3A_385 = arith.constant 0 : i32
      %dma_wait3A_386 = tpu.memref_slice %arg4[%mul3A_0, %dma_wait3A_385] : memref<1280x128xi32, #tpu.memory_space<hbm>> -> memref<80x128xi32, #tpu.memory_space<hbm>>
      tpu.wait_dma2 semaphore(%run_scoped3A : memref<!tpu.dma_semaphore, #tpu.memory_space<semaphore_mem>>) src(%dma_wait3A_386 : memref<80x128xi32, #tpu.memory_space<hbm>>) dst(%arg7 : memref<80x128xi32, #tpu.memory_space<vmem>>)
      tpu.yield
    }) : () -> ()
    %mul3A_1 = arith.constant 640 : i32
    %mul3A_2 = arith.muli %arg1, %mul3A_1 : i32
    %eq3A = arith.constant 0 : i32
    %eq3A_3 = arith.cmpi eq, %arg0, %eq3A : i32
    %convert_element_type3A = arith.extui %eq3A_3 : i1 to i32
    %cond3A = arith.constant 0 : i32
    %cond3A_4 = arith.cmpi ne, %convert_element_type3A, %cond3A : i32
    scf.if %cond3A_4 {
      "tpu.region"() ({
        %run_scoped3A = tpu.sem_alloc : memref<!tpu.dma_semaphore, #tpu.memory_space<semaphore_mem>>
        %dma_start3A_379 = arith.constant 0 : i32
        %dma_start3A_380 = tpu.memref_slice %arg11[%mul3A_2, %dma_start3A_379] : memref<10240x128xbf16, #tpu.memory_space<vmem_shared>> -> memref<640x128xbf16, #tpu.memory_space<vmem_shared>>
        %dma_start3A_381 = arith.constant 0 : i32
        %dma_start3A_382 = tpu.memref_slice %arg2[%mul3A_2, %dma_start3A_381] : memref<10240x128xbf16, #tpu.memory_space<hbm>> -> memref<640x128xbf16, #tpu.memory_space<hbm>>
        tpu.enqueue_dma source(%dma_start3A_382 : memref<640x128xbf16, #tpu.memory_space<hbm>>) target(%dma_start3A_380 : memref<640x128xbf16, #tpu.memory_space<vmem_shared>>) target_semaphore(%run_scoped3A : memref<!tpu.dma_semaphore, #tpu.memory_space<semaphore_mem>>)
        %dma_wait3A_383 = arith.constant 0 : i32
        %dma_wait3A_384 = tpu.memref_slice %arg11[%mul3A_2, %dma_wait3A_383] : memref<10240x128xbf16, #tpu.memory_space<vmem_shared>> -> memref<640x128xbf16, #tpu.memory_space<vmem_shared>>
        %dma_wait3A_385 = arith.constant 0 : i32
        %dma_wait3A_386 = tpu.memref_slice %arg2[%mul3A_2, %dma_wait3A_385] : memref<10240x128xbf16, #tpu.memory_space<hbm>> -> memref<640x128xbf16, #tpu.memory_space<hbm>>
        tpu.wait_dma2 semaphore(%run_scoped3A : memref<!tpu.dma_semaphore, #tpu.memory_space<semaphore_mem>>) src(%dma_wait3A_386 : memref<640x128xbf16, #tpu.memory_space<hbm>>) dst(%dma_wait3A_384 : memref<640x128xbf16, #tpu.memory_space<vmem_shared>>)
        tpu.yield
      }) : () -> ()
      "tpu.region"() ({
        %run_scoped3A = tpu.sem_alloc : memref<!tpu.dma_semaphore, #tpu.memory_space<semaphore_mem>>
        %dma_start3A_379 = arith.constant 0 : i32
        %dma_start3A_380 = tpu.memref_slice %arg12[%mul3A_2, %dma_start3A_379] : memref<10240x128xbf16, #tpu.memory_space<vmem_shared>> -> memref<640x128xbf16, #tpu.memory_space<vmem_shared>>
        %dma_start3A_381 = arith.constant 0 : i32
        %dma_start3A_382 = tpu.memref_slice %arg2[%mul3A_2, %dma_start3A_381] : memref<10240x128xbf16, #tpu.memory_space<hbm>> -> memref<640x128xbf16, #tpu.memory_space<hbm>>
        tpu.enqueue_dma source(%dma_start3A_382 : memref<640x128xbf16, #tpu.memory_space<hbm>>) target(%dma_start3A_380 : memref<640x128xbf16, #tpu.memory_space<vmem_shared>>) target_semaphore(%run_scoped3A : memref<!tpu.dma_semaphore, #tpu.memory_space<semaphore_mem>>)
        %dma_wait3A_383 = arith.constant 0 : i32
        %dma_wait3A_384 = tpu.memref_slice %arg12[%mul3A_2, %dma_wait3A_383] : memref<10240x128xbf16, #tpu.memory_space<vmem_shared>> -> memref<640x128xbf16, #tpu.memory_space<vmem_shared>>
        %dma_wait3A_385 = arith.constant 0 : i32
        %dma_wait3A_386 = tpu.memref_slice %arg2[%mul3A_2, %dma_wait3A_385] : memref<10240x128xbf16, #tpu.memory_space<hbm>> -> memref<640x128xbf16, #tpu.memory_space<hbm>>
        tpu.wait_dma2 semaphore(%run_scoped3A : memref<!tpu.dma_semaphore, #tpu.memory_space<semaphore_mem>>) src(%dma_wait3A_386 : memref<640x128xbf16, #tpu.memory_space<hbm>>) dst(%dma_wait3A_384 : memref<640x128xbf16, #tpu.memory_space<vmem_shared>>)
        tpu.yield
      }) : () -> ()
    } else {
    }
    %eq3A_5 = arith.constant 1 : i32
    %eq3A_6 = arith.cmpi eq, %arg0, %eq3A_5 : i32
    %convert_element_type3A_7 = arith.extui %eq3A_6 : i1 to i32
    %cond3A_8 = arith.constant 0 : i32
    %cond3A_9 = arith.cmpi ne, %convert_element_type3A_7, %cond3A_8 : i32
    scf.if %cond3A_9 {
      "tpu.region"() ({
        %run_scoped3A = tpu.sem_alloc : memref<!tpu.dma_semaphore, #tpu.memory_space<semaphore_mem>>
        %dma_start3A_379 = arith.constant 0 : i32
        %dma_start3A_380 = tpu.memref_slice %arg11[%mul3A_2, %dma_start3A_379] : memref<10240x128xbf16, #tpu.memory_space<vmem_shared>> -> memref<640x128xbf16, #tpu.memory_space<vmem_shared>>
        %dma_start3A_381 = arith.constant 0 : i32
        %dma_start3A_382 = tpu.memref_slice %arg3[%mul3A_2, %dma_start3A_381] : memref<10240x128xbf16, #tpu.memory_space<hbm>> -> memref<640x128xbf16, #tpu.memory_space<hbm>>
        tpu.enqueue_dma source(%dma_start3A_382 : memref<640x128xbf16, #tpu.memory_space<hbm>>) target(%dma_start3A_380 : memref<640x128xbf16, #tpu.memory_space<vmem_shared>>) target_semaphore(%run_scoped3A : memref<!tpu.dma_semaphore, #tpu.memory_space<semaphore_mem>>)
        %dma_wait3A_383 = arith.constant 0 : i32
        %dma_wait3A_384 = tpu.memref_slice %arg11[%mul3A_2, %dma_wait3A_383] : memref<10240x128xbf16, #tpu.memory_space<vmem_shared>> -> memref<640x128xbf16, #tpu.memory_space<vmem_shared>>
        %dma_wait3A_385 = arith.constant 0 : i32
        %dma_wait3A_386 = tpu.memref_slice %arg3[%mul3A_2, %dma_wait3A_385] : memref<10240x128xbf16, #tpu.memory_space<hbm>> -> memref<640x128xbf16, #tpu.memory_space<hbm>>
        tpu.wait_dma2 semaphore(%run_scoped3A : memref<!tpu.dma_semaphore, #tpu.memory_space<semaphore_mem>>) src(%dma_wait3A_386 : memref<640x128xbf16, #tpu.memory_space<hbm>>) dst(%dma_wait3A_384 : memref<640x128xbf16, #tpu.memory_space<vmem_shared>>)
        tpu.yield
      }) : () -> ()
      "tpu.region"() ({
        %run_scoped3A = tpu.sem_alloc : memref<!tpu.dma_semaphore, #tpu.memory_space<semaphore_mem>>
        %dma_start3A_379 = arith.constant 0 : i32
        %dma_start3A_380 = tpu.memref_slice %arg12[%mul3A_2, %dma_start3A_379] : memref<10240x128xbf16, #tpu.memory_space<vmem_shared>> -> memref<640x128xbf16, #tpu.memory_space<vmem_shared>>
        %dma_start3A_381 = arith.constant 0 : i32
        %dma_start3A_382 = tpu.memref_slice %arg3[%mul3A_2, %dma_start3A_381] : memref<10240x128xbf16, #tpu.memory_space<hbm>> -> memref<640x128xbf16, #tpu.memory_space<hbm>>
        tpu.enqueue_dma source(%dma_start3A_382 : memref<640x128xbf16, #tpu.memory_space<hbm>>) target(%dma_start3A_380 : memref<640x128xbf16, #tpu.memory_space<vmem_shared>>) target_semaphore(%run_scoped3A : memref<!tpu.dma_semaphore, #tpu.memory_space<semaphore_mem>>)
        %dma_wait3A_383 = arith.constant 0 : i32
        %dma_wait3A_384 = tpu.memref_slice %arg12[%mul3A_2, %dma_wait3A_383] : memref<10240x128xbf16, #tpu.memory_space<vmem_shared>> -> memref<640x128xbf16, #tpu.memory_space<vmem_shared>>
        %dma_wait3A_385 = arith.constant 0 : i32
        %dma_wait3A_386 = tpu.memref_slice %arg3[%mul3A_2, %dma_wait3A_385] : memref<10240x128xbf16, #tpu.memory_space<hbm>> -> memref<640x128xbf16, #tpu.memory_space<hbm>>
        tpu.wait_dma2 semaphore(%run_scoped3A : memref<!tpu.dma_semaphore, #tpu.memory_space<semaphore_mem>>) src(%dma_wait3A_386 : memref<640x128xbf16, #tpu.memory_space<hbm>>) dst(%dma_wait3A_384 : memref<640x128xbf16, #tpu.memory_space<vmem_shared>>)
        tpu.yield
      }) : () -> ()
    } else {
    }
    %barrier3A = arith.constant 0 : index
    tpu.barrier barrier_id(%barrier3A)
    %get3A = arith.constant 0 : i32
    %get3A_10 = arith.index_cast %get3A : i32 to index
    %get3A_11 = arith.constant 0 : index
    %get3A_12 = tpu.vector_load %arg7[%get3A_10, %get3A_11] {strides = array<i32>} : memref<80x128xi32, #tpu.memory_space<vmem>>, vector<16xi32>,
    %shift_right_logical3A = arith.constant 14 : i32
    %shift_right_logical3A_13 = vector.broadcast %shift_right_logical3A : i32 to vector<16xi32>
    %shift_right_logical3A_14 = arith.shrui %get3A_12, %shift_right_logical3A_13 : vector<16xi32>
    %swap3A = arith.constant 0 : i32
    %swap3A_15 = arith.index_cast %swap3A : i32 to index
    %swap3A_16 = arith.constant 0 : index
    %swap3A_17 = tpu.vector_load %arg8[%swap3A_15, %swap3A_16] {strides = array<i32>} : memref<4x128xi32, #tpu.memory_space<vmem>>, vector<16xi32>,
    tpu.vector_store %arg8[%swap3A_15, %swap3A_16], %shift_right_logical3A_14 {strides = array<i32>} : memref<4x128xi32, #tpu.memory_space<vmem>>, vector<16xi32>,
    %and3A = arith.constant 16383 : i32
    %and3A_18 = vector.broadcast %and3A : i32 to vector<16xi32>
    %and3A_19 = arith.andi %get3A_12, %and3A_18 : vector<16xi32>
    %swap3A_20 = arith.constant 0 : i32
    %swap3A_21 = arith.index_cast %swap3A_20 : i32 to index
    %swap3A_22 = arith.constant 0 : index
    %swap3A_23 = tpu.vector_load %arg9[%swap3A_21, %swap3A_22] {strides = array<i32>} : memref<4x128xi32, #tpu.memory_space<vmem>>, vector<16xi32>,
    tpu.vector_store %arg9[%swap3A_21, %swap3A_22], %and3A_19 {strides = array<i32>} : memref<4x128xi32, #tpu.memory_space<vmem>>, vector<16xi32>,
    %get3A_24 = arith.constant 0 : i32
    %get3A_25 = arith.index_cast %get3A_24 : i32 to index
    %get3A_26 = arith.constant 16 : index
    %get3A_27 = tpu.vector_load %arg7[%get3A_25, %get3A_26] {strides = array<i32>} : memref<80x128xi32, #tpu.memory_space<vmem>>, vector<16xi32>,
    %shift_right_logical3A_28 = arith.constant 14 : i32
    %shift_right_logical3A_29 = vector.broadcast %shift_right_logical3A_28 : i32 to vector<16xi32>
    %shift_right_logical3A_30 = arith.shrui %get3A_27, %shift_right_logical3A_29 : vector<16xi32>
    %swap3A_31 = arith.constant 0 : i32
    %swap3A_32 = arith.index_cast %swap3A_31 : i32 to index
    %swap3A_33 = arith.constant 16 : index
    %swap3A_34 = tpu.vector_load %arg8[%swap3A_32, %swap3A_33] {strides = array<i32>} : memref<4x128xi32, #tpu.memory_space<vmem>>, vector<16xi32>,
    tpu.vector_store %arg8[%swap3A_32, %swap3A_33], %shift_right_logical3A_30 {strides = array<i32>} : memref<4x128xi32, #tpu.memory_space<vmem>>, vector<16xi32>,
    %and3A_35 = arith.constant 16383 : i32
    %and3A_36 = vector.broadcast %and3A_35 : i32 to vector<16xi32>
    %and3A_37 = arith.andi %get3A_27, %and3A_36 : vector<16xi32>
    %swap3A_38 = arith.constant 0 : i32
    %swap3A_39 = arith.index_cast %swap3A_38 : i32 to index
    %swap3A_40 = arith.constant 16 : index
    %swap3A_41 = tpu.vector_load %arg9[%swap3A_39, %swap3A_40] {strides = array<i32>} : memref<4x128xi32, #tpu.memory_space<vmem>>, vector<16xi32>,
    tpu.vector_store %arg9[%swap3A_39, %swap3A_40], %and3A_37 {strides = array<i32>} : memref<4x128xi32, #tpu.memory_space<vmem>>, vector<16xi32>,
    %get3A_42 = arith.constant 0 : i32
    %get3A_43 = arith.index_cast %get3A_42 : i32 to index
    %get3A_44 = arith.constant 32 : index
    %get3A_45 = tpu.vector_load %arg7[%get3A_43, %get3A_44] {strides = array<i32>} : memref<80x128xi32, #tpu.memory_space<vmem>>, vector<16xi32>,
    %shift_right_logical3A_46 = arith.constant 14 : i32
    %shift_right_logical3A_47 = vector.broadcast %shift_right_logical3A_46 : i32 to vector<16xi32>
    %shift_right_logical3A_48 = arith.shrui %get3A_45, %shift_right_logical3A_47 : vector<16xi32>
    %swap3A_49 = arith.constant 0 : i32
    %swap3A_50 = arith.index_cast %swap3A_49 : i32 to index
    %swap3A_51 = arith.constant 32 : index
    %swap3A_52 = tpu.vector_load %arg8[%swap3A_50, %swap3A_51] {strides = array<i32>} : memref<4x128xi32, #tpu.memory_space<vmem>>, vector<16xi32>,
    tpu.vector_store %arg8[%swap3A_50, %swap3A_51], %shift_right_logical3A_48 {strides = array<i32>} : memref<4x128xi32, #tpu.memory_space<vmem>>, vector<16xi32>,
    %and3A_53 = arith.constant 16383 : i32
    %and3A_54 = vector.broadcast %and3A_53 : i32 to vector<16xi32>
    %and3A_55 = arith.andi %get3A_45, %and3A_54 : vector<16xi32>
    %swap3A_56 = arith.constant 0 : i32
    %swap3A_57 = arith.index_cast %swap3A_56 : i32 to index
    %swap3A_58 = arith.constant 32 : index
    %swap3A_59 = tpu.vector_load %arg9[%swap3A_57, %swap3A_58] {strides = array<i32>} : memref<4x128xi32, #tpu.memory_space<vmem>>, vector<16xi32>,
    tpu.vector_store %arg9[%swap3A_57, %swap3A_58], %and3A_55 {strides = array<i32>} : memref<4x128xi32, #tpu.memory_space<vmem>>, vector<16xi32>,
    %get3A_60 = arith.constant 0 : i32
    %get3A_61 = arith.index_cast %get3A_60 : i32 to index
    %get3A_62 = arith.constant 48 : index
    %get3A_63 = tpu.vector_load %arg7[%get3A_61, %get3A_62] {strides = array<i32>} : memref<80x128xi32, #tpu.memory_space<vmem>>, vector<16xi32>,
    %shift_right_logical3A_64 = arith.constant 14 : i32
    %shift_right_logical3A_65 = vector.broadcast %shift_right_logical3A_64 : i32 to vector<16xi32>
    %shift_right_logical3A_66 = arith.shrui %get3A_63, %shift_right_logical3A_65 : vector<16xi32>
    %swap3A_67 = arith.constant 0 : i32
    %swap3A_68 = arith.index_cast %swap3A_67 : i32 to index
    %swap3A_69 = arith.constant 48 : index
    %swap3A_70 = tpu.vector_load %arg8[%swap3A_68, %swap3A_69] {strides = array<i32>} : memref<4x128xi32, #tpu.memory_space<vmem>>, vector<16xi32>,
    tpu.vector_store %arg8[%swap3A_68, %swap3A_69], %shift_right_logical3A_66 {strides = array<i32>} : memref<4x128xi32, #tpu.memory_space<vmem>>, vector<16xi32>,
    %and3A_71 = arith.constant 16383 : i32
    %and3A_72 = vector.broadcast %and3A_71 : i32 to vector<16xi32>
    %and3A_73 = arith.andi %get3A_63, %and3A_72 : vector<16xi32>
    %swap3A_74 = arith.constant 0 : i32
    %swap3A_75 = arith.index_cast %swap3A_74 : i32 to index
    %swap3A_76 = arith.constant 48 : index
    %swap3A_77 = tpu.vector_load %arg9[%swap3A_75, %swap3A_76] {strides = array<i32>} : memref<4x128xi32, #tpu.memory_space<vmem>>, vector<16xi32>,
    tpu.vector_store %arg9[%swap3A_75, %swap3A_76], %and3A_73 {strides = array<i32>} : memref<4x128xi32, #tpu.memory_space<vmem>>, vector<16xi32>,
    %get3A_78 = arith.constant 0 : i32
    %get3A_79 = arith.index_cast %get3A_78 : i32 to index
    %get3A_80 = arith.constant 64 : index
    %get3A_81 = tpu.vector_load %arg7[%get3A_79, %get3A_80] {strides = array<i32>} : memref<80x128xi32, #tpu.memory_space<vmem>>, vector<16xi32>,
    %shift_right_logical3A_82 = arith.constant 14 : i32
    %shift_right_logical3A_83 = vector.broadcast %shift_right_logical3A_82 : i32 to vector<16xi32>
    %shift_right_logical3A_84 = arith.shrui %get3A_81, %shift_right_logical3A_83 : vector<16xi32>
    %swap3A_85 = arith.constant 0 : i32
    %swap3A_86 = arith.index_cast %swap3A_85 : i32 to index
    %swap3A_87 = arith.constant 64 : index
    %swap3A_88 = tpu.vector_load %arg8[%swap3A_86, %swap3A_87] {strides = array<i32>} : memref<4x128xi32, #tpu.memory_space<vmem>>, vector<16xi32>,
    tpu.vector_store %arg8[%swap3A_86, %swap3A_87], %shift_right_logical3A_84 {strides = array<i32>} : memref<4x128xi32, #tpu.memory_space<vmem>>, vector<16xi32>,
    %and3A_89 = arith.constant 16383 : i32
    %and3A_90 = vector.broadcast %and3A_89 : i32 to vector<16xi32>
    %and3A_91 = arith.andi %get3A_81, %and3A_90 : vector<16xi32>
    %swap3A_92 = arith.constant 0 : i32
    %swap3A_93 = arith.index_cast %swap3A_92 : i32 to index
    %swap3A_94 = arith.constant 64 : index
    %swap3A_95 = tpu.vector_load %arg9[%swap3A_93, %swap3A_94] {strides = array<i32>} : memref<4x128xi32, #tpu.memory_space<vmem>>, vector<16xi32>,
    tpu.vector_store %arg9[%swap3A_93, %swap3A_94], %and3A_91 {strides = array<i32>} : memref<4x128xi32, #tpu.memory_space<vmem>>, vector<16xi32>,
    %get3A_96 = arith.constant 0 : i32
    %get3A_97 = arith.index_cast %get3A_96 : i32 to index
    %get3A_98 = arith.constant 80 : index
    %get3A_99 = tpu.vector_load %arg7[%get3A_97, %get3A_98] {strides = array<i32>} : memref<80x128xi32, #tpu.memory_space<vmem>>, vector<16xi32>,
    %shift_right_logical3A_100 = arith.constant 14 : i32
    %shift_right_logical3A_101 = vector.broadcast %shift_right_logical3A_100 : i32 to vector<16xi32>
    %shift_right_logical3A_102 = arith.shrui %get3A_99, %shift_right_logical3A_101 : vector<16xi32>
    %swap3A_103 = arith.constant 0 : i32
    %swap3A_104 = arith.index_cast %swap3A_103 : i32 to index
    %swap3A_105 = arith.constant 80 : index
    %swap3A_106 = tpu.vector_load %arg8[%swap3A_104, %swap3A_105] {strides = array<i32>} : memref<4x128xi32, #tpu.memory_space<vmem>>, vector<16xi32>,
    tpu.vector_store %arg8[%swap3A_104, %swap3A_105], %shift_right_logical3A_102 {strides = array<i32>} : memref<4x128xi32, #tpu.memory_space<vmem>>, vector<16xi32>,
    %and3A_107 = arith.constant 16383 : i32
    %and3A_108 = vector.broadcast %and3A_107 : i32 to vector<16xi32>
    %and3A_109 = arith.andi %get3A_99, %and3A_108 : vector<16xi32>
    %swap3A_110 = arith.constant 0 : i32
    %swap3A_111 = arith.index_cast %swap3A_110 : i32 to index
    %swap3A_112 = arith.constant 80 : index
    %swap3A_113 = tpu.vector_load %arg9[%swap3A_111, %swap3A_112] {strides = array<i32>} : memref<4x128xi32, #tpu.memory_space<vmem>>, vector<16xi32>,
    tpu.vector_store %arg9[%swap3A_111, %swap3A_112], %and3A_109 {strides = array<i32>} : memref<4x128xi32, #tpu.memory_space<vmem>>, vector<16xi32>,
    %get3A_114 = arith.constant 0 : i32
    %get3A_115 = arith.index_cast %get3A_114 : i32 to index
    %get3A_116 = arith.constant 96 : index
    %get3A_117 = tpu.vector_load %arg7[%get3A_115, %get3A_116] {strides = array<i32>} : memref<80x128xi32, #tpu.memory_space<vmem>>, vector<16xi32>,
    %shift_right_logical3A_118 = arith.constant 14 : i32
    %shift_right_logical3A_119 = vector.broadcast %shift_right_logical3A_118 : i32 to vector<16xi32>
    %shift_right_logical3A_120 = arith.shrui %get3A_117, %shift_right_logical3A_119 : vector<16xi32>
    %swap3A_121 = arith.constant 0 : i32
    %swap3A_122 = arith.index_cast %swap3A_121 : i32 to index
    %swap3A_123 = arith.constant 96 : index
    %swap3A_124 = tpu.vector_load %arg8[%swap3A_122, %swap3A_123] {strides = array<i32>} : memref<4x128xi32, #tpu.memory_space<vmem>>, vector<16xi32>,
    tpu.vector_store %arg8[%swap3A_122, %swap3A_123], %shift_right_logical3A_120 {strides = array<i32>} : memref<4x128xi32, #tpu.memory_space<vmem>>, vector<16xi32>,
    %and3A_125 = arith.constant 16383 : i32
    %and3A_126 = vector.broadcast %and3A_125 : i32 to vector<16xi32>
    %and3A_127 = arith.andi %get3A_117, %and3A_126 : vector<16xi32>
    %swap3A_128 = arith.constant 0 : i32
    %swap3A_129 = arith.index_cast %swap3A_128 : i32 to index
    %swap3A_130 = arith.constant 96 : index
    %swap3A_131 = tpu.vector_load %arg9[%swap3A_129, %swap3A_130] {strides = array<i32>} : memref<4x128xi32, #tpu.memory_space<vmem>>, vector<16xi32>,
    tpu.vector_store %arg9[%swap3A_129, %swap3A_130], %and3A_127 {strides = array<i32>} : memref<4x128xi32, #tpu.memory_space<vmem>>, vector<16xi32>,
    %get3A_132 = arith.constant 0 : i32
    %get3A_133 = arith.index_cast %get3A_132 : i32 to index
    %get3A_134 = arith.constant 112 : index
    %get3A_135 = tpu.vector_load %arg7[%get3A_133, %get3A_134] {strides = array<i32>} : memref<80x128xi32, #tpu.memory_space<vmem>>, vector<16xi32>,
    %shift_right_logical3A_136 = arith.constant 14 : i32
    %shift_right_logical3A_137 = vector.broadcast %shift_right_logical3A_136 : i32 to vector<16xi32>
    %shift_right_logical3A_138 = arith.shrui %get3A_135, %shift_right_logical3A_137 : vector<16xi32>
    %swap3A_139 = arith.constant 0 : i32
    %swap3A_140 = arith.index_cast %swap3A_139 : i32 to index
    %swap3A_141 = arith.constant 112 : index
    %swap3A_142 = tpu.vector_load %arg8[%swap3A_140, %swap3A_141] {strides = array<i32>} : memref<4x128xi32, #tpu.memory_space<vmem>>, vector<16xi32>,
    tpu.vector_store %arg8[%swap3A_140, %swap3A_141], %shift_right_logical3A_138 {strides = array<i32>} : memref<4x128xi32, #tpu.memory_space<vmem>>, vector<16xi32>,
    %and3A_143 = arith.constant 16383 : i32
    %and3A_144 = vector.broadcast %and3A_143 : i32 to vector<16xi32>
    %and3A_145 = arith.andi %get3A_135, %and3A_144 : vector<16xi32>
    %swap3A_146 = arith.constant 0 : i32
    %swap3A_147 = arith.index_cast %swap3A_146 : i32 to index
    %swap3A_148 = arith.constant 112 : index
    %swap3A_149 = tpu.vector_load %arg9[%swap3A_147, %swap3A_148] {strides = array<i32>} : memref<4x128xi32, #tpu.memory_space<vmem>>, vector<16xi32>,
    tpu.vector_store %arg9[%swap3A_147, %swap3A_148], %and3A_145 {strides = array<i32>} : memref<4x128xi32, #tpu.memory_space<vmem>>, vector<16xi32>,
    %dma_start3A = arith.constant 0 : i32
    %dma_start3A_150 = arith.constant 0 : i32
    %dma_start3A_151 = arith.constant 0 : i32
    %dma_start3A_152 = arith.constant 0 : i32
    %dma_start3A_153 = tpu.memref_slice %arg10[%dma_start3A_150, %dma_start3A_151, %dma_start3A_152] : memref<4x128x128xbf16, #tpu.memory_space<vmem>> -> memref<1x128x128xbf16, #tpu.memory_space<vmem>>
    %dma_start3A_154 = tpu.memref_squeeze %dma_start3A_153 : memref<1x128x128xbf16, #tpu.memory_space<vmem>> -> memref<128x128xbf16, #tpu.memory_space<vmem>>
    %dma_start3A_155 = arith.constant 0 : i32
    %dma_start3A_156 = tpu.memref_slice %arg8[%dma_start3A, %dma_start3A_155] : memref<4x128xi32, #tpu.memory_space<vmem>> -> memref<1x128xi32, #tpu.memory_space<vmem>>
    %dma_start3A_157 = tpu.memref_squeeze %dma_start3A_156 : memref<1x128xi32, #tpu.memory_space<vmem>> -> memref<128xi32, #tpu.memory_space<vmem>>
    %dma_start3A_158 = arith.constant 0 : i32
    %dma_start3A_159 = arith.constant 0 : i32
    %dma_start3A_160 = tpu.memref_slice %arg11[%dma_start3A_158, %dma_start3A_159] : memref<10240x128xbf16, #tpu.memory_space<vmem_shared>> -> memref<10240x128xbf16, #tpu.memory_space<vmem_shared>>
    tpu.enqueue_indirect_dma source(%dma_start3A_160 : memref<10240x128xbf16, #tpu.memory_space<vmem_shared>>) target(%dma_start3A_154 : memref<128x128xbf16, #tpu.memory_space<vmem>>) offsets(%dma_start3A_157 : memref<128xi32, #tpu.memory_space<vmem>>) semaphore(%arg13 : memref<!tpu.dma_semaphore, #tpu.memory_space<semaphore_mem>>)
    %get3A_161 = arith.constant 1 : i32
    %get3A_162 = arith.index_cast %get3A_161 : i32 to index
    %get3A_163 = arith.constant 0 : index
    %get3A_164 = tpu.vector_load %arg7[%get3A_162, %get3A_163] {strides = array<i32>} : memref<80x128xi32, #tpu.memory_space<vmem>>, vector<16xi32>,
    %shift_right_logical3A_165 = arith.constant 14 : i32
    %shift_right_logical3A_166 = vector.broadcast %shift_right_logical3A_165 : i32 to vector<16xi32>
    %shift_right_logical3A_167 = arith.shrui %get3A_164, %shift_right_logical3A_166 : vector<16xi32>
    %swap3A_168 = arith.constant 1 : i32
    %swap3A_169 = arith.index_cast %swap3A_168 : i32 to index
    %swap3A_170 = arith.constant 0 : index
    %swap3A_171 = tpu.vector_load %arg8[%swap3A_169, %swap3A_170] {strides = array<i32>} : memref<4x128xi32, #tpu.memory_space<vmem>>, vector<16xi32>,
    tpu.vector_store %arg8[%swap3A_169, %swap3A_170], %shift_right_logical3A_167 {strides = array<i32>} : memref<4x128xi32, #tpu.memory_space<vmem>>, vector<16xi32>,
    %and3A_172 = arith.constant 16383 : i32
    %and3A_173 = vector.broadcast %and3A_172 : i32 to vector<16xi32>
    %and3A_174 = arith.andi %get3A_164, %and3A_173 : vector<16xi32>
    %swap3A_175 = arith.constant 1 : i32
    %swap3A_176 = arith.index_cast %swap3A_175 : i32 to index
    %swap3A_177 = arith.constant 0 : index
    %swap3A_178 = tpu.vector_load %arg9[%swap3A_176, %swap3A_177] {strides = array<i32>} : memref<4x128xi32, #tpu.memory_space<vmem>>, vector<16xi32>,
    tpu.vector_store %arg9[%swap3A_176, %swap3A_177], %and3A_174 {strides = array<i32>} : memref<4x128xi32, #tpu.memory_space<vmem>>, vector<16xi32>,
    %get3A_179 = arith.constant 1 : i32
    %get3A_180 = arith.index_cast %get3A_179 : i32 to index
    %get3A_181 = arith.constant 16 : index
    %get3A_182 = tpu.vector_load %arg7[%get3A_180, %get3A_181] {strides = array<i32>} : memref<80x128xi32, #tpu.memory_space<vmem>>, vector<16xi32>,
    %shift_right_logical3A_183 = arith.constant 14 : i32
    %shift_right_logical3A_184 = vector.broadcast %shift_right_logical3A_183 : i32 to vector<16xi32>
    %shift_right_logical3A_185 = arith.shrui %get3A_182, %shift_right_logical3A_184 : vector<16xi32>
    %swap3A_186 = arith.constant 1 : i32
    %swap3A_187 = arith.index_cast %swap3A_186 : i32 to index
    %swap3A_188 = arith.constant 16 : index
    %swap3A_189 = tpu.vector_load %arg8[%swap3A_187, %swap3A_188] {strides = array<i32>} : memref<4x128xi32, #tpu.memory_space<vmem>>, vector<16xi32>,
    tpu.vector_store %arg8[%swap3A_187, %swap3A_188], %shift_right_logical3A_185 {strides = array<i32>} : memref<4x128xi32, #tpu.memory_space<vmem>>, vector<16xi32>,
    %and3A_190 = arith.constant 16383 : i32
    %and3A_191 = vector.broadcast %and3A_190 : i32 to vector<16xi32>
    %and3A_192 = arith.andi %get3A_182, %and3A_191 : vector<16xi32>
    %swap3A_193 = arith.constant 1 : i32
    %swap3A_194 = arith.index_cast %swap3A_193 : i32 to index
    %swap3A_195 = arith.constant 16 : index
    %swap3A_196 = tpu.vector_load %arg9[%swap3A_194, %swap3A_195] {strides = array<i32>} : memref<4x128xi32, #tpu.memory_space<vmem>>, vector<16xi32>,
    tpu.vector_store %arg9[%swap3A_194, %swap3A_195], %and3A_192 {strides = array<i32>} : memref<4x128xi32, #tpu.memory_space<vmem>>, vector<16xi32>,
    %get3A_197 = arith.constant 1 : i32
    %get3A_198 = arith.index_cast %get3A_197 : i32 to index
    %get3A_199 = arith.constant 32 : index
    %get3A_200 = tpu.vector_load %arg7[%get3A_198, %get3A_199] {strides = array<i32>} : memref<80x128xi32, #tpu.memory_space<vmem>>, vector<16xi32>,
    %shift_right_logical3A_201 = arith.constant 14 : i32
    %shift_right_logical3A_202 = vector.broadcast %shift_right_logical3A_201 : i32 to vector<16xi32>
    %shift_right_logical3A_203 = arith.shrui %get3A_200, %shift_right_logical3A_202 : vector<16xi32>
    %swap3A_204 = arith.constant 1 : i32
    %swap3A_205 = arith.index_cast %swap3A_204 : i32 to index
    %swap3A_206 = arith.constant 32 : index
    %swap3A_207 = tpu.vector_load %arg8[%swap3A_205, %swap3A_206] {strides = array<i32>} : memref<4x128xi32, #tpu.memory_space<vmem>>, vector<16xi32>,
    tpu.vector_store %arg8[%swap3A_205, %swap3A_206], %shift_right_logical3A_203 {strides = array<i32>} : memref<4x128xi32, #tpu.memory_space<vmem>>, vector<16xi32>,
    %and3A_208 = arith.constant 16383 : i32
    %and3A_209 = vector.broadcast %and3A_208 : i32 to vector<16xi32>
    %and3A_210 = arith.andi %get3A_200, %and3A_209 : vector<16xi32>
    %swap3A_211 = arith.constant 1 : i32
    %swap3A_212 = arith.index_cast %swap3A_211 : i32 to index
    %swap3A_213 = arith.constant 32 : index
    %swap3A_214 = tpu.vector_load %arg9[%swap3A_212, %swap3A_213] {strides = array<i32>} : memref<4x128xi32, #tpu.memory_space<vmem>>, vector<16xi32>,
    tpu.vector_store %arg9[%swap3A_212, %swap3A_213], %and3A_210 {strides = array<i32>} : memref<4x128xi32, #tpu.memory_space<vmem>>, vector<16xi32>,
    %get3A_215 = arith.constant 1 : i32
    %get3A_216 = arith.index_cast %get3A_215 : i32 to index
    %get3A_217 = arith.constant 48 : index
    %get3A_218 = tpu.vector_load %arg7[%get3A_216, %get3A_217] {strides = array<i32>} : memref<80x128xi32, #tpu.memory_space<vmem>>, vector<16xi32>,
    %shift_right_logical3A_219 = arith.constant 14 : i32
    %shift_right_logical3A_220 = vector.broadcast %shift_right_logical3A_219 : i32 to vector<16xi32>
    %shift_right_logical3A_221 = arith.shrui %get3A_218, %shift_right_logical3A_220 : vector<16xi32>
    %swap3A_222 = arith.constant 1 : i32
    %swap3A_223 = arith.index_cast %swap3A_222 : i32 to index
    %swap3A_224 = arith.constant 48 : index
    %swap3A_225 = tpu.vector_load %arg8[%swap3A_223, %swap3A_224] {strides = array<i32>} : memref<4x128xi32, #tpu.memory_space<vmem>>, vector<16xi32>,
    tpu.vector_store %arg8[%swap3A_223, %swap3A_224], %shift_right_logical3A_221 {strides = array<i32>} : memref<4x128xi32, #tpu.memory_space<vmem>>, vector<16xi32>,
    %and3A_226 = arith.constant 16383 : i32
    %and3A_227 = vector.broadcast %and3A_226 : i32 to vector<16xi32>
    %and3A_228 = arith.andi %get3A_218, %and3A_227 : vector<16xi32>
    %swap3A_229 = arith.constant 1 : i32
    %swap3A_230 = arith.index_cast %swap3A_229 : i32 to index
    %swap3A_231 = arith.constant 48 : index
    %swap3A_232 = tpu.vector_load %arg9[%swap3A_230, %swap3A_231] {strides = array<i32>} : memref<4x128xi32, #tpu.memory_space<vmem>>, vector<16xi32>,
    tpu.vector_store %arg9[%swap3A_230, %swap3A_231], %and3A_228 {strides = array<i32>} : memref<4x128xi32, #tpu.memory_space<vmem>>, vector<16xi32>,
    %get3A_233 = arith.constant 1 : i32
    %get3A_234 = arith.index_cast %get3A_233 : i32 to index
    %get3A_235 = arith.constant 64 : index
    %get3A_236 = tpu.vector_load %arg7[%get3A_234, %get3A_235] {strides = array<i32>} : memref<80x128xi32, #tpu.memory_space<vmem>>, vector<16xi32>,
    %shift_right_logical3A_237 = arith.constant 14 : i32
    %shift_right_logical3A_238 = vector.broadcast %shift_right_logical3A_237 : i32 to vector<16xi32>
    %shift_right_logical3A_239 = arith.shrui %get3A_236, %shift_right_logical3A_238 : vector<16xi32>
    %swap3A_240 = arith.constant 1 : i32
    %swap3A_241 = arith.index_cast %swap3A_240 : i32 to index
    %swap3A_242 = arith.constant 64 : index
    %swap3A_243 = tpu.vector_load %arg8[%swap3A_241, %swap3A_242] {strides = array<i32>} : memref<4x128xi32, #tpu.memory_space<vmem>>, vector<16xi32>,
    tpu.vector_store %arg8[%swap3A_241, %swap3A_242], %shift_right_logical3A_239 {strides = array<i32>} : memref<4x128xi32, #tpu.memory_space<vmem>>, vector<16xi32>,
    %and3A_244 = arith.constant 16383 : i32
    %and3A_245 = vector.broadcast %and3A_244 : i32 to vector<16xi32>
    %and3A_246 = arith.andi %get3A_236, %and3A_245 : vector<16xi32>
    %swap3A_247 = arith.constant 1 : i32
    %swap3A_248 = arith.index_cast %swap3A_247 : i32 to index
    %swap3A_249 = arith.constant 64 : index
    %swap3A_250 = tpu.vector_load %arg9[%swap3A_248, %swap3A_249] {strides = array<i32>} : memref<4x128xi32, #tpu.memory_space<vmem>>, vector<16xi32>,
    tpu.vector_store %arg9[%swap3A_248, %swap3A_249], %and3A_246 {strides = array<i32>} : memref<4x128xi32, #tpu.memory_space<vmem>>, vector<16xi32>,
    %get3A_251 = arith.constant 1 : i32
    %get3A_252 = arith.index_cast %get3A_251 : i32 to index
    %get3A_253 = arith.constant 80 : index
    %get3A_254 = tpu.vector_load %arg7[%get3A_252, %get3A_253] {strides = array<i32>} : memref<80x128xi32, #tpu.memory_space<vmem>>, vector<16xi32>,
    %shift_right_logical3A_255 = arith.constant 14 : i32
    %shift_right_logical3A_256 = vector.broadcast %shift_right_logical3A_255 : i32 to vector<16xi32>
    %shift_right_logical3A_257 = arith.shrui %get3A_254, %shift_right_logical3A_256 : vector<16xi32>
    %swap3A_258 = arith.constant 1 : i32
    %swap3A_259 = arith.index_cast %swap3A_258 : i32 to index
    %swap3A_260 = arith.constant 80 : index
    %swap3A_261 = tpu.vector_load %arg8[%swap3A_259, %swap3A_260] {strides = array<i32>} : memref<4x128xi32, #tpu.memory_space<vmem>>, vector<16xi32>,
    tpu.vector_store %arg8[%swap3A_259, %swap3A_260], %shift_right_logical3A_257 {strides = array<i32>} : memref<4x128xi32, #tpu.memory_space<vmem>>, vector<16xi32>,
    %and3A_262 = arith.constant 16383 : i32
    %and3A_263 = vector.broadcast %and3A_262 : i32 to vector<16xi32>
    %and3A_264 = arith.andi %get3A_254, %and3A_263 : vector<16xi32>
    %swap3A_265 = arith.constant 1 : i32
    %swap3A_266 = arith.index_cast %swap3A_265 : i32 to index
    %swap3A_267 = arith.constant 80 : index
    %swap3A_268 = tpu.vector_load %arg9[%swap3A_266, %swap3A_267] {strides = array<i32>} : memref<4x128xi32, #tpu.memory_space<vmem>>, vector<16xi32>,
    tpu.vector_store %arg9[%swap3A_266, %swap3A_267], %and3A_264 {strides = array<i32>} : memref<4x128xi32, #tpu.memory_space<vmem>>, vector<16xi32>,
    %get3A_269 = arith.constant 1 : i32
    %get3A_270 = arith.index_cast %get3A_269 : i32 to index
    %get3A_271 = arith.constant 96 : index
    %get3A_272 = tpu.vector_load %arg7[%get3A_270, %get3A_271] {strides = array<i32>} : memref<80x128xi32, #tpu.memory_space<vmem>>, vector<16xi32>,
    %shift_right_logical3A_273 = arith.constant 14 : i32
    %shift_right_logical3A_274 = vector.broadcast %shift_right_logical3A_273 : i32 to vector<16xi32>
    %shift_right_logical3A_275 = arith.shrui %get3A_272, %shift_right_logical3A_274 : vector<16xi32>
    %swap3A_276 = arith.constant 1 : i32
    %swap3A_277 = arith.index_cast %swap3A_276 : i32 to index
    %swap3A_278 = arith.constant 96 : index
    %swap3A_279 = tpu.vector_load %arg8[%swap3A_277, %swap3A_278] {strides = array<i32>} : memref<4x128xi32, #tpu.memory_space<vmem>>, vector<16xi32>,
    tpu.vector_store %arg8[%swap3A_277, %swap3A_278], %shift_right_logical3A_275 {strides = array<i32>} : memref<4x128xi32, #tpu.memory_space<vmem>>, vector<16xi32>,
    %and3A_280 = arith.constant 16383 : i32
    %and3A_281 = vector.broadcast %and3A_280 : i32 to vector<16xi32>
    %and3A_282 = arith.andi %get3A_272, %and3A_281 : vector<16xi32>
    %swap3A_283 = arith.constant 1 : i32
    %swap3A_284 = arith.index_cast %swap3A_283 : i32 to index
    %swap3A_285 = arith.constant 96 : index
    %swap3A_286 = tpu.vector_load %arg9[%swap3A_284, %swap3A_285] {strides = array<i32>} : memref<4x128xi32, #tpu.memory_space<vmem>>, vector<16xi32>,
    tpu.vector_store %arg9[%swap3A_284, %swap3A_285], %and3A_282 {strides = array<i32>} : memref<4x128xi32, #tpu.memory_space<vmem>>, vector<16xi32>,
    %get3A_287 = arith.constant 1 : i32
    %get3A_288 = arith.index_cast %get3A_287 : i32 to index
    %get3A_289 = arith.constant 112 : index
    %get3A_290 = tpu.vector_load %arg7[%get3A_288, %get3A_289] {strides = array<i32>} : memref<80x128xi32, #tpu.memory_space<vmem>>, vector<16xi32>,
    %shift_right_logical3A_291 = arith.constant 14 : i32
    %shift_right_logical3A_292 = vector.broadcast %shift_right_logical3A_291 : i32 to vector<16xi32>
    %shift_right_logical3A_293 = arith.shrui %get3A_290, %shift_right_logical3A_292 : vector<16xi32>
    %swap3A_294 = arith.constant 1 : i32
    %swap3A_295 = arith.index_cast %swap3A_294 : i32 to index
    %swap3A_296 = arith.constant 112 : index
    %swap3A_297 = tpu.vector_load %arg8[%swap3A_295, %swap3A_296] {strides = array<i32>} : memref<4x128xi32, #tpu.memory_space<vmem>>, vector<16xi32>,
    tpu.vector_store %arg8[%swap3A_295, %swap3A_296], %shift_right_logical3A_293 {strides = array<i32>} : memref<4x128xi32, #tpu.memory_space<vmem>>, vector<16xi32>,
    %and3A_298 = arith.constant 16383 : i32
    %and3A_299 = vector.broadcast %and3A_298 : i32 to vector<16xi32>
    %and3A_300 = arith.andi %get3A_290, %and3A_299 : vector<16xi32>
    %swap3A_301 = arith.constant 1 : i32
    %swap3A_302 = arith.index_cast %swap3A_301 : i32 to index
    %swap3A_303 = arith.constant 112 : index
    %swap3A_304 = tpu.vector_load %arg9[%swap3A_302, %swap3A_303] {strides = array<i32>} : memref<4x128xi32, #tpu.memory_space<vmem>>, vector<16xi32>,
    tpu.vector_store %arg9[%swap3A_302, %swap3A_303], %and3A_300 {strides = array<i32>} : memref<4x128xi32, #tpu.memory_space<vmem>>, vector<16xi32>,
    %dma_start3A_305 = arith.constant 1 : i32
    %dma_start3A_306 = arith.constant 1 : i32
    %dma_start3A_307 = arith.constant 0 : i32
    %dma_start3A_308 = arith.constant 0 : i32
    %dma_start3A_309 = tpu.memref_slice %arg10[%dma_start3A_306, %dma_start3A_307, %dma_start3A_308] : memref<4x128x128xbf16, #tpu.memory_space<vmem>> -> memref<1x128x128xbf16, #tpu.memory_space<vmem>>
    %dma_start3A_310 = tpu.memref_squeeze %dma_start3A_309 : memref<1x128x128xbf16, #tpu.memory_space<vmem>> -> memref<128x128xbf16, #tpu.memory_space<vmem>>
    %dma_start3A_311 = arith.constant 0 : i32
    %dma_start3A_312 = tpu.memref_slice %arg8[%dma_start3A_305, %dma_start3A_311] : memref<4x128xi32, #tpu.memory_space<vmem>> -> memref<1x128xi32, #tpu.memory_space<vmem>>
    %dma_start3A_313 = tpu.memref_squeeze %dma_start3A_312 : memref<1x128xi32, #tpu.memory_space<vmem>> -> memref<128xi32, #tpu.memory_space<vmem>>
    %dma_start3A_314 = arith.constant 0 : i32
    %dma_start3A_315 = arith.constant 0 : i32
    %dma_start3A_316 = tpu.memref_slice %arg11[%dma_start3A_314, %dma_start3A_315] : memref<10240x128xbf16, #tpu.memory_space<vmem_shared>> -> memref<10240x128xbf16, #tpu.memory_space<vmem_shared>>
    tpu.enqueue_indirect_dma source(%dma_start3A_316 : memref<10240x128xbf16, #tpu.memory_space<vmem_shared>>) target(%dma_start3A_310 : memref<128x128xbf16, #tpu.memory_space<vmem>>) offsets(%dma_start3A_313 : memref<128xi32, #tpu.memory_space<vmem>>) semaphore(%arg14 : memref<!tpu.dma_semaphore, #tpu.memory_space<semaphore_mem>>)
    %scan3A = arith.constant 0 : i32
    %scan3A_317 = arith.constant 20 : i32
    %scan3A_318 = arith.addi %scan3A, %scan3A_317 : i32
    %scan3A_319 = arith.constant 1 : i32
    scf.for %scan3A_379 = %scan3A to %scan3A_318 step %scan3A_319  : i32 {
      %mul3A_380 = arith.constant 4 : i32
      %mul3A_381 = arith.muli %scan3A_379, %mul3A_380 : i32
      %add3A = arith.constant 0 : i32
      %add3A_382 = arith.addi %mul3A_381, %add3A : i32
      %dma_wait3A_383 = arith.constant 0 : i32
      %dma_wait3A_384 = arith.constant 0 : i32
      %dma_wait3A_385 = arith.constant 0 : i32
      %dma_wait3A_386 = arith.constant 0 : i32
      %dma_wait3A_387 = tpu.memref_slice %arg10[%dma_wait3A_384, %dma_wait3A_385, %dma_wait3A_386] : memref<4x128x128xbf16, #tpu.memory_space<vmem>> -> memref<1x128x128xbf16, #tpu.memory_space<vmem>>
      %dma_wait3A_388 = tpu.memref_squeeze %dma_wait3A_387 : memref<1x128x128xbf16, #tpu.memory_space<vmem>> -> memref<128x128xbf16, #tpu.memory_space<vmem>>
      %dma_wait3A_389 = arith.constant 0 : i32
      %dma_wait3A_390 = tpu.memref_slice %arg8[%dma_wait3A_383, %dma_wait3A_389] : memref<4x128xi32, #tpu.memory_space<vmem>> -> memref<1x128xi32, #tpu.memory_space<vmem>>
      %dma_wait3A_391 = tpu.memref_squeeze %dma_wait3A_390 : memref<1x128xi32, #tpu.memory_space<vmem>> -> memref<128xi32, #tpu.memory_space<vmem>>
      %dma_wait3A_392 = arith.constant 0 : i32
      %dma_wait3A_393 = arith.constant 0 : i32
      %dma_wait3A_394 = tpu.memref_slice %arg11[%dma_wait3A_392, %dma_wait3A_393] : memref<10240x128xbf16, #tpu.memory_space<vmem_shared>> -> memref<10240x128xbf16, #tpu.memory_space<vmem_shared>>
      tpu.wait_indirect_dma semaphore(%arg13 : memref<!tpu.dma_semaphore, #tpu.memory_space<semaphore_mem>>) src(%dma_wait3A_394 : memref<10240x128xbf16, #tpu.memory_space<vmem_shared>>) dst(%dma_wait3A_388 : memref<128x128xbf16, #tpu.memory_space<vmem>>)
      %dma_start3A_395 = arith.constant 0 : i32
      %dma_start3A_396 = arith.constant 0 : i32
      %dma_start3A_397 = arith.constant 0 : i32
      %dma_start3A_398 = arith.constant 0 : i32
      %dma_start3A_399 = tpu.memref_slice %arg10[%dma_start3A_395, %dma_start3A_397, %dma_start3A_398] : memref<4x128x128xbf16, #tpu.memory_space<vmem>> -> memref<1x128x128xbf16, #tpu.memory_space<vmem>>
      %dma_start3A_400 = tpu.memref_squeeze %dma_start3A_399 : memref<1x128x128xbf16, #tpu.memory_space<vmem>> -> memref<128x128xbf16, #tpu.memory_space<vmem>>
      %dma_start3A_401 = arith.constant 0 : i32
      %dma_start3A_402 = tpu.memref_slice %arg9[%dma_start3A_396, %dma_start3A_401] : memref<4x128xi32, #tpu.memory_space<vmem>> -> memref<1x128xi32, #tpu.memory_space<vmem>>
      %dma_start3A_403 = tpu.memref_squeeze %dma_start3A_402 : memref<1x128xi32, #tpu.memory_space<vmem>> -> memref<128xi32, #tpu.memory_space<vmem>>
      %dma_start3A_404 = arith.constant 0 : i32
      %dma_start3A_405 = arith.constant 0 : i32
      %dma_start3A_406 = tpu.memref_slice %arg12[%dma_start3A_404, %dma_start3A_405] : memref<10240x128xbf16, #tpu.memory_space<vmem_shared>> -> memref<10240x128xbf16, #tpu.memory_space<vmem_shared>>
      tpu.enqueue_indirect_dma source(%dma_start3A_400 : memref<128x128xbf16, #tpu.memory_space<vmem>>) target(%dma_start3A_406 : memref<10240x128xbf16, #tpu.memory_space<vmem_shared>>) offsets(%dma_start3A_403 : memref<128xi32, #tpu.memory_space<vmem>>) semaphore(%arg17 : memref<!tpu.dma_semaphore, #tpu.memory_space<semaphore_mem>>) {add = true}
      %add3A_407 = arith.constant 2 : i32
      %add3A_408 = arith.addi %add3A_382, %add3A_407 : i32
      %lt3A = arith.constant 80 : i32
      %lt3A_409 = arith.cmpi slt, %add3A_408, %lt3A : i32
      %convert_element_type3A_410 = arith.extui %lt3A_409 : i1 to i32
      %cond3A_411 = arith.constant 0 : i32
      %cond3A_412 = arith.cmpi ne, %convert_element_type3A_410, %cond3A_411 : i32
      scf.if %cond3A_412 {
        %ge3A = arith.constant 2 : i32
        %ge3A_518 = arith.cmpi sge, %add3A_382, %ge3A : i32
        %convert_element_type3A_519 = arith.extui %ge3A_518 : i1 to i32
        %cond3A_520 = arith.constant 0 : i32
        %cond3A_521 = arith.cmpi ne, %convert_element_type3A_519, %cond3A_520 : i32
        scf.if %cond3A_521 {
          %dma_wait3A_670 = arith.constant 2 : i32
          %dma_wait3A_671 = arith.constant 2 : i32
          %dma_wait3A_672 = arith.constant 0 : i32
          %dma_wait3A_673 = arith.constant 0 : i32
          %dma_wait3A_674 = tpu.memref_slice %arg10[%dma_wait3A_670, %dma_wait3A_672, %dma_wait3A_673] : memref<4x128x128xbf16, #tpu.memory_space<vmem>> -> memref<1x128x128xbf16, #tpu.memory_space<vmem>>
          %dma_wait3A_675 = tpu.memref_squeeze %dma_wait3A_674 : memref<1x128x128xbf16, #tpu.memory_space<vmem>> -> memref<128x128xbf16, #tpu.memory_space<vmem>>
          %dma_wait3A_676 = arith.constant 0 : i32
          %dma_wait3A_677 = tpu.memref_slice %arg9[%dma_wait3A_671, %dma_wait3A_676] : memref<4x128xi32, #tpu.memory_space<vmem>> -> memref<1x128xi32, #tpu.memory_space<vmem>>
          %dma_wait3A_678 = tpu.memref_squeeze %dma_wait3A_677 : memref<1x128xi32, #tpu.memory_space<vmem>> -> memref<128xi32, #tpu.memory_space<vmem>>
          %dma_wait3A_679 = arith.constant 0 : i32
          %dma_wait3A_680 = arith.constant 0 : i32
          %dma_wait3A_681 = tpu.memref_slice %arg12[%dma_wait3A_679, %dma_wait3A_680] : memref<10240x128xbf16, #tpu.memory_space<vmem_shared>> -> memref<10240x128xbf16, #tpu.memory_space<vmem_shared>>
          tpu.wait_indirect_dma semaphore(%arg19 : memref<!tpu.dma_semaphore, #tpu.memory_space<semaphore_mem>>) src(%dma_wait3A_675 : memref<128x128xbf16, #tpu.memory_space<vmem>>) dst(%dma_wait3A_681 : memref<10240x128xbf16, #tpu.memory_space<vmem_shared>>)
        } else {
        }
        %get3A_522 = arith.index_cast %add3A_408 : i32 to index
        %get3A_523 = arith.constant 0 : index
        %get3A_524 = tpu.vector_load %arg7[%get3A_522, %get3A_523] {strides = array<i32>} : memref<80x128xi32, #tpu.memory_space<vmem>>, vector<16xi32>,
        %shift_right_logical3A_525 = arith.constant 14 : i32
        %shift_right_logical3A_526 = vector.broadcast %shift_right_logical3A_525 : i32 to vector<16xi32>
        %shift_right_logical3A_527 = arith.shrui %get3A_524, %shift_right_logical3A_526 : vector<16xi32>
        %swap3A_528 = arith.constant 2 : i32
        %swap3A_529 = arith.index_cast %swap3A_528 : i32 to index
        %swap3A_530 = arith.constant 0 : index
        %swap3A_531 = tpu.vector_load %arg8[%swap3A_529, %swap3A_530] {strides = array<i32>} : memref<4x128xi32, #tpu.memory_space<vmem>>, vector<16xi32>,
        tpu.vector_store %arg8[%swap3A_529, %swap3A_530], %shift_right_logical3A_527 {strides = array<i32>} : memref<4x128xi32, #tpu.memory_space<vmem>>, vector<16xi32>,
        %and3A_532 = arith.constant 16383 : i32
        %and3A_533 = vector.broadcast %and3A_532 : i32 to vector<16xi32>
        %and3A_534 = arith.andi %get3A_524, %and3A_533 : vector<16xi32>
        %swap3A_535 = arith.constant 2 : i32
        %swap3A_536 = arith.index_cast %swap3A_535 : i32 to index
        %swap3A_537 = arith.constant 0 : index
        %swap3A_538 = tpu.vector_load %arg9[%swap3A_536, %swap3A_537] {strides = array<i32>} : memref<4x128xi32, #tpu.memory_space<vmem>>, vector<16xi32>,
        tpu.vector_store %arg9[%swap3A_536, %swap3A_537], %and3A_534 {strides = array<i32>} : memref<4x128xi32, #tpu.memory_space<vmem>>, vector<16xi32>,
        %get3A_539 = arith.index_cast %add3A_408 : i32 to index
        %get3A_540 = arith.constant 16 : index
        %get3A_541 = tpu.vector_load %arg7[%get3A_539, %get3A_540] {strides = array<i32>} : memref<80x128xi32, #tpu.memory_space<vmem>>, vector<16xi32>,
        %shift_right_logical3A_542 = arith.constant 14 : i32
        %shift_right_logical3A_543 = vector.broadcast %shift_right_logical3A_542 : i32 to vector<16xi32>
        %shift_right_logical3A_544 = arith.shrui %get3A_541, %shift_right_logical3A_543 : vector<16xi32>
        %swap3A_545 = arith.constant 2 : i32
        %swap3A_546 = arith.index_cast %swap3A_545 : i32 to index
        %swap3A_547 = arith.constant 16 : index
        %swap3A_548 = tpu.vector_load %arg8[%swap3A_546, %swap3A_547] {strides = array<i32>} : memref<4x128xi32, #tpu.memory_space<vmem>>, vector<16xi32>,
        tpu.vector_store %arg8[%swap3A_546, %swap3A_547], %shift_right_logical3A_544 {strides = array<i32>} : memref<4x128xi32, #tpu.memory_space<vmem>>, vector<16xi32>,
        %and3A_549 = arith.constant 16383 : i32
        %and3A_550 = vector.broadcast %and3A_549 : i32 to vector<16xi32>
        %and3A_551 = arith.andi %get3A_541, %and3A_550 : vector<16xi32>
        %swap3A_552 = arith.constant 2 : i32
        %swap3A_553 = arith.index_cast %swap3A_552 : i32 to index
        %swap3A_554 = arith.constant 16 : index
        %swap3A_555 = tpu.vector_load %arg9[%swap3A_553, %swap3A_554] {strides = array<i32>} : memref<4x128xi32, #tpu.memory_space<vmem>>, vector<16xi32>,
        tpu.vector_store %arg9[%swap3A_553, %swap3A_554], %and3A_551 {strides = array<i32>} : memref<4x128xi32, #tpu.memory_space<vmem>>, vector<16xi32>,
        %get3A_556 = arith.index_cast %add3A_408 : i32 to index
        %get3A_557 = arith.constant 32 : index
        %get3A_558 = tpu.vector_load %arg7[%get3A_556, %get3A_557] {strides = array<i32>} : memref<80x128xi32, #tpu.memory_space<vmem>>, vector<16xi32>,
        %shift_right_logical3A_559 = arith.constant 14 : i32
        %shift_right_logical3A_560 = vector.broadcast %shift_right_logical3A_559 : i32 to vector<16xi32>
        %shift_right_logical3A_561 = arith.shrui %get3A_558, %shift_right_logical3A_560 : vector<16xi32>
        %swap3A_562 = arith.constant 2 : i32
        %swap3A_563 = arith.index_cast %swap3A_562 : i32 to index
        %swap3A_564 = arith.constant 32 : index
        %swap3A_565 = tpu.vector_load %arg8[%swap3A_563, %swap3A_564] {strides = array<i32>} : memref<4x128xi32, #tpu.memory_space<vmem>>, vector<16xi32>,
        tpu.vector_store %arg8[%swap3A_563, %swap3A_564], %shift_right_logical3A_561 {strides = array<i32>} : memref<4x128xi32, #tpu.memory_space<vmem>>, vector<16xi32>,
        %and3A_566 = arith.constant 16383 : i32
        %and3A_567 = vector.broadcast %and3A_566 : i32 to vector<16xi32>
        %and3A_568 = arith.andi %get3A_558, %and3A_567 : vector<16xi32>
        %swap3A_569 = arith.constant 2 : i32
        %swap3A_570 = arith.index_cast %swap3A_569 : i32 to index
        %swap3A_571 = arith.constant 32 : index
        %swap3A_572 = tpu.vector_load %arg9[%swap3A_570, %swap3A_571] {strides = array<i32>} : memref<4x128xi32, #tpu.memory_space<vmem>>, vector<16xi32>,
        tpu.vector_store %arg9[%swap3A_570, %swap3A_571], %and3A_568 {strides = array<i32>} : memref<4x128xi32, #tpu.memory_space<vmem>>, vector<16xi32>,
        %get3A_573 = arith.index_cast %add3A_408 : i32 to index
        %get3A_574 = arith.constant 48 : index
        %get3A_575 = tpu.vector_load %arg7[%get3A_573, %get3A_574] {strides = array<i32>} : memref<80x128xi32, #tpu.memory_space<vmem>>, vector<16xi32>,
        %shift_right_logical3A_576 = arith.constant 14 : i32
        %shift_right_logical3A_577 = vector.broadcast %shift_right_logical3A_576 : i32 to vector<16xi32>
        %shift_right_logical3A_578 = arith.shrui %get3A_575, %shift_right_logical3A_577 : vector<16xi32>
        %swap3A_579 = arith.constant 2 : i32
        %swap3A_580 = arith.index_cast %swap3A_579 : i32 to index
        %swap3A_581 = arith.constant 48 : index
        %swap3A_582 = tpu.vector_load %arg8[%swap3A_580, %swap3A_581] {strides = array<i32>} : memref<4x128xi32, #tpu.memory_space<vmem>>, vector<16xi32>,
        tpu.vector_store %arg8[%swap3A_580, %swap3A_581], %shift_right_logical3A_578 {strides = array<i32>} : memref<4x128xi32, #tpu.memory_space<vmem>>, vector<16xi32>,
        %and3A_583 = arith.constant 16383 : i32
        %and3A_584 = vector.broadcast %and3A_583 : i32 to vector<16xi32>
        %and3A_585 = arith.andi %get3A_575, %and3A_584 : vector<16xi32>
        %swap3A_586 = arith.constant 2 : i32
        %swap3A_587 = arith.index_cast %swap3A_586 : i32 to index
        %swap3A_588 = arith.constant 48 : index
        %swap3A_589 = tpu.vector_load %arg9[%swap3A_587, %swap3A_588] {strides = array<i32>} : memref<4x128xi32, #tpu.memory_space<vmem>>, vector<16xi32>,
        tpu.vector_store %arg9[%swap3A_587, %swap3A_588], %and3A_585 {strides = array<i32>} : memref<4x128xi32, #tpu.memory_space<vmem>>, vector<16xi32>,
        %get3A_590 = arith.index_cast %add3A_408 : i32 to index
        %get3A_591 = arith.constant 64 : index
        %get3A_592 = tpu.vector_load %arg7[%get3A_590, %get3A_591] {strides = array<i32>} : memref<80x128xi32, #tpu.memory_space<vmem>>, vector<16xi32>,
        %shift_right_logical3A_593 = arith.constant 14 : i32
        %shift_right_logical3A_594 = vector.broadcast %shift_right_logical3A_593 : i32 to vector<16xi32>
        %shift_right_logical3A_595 = arith.shrui %get3A_592, %shift_right_logical3A_594 : vector<16xi32>
        %swap3A_596 = arith.constant 2 : i32
        %swap3A_597 = arith.index_cast %swap3A_596 : i32 to index
        %swap3A_598 = arith.constant 64 : index
        %swap3A_599 = tpu.vector_load %arg8[%swap3A_597, %swap3A_598] {strides = array<i32>} : memref<4x128xi32, #tpu.memory_space<vmem>>, vector<16xi32>,
        tpu.vector_store %arg8[%swap3A_597, %swap3A_598], %shift_right_logical3A_595 {strides = array<i32>} : memref<4x128xi32, #tpu.memory_space<vmem>>, vector<16xi32>,
        %and3A_600 = arith.constant 16383 : i32
        %and3A_601 = vector.broadcast %and3A_600 : i32 to vector<16xi32>
        %and3A_602 = arith.andi %get3A_592, %and3A_601 : vector<16xi32>
        %swap3A_603 = arith.constant 2 : i32
        %swap3A_604 = arith.index_cast %swap3A_603 : i32 to index
        %swap3A_605 = arith.constant 64 : index
        %swap3A_606 = tpu.vector_load %arg9[%swap3A_604, %swap3A_605] {strides = array<i32>} : memref<4x128xi32, #tpu.memory_space<vmem>>, vector<16xi32>,
        tpu.vector_store %arg9[%swap3A_604, %swap3A_605], %and3A_602 {strides = array<i32>} : memref<4x128xi32, #tpu.memory_space<vmem>>, vector<16xi32>,
        %get3A_607 = arith.index_cast %add3A_408 : i32 to index
        %get3A_608 = arith.constant 80 : index
        %get3A_609 = tpu.vector_load %arg7[%get3A_607, %get3A_608] {strides = array<i32>} : memref<80x128xi32, #tpu.memory_space<vmem>>, vector<16xi32>,
        %shift_right_logical3A_610 = arith.constant 14 : i32
        %shift_right_logical3A_611 = vector.broadcast %shift_right_logical3A_610 : i32 to vector<16xi32>
        %shift_right_logical3A_612 = arith.shrui %get3A_609, %shift_right_logical3A_611 : vector<16xi32>
        %swap3A_613 = arith.constant 2 : i32
        %swap3A_614 = arith.index_cast %swap3A_613 : i32 to index
        %swap3A_615 = arith.constant 80 : index
        %swap3A_616 = tpu.vector_load %arg8[%swap3A_614, %swap3A_615] {strides = array<i32>} : memref<4x128xi32, #tpu.memory_space<vmem>>, vector<16xi32>,
        tpu.vector_store %arg8[%swap3A_614, %swap3A_615], %shift_right_logical3A_612 {strides = array<i32>} : memref<4x128xi32, #tpu.memory_space<vmem>>, vector<16xi32>,
        %and3A_617 = arith.constant 16383 : i32
        %and3A_618 = vector.broadcast %and3A_617 : i32 to vector<16xi32>
        %and3A_619 = arith.andi %get3A_609, %and3A_618 : vector<16xi32>
        %swap3A_620 = arith.constant 2 : i32
        %swap3A_621 = arith.index_cast %swap3A_620 : i32 to index
        %swap3A_622 = arith.constant 80 : index
        %swap3A_623 = tpu.vector_load %arg9[%swap3A_621, %swap3A_622] {strides = array<i32>} : memref<4x128xi32, #tpu.memory_space<vmem>>, vector<16xi32>,
        tpu.vector_store %arg9[%swap3A_621, %swap3A_622], %and3A_619 {strides = array<i32>} : memref<4x128xi32, #tpu.memory_space<vmem>>, vector<16xi32>,
        %get3A_624 = arith.index_cast %add3A_408 : i32 to index
        %get3A_625 = arith.constant 96 : index
        %get3A_626 = tpu.vector_load %arg7[%get3A_624, %get3A_625] {strides = array<i32>} : memref<80x128xi32, #tpu.memory_space<vmem>>, vector<16xi32>,
        %shift_right_logical3A_627 = arith.constant 14 : i32
        %shift_right_logical3A_628 = vector.broadcast %shift_right_logical3A_627 : i32 to vector<16xi32>
        %shift_right_logical3A_629 = arith.shrui %get3A_626, %shift_right_logical3A_628 : vector<16xi32>
        %swap3A_630 = arith.constant 2 : i32
        %swap3A_631 = arith.index_cast %swap3A_630 : i32 to index
        %swap3A_632 = arith.constant 96 : index
        %swap3A_633 = tpu.vector_load %arg8[%swap3A_631, %swap3A_632] {strides = array<i32>} : memref<4x128xi32, #tpu.memory_space<vmem>>, vector<16xi32>,
        tpu.vector_store %arg8[%swap3A_631, %swap3A_632], %shift_right_logical3A_629 {strides = array<i32>} : memref<4x128xi32, #tpu.memory_space<vmem>>, vector<16xi32>,
        %and3A_634 = arith.constant 16383 : i32
        %and3A_635 = vector.broadcast %and3A_634 : i32 to vector<16xi32>
        %and3A_636 = arith.andi %get3A_626, %and3A_635 : vector<16xi32>
        %swap3A_637 = arith.constant 2 : i32
        %swap3A_638 = arith.index_cast %swap3A_637 : i32 to index
        %swap3A_639 = arith.constant 96 : index
        %swap3A_640 = tpu.vector_load %arg9[%swap3A_638, %swap3A_639] {strides = array<i32>} : memref<4x128xi32, #tpu.memory_space<vmem>>, vector<16xi32>,
        tpu.vector_store %arg9[%swap3A_638, %swap3A_639], %and3A_636 {strides = array<i32>} : memref<4x128xi32, #tpu.memory_space<vmem>>, vector<16xi32>,
        %get3A_641 = arith.index_cast %add3A_408 : i32 to index
        %get3A_642 = arith.constant 112 : index
        %get3A_643 = tpu.vector_load %arg7[%get3A_641, %get3A_642] {strides = array<i32>} : memref<80x128xi32, #tpu.memory_space<vmem>>, vector<16xi32>,
        %shift_right_logical3A_644 = arith.constant 14 : i32
        %shift_right_logical3A_645 = vector.broadcast %shift_right_logical3A_644 : i32 to vector<16xi32>
        %shift_right_logical3A_646 = arith.shrui %get3A_643, %shift_right_logical3A_645 : vector<16xi32>
        %swap3A_647 = arith.constant 2 : i32
        %swap3A_648 = arith.index_cast %swap3A_647 : i32 to index
        %swap3A_649 = arith.constant 112 : index
        %swap3A_650 = tpu.vector_load %arg8[%swap3A_648, %swap3A_649] {strides = array<i32>} : memref<4x128xi32, #tpu.memory_space<vmem>>, vector<16xi32>,
        tpu.vector_store %arg8[%swap3A_648, %swap3A_649], %shift_right_logical3A_646 {strides = array<i32>} : memref<4x128xi32, #tpu.memory_space<vmem>>, vector<16xi32>,
        %and3A_651 = arith.constant 16383 : i32
        %and3A_652 = vector.broadcast %and3A_651 : i32 to vector<16xi32>
        %and3A_653 = arith.andi %get3A_643, %and3A_652 : vector<16xi32>
        %swap3A_654 = arith.constant 2 : i32
        %swap3A_655 = arith.index_cast %swap3A_654 : i32 to index
        %swap3A_656 = arith.constant 112 : index
        %swap3A_657 = tpu.vector_load %arg9[%swap3A_655, %swap3A_656] {strides = array<i32>} : memref<4x128xi32, #tpu.memory_space<vmem>>, vector<16xi32>,
        tpu.vector_store %arg9[%swap3A_655, %swap3A_656], %and3A_653 {strides = array<i32>} : memref<4x128xi32, #tpu.memory_space<vmem>>, vector<16xi32>,
        %dma_start3A_658 = arith.constant 2 : i32
        %dma_start3A_659 = arith.constant 2 : i32
        %dma_start3A_660 = arith.constant 0 : i32
        %dma_start3A_661 = arith.constant 0 : i32
        %dma_start3A_662 = tpu.memref_slice %arg10[%dma_start3A_659, %dma_start3A_660, %dma_start3A_661] : memref<4x128x128xbf16, #tpu.memory_space<vmem>> -> memref<1x128x128xbf16, #tpu.memory_space<vmem>>
        %dma_start3A_663 = tpu.memref_squeeze %dma_start3A_662 : memref<1x128x128xbf16, #tpu.memory_space<vmem>> -> memref<128x128xbf16, #tpu.memory_space<vmem>>
        %dma_start3A_664 = arith.constant 0 : i32
        %dma_start3A_665 = tpu.memref_slice %arg8[%dma_start3A_658, %dma_start3A_664] : memref<4x128xi32, #tpu.memory_space<vmem>> -> memref<1x128xi32, #tpu.memory_space<vmem>>
        %dma_start3A_666 = tpu.memref_squeeze %dma_start3A_665 : memref<1x128xi32, #tpu.memory_space<vmem>> -> memref<128xi32, #tpu.memory_space<vmem>>
        %dma_start3A_667 = arith.constant 0 : i32
        %dma_start3A_668 = arith.constant 0 : i32
        %dma_start3A_669 = tpu.memref_slice %arg11[%dma_start3A_667, %dma_start3A_668] : memref<10240x128xbf16, #tpu.memory_space<vmem_shared>> -> memref<10240x128xbf16, #tpu.memory_space<vmem_shared>>
        tpu.enqueue_indirect_dma source(%dma_start3A_669 : memref<10240x128xbf16, #tpu.memory_space<vmem_shared>>) target(%dma_start3A_663 : memref<128x128xbf16, #tpu.memory_space<vmem>>) offsets(%dma_start3A_666 : memref<128xi32, #tpu.memory_space<vmem>>) semaphore(%arg15 : memref<!tpu.dma_semaphore, #tpu.memory_space<semaphore_mem>>)
      } else {
      }
      %mul3A_413 = arith.constant 4 : i32
      %mul3A_414 = arith.muli %scan3A_379, %mul3A_413 : i32
      %add3A_415 = arith.constant 1 : i32
      %add3A_416 = arith.addi %mul3A_414, %add3A_415 : i32
      %dma_wait3A_417 = arith.constant 1 : i32
      %dma_wait3A_418 = arith.constant 1 : i32
      %dma_wait3A_419 = arith.constant 0 : i32
      %dma_wait3A_420 = arith.constant 0 : i32
      %dma_wait3A_421 = tpu.memref_slice %arg10[%dma_wait3A_418, %dma_wait3A_419, %dma_wait3A_420] : memref<4x128x128xbf16, #tpu.memory_space<vmem>> -> memref<1x128x128xbf16, #tpu.memory_space<vmem>>
      %dma_wait3A_422 = tpu.memref_squeeze %dma_wait3A_421 : memref<1x128x128xbf16, #tpu.memory_space<vmem>> -> memref<128x128xbf16, #tpu.memory_space<vmem>>
      %dma_wait3A_423 = arith.constant 0 : i32
      %dma_wait3A_424 = tpu.memref_slice %arg8[%dma_wait3A_417, %dma_wait3A_423] : memref<4x128xi32, #tpu.memory_space<vmem>> -> memref<1x128xi32, #tpu.memory_space<vmem>>
      %dma_wait3A_425 = tpu.memref_squeeze %dma_wait3A_424 : memref<1x128xi32, #tpu.memory_space<vmem>> -> memref<128xi32, #tpu.memory_space<vmem>>
      %dma_wait3A_426 = arith.constant 0 : i32
      %dma_wait3A_427 = arith.constant 0 : i32
      %dma_wait3A_428 = tpu.memref_slice %arg11[%dma_wait3A_426, %dma_wait3A_427] : memref<10240x128xbf16, #tpu.memory_space<vmem_shared>> -> memref<10240x128xbf16, #tpu.memory_space<vmem_shared>>
      tpu.wait_indirect_dma semaphore(%arg14 : memref<!tpu.dma_semaphore, #tpu.memory_space<semaphore_mem>>) src(%dma_wait3A_428 : memref<10240x128xbf16, #tpu.memory_space<vmem_shared>>) dst(%dma_wait3A_422 : memref<128x128xbf16, #tpu.memory_space<vmem>>)
      %dma_start3A_429 = arith.constant 1 : i32
      %dma_start3A_430 = arith.constant 1 : i32
      %dma_start3A_431 = arith.constant 0 : i32
      %dma_start3A_432 = arith.constant 0 : i32
      %dma_start3A_433 = tpu.memref_slice %arg10[%dma_start3A_429, %dma_start3A_431, %dma_start3A_432] : memref<4x128x128xbf16, #tpu.memory_space<vmem>> -> memref<1x128x128xbf16, #tpu.memory_space<vmem>>
      %dma_start3A_434 = tpu.memref_squeeze %dma_start3A_433 : memref<1x128x128xbf16, #tpu.memory_space<vmem>> -> memref<128x128xbf16, #tpu.memory_space<vmem>>
      %dma_start3A_435 = arith.constant 0 : i32
      %dma_start3A_436 = tpu.memref_slice %arg9[%dma_start3A_430, %dma_start3A_435] : memref<4x128xi32, #tpu.memory_space<vmem>> -> memref<1x128xi32, #tpu.memory_space<vmem>>
      %dma_start3A_437 = tpu.memref_squeeze %dma_start3A_436 : memref<1x128xi32, #tpu.memory_space<vmem>> -> memref<128xi32, #tpu.memory_space<vmem>>
      %dma_start3A_438 = arith.constant 0 : i32
      %dma_start3A_439 = arith.constant 0 : i32
      %dma_start3A_440 = tpu.memref_slice %arg12[%dma_start3A_438, %dma_start3A_439] : memref<10240x128xbf16, #tpu.memory_space<vmem_shared>> -> memref<10240x128xbf16, #tpu.memory_space<vmem_shared>>
      tpu.enqueue_indirect_dma source(%dma_start3A_434 : memref<128x128xbf16, #tpu.memory_space<vmem>>) target(%dma_start3A_440 : memref<10240x128xbf16, #tpu.memory_space<vmem_shared>>) offsets(%dma_start3A_437 : memref<128xi32, #tpu.memory_space<vmem>>) semaphore(%arg18 : memref<!tpu.dma_semaphore, #tpu.memory_space<semaphore_mem>>) {add = true}
      %add3A_441 = arith.constant 2 : i32
      %add3A_442 = arith.addi %add3A_416, %add3A_441 : i32
      %lt3A_443 = arith.constant 80 : i32
      %lt3A_444 = arith.cmpi slt, %add3A_442, %lt3A_443 : i32
      %convert_element_type3A_445 = arith.extui %lt3A_444 : i1 to i32
      %cond3A_446 = arith.constant 0 : i32
      %cond3A_447 = arith.cmpi ne, %convert_element_type3A_445, %cond3A_446 : i32
      scf.if %cond3A_447 {
        %ge3A = arith.constant 2 : i32
        %ge3A_518 = arith.cmpi sge, %add3A_416, %ge3A : i32
        %convert_element_type3A_519 = arith.extui %ge3A_518 : i1 to i32
        %cond3A_520 = arith.constant 0 : i32
        %cond3A_521 = arith.cmpi ne, %convert_element_type3A_519, %cond3A_520 : i32
        scf.if %cond3A_521 {
          %dma_wait3A_670 = arith.constant 3 : i32
          %dma_wait3A_671 = arith.constant 3 : i32
          %dma_wait3A_672 = arith.constant 0 : i32
          %dma_wait3A_673 = arith.constant 0 : i32
          %dma_wait3A_674 = tpu.memref_slice %arg10[%dma_wait3A_670, %dma_wait3A_672, %dma_wait3A_673] : memref<4x128x128xbf16, #tpu.memory_space<vmem>> -> memref<1x128x128xbf16, #tpu.memory_space<vmem>>
          %dma_wait3A_675 = tpu.memref_squeeze %dma_wait3A_674 : memref<1x128x128xbf16, #tpu.memory_space<vmem>> -> memref<128x128xbf16, #tpu.memory_space<vmem>>
          %dma_wait3A_676 = arith.constant 0 : i32
          %dma_wait3A_677 = tpu.memref_slice %arg9[%dma_wait3A_671, %dma_wait3A_676] : memref<4x128xi32, #tpu.memory_space<vmem>> -> memref<1x128xi32, #tpu.memory_space<vmem>>
          %dma_wait3A_678 = tpu.memref_squeeze %dma_wait3A_677 : memref<1x128xi32, #tpu.memory_space<vmem>> -> memref<128xi32, #tpu.memory_space<vmem>>
          %dma_wait3A_679 = arith.constant 0 : i32
          %dma_wait3A_680 = arith.constant 0 : i32
          %dma_wait3A_681 = tpu.memref_slice %arg12[%dma_wait3A_679, %dma_wait3A_680] : memref<10240x128xbf16, #tpu.memory_space<vmem_shared>> -> memref<10240x128xbf16, #tpu.memory_space<vmem_shared>>
          tpu.wait_indirect_dma semaphore(%arg20 : memref<!tpu.dma_semaphore, #tpu.memory_space<semaphore_mem>>) src(%dma_wait3A_675 : memref<128x128xbf16, #tpu.memory_space<vmem>>) dst(%dma_wait3A_681 : memref<10240x128xbf16, #tpu.memory_space<vmem_shared>>)
        } else {
        }
        %get3A_522 = arith.index_cast %add3A_442 : i32 to index
        %get3A_523 = arith.constant 0 : index
        %get3A_524 = tpu.vector_load %arg7[%get3A_522, %get3A_523] {strides = array<i32>} : memref<80x128xi32, #tpu.memory_space<vmem>>, vector<16xi32>,
        %shift_right_logical3A_525 = arith.constant 14 : i32
        %shift_right_logical3A_526 = vector.broadcast %shift_right_logical3A_525 : i32 to vector<16xi32>
        %shift_right_logical3A_527 = arith.shrui %get3A_524, %shift_right_logical3A_526 : vector<16xi32>
        %swap3A_528 = arith.constant 3 : i32
        %swap3A_529 = arith.index_cast %swap3A_528 : i32 to index
        %swap3A_530 = arith.constant 0 : index
        %swap3A_531 = tpu.vector_load %arg8[%swap3A_529, %swap3A_530] {strides = array<i32>} : memref<4x128xi32, #tpu.memory_space<vmem>>, vector<16xi32>,
        tpu.vector_store %arg8[%swap3A_529, %swap3A_530], %shift_right_logical3A_527 {strides = array<i32>} : memref<4x128xi32, #tpu.memory_space<vmem>>, vector<16xi32>,
        %and3A_532 = arith.constant 16383 : i32
        %and3A_533 = vector.broadcast %and3A_532 : i32 to vector<16xi32>
        %and3A_534 = arith.andi %get3A_524, %and3A_533 : vector<16xi32>
        %swap3A_535 = arith.constant 3 : i32
        %swap3A_536 = arith.index_cast %swap3A_535 : i32 to index
        %swap3A_537 = arith.constant 0 : index
        %swap3A_538 = tpu.vector_load %arg9[%swap3A_536, %swap3A_537] {strides = array<i32>} : memref<4x128xi32, #tpu.memory_space<vmem>>, vector<16xi32>,
        tpu.vector_store %arg9[%swap3A_536, %swap3A_537], %and3A_534 {strides = array<i32>} : memref<4x128xi32, #tpu.memory_space<vmem>>, vector<16xi32>,
        %get3A_539 = arith.index_cast %add3A_442 : i32 to index
        %get3A_540 = arith.constant 16 : index
        %get3A_541 = tpu.vector_load %arg7[%get3A_539, %get3A_540] {strides = array<i32>} : memref<80x128xi32, #tpu.memory_space<vmem>>, vector<16xi32>,
        %shift_right_logical3A_542 = arith.constant 14 : i32
        %shift_right_logical3A_543 = vector.broadcast %shift_right_logical3A_542 : i32 to vector<16xi32>
        %shift_right_logical3A_544 = arith.shrui %get3A_541, %shift_right_logical3A_543 : vector<16xi32>
        %swap3A_545 = arith.constant 3 : i32
        %swap3A_546 = arith.index_cast %swap3A_545 : i32 to index
        %swap3A_547 = arith.constant 16 : index
        %swap3A_548 = tpu.vector_load %arg8[%swap3A_546, %swap3A_547] {strides = array<i32>} : memref<4x128xi32, #tpu.memory_space<vmem>>, vector<16xi32>,
        tpu.vector_store %arg8[%swap3A_546, %swap3A_547], %shift_right_logical3A_544 {strides = array<i32>} : memref<4x128xi32, #tpu.memory_space<vmem>>, vector<16xi32>,
        %and3A_549 = arith.constant 16383 : i32
        %and3A_550 = vector.broadcast %and3A_549 : i32 to vector<16xi32>
        %and3A_551 = arith.andi %get3A_541, %and3A_550 : vector<16xi32>
        %swap3A_552 = arith.constant 3 : i32
        %swap3A_553 = arith.index_cast %swap3A_552 : i32 to index
        %swap3A_554 = arith.constant 16 : index
        %swap3A_555 = tpu.vector_load %arg9[%swap3A_553, %swap3A_554] {strides = array<i32>} : memref<4x128xi32, #tpu.memory_space<vmem>>, vector<16xi32>,
        tpu.vector_store %arg9[%swap3A_553, %swap3A_554], %and3A_551 {strides = array<i32>} : memref<4x128xi32, #tpu.memory_space<vmem>>, vector<16xi32>,
        %get3A_556 = arith.index_cast %add3A_442 : i32 to index
        %get3A_557 = arith.constant 32 : index
        %get3A_558 = tpu.vector_load %arg7[%get3A_556, %get3A_557] {strides = array<i32>} : memref<80x128xi32, #tpu.memory_space<vmem>>, vector<16xi32>,
        %shift_right_logical3A_559 = arith.constant 14 : i32
        %shift_right_logical3A_560 = vector.broadcast %shift_right_logical3A_559 : i32 to vector<16xi32>
        %shift_right_logical3A_561 = arith.shrui %get3A_558, %shift_right_logical3A_560 : vector<16xi32>
        %swap3A_562 = arith.constant 3 : i32
        %swap3A_563 = arith.index_cast %swap3A_562 : i32 to index
        %swap3A_564 = arith.constant 32 : index
        %swap3A_565 = tpu.vector_load %arg8[%swap3A_563, %swap3A_564] {strides = array<i32>} : memref<4x128xi32, #tpu.memory_space<vmem>>, vector<16xi32>,
        tpu.vector_store %arg8[%swap3A_563, %swap3A_564], %shift_right_logical3A_561 {strides = array<i32>} : memref<4x128xi32, #tpu.memory_space<vmem>>, vector<16xi32>,
        %and3A_566 = arith.constant 16383 : i32
        %and3A_567 = vector.broadcast %and3A_566 : i32 to vector<16xi32>
        %and3A_568 = arith.andi %get3A_558, %and3A_567 : vector<16xi32>
        %swap3A_569 = arith.constant 3 : i32
        %swap3A_570 = arith.index_cast %swap3A_569 : i32 to index
        %swap3A_571 = arith.constant 32 : index
        %swap3A_572 = tpu.vector_load %arg9[%swap3A_570, %swap3A_571] {strides = array<i32>} : memref<4x128xi32, #tpu.memory_space<vmem>>, vector<16xi32>,
        tpu.vector_store %arg9[%swap3A_570, %swap3A_571], %and3A_568 {strides = array<i32>} : memref<4x128xi32, #tpu.memory_space<vmem>>, vector<16xi32>,
        %get3A_573 = arith.index_cast %add3A_442 : i32 to index
        %get3A_574 = arith.constant 48 : index
        %get3A_575 = tpu.vector_load %arg7[%get3A_573, %get3A_574] {strides = array<i32>} : memref<80x128xi32, #tpu.memory_space<vmem>>, vector<16xi32>,
        %shift_right_logical3A_576 = arith.constant 14 : i32
        %shift_right_logical3A_577 = vector.broadcast %shift_right_logical3A_576 : i32 to vector<16xi32>
        %shift_right_logical3A_578 = arith.shrui %get3A_575, %shift_right_logical3A_577 : vector<16xi32>
        %swap3A_579 = arith.constant 3 : i32
        %swap3A_580 = arith.index_cast %swap3A_579 : i32 to index
        %swap3A_581 = arith.constant 48 : index
        %swap3A_582 = tpu.vector_load %arg8[%swap3A_580, %swap3A_581] {strides = array<i32>} : memref<4x128xi32, #tpu.memory_space<vmem>>, vector<16xi32>,
        tpu.vector_store %arg8[%swap3A_580, %swap3A_581], %shift_right_logical3A_578 {strides = array<i32>} : memref<4x128xi32, #tpu.memory_space<vmem>>, vector<16xi32>,
        %and3A_583 = arith.constant 16383 : i32
        %and3A_584 = vector.broadcast %and3A_583 : i32 to vector<16xi32>
        %and3A_585 = arith.andi %get3A_575, %and3A_584 : vector<16xi32>
        %swap3A_586 = arith.constant 3 : i32
        %swap3A_587 = arith.index_cast %swap3A_586 : i32 to index
        %swap3A_588 = arith.constant 48 : index
        %swap3A_589 = tpu.vector_load %arg9[%swap3A_587, %swap3A_588] {strides = array<i32>} : memref<4x128xi32, #tpu.memory_space<vmem>>, vector<16xi32>,
        tpu.vector_store %arg9[%swap3A_587, %swap3A_588], %and3A_585 {strides = array<i32>} : memref<4x128xi32, #tpu.memory_space<vmem>>, vector<16xi32>,
        %get3A_590 = arith.index_cast %add3A_442 : i32 to index
        %get3A_591 = arith.constant 64 : index
        %get3A_592 = tpu.vector_load %arg7[%get3A_590, %get3A_591] {strides = array<i32>} : memref<80x128xi32, #tpu.memory_space<vmem>>, vector<16xi32>,
        %shift_right_logical3A_593 = arith.constant 14 : i32
        %shift_right_logical3A_594 = vector.broadcast %shift_right_logical3A_593 : i32 to vector<16xi32>
        %shift_right_logical3A_595 = arith.shrui %get3A_592, %shift_right_logical3A_594 : vector<16xi32>
        %swap3A_596 = arith.constant 3 : i32
        %swap3A_597 = arith.index_cast %swap3A_596 : i32 to index
        %swap3A_598 = arith.constant 64 : index
        %swap3A_599 = tpu.vector_load %arg8[%swap3A_597, %swap3A_598] {strides = array<i32>} : memref<4x128xi32, #tpu.memory_space<vmem>>, vector<16xi32>,
        tpu.vector_store %arg8[%swap3A_597, %swap3A_598], %shift_right_logical3A_595 {strides = array<i32>} : memref<4x128xi32, #tpu.memory_space<vmem>>, vector<16xi32>,
        %and3A_600 = arith.constant 16383 : i32
        %and3A_601 = vector.broadcast %and3A_600 : i32 to vector<16xi32>
        %and3A_602 = arith.andi %get3A_592, %and3A_601 : vector<16xi32>
        %swap3A_603 = arith.constant 3 : i32
        %swap3A_604 = arith.index_cast %swap3A_603 : i32 to index
        %swap3A_605 = arith.constant 64 : index
        %swap3A_606 = tpu.vector_load %arg9[%swap3A_604, %swap3A_605] {strides = array<i32>} : memref<4x128xi32, #tpu.memory_space<vmem>>, vector<16xi32>,
        tpu.vector_store %arg9[%swap3A_604, %swap3A_605], %and3A_602 {strides = array<i32>} : memref<4x128xi32, #tpu.memory_space<vmem>>, vector<16xi32>,
        %get3A_607 = arith.index_cast %add3A_442 : i32 to index
        %get3A_608 = arith.constant 80 : index
        %get3A_609 = tpu.vector_load %arg7[%get3A_607, %get3A_608] {strides = array<i32>} : memref<80x128xi32, #tpu.memory_space<vmem>>, vector<16xi32>,
        %shift_right_logical3A_610 = arith.constant 14 : i32
        %shift_right_logical3A_611 = vector.broadcast %shift_right_logical3A_610 : i32 to vector<16xi32>
        %shift_right_logical3A_612 = arith.shrui %get3A_609, %shift_right_logical3A_611 : vector<16xi32>
        %swap3A_613 = arith.constant 3 : i32
        %swap3A_614 = arith.index_cast %swap3A_613 : i32 to index
        %swap3A_615 = arith.constant 80 : index
        %swap3A_616 = tpu.vector_load %arg8[%swap3A_614, %swap3A_615] {strides = array<i32>} : memref<4x128xi32, #tpu.memory_space<vmem>>, vector<16xi32>,
        tpu.vector_store %arg8[%swap3A_614, %swap3A_615], %shift_right_logical3A_612 {strides = array<i32>} : memref<4x128xi32, #tpu.memory_space<vmem>>, vector<16xi32>,
        %and3A_617 = arith.constant 16383 : i32
        %and3A_618 = vector.broadcast %and3A_617 : i32 to vector<16xi32>
        %and3A_619 = arith.andi %get3A_609, %and3A_618 : vector<16xi32>
        %swap3A_620 = arith.constant 3 : i32
        %swap3A_621 = arith.index_cast %swap3A_620 : i32 to index
        %swap3A_622 = arith.constant 80 : index
        %swap3A_623 = tpu.vector_load %arg9[%swap3A_621, %swap3A_622] {strides = array<i32>} : memref<4x128xi32, #tpu.memory_space<vmem>>, vector<16xi32>,
        tpu.vector_store %arg9[%swap3A_621, %swap3A_622], %and3A_619 {strides = array<i32>} : memref<4x128xi32, #tpu.memory_space<vmem>>, vector<16xi32>,
        %get3A_624 = arith.index_cast %add3A_442 : i32 to index
        %get3A_625 = arith.constant 96 : index
        %get3A_626 = tpu.vector_load %arg7[%get3A_624, %get3A_625] {strides = array<i32>} : memref<80x128xi32, #tpu.memory_space<vmem>>, vector<16xi32>,
        %shift_right_logical3A_627 = arith.constant 14 : i32
        %shift_right_logical3A_628 = vector.broadcast %shift_right_logical3A_627 : i32 to vector<16xi32>
        %shift_right_logical3A_629 = arith.shrui %get3A_626, %shift_right_logical3A_628 : vector<16xi32>
        %swap3A_630 = arith.constant 3 : i32
        %swap3A_631 = arith.index_cast %swap3A_630 : i32 to index
        %swap3A_632 = arith.constant 96 : index
        %swap3A_633 = tpu.vector_load %arg8[%swap3A_631, %swap3A_632] {strides = array<i32>} : memref<4x128xi32, #tpu.memory_space<vmem>>, vector<16xi32>,
        tpu.vector_store %arg8[%swap3A_631, %swap3A_632], %shift_right_logical3A_629 {strides = array<i32>} : memref<4x128xi32, #tpu.memory_space<vmem>>, vector<16xi32>,
        %and3A_634 = arith.constant 16383 : i32
        %and3A_635 = vector.broadcast %and3A_634 : i32 to vector<16xi32>
        %and3A_636 = arith.andi %get3A_626, %and3A_635 : vector<16xi32>
        %swap3A_637 = arith.constant 3 : i32
        %swap3A_638 = arith.index_cast %swap3A_637 : i32 to index
        %swap3A_639 = arith.constant 96 : index
        %swap3A_640 = tpu.vector_load %arg9[%swap3A_638, %swap3A_639] {strides = array<i32>} : memref<4x128xi32, #tpu.memory_space<vmem>>, vector<16xi32>,
        tpu.vector_store %arg9[%swap3A_638, %swap3A_639], %and3A_636 {strides = array<i32>} : memref<4x128xi32, #tpu.memory_space<vmem>>, vector<16xi32>,
        %get3A_641 = arith.index_cast %add3A_442 : i32 to index
        %get3A_642 = arith.constant 112 : index
        %get3A_643 = tpu.vector_load %arg7[%get3A_641, %get3A_642] {strides = array<i32>} : memref<80x128xi32, #tpu.memory_space<vmem>>, vector<16xi32>,
        %shift_right_logical3A_644 = arith.constant 14 : i32
        %shift_right_logical3A_645 = vector.broadcast %shift_right_logical3A_644 : i32 to vector<16xi32>
        %shift_right_logical3A_646 = arith.shrui %get3A_643, %shift_right_logical3A_645 : vector<16xi32>
        %swap3A_647 = arith.constant 3 : i32
        %swap3A_648 = arith.index_cast %swap3A_647 : i32 to index
        %swap3A_649 = arith.constant 112 : index
        %swap3A_650 = tpu.vector_load %arg8[%swap3A_648, %swap3A_649] {strides = array<i32>} : memref<4x128xi32, #tpu.memory_space<vmem>>, vector<16xi32>,
        tpu.vector_store %arg8[%swap3A_648, %swap3A_649], %shift_right_logical3A_646 {strides = array<i32>} : memref<4x128xi32, #tpu.memory_space<vmem>>, vector<16xi32>,
        %and3A_651 = arith.constant 16383 : i32
        %and3A_652 = vector.broadcast %and3A_651 : i32 to vector<16xi32>
        %and3A_653 = arith.andi %get3A_643, %and3A_652 : vector<16xi32>
        %swap3A_654 = arith.constant 3 : i32
        %swap3A_655 = arith.index_cast %swap3A_654 : i32 to index
        %swap3A_656 = arith.constant 112 : index
        %swap3A_657 = tpu.vector_load %arg9[%swap3A_655, %swap3A_656] {strides = array<i32>} : memref<4x128xi32, #tpu.memory_space<vmem>>, vector<16xi32>,
        tpu.vector_store %arg9[%swap3A_655, %swap3A_656], %and3A_653 {strides = array<i32>} : memref<4x128xi32, #tpu.memory_space<vmem>>, vector<16xi32>,
        %dma_start3A_658 = arith.constant 3 : i32
        %dma_start3A_659 = arith.constant 3 : i32
        %dma_start3A_660 = arith.constant 0 : i32
        %dma_start3A_661 = arith.constant 0 : i32
        %dma_start3A_662 = tpu.memref_slice %arg10[%dma_start3A_659, %dma_start3A_660, %dma_start3A_661] : memref<4x128x128xbf16, #tpu.memory_space<vmem>> -> memref<1x128x128xbf16, #tpu.memory_space<vmem>>
        %dma_start3A_663 = tpu.memref_squeeze %dma_start3A_662 : memref<1x128x128xbf16, #tpu.memory_space<vmem>> -> memref<128x128xbf16, #tpu.memory_space<vmem>>
        %dma_start3A_664 = arith.constant 0 : i32
        %dma_start3A_665 = tpu.memref_slice %arg8[%dma_start3A_658, %dma_start3A_664] : memref<4x128xi32, #tpu.memory_space<vmem>> -> memref<1x128xi32, #tpu.memory_space<vmem>>
        %dma_start3A_666 = tpu.memref_squeeze %dma_start3A_665 : memref<1x128xi32, #tpu.memory_space<vmem>> -> memref<128xi32, #tpu.memory_space<vmem>>
        %dma_start3A_667 = arith.constant 0 : i32
        %dma_start3A_668 = arith.constant 0 : i32
        %dma_start3A_669 = tpu.memref_slice %arg11[%dma_start3A_667, %dma_start3A_668] : memref<10240x128xbf16, #tpu.memory_space<vmem_shared>> -> memref<10240x128xbf16, #tpu.memory_space<vmem_shared>>
        tpu.enqueue_indirect_dma source(%dma_start3A_669 : memref<10240x128xbf16, #tpu.memory_space<vmem_shared>>) target(%dma_start3A_663 : memref<128x128xbf16, #tpu.memory_space<vmem>>) offsets(%dma_start3A_666 : memref<128xi32, #tpu.memory_space<vmem>>) semaphore(%arg16 : memref<!tpu.dma_semaphore, #tpu.memory_space<semaphore_mem>>)
      } else {
      }
      %mul3A_448 = arith.constant 4 : i32
      %mul3A_449 = arith.muli %scan3A_379, %mul3A_448 : i32
      %add3A_450 = arith.constant 2 : i32
      %add3A_451 = arith.addi %mul3A_449, %add3A_450 : i32
      %dma_wait3A_452 = arith.constant 2 : i32
      %dma_wait3A_453 = arith.constant 2 : i32
      %dma_wait3A_454 = arith.constant 0 : i32
      %dma_wait3A_455 = arith.constant 0 : i32
      %dma_wait3A_456 = tpu.memref_slice %arg10[%dma_wait3A_453, %dma_wait3A_454, %dma_wait3A_455] : memref<4x128x128xbf16, #tpu.memory_space<vmem>> -> memref<1x128x128xbf16, #tpu.memory_space<vmem>>
      %dma_wait3A_457 = tpu.memref_squeeze %dma_wait3A_456 : memref<1x128x128xbf16, #tpu.memory_space<vmem>> -> memref<128x128xbf16, #tpu.memory_space<vmem>>
      %dma_wait3A_458 = arith.constant 0 : i32
      %dma_wait3A_459 = tpu.memref_slice %arg8[%dma_wait3A_452, %dma_wait3A_458] : memref<4x128xi32, #tpu.memory_space<vmem>> -> memref<1x128xi32, #tpu.memory_space<vmem>>
      %dma_wait3A_460 = tpu.memref_squeeze %dma_wait3A_459 : memref<1x128xi32, #tpu.memory_space<vmem>> -> memref<128xi32, #tpu.memory_space<vmem>>
      %dma_wait3A_461 = arith.constant 0 : i32
      %dma_wait3A_462 = arith.constant 0 : i32
      %dma_wait3A_463 = tpu.memref_slice %arg11[%dma_wait3A_461, %dma_wait3A_462] : memref<10240x128xbf16, #tpu.memory_space<vmem_shared>> -> memref<10240x128xbf16, #tpu.memory_space<vmem_shared>>
      tpu.wait_indirect_dma semaphore(%arg15 : memref<!tpu.dma_semaphore, #tpu.memory_space<semaphore_mem>>) src(%dma_wait3A_463 : memref<10240x128xbf16, #tpu.memory_space<vmem_shared>>) dst(%dma_wait3A_457 : memref<128x128xbf16, #tpu.memory_space<vmem>>)
      %dma_start3A_464 = arith.constant 2 : i32
      %dma_start3A_465 = arith.constant 2 : i32
      %dma_start3A_466 = arith.constant 0 : i32
      %dma_start3A_467 = arith.constant 0 : i32
      %dma_start3A_468 = tpu.memref_slice %arg10[%dma_start3A_464, %dma_start3A_466, %dma_start3A_467] : memref<4x128x128xbf16, #tpu.memory_space<vmem>> -> memref<1x128x128xbf16, #tpu.memory_space<vmem>>
      %dma_start3A_469 = tpu.memref_squeeze %dma_start3A_468 : memref<1x128x128xbf16, #tpu.memory_space<vmem>> -> memref<128x128xbf16, #tpu.memory_space<vmem>>
      %dma_start3A_470 = arith.constant 0 : i32
      %dma_start3A_471 = tpu.memref_slice %arg9[%dma_start3A_465, %dma_start3A_470] : memref<4x128xi32, #tpu.memory_space<vmem>> -> memref<1x128xi32, #tpu.memory_space<vmem>>
      %dma_start3A_472 = tpu.memref_squeeze %dma_start3A_471 : memref<1x128xi32, #tpu.memory_space<vmem>> -> memref<128xi32, #tpu.memory_space<vmem>>
      %dma_start3A_473 = arith.constant 0 : i32
      %dma_start3A_474 = arith.constant 0 : i32
      %dma_start3A_475 = tpu.memref_slice %arg12[%dma_start3A_473, %dma_start3A_474] : memref<10240x128xbf16, #tpu.memory_space<vmem_shared>> -> memref<10240x128xbf16, #tpu.memory_space<vmem_shared>>
      tpu.enqueue_indirect_dma source(%dma_start3A_469 : memref<128x128xbf16, #tpu.memory_space<vmem>>) target(%dma_start3A_475 : memref<10240x128xbf16, #tpu.memory_space<vmem_shared>>) offsets(%dma_start3A_472 : memref<128xi32, #tpu.memory_space<vmem>>) semaphore(%arg19 : memref<!tpu.dma_semaphore, #tpu.memory_space<semaphore_mem>>) {add = true}
      %add3A_476 = arith.constant 2 : i32
      %add3A_477 = arith.addi %add3A_451, %add3A_476 : i32
      %lt3A_478 = arith.constant 80 : i32
      %lt3A_479 = arith.cmpi slt, %add3A_477, %lt3A_478 : i32
      %convert_element_type3A_480 = arith.extui %lt3A_479 : i1 to i32
      %cond3A_481 = arith.constant 0 : i32
      %cond3A_482 = arith.cmpi ne, %convert_element_type3A_480, %cond3A_481 : i32
      scf.if %cond3A_482 {
        %ge3A = arith.constant 2 : i32
        %ge3A_518 = arith.cmpi sge, %add3A_451, %ge3A : i32
        %convert_element_type3A_519 = arith.extui %ge3A_518 : i1 to i32
        %cond3A_520 = arith.constant 0 : i32
        %cond3A_521 = arith.cmpi ne, %convert_element_type3A_519, %cond3A_520 : i32
        scf.if %cond3A_521 {
          %dma_wait3A_670 = arith.constant 0 : i32
          %dma_wait3A_671 = arith.constant 0 : i32
          %dma_wait3A_672 = arith.constant 0 : i32
          %dma_wait3A_673 = arith.constant 0 : i32
          %dma_wait3A_674 = tpu.memref_slice %arg10[%dma_wait3A_670, %dma_wait3A_672, %dma_wait3A_673] : memref<4x128x128xbf16, #tpu.memory_space<vmem>> -> memref<1x128x128xbf16, #tpu.memory_space<vmem>>
          %dma_wait3A_675 = tpu.memref_squeeze %dma_wait3A_674 : memref<1x128x128xbf16, #tpu.memory_space<vmem>> -> memref<128x128xbf16, #tpu.memory_space<vmem>>
          %dma_wait3A_676 = arith.constant 0 : i32
          %dma_wait3A_677 = tpu.memref_slice %arg9[%dma_wait3A_671, %dma_wait3A_676] : memref<4x128xi32, #tpu.memory_space<vmem>> -> memref<1x128xi32, #tpu.memory_space<vmem>>
          %dma_wait3A_678 = tpu.memref_squeeze %dma_wait3A_677 : memref<1x128xi32, #tpu.memory_space<vmem>> -> memref<128xi32, #tpu.memory_space<vmem>>
          %dma_wait3A_679 = arith.constant 0 : i32
          %dma_wait3A_680 = arith.constant 0 : i32
          %dma_wait3A_681 = tpu.memref_slice %arg12[%dma_wait3A_679, %dma_wait3A_680] : memref<10240x128xbf16, #tpu.memory_space<vmem_shared>> -> memref<10240x128xbf16, #tpu.memory_space<vmem_shared>>
          tpu.wait_indirect_dma semaphore(%arg17 : memref<!tpu.dma_semaphore, #tpu.memory_space<semaphore_mem>>) src(%dma_wait3A_675 : memref<128x128xbf16, #tpu.memory_space<vmem>>) dst(%dma_wait3A_681 : memref<10240x128xbf16, #tpu.memory_space<vmem_shared>>)
        } else {
        }
        %get3A_522 = arith.index_cast %add3A_477 : i32 to index
        %get3A_523 = arith.constant 0 : index
        %get3A_524 = tpu.vector_load %arg7[%get3A_522, %get3A_523] {strides = array<i32>} : memref<80x128xi32, #tpu.memory_space<vmem>>, vector<16xi32>,
        %shift_right_logical3A_525 = arith.constant 14 : i32
        %shift_right_logical3A_526 = vector.broadcast %shift_right_logical3A_525 : i32 to vector<16xi32>
        %shift_right_logical3A_527 = arith.shrui %get3A_524, %shift_right_logical3A_526 : vector<16xi32>
        %swap3A_528 = arith.constant 0 : i32
        %swap3A_529 = arith.index_cast %swap3A_528 : i32 to index
        %swap3A_530 = arith.constant 0 : index
        %swap3A_531 = tpu.vector_load %arg8[%swap3A_529, %swap3A_530] {strides = array<i32>} : memref<4x128xi32, #tpu.memory_space<vmem>>, vector<16xi32>,
        tpu.vector_store %arg8[%swap3A_529, %swap3A_530], %shift_right_logical3A_527 {strides = array<i32>} : memref<4x128xi32, #tpu.memory_space<vmem>>, vector<16xi32>,
        %and3A_532 = arith.constant 16383 : i32
        %and3A_533 = vector.broadcast %and3A_532 : i32 to vector<16xi32>
        %and3A_534 = arith.andi %get3A_524, %and3A_533 : vector<16xi32>
        %swap3A_535 = arith.constant 0 : i32
        %swap3A_536 = arith.index_cast %swap3A_535 : i32 to index
        %swap3A_537 = arith.constant 0 : index
        %swap3A_538 = tpu.vector_load %arg9[%swap3A_536, %swap3A_537] {strides = array<i32>} : memref<4x128xi32, #tpu.memory_space<vmem>>, vector<16xi32>,
        tpu.vector_store %arg9[%swap3A_536, %swap3A_537], %and3A_534 {strides = array<i32>} : memref<4x128xi32, #tpu.memory_space<vmem>>, vector<16xi32>,
        %get3A_539 = arith.index_cast %add3A_477 : i32 to index
        %get3A_540 = arith.constant 16 : index
        %get3A_541 = tpu.vector_load %arg7[%get3A_539, %get3A_540] {strides = array<i32>} : memref<80x128xi32, #tpu.memory_space<vmem>>, vector<16xi32>,
        %shift_right_logical3A_542 = arith.constant 14 : i32
        %shift_right_logical3A_543 = vector.broadcast %shift_right_logical3A_542 : i32 to vector<16xi32>
        %shift_right_logical3A_544 = arith.shrui %get3A_541, %shift_right_logical3A_543 : vector<16xi32>
        %swap3A_545 = arith.constant 0 : i32
        %swap3A_546 = arith.index_cast %swap3A_545 : i32 to index
        %swap3A_547 = arith.constant 16 : index
        %swap3A_548 = tpu.vector_load %arg8[%swap3A_546, %swap3A_547] {strides = array<i32>} : memref<4x128xi32, #tpu.memory_space<vmem>>, vector<16xi32>,
        tpu.vector_store %arg8[%swap3A_546, %swap3A_547], %shift_right_logical3A_544 {strides = array<i32>} : memref<4x128xi32, #tpu.memory_space<vmem>>, vector<16xi32>,
        %and3A_549 = arith.constant 16383 : i32
        %and3A_550 = vector.broadcast %and3A_549 : i32 to vector<16xi32>
        %and3A_551 = arith.andi %get3A_541, %and3A_550 : vector<16xi32>
        %swap3A_552 = arith.constant 0 : i32
        %swap3A_553 = arith.index_cast %swap3A_552 : i32 to index
        %swap3A_554 = arith.constant 16 : index
        %swap3A_555 = tpu.vector_load %arg9[%swap3A_553, %swap3A_554] {strides = array<i32>} : memref<4x128xi32, #tpu.memory_space<vmem>>, vector<16xi32>,
        tpu.vector_store %arg9[%swap3A_553, %swap3A_554], %and3A_551 {strides = array<i32>} : memref<4x128xi32, #tpu.memory_space<vmem>>, vector<16xi32>,
        %get3A_556 = arith.index_cast %add3A_477 : i32 to index
        %get3A_557 = arith.constant 32 : index
        %get3A_558 = tpu.vector_load %arg7[%get3A_556, %get3A_557] {strides = array<i32>} : memref<80x128xi32, #tpu.memory_space<vmem>>, vector<16xi32>,
        %shift_right_logical3A_559 = arith.constant 14 : i32
        %shift_right_logical3A_560 = vector.broadcast %shift_right_logical3A_559 : i32 to vector<16xi32>
        %shift_right_logical3A_561 = arith.shrui %get3A_558, %shift_right_logical3A_560 : vector<16xi32>
        %swap3A_562 = arith.constant 0 : i32
        %swap3A_563 = arith.index_cast %swap3A_562 : i32 to index
        %swap3A_564 = arith.constant 32 : index
        %swap3A_565 = tpu.vector_load %arg8[%swap3A_563, %swap3A_564] {strides = array<i32>} : memref<4x128xi32, #tpu.memory_space<vmem>>, vector<16xi32>,
        tpu.vector_store %arg8[%swap3A_563, %swap3A_564], %shift_right_logical3A_561 {strides = array<i32>} : memref<4x128xi32, #tpu.memory_space<vmem>>, vector<16xi32>,
        %and3A_566 = arith.constant 16383 : i32
        %and3A_567 = vector.broadcast %and3A_566 : i32 to vector<16xi32>
        %and3A_568 = arith.andi %get3A_558, %and3A_567 : vector<16xi32>
        %swap3A_569 = arith.constant 0 : i32
        %swap3A_570 = arith.index_cast %swap3A_569 : i32 to index
        %swap3A_571 = arith.constant 32 : index
        %swap3A_572 = tpu.vector_load %arg9[%swap3A_570, %swap3A_571] {strides = array<i32>} : memref<4x128xi32, #tpu.memory_space<vmem>>, vector<16xi32>,
        tpu.vector_store %arg9[%swap3A_570, %swap3A_571], %and3A_568 {strides = array<i32>} : memref<4x128xi32, #tpu.memory_space<vmem>>, vector<16xi32>,
        %get3A_573 = arith.index_cast %add3A_477 : i32 to index
        %get3A_574 = arith.constant 48 : index
        %get3A_575 = tpu.vector_load %arg7[%get3A_573, %get3A_574] {strides = array<i32>} : memref<80x128xi32, #tpu.memory_space<vmem>>, vector<16xi32>,
        %shift_right_logical3A_576 = arith.constant 14 : i32
        %shift_right_logical3A_577 = vector.broadcast %shift_right_logical3A_576 : i32 to vector<16xi32>
        %shift_right_logical3A_578 = arith.shrui %get3A_575, %shift_right_logical3A_577 : vector<16xi32>
        %swap3A_579 = arith.constant 0 : i32
        %swap3A_580 = arith.index_cast %swap3A_579 : i32 to index
        %swap3A_581 = arith.constant 48 : index
        %swap3A_582 = tpu.vector_load %arg8[%swap3A_580, %swap3A_581] {strides = array<i32>} : memref<4x128xi32, #tpu.memory_space<vmem>>, vector<16xi32>,
        tpu.vector_store %arg8[%swap3A_580, %swap3A_581], %shift_right_logical3A_578 {strides = array<i32>} : memref<4x128xi32, #tpu.memory_space<vmem>>, vector<16xi32>,
        %and3A_583 = arith.constant 16383 : i32
        %and3A_584 = vector.broadcast %and3A_583 : i32 to vector<16xi32>
        %and3A_585 = arith.andi %get3A_575, %and3A_584 : vector<16xi32>
        %swap3A_586 = arith.constant 0 : i32
        %swap3A_587 = arith.index_cast %swap3A_586 : i32 to index
        %swap3A_588 = arith.constant 48 : index
        %swap3A_589 = tpu.vector_load %arg9[%swap3A_587, %swap3A_588] {strides = array<i32>} : memref<4x128xi32, #tpu.memory_space<vmem>>, vector<16xi32>,
        tpu.vector_store %arg9[%swap3A_587, %swap3A_588], %and3A_585 {strides = array<i32>} : memref<4x128xi32, #tpu.memory_space<vmem>>, vector<16xi32>,
        %get3A_590 = arith.index_cast %add3A_477 : i32 to index
        %get3A_591 = arith.constant 64 : index
        %get3A_592 = tpu.vector_load %arg7[%get3A_590, %get3A_591] {strides = array<i32>} : memref<80x128xi32, #tpu.memory_space<vmem>>, vector<16xi32>,
        %shift_right_logical3A_593 = arith.constant 14 : i32
        %shift_right_logical3A_594 = vector.broadcast %shift_right_logical3A_593 : i32 to vector<16xi32>
        %shift_right_logical3A_595 = arith.shrui %get3A_592, %shift_right_logical3A_594 : vector<16xi32>
        %swap3A_596 = arith.constant 0 : i32
        %swap3A_597 = arith.index_cast %swap3A_596 : i32 to index
        %swap3A_598 = arith.constant 64 : index
        %swap3A_599 = tpu.vector_load %arg8[%swap3A_597, %swap3A_598] {strides = array<i32>} : memref<4x128xi32, #tpu.memory_space<vmem>>, vector<16xi32>,
        tpu.vector_store %arg8[%swap3A_597, %swap3A_598], %shift_right_logical3A_595 {strides = array<i32>} : memref<4x128xi32, #tpu.memory_space<vmem>>, vector<16xi32>,
        %and3A_600 = arith.constant 16383 : i32
        %and3A_601 = vector.broadcast %and3A_600 : i32 to vector<16xi32>
        %and3A_602 = arith.andi %get3A_592, %and3A_601 : vector<16xi32>
        %swap3A_603 = arith.constant 0 : i32
        %swap3A_604 = arith.index_cast %swap3A_603 : i32 to index
        %swap3A_605 = arith.constant 64 : index
        %swap3A_606 = tpu.vector_load %arg9[%swap3A_604, %swap3A_605] {strides = array<i32>} : memref<4x128xi32, #tpu.memory_space<vmem>>, vector<16xi32>,
        tpu.vector_store %arg9[%swap3A_604, %swap3A_605], %and3A_602 {strides = array<i32>} : memref<4x128xi32, #tpu.memory_space<vmem>>, vector<16xi32>,
        %get3A_607 = arith.index_cast %add3A_477 : i32 to index
        %get3A_608 = arith.constant 80 : index
        %get3A_609 = tpu.vector_load %arg7[%get3A_607, %get3A_608] {strides = array<i32>} : memref<80x128xi32, #tpu.memory_space<vmem>>, vector<16xi32>,
        %shift_right_logical3A_610 = arith.constant 14 : i32
        %shift_right_logical3A_611 = vector.broadcast %shift_right_logical3A_610 : i32 to vector<16xi32>
        %shift_right_logical3A_612 = arith.shrui %get3A_609, %shift_right_logical3A_611 : vector<16xi32>
        %swap3A_613 = arith.constant 0 : i32
        %swap3A_614 = arith.index_cast %swap3A_613 : i32 to index
        %swap3A_615 = arith.constant 80 : index
        %swap3A_616 = tpu.vector_load %arg8[%swap3A_614, %swap3A_615] {strides = array<i32>} : memref<4x128xi32, #tpu.memory_space<vmem>>, vector<16xi32>,
        tpu.vector_store %arg8[%swap3A_614, %swap3A_615], %shift_right_logical3A_612 {strides = array<i32>} : memref<4x128xi32, #tpu.memory_space<vmem>>, vector<16xi32>,
        %and3A_617 = arith.constant 16383 : i32
        %and3A_618 = vector.broadcast %and3A_617 : i32 to vector<16xi32>
        %and3A_619 = arith.andi %get3A_609, %and3A_618 : vector<16xi32>
        %swap3A_620 = arith.constant 0 : i32
        %swap3A_621 = arith.index_cast %swap3A_620 : i32 to index
        %swap3A_622 = arith.constant 80 : index
        %swap3A_623 = tpu.vector_load %arg9[%swap3A_621, %swap3A_622] {strides = array<i32>} : memref<4x128xi32, #tpu.memory_space<vmem>>, vector<16xi32>,
        tpu.vector_store %arg9[%swap3A_621, %swap3A_622], %and3A_619 {strides = array<i32>} : memref<4x128xi32, #tpu.memory_space<vmem>>, vector<16xi32>,
        %get3A_624 = arith.index_cast %add3A_477 : i32 to index
        %get3A_625 = arith.constant 96 : index
        %get3A_626 = tpu.vector_load %arg7[%get3A_624, %get3A_625] {strides = array<i32>} : memref<80x128xi32, #tpu.memory_space<vmem>>, vector<16xi32>,
        %shift_right_logical3A_627 = arith.constant 14 : i32
        %shift_right_logical3A_628 = vector.broadcast %shift_right_logical3A_627 : i32 to vector<16xi32>
        %shift_right_logical3A_629 = arith.shrui %get3A_626, %shift_right_logical3A_628 : vector<16xi32>
        %swap3A_630 = arith.constant 0 : i32
        %swap3A_631 = arith.index_cast %swap3A_630 : i32 to index
        %swap3A_632 = arith.constant 96 : index
        %swap3A_633 = tpu.vector_load %arg8[%swap3A_631, %swap3A_632] {strides = array<i32>} : memref<4x128xi32, #tpu.memory_space<vmem>>, vector<16xi32>,
        tpu.vector_store %arg8[%swap3A_631, %swap3A_632], %shift_right_logical3A_629 {strides = array<i32>} : memref<4x128xi32, #tpu.memory_space<vmem>>, vector<16xi32>,
        %and3A_634 = arith.constant 16383 : i32
        %and3A_635 = vector.broadcast %and3A_634 : i32 to vector<16xi32>
        %and3A_636 = arith.andi %get3A_626, %and3A_635 : vector<16xi32>
        %swap3A_637 = arith.constant 0 : i32
        %swap3A_638 = arith.index_cast %swap3A_637 : i32 to index
        %swap3A_639 = arith.constant 96 : index
        %swap3A_640 = tpu.vector_load %arg9[%swap3A_638, %swap3A_639] {strides = array<i32>} : memref<4x128xi32, #tpu.memory_space<vmem>>, vector<16xi32>,
        tpu.vector_store %arg9[%swap3A_638, %swap3A_639], %and3A_636 {strides = array<i32>} : memref<4x128xi32, #tpu.memory_space<vmem>>, vector<16xi32>,
        %get3A_641 = arith.index_cast %add3A_477 : i32 to index
        %get3A_642 = arith.constant 112 : index
        %get3A_643 = tpu.vector_load %arg7[%get3A_641, %get3A_642] {strides = array<i32>} : memref<80x128xi32, #tpu.memory_space<vmem>>, vector<16xi32>,
        %shift_right_logical3A_644 = arith.constant 14 : i32
        %shift_right_logical3A_645 = vector.broadcast %shift_right_logical3A_644 : i32 to vector<16xi32>
        %shift_right_logical3A_646 = arith.shrui %get3A_643, %shift_right_logical3A_645 : vector<16xi32>
        %swap3A_647 = arith.constant 0 : i32
        %swap3A_648 = arith.index_cast %swap3A_647 : i32 to index
        %swap3A_649 = arith.constant 112 : index
        %swap3A_650 = tpu.vector_load %arg8[%swap3A_648, %swap3A_649] {strides = array<i32>} : memref<4x128xi32, #tpu.memory_space<vmem>>, vector<16xi32>,
        tpu.vector_store %arg8[%swap3A_648, %swap3A_649], %shift_right_logical3A_646 {strides = array<i32>} : memref<4x128xi32, #tpu.memory_space<vmem>>, vector<16xi32>,
        %and3A_651 = arith.constant 16383 : i32
        %and3A_652 = vector.broadcast %and3A_651 : i32 to vector<16xi32>
        %and3A_653 = arith.andi %get3A_643, %and3A_652 : vector<16xi32>
        %swap3A_654 = arith.constant 0 : i32
        %swap3A_655 = arith.index_cast %swap3A_654 : i32 to index
        %swap3A_656 = arith.constant 112 : index
        %swap3A_657 = tpu.vector_load %arg9[%swap3A_655, %swap3A_656] {strides = array<i32>} : memref<4x128xi32, #tpu.memory_space<vmem>>, vector<16xi32>,
        tpu.vector_store %arg9[%swap3A_655, %swap3A_656], %and3A_653 {strides = array<i32>} : memref<4x128xi32, #tpu.memory_space<vmem>>, vector<16xi32>,
        %dma_start3A_658 = arith.constant 0 : i32
        %dma_start3A_659 = arith.constant 0 : i32
        %dma_start3A_660 = arith.constant 0 : i32
        %dma_start3A_661 = arith.constant 0 : i32
        %dma_start3A_662 = tpu.memref_slice %arg10[%dma_start3A_659, %dma_start3A_660, %dma_start3A_661] : memref<4x128x128xbf16, #tpu.memory_space<vmem>> -> memref<1x128x128xbf16, #tpu.memory_space<vmem>>
        %dma_start3A_663 = tpu.memref_squeeze %dma_start3A_662 : memref<1x128x128xbf16, #tpu.memory_space<vmem>> -> memref<128x128xbf16, #tpu.memory_space<vmem>>
        %dma_start3A_664 = arith.constant 0 : i32
        %dma_start3A_665 = tpu.memref_slice %arg8[%dma_start3A_658, %dma_start3A_664] : memref<4x128xi32, #tpu.memory_space<vmem>> -> memref<1x128xi32, #tpu.memory_space<vmem>>
        %dma_start3A_666 = tpu.memref_squeeze %dma_start3A_665 : memref<1x128xi32, #tpu.memory_space<vmem>> -> memref<128xi32, #tpu.memory_space<vmem>>
        %dma_start3A_667 = arith.constant 0 : i32
        %dma_start3A_668 = arith.constant 0 : i32
        %dma_start3A_669 = tpu.memref_slice %arg11[%dma_start3A_667, %dma_start3A_668] : memref<10240x128xbf16, #tpu.memory_space<vmem_shared>> -> memref<10240x128xbf16, #tpu.memory_space<vmem_shared>>
        tpu.enqueue_indirect_dma source(%dma_start3A_669 : memref<10240x128xbf16, #tpu.memory_space<vmem_shared>>) target(%dma_start3A_663 : memref<128x128xbf16, #tpu.memory_space<vmem>>) offsets(%dma_start3A_666 : memref<128xi32, #tpu.memory_space<vmem>>) semaphore(%arg13 : memref<!tpu.dma_semaphore, #tpu.memory_space<semaphore_mem>>)
      } else {
      }
      %mul3A_483 = arith.constant 4 : i32
      %mul3A_484 = arith.muli %scan3A_379, %mul3A_483 : i32
      %add3A_485 = arith.constant 3 : i32
      %add3A_486 = arith.addi %mul3A_484, %add3A_485 : i32
      %dma_wait3A_487 = arith.constant 3 : i32
      %dma_wait3A_488 = arith.constant 3 : i32
      %dma_wait3A_489 = arith.constant 0 : i32
      %dma_wait3A_490 = arith.constant 0 : i32
      %dma_wait3A_491 = tpu.memref_slice %arg10[%dma_wait3A_488, %dma_wait3A_489, %dma_wait3A_490] : memref<4x128x128xbf16, #tpu.memory_space<vmem>> -> memref<1x128x128xbf16, #tpu.memory_space<vmem>>
      %dma_wait3A_492 = tpu.memref_squeeze %dma_wait3A_491 : memref<1x128x128xbf16, #tpu.memory_space<vmem>> -> memref<128x128xbf16, #tpu.memory_space<vmem>>
      %dma_wait3A_493 = arith.constant 0 : i32
      %dma_wait3A_494 = tpu.memref_slice %arg8[%dma_wait3A_487, %dma_wait3A_493] : memref<4x128xi32, #tpu.memory_space<vmem>> -> memref<1x128xi32, #tpu.memory_space<vmem>>
      %dma_wait3A_495 = tpu.memref_squeeze %dma_wait3A_494 : memref<1x128xi32, #tpu.memory_space<vmem>> -> memref<128xi32, #tpu.memory_space<vmem>>
      %dma_wait3A_496 = arith.constant 0 : i32
      %dma_wait3A_497 = arith.constant 0 : i32
      %dma_wait3A_498 = tpu.memref_slice %arg11[%dma_wait3A_496, %dma_wait3A_497] : memref<10240x128xbf16, #tpu.memory_space<vmem_shared>> -> memref<10240x128xbf16, #tpu.memory_space<vmem_shared>>
      tpu.wait_indirect_dma semaphore(%arg16 : memref<!tpu.dma_semaphore, #tpu.memory_space<semaphore_mem>>) src(%dma_wait3A_498 : memref<10240x128xbf16, #tpu.memory_space<vmem_shared>>) dst(%dma_wait3A_492 : memref<128x128xbf16, #tpu.memory_space<vmem>>)
      %dma_start3A_499 = arith.constant 3 : i32
      %dma_start3A_500 = arith.constant 3 : i32
      %dma_start3A_501 = arith.constant 0 : i32
      %dma_start3A_502 = arith.constant 0 : i32
      %dma_start3A_503 = tpu.memref_slice %arg10[%dma_start3A_499, %dma_start3A_501, %dma_start3A_502] : memref<4x128x128xbf16, #tpu.memory_space<vmem>> -> memref<1x128x128xbf16, #tpu.memory_space<vmem>>
      %dma_start3A_504 = tpu.memref_squeeze %dma_start3A_503 : memref<1x128x128xbf16, #tpu.memory_space<vmem>> -> memref<128x128xbf16, #tpu.memory_space<vmem>>
      %dma_start3A_505 = arith.constant 0 : i32
      %dma_start3A_506 = tpu.memref_slice %arg9[%dma_start3A_500, %dma_start3A_505] : memref<4x128xi32, #tpu.memory_space<vmem>> -> memref<1x128xi32, #tpu.memory_space<vmem>>
      %dma_start3A_507 = tpu.memref_squeeze %dma_start3A_506 : memref<1x128xi32, #tpu.memory_space<vmem>> -> memref<128xi32, #tpu.memory_space<vmem>>
      %dma_start3A_508 = arith.constant 0 : i32
      %dma_start3A_509 = arith.constant 0 : i32
      %dma_start3A_510 = tpu.memref_slice %arg12[%dma_start3A_508, %dma_start3A_509] : memref<10240x128xbf16, #tpu.memory_space<vmem_shared>> -> memref<10240x128xbf16, #tpu.memory_space<vmem_shared>>
      tpu.enqueue_indirect_dma source(%dma_start3A_504 : memref<128x128xbf16, #tpu.memory_space<vmem>>) target(%dma_start3A_510 : memref<10240x128xbf16, #tpu.memory_space<vmem_shared>>) offsets(%dma_start3A_507 : memref<128xi32, #tpu.memory_space<vmem>>) semaphore(%arg20 : memref<!tpu.dma_semaphore, #tpu.memory_space<semaphore_mem>>) {add = true}
      %add3A_511 = arith.constant 2 : i32
      %add3A_512 = arith.addi %add3A_486, %add3A_511 : i32
      %lt3A_513 = arith.constant 80 : i32
      %lt3A_514 = arith.cmpi slt, %add3A_512, %lt3A_513 : i32
      %convert_element_type3A_515 = arith.extui %lt3A_514 : i1 to i32
      %cond3A_516 = arith.constant 0 : i32
      %cond3A_517 = arith.cmpi ne, %convert_element_type3A_515, %cond3A_516 : i32
      scf.if %cond3A_517 {
        %ge3A = arith.constant 2 : i32
        %ge3A_518 = arith.cmpi sge, %add3A_486, %ge3A : i32
        %convert_element_type3A_519 = arith.extui %ge3A_518 : i1 to i32
        %cond3A_520 = arith.constant 0 : i32
        %cond3A_521 = arith.cmpi ne, %convert_element_type3A_519, %cond3A_520 : i32
        scf.if %cond3A_521 {
          %dma_wait3A_670 = arith.constant 1 : i32
          %dma_wait3A_671 = arith.constant 1 : i32
          %dma_wait3A_672 = arith.constant 0 : i32
          %dma_wait3A_673 = arith.constant 0 : i32
          %dma_wait3A_674 = tpu.memref_slice %arg10[%dma_wait3A_670, %dma_wait3A_672, %dma_wait3A_673] : memref<4x128x128xbf16, #tpu.memory_space<vmem>> -> memref<1x128x128xbf16, #tpu.memory_space<vmem>>
          %dma_wait3A_675 = tpu.memref_squeeze %dma_wait3A_674 : memref<1x128x128xbf16, #tpu.memory_space<vmem>> -> memref<128x128xbf16, #tpu.memory_space<vmem>>
          %dma_wait3A_676 = arith.constant 0 : i32
          %dma_wait3A_677 = tpu.memref_slice %arg9[%dma_wait3A_671, %dma_wait3A_676] : memref<4x128xi32, #tpu.memory_space<vmem>> -> memref<1x128xi32, #tpu.memory_space<vmem>>
          %dma_wait3A_678 = tpu.memref_squeeze %dma_wait3A_677 : memref<1x128xi32, #tpu.memory_space<vmem>> -> memref<128xi32, #tpu.memory_space<vmem>>
          %dma_wait3A_679 = arith.constant 0 : i32
          %dma_wait3A_680 = arith.constant 0 : i32
          %dma_wait3A_681 = tpu.memref_slice %arg12[%dma_wait3A_679, %dma_wait3A_680] : memref<10240x128xbf16, #tpu.memory_space<vmem_shared>> -> memref<10240x128xbf16, #tpu.memory_space<vmem_shared>>
          tpu.wait_indirect_dma semaphore(%arg18 : memref<!tpu.dma_semaphore, #tpu.memory_space<semaphore_mem>>) src(%dma_wait3A_675 : memref<128x128xbf16, #tpu.memory_space<vmem>>) dst(%dma_wait3A_681 : memref<10240x128xbf16, #tpu.memory_space<vmem_shared>>)
        } else {
        }
        %get3A_522 = arith.index_cast %add3A_512 : i32 to index
        %get3A_523 = arith.constant 0 : index
        %get3A_524 = tpu.vector_load %arg7[%get3A_522, %get3A_523] {strides = array<i32>} : memref<80x128xi32, #tpu.memory_space<vmem>>, vector<16xi32>,
        %shift_right_logical3A_525 = arith.constant 14 : i32
        %shift_right_logical3A_526 = vector.broadcast %shift_right_logical3A_525 : i32 to vector<16xi32>
        %shift_right_logical3A_527 = arith.shrui %get3A_524, %shift_right_logical3A_526 : vector<16xi32>
        %swap3A_528 = arith.constant 1 : i32
        %swap3A_529 = arith.index_cast %swap3A_528 : i32 to index
        %swap3A_530 = arith.constant 0 : index
        %swap3A_531 = tpu.vector_load %arg8[%swap3A_529, %swap3A_530] {strides = array<i32>} : memref<4x128xi32, #tpu.memory_space<vmem>>, vector<16xi32>,
        tpu.vector_store %arg8[%swap3A_529, %swap3A_530], %shift_right_logical3A_527 {strides = array<i32>} : memref<4x128xi32, #tpu.memory_space<vmem>>, vector<16xi32>,
        %and3A_532 = arith.constant 16383 : i32
        %and3A_533 = vector.broadcast %and3A_532 : i32 to vector<16xi32>
        %and3A_534 = arith.andi %get3A_524, %and3A_533 : vector<16xi32>
        %swap3A_535 = arith.constant 1 : i32
        %swap3A_536 = arith.index_cast %swap3A_535 : i32 to index
        %swap3A_537 = arith.constant 0 : index
        %swap3A_538 = tpu.vector_load %arg9[%swap3A_536, %swap3A_537] {strides = array<i32>} : memref<4x128xi32, #tpu.memory_space<vmem>>, vector<16xi32>,
        tpu.vector_store %arg9[%swap3A_536, %swap3A_537], %and3A_534 {strides = array<i32>} : memref<4x128xi32, #tpu.memory_space<vmem>>, vector<16xi32>,
        %get3A_539 = arith.index_cast %add3A_512 : i32 to index
        %get3A_540 = arith.constant 16 : index
        %get3A_541 = tpu.vector_load %arg7[%get3A_539, %get3A_540] {strides = array<i32>} : memref<80x128xi32, #tpu.memory_space<vmem>>, vector<16xi32>,
        %shift_right_logical3A_542 = arith.constant 14 : i32
        %shift_right_logical3A_543 = vector.broadcast %shift_right_logical3A_542 : i32 to vector<16xi32>
        %shift_right_logical3A_544 = arith.shrui %get3A_541, %shift_right_logical3A_543 : vector<16xi32>
        %swap3A_545 = arith.constant 1 : i32
        %swap3A_546 = arith.index_cast %swap3A_545 : i32 to index
        %swap3A_547 = arith.constant 16 : index
        %swap3A_548 = tpu.vector_load %arg8[%swap3A_546, %swap3A_547] {strides = array<i32>} : memref<4x128xi32, #tpu.memory_space<vmem>>, vector<16xi32>,
        tpu.vector_store %arg8[%swap3A_546, %swap3A_547], %shift_right_logical3A_544 {strides = array<i32>} : memref<4x128xi32, #tpu.memory_space<vmem>>, vector<16xi32>,
        %and3A_549 = arith.constant 16383 : i32
        %and3A_550 = vector.broadcast %and3A_549 : i32 to vector<16xi32>
        %and3A_551 = arith.andi %get3A_541, %and3A_550 : vector<16xi32>
        %swap3A_552 = arith.constant 1 : i32
        %swap3A_553 = arith.index_cast %swap3A_552 : i32 to index
        %swap3A_554 = arith.constant 16 : index
        %swap3A_555 = tpu.vector_load %arg9[%swap3A_553, %swap3A_554] {strides = array<i32>} : memref<4x128xi32, #tpu.memory_space<vmem>>, vector<16xi32>,
        tpu.vector_store %arg9[%swap3A_553, %swap3A_554], %and3A_551 {strides = array<i32>} : memref<4x128xi32, #tpu.memory_space<vmem>>, vector<16xi32>,
        %get3A_556 = arith.index_cast %add3A_512 : i32 to index
        %get3A_557 = arith.constant 32 : index
        %get3A_558 = tpu.vector_load %arg7[%get3A_556, %get3A_557] {strides = array<i32>} : memref<80x128xi32, #tpu.memory_space<vmem>>, vector<16xi32>,
        %shift_right_logical3A_559 = arith.constant 14 : i32
        %shift_right_logical3A_560 = vector.broadcast %shift_right_logical3A_559 : i32 to vector<16xi32>
        %shift_right_logical3A_561 = arith.shrui %get3A_558, %shift_right_logical3A_560 : vector<16xi32>
        %swap3A_562 = arith.constant 1 : i32
        %swap3A_563 = arith.index_cast %swap3A_562 : i32 to index
        %swap3A_564 = arith.constant 32 : index
        %swap3A_565 = tpu.vector_load %arg8[%swap3A_563, %swap3A_564] {strides = array<i32>} : memref<4x128xi32, #tpu.memory_space<vmem>>, vector<16xi32>,
        tpu.vector_store %arg8[%swap3A_563, %swap3A_564], %shift_right_logical3A_561 {strides = array<i32>} : memref<4x128xi32, #tpu.memory_space<vmem>>, vector<16xi32>,
        %and3A_566 = arith.constant 16383 : i32
        %and3A_567 = vector.broadcast %and3A_566 : i32 to vector<16xi32>
        %and3A_568 = arith.andi %get3A_558, %and3A_567 : vector<16xi32>
        %swap3A_569 = arith.constant 1 : i32
        %swap3A_570 = arith.index_cast %swap3A_569 : i32 to index
        %swap3A_571 = arith.constant 32 : index
        %swap3A_572 = tpu.vector_load %arg9[%swap3A_570, %swap3A_571] {strides = array<i32>} : memref<4x128xi32, #tpu.memory_space<vmem>>, vector<16xi32>,
        tpu.vector_store %arg9[%swap3A_570, %swap3A_571], %and3A_568 {strides = array<i32>} : memref<4x128xi32, #tpu.memory_space<vmem>>, vector<16xi32>,
        %get3A_573 = arith.index_cast %add3A_512 : i32 to index
        %get3A_574 = arith.constant 48 : index
        %get3A_575 = tpu.vector_load %arg7[%get3A_573, %get3A_574] {strides = array<i32>} : memref<80x128xi32, #tpu.memory_space<vmem>>, vector<16xi32>,
        %shift_right_logical3A_576 = arith.constant 14 : i32
        %shift_right_logical3A_577 = vector.broadcast %shift_right_logical3A_576 : i32 to vector<16xi32>
        %shift_right_logical3A_578 = arith.shrui %get3A_575, %shift_right_logical3A_577 : vector<16xi32>
        %swap3A_579 = arith.constant 1 : i32
        %swap3A_580 = arith.index_cast %swap3A_579 : i32 to index
        %swap3A_581 = arith.constant 48 : index
        %swap3A_582 = tpu.vector_load %arg8[%swap3A_580, %swap3A_581] {strides = array<i32>} : memref<4x128xi32, #tpu.memory_space<vmem>>, vector<16xi32>,
        tpu.vector_store %arg8[%swap3A_580, %swap3A_581], %shift_right_logical3A_578 {strides = array<i32>} : memref<4x128xi32, #tpu.memory_space<vmem>>, vector<16xi32>,
        %and3A_583 = arith.constant 16383 : i32
        %and3A_584 = vector.broadcast %and3A_583 : i32 to vector<16xi32>
        %and3A_585 = arith.andi %get3A_575, %and3A_584 : vector<16xi32>
        %swap3A_586 = arith.constant 1 : i32
        %swap3A_587 = arith.index_cast %swap3A_586 : i32 to index
        %swap3A_588 = arith.constant 48 : index
        %swap3A_589 = tpu.vector_load %arg9[%swap3A_587, %swap3A_588] {strides = array<i32>} : memref<4x128xi32, #tpu.memory_space<vmem>>, vector<16xi32>,
        tpu.vector_store %arg9[%swap3A_587, %swap3A_588], %and3A_585 {strides = array<i32>} : memref<4x128xi32, #tpu.memory_space<vmem>>, vector<16xi32>,
        %get3A_590 = arith.index_cast %add3A_512 : i32 to index
        %get3A_591 = arith.constant 64 : index
        %get3A_592 = tpu.vector_load %arg7[%get3A_590, %get3A_591] {strides = array<i32>} : memref<80x128xi32, #tpu.memory_space<vmem>>, vector<16xi32>,
        %shift_right_logical3A_593 = arith.constant 14 : i32
        %shift_right_logical3A_594 = vector.broadcast %shift_right_logical3A_593 : i32 to vector<16xi32>
        %shift_right_logical3A_595 = arith.shrui %get3A_592, %shift_right_logical3A_594 : vector<16xi32>
        %swap3A_596 = arith.constant 1 : i32
        %swap3A_597 = arith.index_cast %swap3A_596 : i32 to index
        %swap3A_598 = arith.constant 64 : index
        %swap3A_599 = tpu.vector_load %arg8[%swap3A_597, %swap3A_598] {strides = array<i32>} : memref<4x128xi32, #tpu.memory_space<vmem>>, vector<16xi32>,
        tpu.vector_store %arg8[%swap3A_597, %swap3A_598], %shift_right_logical3A_595 {strides = array<i32>} : memref<4x128xi32, #tpu.memory_space<vmem>>, vector<16xi32>,
        %and3A_600 = arith.constant 16383 : i32
        %and3A_601 = vector.broadcast %and3A_600 : i32 to vector<16xi32>
        %and3A_602 = arith.andi %get3A_592, %and3A_601 : vector<16xi32>
        %swap3A_603 = arith.constant 1 : i32
        %swap3A_604 = arith.index_cast %swap3A_603 : i32 to index
        %swap3A_605 = arith.constant 64 : index
        %swap3A_606 = tpu.vector_load %arg9[%swap3A_604, %swap3A_605] {strides = array<i32>} : memref<4x128xi32, #tpu.memory_space<vmem>>, vector<16xi32>,
        tpu.vector_store %arg9[%swap3A_604, %swap3A_605], %and3A_602 {strides = array<i32>} : memref<4x128xi32, #tpu.memory_space<vmem>>, vector<16xi32>,
        %get3A_607 = arith.index_cast %add3A_512 : i32 to index
        %get3A_608 = arith.constant 80 : index
        %get3A_609 = tpu.vector_load %arg7[%get3A_607, %get3A_608] {strides = array<i32>} : memref<80x128xi32, #tpu.memory_space<vmem>>, vector<16xi32>,
        %shift_right_logical3A_610 = arith.constant 14 : i32
        %shift_right_logical3A_611 = vector.broadcast %shift_right_logical3A_610 : i32 to vector<16xi32>
        %shift_right_logical3A_612 = arith.shrui %get3A_609, %shift_right_logical3A_611 : vector<16xi32>
        %swap3A_613 = arith.constant 1 : i32
        %swap3A_614 = arith.index_cast %swap3A_613 : i32 to index
        %swap3A_615 = arith.constant 80 : index
        %swap3A_616 = tpu.vector_load %arg8[%swap3A_614, %swap3A_615] {strides = array<i32>} : memref<4x128xi32, #tpu.memory_space<vmem>>, vector<16xi32>,
        tpu.vector_store %arg8[%swap3A_614, %swap3A_615], %shift_right_logical3A_612 {strides = array<i32>} : memref<4x128xi32, #tpu.memory_space<vmem>>, vector<16xi32>,
        %and3A_617 = arith.constant 16383 : i32
        %and3A_618 = vector.broadcast %and3A_617 : i32 to vector<16xi32>
        %and3A_619 = arith.andi %get3A_609, %and3A_618 : vector<16xi32>
        %swap3A_620 = arith.constant 1 : i32
        %swap3A_621 = arith.index_cast %swap3A_620 : i32 to index
        %swap3A_622 = arith.constant 80 : index
        %swap3A_623 = tpu.vector_load %arg9[%swap3A_621, %swap3A_622] {strides = array<i32>} : memref<4x128xi32, #tpu.memory_space<vmem>>, vector<16xi32>,
        tpu.vector_store %arg9[%swap3A_621, %swap3A_622], %and3A_619 {strides = array<i32>} : memref<4x128xi32, #tpu.memory_space<vmem>>, vector<16xi32>,
        %get3A_624 = arith.index_cast %add3A_512 : i32 to index
        %get3A_625 = arith.constant 96 : index
        %get3A_626 = tpu.vector_load %arg7[%get3A_624, %get3A_625] {strides = array<i32>} : memref<80x128xi32, #tpu.memory_space<vmem>>, vector<16xi32>,
        %shift_right_logical3A_627 = arith.constant 14 : i32
        %shift_right_logical3A_628 = vector.broadcast %shift_right_logical3A_627 : i32 to vector<16xi32>
        %shift_right_logical3A_629 = arith.shrui %get3A_626, %shift_right_logical3A_628 : vector<16xi32>
        %swap3A_630 = arith.constant 1 : i32
        %swap3A_631 = arith.index_cast %swap3A_630 : i32 to index
        %swap3A_632 = arith.constant 96 : index
        %swap3A_633 = tpu.vector_load %arg8[%swap3A_631, %swap3A_632] {strides = array<i32>} : memref<4x128xi32, #tpu.memory_space<vmem>>, vector<16xi32>,
        tpu.vector_store %arg8[%swap3A_631, %swap3A_632], %shift_right_logical3A_629 {strides = array<i32>} : memref<4x128xi32, #tpu.memory_space<vmem>>, vector<16xi32>,
        %and3A_634 = arith.constant 16383 : i32
        %and3A_635 = vector.broadcast %and3A_634 : i32 to vector<16xi32>
        %and3A_636 = arith.andi %get3A_626, %and3A_635 : vector<16xi32>
        %swap3A_637 = arith.constant 1 : i32
        %swap3A_638 = arith.index_cast %swap3A_637 : i32 to index
        %swap3A_639 = arith.constant 96 : index
        %swap3A_640 = tpu.vector_load %arg9[%swap3A_638, %swap3A_639] {strides = array<i32>} : memref<4x128xi32, #tpu.memory_space<vmem>>, vector<16xi32>,
        tpu.vector_store %arg9[%swap3A_638, %swap3A_639], %and3A_636 {strides = array<i32>} : memref<4x128xi32, #tpu.memory_space<vmem>>, vector<16xi32>,
        %get3A_641 = arith.index_cast %add3A_512 : i32 to index
        %get3A_642 = arith.constant 112 : index
        %get3A_643 = tpu.vector_load %arg7[%get3A_641, %get3A_642] {strides = array<i32>} : memref<80x128xi32, #tpu.memory_space<vmem>>, vector<16xi32>,
        %shift_right_logical3A_644 = arith.constant 14 : i32
        %shift_right_logical3A_645 = vector.broadcast %shift_right_logical3A_644 : i32 to vector<16xi32>
        %shift_right_logical3A_646 = arith.shrui %get3A_643, %shift_right_logical3A_645 : vector<16xi32>
        %swap3A_647 = arith.constant 1 : i32
        %swap3A_648 = arith.index_cast %swap3A_647 : i32 to index
        %swap3A_649 = arith.constant 112 : index
        %swap3A_650 = tpu.vector_load %arg8[%swap3A_648, %swap3A_649] {strides = array<i32>} : memref<4x128xi32, #tpu.memory_space<vmem>>, vector<16xi32>,
        tpu.vector_store %arg8[%swap3A_648, %swap3A_649], %shift_right_logical3A_646 {strides = array<i32>} : memref<4x128xi32, #tpu.memory_space<vmem>>, vector<16xi32>,
        %and3A_651 = arith.constant 16383 : i32
        %and3A_652 = vector.broadcast %and3A_651 : i32 to vector<16xi32>
        %and3A_653 = arith.andi %get3A_643, %and3A_652 : vector<16xi32>
        %swap3A_654 = arith.constant 1 : i32
        %swap3A_655 = arith.index_cast %swap3A_654 : i32 to index
        %swap3A_656 = arith.constant 112 : index
        %swap3A_657 = tpu.vector_load %arg9[%swap3A_655, %swap3A_656] {strides = array<i32>} : memref<4x128xi32, #tpu.memory_space<vmem>>, vector<16xi32>,
        tpu.vector_store %arg9[%swap3A_655, %swap3A_656], %and3A_653 {strides = array<i32>} : memref<4x128xi32, #tpu.memory_space<vmem>>, vector<16xi32>,
        %dma_start3A_658 = arith.constant 1 : i32
        %dma_start3A_659 = arith.constant 1 : i32
        %dma_start3A_660 = arith.constant 0 : i32
        %dma_start3A_661 = arith.constant 0 : i32
        %dma_start3A_662 = tpu.memref_slice %arg10[%dma_start3A_659, %dma_start3A_660, %dma_start3A_661] : memref<4x128x128xbf16, #tpu.memory_space<vmem>> -> memref<1x128x128xbf16, #tpu.memory_space<vmem>>
        %dma_start3A_663 = tpu.memref_squeeze %dma_start3A_662 : memref<1x128x128xbf16, #tpu.memory_space<vmem>> -> memref<128x128xbf16, #tpu.memory_space<vmem>>
        %dma_start3A_664 = arith.constant 0 : i32
        %dma_start3A_665 = tpu.memref_slice %arg8[%dma_start3A_658, %dma_start3A_664] : memref<4x128xi32, #tpu.memory_space<vmem>> -> memref<1x128xi32, #tpu.memory_space<vmem>>
        %dma_start3A_666 = tpu.memref_squeeze %dma_start3A_665 : memref<1x128xi32, #tpu.memory_space<vmem>> -> memref<128xi32, #tpu.memory_space<vmem>>
        %dma_start3A_667 = arith.constant 0 : i32
        %dma_start3A_668 = arith.constant 0 : i32
        %dma_start3A_669 = tpu.memref_slice %arg11[%dma_start3A_667, %dma_start3A_668] : memref<10240x128xbf16, #tpu.memory_space<vmem_shared>> -> memref<10240x128xbf16, #tpu.memory_space<vmem_shared>>
        tpu.enqueue_indirect_dma source(%dma_start3A_669 : memref<10240x128xbf16, #tpu.memory_space<vmem_shared>>) target(%dma_start3A_663 : memref<128x128xbf16, #tpu.memory_space<vmem>>) offsets(%dma_start3A_666 : memref<128xi32, #tpu.memory_space<vmem>>) semaphore(%arg14 : memref<!tpu.dma_semaphore, #tpu.memory_space<semaphore_mem>>)
      } else {
      }
    }
    %scan3A_320 = arith.constant 20 : i32
    %dma_wait3A = arith.constant 0 : i32
    %dma_wait3A_321 = arith.constant 0 : i32
    %dma_wait3A_322 = arith.constant 0 : i32
    %dma_wait3A_323 = arith.constant 0 : i32
    %dma_wait3A_324 = tpu.memref_slice %arg10[%dma_wait3A, %dma_wait3A_322, %dma_wait3A_323] : memref<4x128x128xbf16, #tpu.memory_space<vmem>> -> memref<1x128x128xbf16, #tpu.memory_space<vmem>>
    %dma_wait3A_325 = tpu.memref_squeeze %dma_wait3A_324 : memref<1x128x128xbf16, #tpu.memory_space<vmem>> -> memref<128x128xbf16, #tpu.memory_space<vmem>>
    %dma_wait3A_326 = arith.constant 0 : i32
    %dma_wait3A_327 = tpu.memref_slice %arg9[%dma_wait3A_321, %dma_wait3A_326] : memref<4x128xi32, #tpu.memory_space<vmem>> -> memref<1x128xi32, #tpu.memory_space<vmem>>
    %dma_wait3A_328 = tpu.memref_squeeze %dma_wait3A_327 : memref<1x128xi32, #tpu.memory_space<vmem>> -> memref<128xi32, #tpu.memory_space<vmem>>
    %dma_wait3A_329 = arith.constant 0 : i32
    %dma_wait3A_330 = arith.constant 0 : i32
    %dma_wait3A_331 = tpu.memref_slice %arg12[%dma_wait3A_329, %dma_wait3A_330] : memref<10240x128xbf16, #tpu.memory_space<vmem_shared>> -> memref<10240x128xbf16, #tpu.memory_space<vmem_shared>>
    tpu.wait_indirect_dma semaphore(%arg17 : memref<!tpu.dma_semaphore, #tpu.memory_space<semaphore_mem>>) src(%dma_wait3A_325 : memref<128x128xbf16, #tpu.memory_space<vmem>>) dst(%dma_wait3A_331 : memref<10240x128xbf16, #tpu.memory_space<vmem_shared>>)
    %dma_wait3A_332 = arith.constant 1 : i32
    %dma_wait3A_333 = arith.constant 1 : i32
    %dma_wait3A_334 = arith.constant 0 : i32
    %dma_wait3A_335 = arith.constant 0 : i32
    %dma_wait3A_336 = tpu.memref_slice %arg10[%dma_wait3A_332, %dma_wait3A_334, %dma_wait3A_335] : memref<4x128x128xbf16, #tpu.memory_space<vmem>> -> memref<1x128x128xbf16, #tpu.memory_space<vmem>>
    %dma_wait3A_337 = tpu.memref_squeeze %dma_wait3A_336 : memref<1x128x128xbf16, #tpu.memory_space<vmem>> -> memref<128x128xbf16, #tpu.memory_space<vmem>>
    %dma_wait3A_338 = arith.constant 0 : i32
    %dma_wait3A_339 = tpu.memref_slice %arg9[%dma_wait3A_333, %dma_wait3A_338] : memref<4x128xi32, #tpu.memory_space<vmem>> -> memref<1x128xi32, #tpu.memory_space<vmem>>
    %dma_wait3A_340 = tpu.memref_squeeze %dma_wait3A_339 : memref<1x128xi32, #tpu.memory_space<vmem>> -> memref<128xi32, #tpu.memory_space<vmem>>
    %dma_wait3A_341 = arith.constant 0 : i32
    %dma_wait3A_342 = arith.constant 0 : i32
    %dma_wait3A_343 = tpu.memref_slice %arg12[%dma_wait3A_341, %dma_wait3A_342] : memref<10240x128xbf16, #tpu.memory_space<vmem_shared>> -> memref<10240x128xbf16, #tpu.memory_space<vmem_shared>>
    tpu.wait_indirect_dma semaphore(%arg18 : memref<!tpu.dma_semaphore, #tpu.memory_space<semaphore_mem>>) src(%dma_wait3A_337 : memref<128x128xbf16, #tpu.memory_space<vmem>>) dst(%dma_wait3A_343 : memref<10240x128xbf16, #tpu.memory_space<vmem_shared>>)
    %dma_wait3A_344 = arith.constant 2 : i32
    %dma_wait3A_345 = arith.constant 2 : i32
    %dma_wait3A_346 = arith.constant 0 : i32
    %dma_wait3A_347 = arith.constant 0 : i32
    %dma_wait3A_348 = tpu.memref_slice %arg10[%dma_wait3A_344, %dma_wait3A_346, %dma_wait3A_347] : memref<4x128x128xbf16, #tpu.memory_space<vmem>> -> memref<1x128x128xbf16, #tpu.memory_space<vmem>>
    %dma_wait3A_349 = tpu.memref_squeeze %dma_wait3A_348 : memref<1x128x128xbf16, #tpu.memory_space<vmem>> -> memref<128x128xbf16, #tpu.memory_space<vmem>>
    %dma_wait3A_350 = arith.constant 0 : i32
    %dma_wait3A_351 = tpu.memref_slice %arg9[%dma_wait3A_345, %dma_wait3A_350] : memref<4x128xi32, #tpu.memory_space<vmem>> -> memref<1x128xi32, #tpu.memory_space<vmem>>
    %dma_wait3A_352 = tpu.memref_squeeze %dma_wait3A_351 : memref<1x128xi32, #tpu.memory_space<vmem>> -> memref<128xi32, #tpu.memory_space<vmem>>
    %dma_wait3A_353 = arith.constant 0 : i32
    %dma_wait3A_354 = arith.constant 0 : i32
    %dma_wait3A_355 = tpu.memref_slice %arg12[%dma_wait3A_353, %dma_wait3A_354] : memref<10240x128xbf16, #tpu.memory_space<vmem_shared>> -> memref<10240x128xbf16, #tpu.memory_space<vmem_shared>>
    tpu.wait_indirect_dma semaphore(%arg19 : memref<!tpu.dma_semaphore, #tpu.memory_space<semaphore_mem>>) src(%dma_wait3A_349 : memref<128x128xbf16, #tpu.memory_space<vmem>>) dst(%dma_wait3A_355 : memref<10240x128xbf16, #tpu.memory_space<vmem_shared>>)
    %dma_wait3A_356 = arith.constant 3 : i32
    %dma_wait3A_357 = arith.constant 3 : i32
    %dma_wait3A_358 = arith.constant 0 : i32
    %dma_wait3A_359 = arith.constant 0 : i32
    %dma_wait3A_360 = tpu.memref_slice %arg10[%dma_wait3A_356, %dma_wait3A_358, %dma_wait3A_359] : memref<4x128x128xbf16, #tpu.memory_space<vmem>> -> memref<1x128x128xbf16, #tpu.memory_space<vmem>>
    %dma_wait3A_361 = tpu.memref_squeeze %dma_wait3A_360 : memref<1x128x128xbf16, #tpu.memory_space<vmem>> -> memref<128x128xbf16, #tpu.memory_space<vmem>>
    %dma_wait3A_362 = arith.constant 0 : i32
    %dma_wait3A_363 = tpu.memref_slice %arg9[%dma_wait3A_357, %dma_wait3A_362] : memref<4x128xi32, #tpu.memory_space<vmem>> -> memref<1x128xi32, #tpu.memory_space<vmem>>
    %dma_wait3A_364 = tpu.memref_squeeze %dma_wait3A_363 : memref<1x128xi32, #tpu.memory_space<vmem>> -> memref<128xi32, #tpu.memory_space<vmem>>
    %dma_wait3A_365 = arith.constant 0 : i32
    %dma_wait3A_366 = arith.constant 0 : i32
    %dma_wait3A_367 = tpu.memref_slice %arg12[%dma_wait3A_365, %dma_wait3A_366] : memref<10240x128xbf16, #tpu.memory_space<vmem_shared>> -> memref<10240x128xbf16, #tpu.memory_space<vmem_shared>>
    tpu.wait_indirect_dma semaphore(%arg20 : memref<!tpu.dma_semaphore, #tpu.memory_space<semaphore_mem>>) src(%dma_wait3A_361 : memref<128x128xbf16, #tpu.memory_space<vmem>>) dst(%dma_wait3A_367 : memref<10240x128xbf16, #tpu.memory_space<vmem_shared>>)
    %barrier3A_368 = arith.constant 0 : index
    tpu.barrier barrier_id(%barrier3A_368)
    %eq3A_369 = arith.constant 0 : i32
    %eq3A_370 = arith.cmpi eq, %arg0, %eq3A_369 : i32
    %convert_element_type3A_371 = arith.extui %eq3A_370 : i1 to i32
    %cond3A_372 = arith.constant 0 : i32
    %cond3A_373 = arith.cmpi ne, %convert_element_type3A_371, %cond3A_372 : i32
    scf.if %cond3A_373 {
      "tpu.region"() ({
        %run_scoped3A = tpu.sem_alloc : memref<!tpu.dma_semaphore, #tpu.memory_space<semaphore_mem>>
        %dma_start3A_379 = arith.constant 0 : i32
        %dma_start3A_380 = tpu.memref_slice %arg5[%mul3A_2, %dma_start3A_379] : memref<10240x128xbf16, #tpu.memory_space<hbm>> -> memref<640x128xbf16, #tpu.memory_space<hbm>>
        %dma_start3A_381 = arith.constant 0 : i32
        %dma_start3A_382 = tpu.memref_slice %arg12[%mul3A_2, %dma_start3A_381] : memref<10240x128xbf16, #tpu.memory_space<vmem_shared>> -> memref<640x128xbf16, #tpu.memory_space<vmem_shared>>
        tpu.enqueue_dma source(%dma_start3A_382 : memref<640x128xbf16, #tpu.memory_space<vmem_shared>>) target(%dma_start3A_380 : memref<640x128xbf16, #tpu.memory_space<hbm>>) target_semaphore(%run_scoped3A : memref<!tpu.dma_semaphore, #tpu.memory_space<semaphore_mem>>)
        %dma_wait3A_383 = arith.constant 0 : i32
        %dma_wait3A_384 = tpu.memref_slice %arg5[%mul3A_2, %dma_wait3A_383] : memref<10240x128xbf16, #tpu.memory_space<hbm>> -> memref<640x128xbf16, #tpu.memory_space<hbm>>
        %dma_wait3A_385 = arith.constant 0 : i32
        %dma_wait3A_386 = tpu.memref_slice %arg12[%mul3A_2, %dma_wait3A_385] : memref<10240x128xbf16, #tpu.memory_space<vmem_shared>> -> memref<640x128xbf16, #tpu.memory_space<vmem_shared>>
        tpu.wait_dma2 semaphore(%run_scoped3A : memref<!tpu.dma_semaphore, #tpu.memory_space<semaphore_mem>>) src(%dma_wait3A_386 : memref<640x128xbf16, #tpu.memory_space<vmem_shared>>) dst(%dma_wait3A_384 : memref<640x128xbf16, #tpu.memory_space<hbm>>)
        tpu.yield
      }) : () -> ()
    } else {
    }
    %eq3A_374 = arith.constant 1 : i32
    %eq3A_375 = arith.cmpi eq, %arg0, %eq3A_374 : i32
    %convert_element_type3A_376 = arith.extui %eq3A_375 : i1 to i32
    %cond3A_377 = arith.constant 0 : i32
    %cond3A_378 = arith.cmpi ne, %convert_element_type3A_376, %cond3A_377 : i32
    scf.if %cond3A_378 {
      "tpu.region"() ({
        %run_scoped3A = tpu.sem_alloc : memref<!tpu.dma_semaphore, #tpu.memory_space<semaphore_mem>>
        %dma_start3A_379 = arith.constant 0 : i32
        %dma_start3A_380 = tpu.memref_slice %arg6[%mul3A_2, %dma_start3A_379] : memref<10240x128xbf16, #tpu.memory_space<hbm>> -> memref<640x128xbf16, #tpu.memory_space<hbm>>
        %dma_start3A_381 = arith.constant 0 : i32
        %dma_start3A_382 = tpu.memref_slice %arg12[%mul3A_2, %dma_start3A_381] : memref<10240x128xbf16, #tpu.memory_space<vmem_shared>> -> memref<640x128xbf16, #tpu.memory_space<vmem_shared>>
        tpu.enqueue_dma source(%dma_start3A_382 : memref<640x128xbf16, #tpu.memory_space<vmem_shared>>) target(%dma_start3A_380 : memref<640x128xbf16, #tpu.memory_space<hbm>>) target_semaphore(%run_scoped3A : memref<!tpu.dma_semaphore, #tpu.memory_space<semaphore_mem>>)
        %dma_wait3A_383 = arith.constant 0 : i32
        %dma_wait3A_384 = tpu.memref_slice %arg6[%mul3A_2, %dma_wait3A_383] : memref<10240x128xbf16, #tpu.memory_space<hbm>> -> memref<640x128xbf16, #tpu.memory_space<hbm>>
        %dma_wait3A_385 = arith.constant 0 : i32
        %dma_wait3A_386 = tpu.memref_slice %arg12[%mul3A_2, %dma_wait3A_385] : memref<10240x128xbf16, #tpu.memory_space<vmem_shared>> -> memref<640x128xbf16, #tpu.memory_space<vmem_shared>>
        tpu.wait_dma2 semaphore(%run_scoped3A : memref<!tpu.dma_semaphore, #tpu.memory_space<semaphore_mem>>) src(%dma_wait3A_386 : memref<640x128xbf16, #tpu.memory_space<vmem_shared>>) dst(%dma_wait3A_384 : memref<640x128xbf16, #tpu.memory_space<hbm>>)
        tpu.yield
      }) : () -> ()
    } else {
    }
    return
  }
}

module attributes {stable_mosaic.version = 14 : i64} {
  func.func @_prep_body(%arg0: i32, %arg1: memref<1024xf32, #tpu.memory_space<vmem>>, %arg2: memref<1024xf32, #tpu.memory_space<vmem>>, %arg3: memref<1024x256xf32, #tpu.memory_space<vmem>>, %arg4: memref<1024x128xbf16, #tpu.memory_space<vmem>>, %arg5: memref<1024x128xbf16, #tpu.memory_space<vmem>>, %arg6: memref<1024x1xf32, #tpu.memory_space<vmem>>) attributes {dimension_semantics = [#tpu.dimension_semantics<arbitrary>], iteration_bounds = array<i64: 10>, scalar_prefetch = 0 : i64, scratch_operands = 0 : i64, tpu.core_type = #tpu.core_type<tc>, window_params = [{transform_indices = @transform_0, window_bounds = array<i64: 1024>}, {transform_indices = @transform_1, window_bounds = array<i64: 1024>}, {transform_indices = @transform_2, window_bounds = array<i64: 1024, 256>}, {transform_indices = @transform_3, window_bounds = array<i64: 1024, 128>}, {transform_indices = @transform_4, window_bounds = array<i64: 1024, 128>}, {transform_indices = @transform_5, window_bounds = array<i64: 1024, 1>}]} {
    %get3A = arith.constant 0 : index
    %get3A_0 = vector.load %arg1[%get3A] : memref<1024xf32, #tpu.memory_space<vmem>>, vector<1024xf32>
    %get3A_1 = arith.constant 0 : index
    %get3A_2 = vector.load %arg2[%get3A_1] : memref<1024xf32, #tpu.memory_space<vmem>>, vector<1024xf32>
    %add3A = arith.addf %get3A_0, %get3A_2 : vector<1024xf32>
    %add3A_3 = arith.constant 1.000000e+00 : f32
    %add3A_4 = vector.broadcast %add3A_3 : f32 to vector<1024xf32>
    %add3A_5 = arith.addf %add3A, %add3A_4 : vector<1024xf32>
    %reshape3A = vector.shape_cast %add3A_5 : vector<1024xf32> to vector<1024x1xf32>
    %rsqrt3A = math.rsqrt %reshape3A : vector<1024x1xf32>
    %swap3A = arith.constant 0 : index
    %swap3A_6 = arith.constant 0 : index
    %swap3A_7 = vector.load %arg6[%swap3A, %swap3A_6] : memref<1024x1xf32, #tpu.memory_space<vmem>>, vector<1024x1xf32>
    tpu.vector_store %arg6[%swap3A, %swap3A_6], %rsqrt3A {strides = array<i32>} : memref<1024x1xf32, #tpu.memory_space<vmem>>, vector<1024x1xf32>,
    %get3A_8 = arith.constant 0 : index
    %get3A_9 = arith.constant 0 : index
    %get3A_10 = vector.load %arg3[%get3A_8, %get3A_9] : memref<1024x256xf32, #tpu.memory_space<vmem>>, vector<1024x256xf32>
    %slice3A = vector.extract_strided_slice %get3A_10 {offsets = [0, 0], sizes = [1024, 128], strides = [1, 1]} : vector<1024x256xf32> to vector<1024x128xf32>
    %mul3A = vector.broadcast %rsqrt3A : vector<1024x1xf32> to vector<1024x128xf32>
    %mul3A_11 = arith.mulf %slice3A, %mul3A : vector<1024x128xf32>
    %convert_element_type3A = arith.truncf %mul3A_11 : vector<1024x128xf32> to vector<1024x128xbf16>
    %swap3A_12 = arith.constant 0 : index
    %swap3A_13 = arith.constant 0 : index
    %swap3A_14 = vector.load %arg4[%swap3A_12, %swap3A_13] : memref<1024x128xbf16, #tpu.memory_space<vmem>>, vector<1024x128xbf16>
    tpu.vector_store %arg4[%swap3A_12, %swap3A_13], %convert_element_type3A {strides = array<i32>} : memref<1024x128xbf16, #tpu.memory_space<vmem>>, vector<1024x128xbf16>,
    %slice3A_15 = vector.extract_strided_slice %get3A_10 {offsets = [0, 128], sizes = [1024, 128], strides = [1, 1]} : vector<1024x256xf32> to vector<1024x128xf32>
    %mul3A_16 = vector.broadcast %rsqrt3A : vector<1024x1xf32> to vector<1024x128xf32>
    %mul3A_17 = arith.mulf %slice3A_15, %mul3A_16 : vector<1024x128xf32>
    %convert_element_type3A_18 = arith.truncf %mul3A_17 : vector<1024x128xf32> to vector<1024x128xbf16>
    %swap3A_19 = arith.constant 0 : index
    %swap3A_20 = arith.constant 0 : index
    %swap3A_21 = vector.load %arg5[%swap3A_19, %swap3A_20] : memref<1024x128xbf16, #tpu.memory_space<vmem>>, vector<1024x128xbf16>
    tpu.vector_store %arg5[%swap3A_19, %swap3A_20], %convert_element_type3A_18 {strides = array<i32>} : memref<1024x128xbf16, #tpu.memory_space<vmem>>, vector<1024x128xbf16>,
    return
  }
  func.func @transform_0(%arg0: i32) -> i32 {
    %c0_i32 = arith.constant 0 : i32
    return %arg0 : i32
  }
  func.func @transform_1(%arg0: i32) -> i32 {
    %add3A = arith.constant 10 : i32
    %add3A_0 = arith.addi %add3A, %arg0 : i32
    %c0_i32 = arith.constant 0 : i32
    return %add3A_0 : i32
  }
  func.func @transform_2(%arg0: i32) -> (i32, i32) {
    %c0_i32 = arith.constant 0 : i32
    %c0_i32_0 = arith.constant 0 : i32
    return %arg0, %c0_i32 : i32, i32
  }
  func.func @transform_3(%arg0: i32) -> (i32, i32) {
    %c0_i32 = arith.constant 0 : i32
    %c0_i32_0 = arith.constant 0 : i32
    return %arg0, %c0_i32 : i32, i32
  }
  func.func @transform_4(%arg0: i32) -> (i32, i32) {
    %c0_i32 = arith.constant 0 : i32
    %c0_i32_0 = arith.constant 0 : i32
    return %arg0, %c0_i32 : i32, i32
  }
  func.func @transform_5(%arg0: i32) -> (i32, i32) {
    %c0_i32 = arith.constant 0 : i32
    %c0_i32_0 = arith.constant 0 : i32
    return %arg0, %c0_i32 : i32, i32
  }
}

module attributes {stable_mosaic.version = 14 : i64} {
  func.func @_mid_body(%arg0: i32, %arg1: memref<1024x128xbf16, #tpu.memory_space<vmem>>, %arg2: memref<1024x128xbf16, #tpu.memory_space<vmem>>, %arg3: memref<1024x1xf32, #tpu.memory_space<vmem>>, %arg4: memref<2x128x512xf32, #tpu.memory_space<vmem>>, %arg5: memref<1x512xf32, #tpu.memory_space<vmem>>, %arg6: memref<512x256xf32, #tpu.memory_space<vmem>>, %arg7: memref<1024x128xbf16, #tpu.memory_space<vmem>>, %arg8: memref<1024x128xbf16, #tpu.memory_space<vmem>>) attributes {dimension_semantics = [#tpu.dimension_semantics<arbitrary>], iteration_bounds = array<i64: 10>, scalar_prefetch = 0 : i64, scratch_operands = 0 : i64, tpu.core_type = #tpu.core_type<tc>, window_params = [{transform_indices = @transform_0, window_bounds = array<i64: 1024, 128>}, {transform_indices = @transform_1, window_bounds = array<i64: 1024, 128>}, {transform_indices = @transform_2, window_bounds = array<i64: 1024, 1>}, {pipeline_mode = #tpu.pipeline_mode<synchronous>, transform_indices = @transform_3, window_bounds = array<i64: 2, 128, 512>}, {pipeline_mode = #tpu.pipeline_mode<synchronous>, transform_indices = @transform_4, window_bounds = array<i64: 1, 512>}, {pipeline_mode = #tpu.pipeline_mode<synchronous>, transform_indices = @transform_5, window_bounds = array<i64: 512, 256>}, {transform_indices = @transform_6, window_bounds = array<i64: 1024, 128>}, {transform_indices = @transform_7, window_bounds = array<i64: 1024, 128>}]} {
    %get3A = arith.constant 0 : index
    %get3A_0 = arith.constant 0 : index
    %get3A_1 = vector.load %arg3[%get3A, %get3A_0] : memref<1024x1xf32, #tpu.memory_space<vmem>>, vector<1024x1xf32>
    %get3A_2 = arith.constant 0 : index
    %get3A_3 = arith.constant 0 : index
    %get3A_4 = vector.load %arg1[%get3A_2, %get3A_3] : memref<1024x128xbf16, #tpu.memory_space<vmem>>, vector<1024x128xbf16>
    %convert_element_type3A = arith.extf %get3A_4 : vector<1024x128xbf16> to vector<1024x128xf32>
    %mul3A = vector.broadcast %get3A_1 : vector<1024x1xf32> to vector<1024x128xf32>
    %mul3A_5 = arith.mulf %convert_element_type3A, %mul3A : vector<1024x128xf32>
    %get3A_6 = arith.constant 0 : index
    %get3A_7 = arith.constant 0 : index
    %get3A_8 = vector.load %arg2[%get3A_6, %get3A_7] : memref<1024x128xbf16, #tpu.memory_space<vmem>>, vector<1024x128xbf16>
    %convert_element_type3A_9 = arith.extf %get3A_8 : vector<1024x128xbf16> to vector<1024x128xf32>
    %mul3A_10 = vector.broadcast %get3A_1 : vector<1024x1xf32> to vector<1024x128xf32>
    %mul3A_11 = arith.mulf %convert_element_type3A_9, %mul3A_10 : vector<1024x128xf32>
    %get3A_12 = arith.constant 0 : index
    %get3A_13 = arith.constant 0 : index
    %get3A_14 = arith.constant 0 : index
    %get3A_15 = vector.load %arg4[%get3A_12, %get3A_13, %get3A_14] : memref<2x128x512xf32, #tpu.memory_space<vmem>>, vector<1x128x512xf32>
    %get3A_16 = vector.shape_cast %get3A_15 : vector<1x128x512xf32> to vector<128x512xf32>
    %dot_general3A = arith.constant dense<0.000000e+00> : vector<1024x512xf32>
    %dot_general3A_17 = tpu.matmul %mul3A_5, %get3A_16, %dot_general3A {dimension_numbers = #tpu.dot_dimension_numbers<[1], [0], [0], [1], [0, 0, 1, 1], [], []>, transpose_lhs_hint = false} : vector<1024x128xf32>, vector<128x512xf32>, vector<1024x512xf32> -> vector<1024x512xf32>
    %get3A_18 = arith.constant 1 : index
    %get3A_19 = arith.constant 0 : index
    %get3A_20 = arith.constant 0 : index
    %get3A_21 = vector.load %arg4[%get3A_18, %get3A_19, %get3A_20] : memref<2x128x512xf32, #tpu.memory_space<vmem>>, vector<1x128x512xf32>
    %get3A_22 = vector.shape_cast %get3A_21 : vector<1x128x512xf32> to vector<128x512xf32>
    %dot_general3A_23 = arith.constant dense<0.000000e+00> : vector<1024x512xf32>
    %dot_general3A_24 = tpu.matmul %mul3A_11, %get3A_22, %dot_general3A_23 {dimension_numbers = #tpu.dot_dimension_numbers<[1], [0], [0], [1], [0, 0, 1, 1], [], []>, transpose_lhs_hint = false} : vector<1024x128xf32>, vector<128x512xf32>, vector<1024x512xf32> -> vector<1024x512xf32>
    %add3A = arith.addf %dot_general3A_17, %dot_general3A_24 : vector<1024x512xf32>
    %get3A_25 = arith.constant 0 : index
    %get3A_26 = arith.constant 0 : index
    %get3A_27 = vector.load %arg5[%get3A_25, %get3A_26] : memref<1x512xf32, #tpu.memory_space<vmem>>, vector<1x512xf32>
    %add3A_28 = vector.broadcast %get3A_27 : vector<1x512xf32> to vector<1024x512xf32>
    %add3A_29 = arith.addf %add3A, %add3A_28 : vector<1024x512xf32>
    %max3A = arith.constant 0.000000e+00 : f32
    %max3A_30 = vector.broadcast %max3A : f32 to vector<1024x512xf32>
    %max3A_31 = arith.maximumf %add3A_29, %max3A_30 : vector<1024x512xf32>
    %get3A_32 = arith.constant 0 : index
    %get3A_33 = arith.constant 0 : index
    %get3A_34 = vector.load %arg6[%get3A_32, %get3A_33] : memref<512x256xf32, #tpu.memory_space<vmem>>, vector<512x256xf32>
    %dot_general3A_35 = arith.constant dense<0.000000e+00> : vector<1024x256xf32>
    %dot_general3A_36 = tpu.matmul %max3A_31, %get3A_34, %dot_general3A_35 {dimension_numbers = #tpu.dot_dimension_numbers<[1], [0], [0], [1], [0, 0, 1, 1], [], []>, transpose_lhs_hint = false} : vector<1024x512xf32>, vector<512x256xf32>, vector<1024x256xf32> -> vector<1024x256xf32>
    %slice3A = vector.extract_strided_slice %dot_general3A_36 {offsets = [0, 0], sizes = [1024, 128], strides = [1, 1]} : vector<1024x256xf32> to vector<1024x128xf32>
    %mul3A_37 = vector.broadcast %get3A_1 : vector<1024x1xf32> to vector<1024x128xf32>
    %mul3A_38 = arith.mulf %slice3A, %mul3A_37 : vector<1024x128xf32>
    %convert_element_type3A_39 = arith.truncf %mul3A_38 : vector<1024x128xf32> to vector<1024x128xbf16>
    %swap3A = arith.constant 0 : index
    %swap3A_40 = arith.constant 0 : index
    %swap3A_41 = vector.load %arg7[%swap3A, %swap3A_40] : memref<1024x128xbf16, #tpu.memory_space<vmem>>, vector<1024x128xbf16>
    tpu.vector_store %arg7[%swap3A, %swap3A_40], %convert_element_type3A_39 {strides = array<i32>} : memref<1024x128xbf16, #tpu.memory_space<vmem>>, vector<1024x128xbf16>,
    %slice3A_42 = vector.extract_strided_slice %dot_general3A_36 {offsets = [0, 128], sizes = [1024, 128], strides = [1, 1]} : vector<1024x256xf32> to vector<1024x128xf32>
    %mul3A_43 = vector.broadcast %get3A_1 : vector<1024x1xf32> to vector<1024x128xf32>
    %mul3A_44 = arith.mulf %slice3A_42, %mul3A_43 : vector<1024x128xf32>
    %convert_element_type3A_45 = arith.truncf %mul3A_44 : vector<1024x128xf32> to vector<1024x128xbf16>
    %swap3A_46 = arith.constant 0 : index
    %swap3A_47 = arith.constant 0 : index
    %swap3A_48 = vector.load %arg8[%swap3A_46, %swap3A_47] : memref<1024x128xbf16, #tpu.memory_space<vmem>>, vector<1024x128xbf16>
    tpu.vector_store %arg8[%swap3A_46, %swap3A_47], %convert_element_type3A_45 {strides = array<i32>} : memref<1024x128xbf16, #tpu.memory_space<vmem>>, vector<1024x128xbf16>,
    return
  }
  func.func @transform_0(%arg0: i32) -> (i32, i32) {
    %c0_i32 = arith.constant 0 : i32
    %c0_i32_0 = arith.constant 0 : i32
    return %arg0, %c0_i32 : i32, i32
  }
  func.func @transform_1(%arg0: i32) -> (i32, i32) {
    %c0_i32 = arith.constant 0 : i32
    %c0_i32_0 = arith.constant 0 : i32
    return %arg0, %c0_i32 : i32, i32
  }
  func.func @transform_2(%arg0: i32) -> (i32, i32) {
    %c0_i32 = arith.constant 0 : i32
    %c0_i32_0 = arith.constant 0 : i32
    return %arg0, %c0_i32 : i32, i32
  }
  func.func @transform_3(%arg0: i32) -> (i32, i32, i32) {
    %c0_i32 = arith.constant 0 : i32
    %c0_i32_0 = arith.constant 0 : i32
    %c0_i32_1 = arith.constant 0 : i32
    %c0_i32_2 = arith.constant 0 : i32
    return %c0_i32, %c0_i32_0, %c0_i32_1 : i32, i32, i32
  }
  func.func @transform_4(%arg0: i32) -> (i32, i32) {
    %c0_i32 = arith.constant 0 : i32
    %c0_i32_0 = arith.constant 0 : i32
    %c0_i32_1 = arith.constant 0 : i32
    return %c0_i32, %c0_i32_0 : i32, i32
  }
  func.func @transform_5(%arg0: i32) -> (i32, i32) {
    %c0_i32 = arith.constant 0 : i32
    %c0_i32_0 = arith.constant 0 : i32
    %c0_i32_1 = arith.constant 0 : i32
    return %c0_i32, %c0_i32_0 : i32, i32
  }
  func.func @transform_6(%arg0: i32) -> (i32, i32) {
    %c0_i32 = arith.constant 0 : i32
    %c0_i32_0 = arith.constant 0 : i32
    return %arg0, %c0_i32 : i32, i32
  }
  func.func @transform_7(%arg0: i32) -> (i32, i32) {
    %c0_i32 = arith.constant 0 : i32
    %c0_i32_0 = arith.constant 0 : i32
    return %arg0, %c0_i32 : i32, i32
  }
}

module attributes {stable_mosaic.version = 14 : i64} {
  func.func @_fin_body(%arg0: i32, %arg1: memref<1024x128xbf16, #tpu.memory_space<vmem>>, %arg2: memref<1024x128xbf16, #tpu.memory_space<vmem>>, %arg3: memref<1024x1xf32, #tpu.memory_space<vmem>>, %arg4: memref<1x256xf32, #tpu.memory_space<vmem>>, %arg5: memref<1024x256xf32, #tpu.memory_space<vmem>>) attributes {dimension_semantics = [#tpu.dimension_semantics<arbitrary>], iteration_bounds = array<i64: 10>, scalar_prefetch = 0 : i64, scratch_operands = 0 : i64, tpu.core_type = #tpu.core_type<tc>, window_params = [{transform_indices = @transform_0, window_bounds = array<i64: 1024, 128>}, {transform_indices = @transform_1, window_bounds = array<i64: 1024, 128>}, {transform_indices = @transform_2, window_bounds = array<i64: 1024, 1>}, {pipeline_mode = #tpu.pipeline_mode<synchronous>, transform_indices = @transform_3, window_bounds = array<i64: 1, 256>}, {transform_indices = @transform_4, window_bounds = array<i64: 1024, 256>}]} {
    %get3A = arith.constant 0 : index
    %get3A_0 = arith.constant 0 : index
    %get3A_1 = vector.load %arg3[%get3A, %get3A_0] : memref<1024x1xf32, #tpu.memory_space<vmem>>, vector<1024x1xf32>
    %get3A_2 = arith.constant 0 : index
    %get3A_3 = arith.constant 0 : index
    %get3A_4 = vector.load %arg1[%get3A_2, %get3A_3] : memref<1024x128xbf16, #tpu.memory_space<vmem>>, vector<1024x128xbf16>
    %convert_element_type3A = arith.extf %get3A_4 : vector<1024x128xbf16> to vector<1024x128xf32>
    %mul3A = vector.broadcast %get3A_1 : vector<1024x1xf32> to vector<1024x128xf32>
    %mul3A_5 = arith.mulf %convert_element_type3A, %mul3A : vector<1024x128xf32>
    %get3A_6 = arith.constant 0 : index
    %get3A_7 = arith.constant 0 : index
    %get3A_8 = vector.load %arg2[%get3A_6, %get3A_7] : memref<1024x128xbf16, #tpu.memory_space<vmem>>, vector<1024x128xbf16>
    %convert_element_type3A_9 = arith.extf %get3A_8 : vector<1024x128xbf16> to vector<1024x128xf32>
    %mul3A_10 = vector.broadcast %get3A_1 : vector<1024x1xf32> to vector<1024x128xf32>
    %mul3A_11 = arith.mulf %convert_element_type3A_9, %mul3A_10 : vector<1024x128xf32>
    %concatenate3A = tpu.concatenate %mul3A_5, %mul3A_11 in 1 : vector<1024x128xf32>, vector<1024x128xf32> -> vector<1024x256xf32>
    %get3A_12 = arith.constant 0 : index
    %get3A_13 = arith.constant 0 : index
    %get3A_14 = vector.load %arg4[%get3A_12, %get3A_13] : memref<1x256xf32, #tpu.memory_space<vmem>>, vector<1x256xf32>
    %add3A = vector.broadcast %get3A_14 : vector<1x256xf32> to vector<1024x256xf32>
    %add3A_15 = arith.addf %concatenate3A, %add3A : vector<1024x256xf32>
    %swap3A = arith.constant 0 : index
    %swap3A_16 = arith.constant 0 : index
    %swap3A_17 = vector.load %arg5[%swap3A, %swap3A_16] : memref<1024x256xf32, #tpu.memory_space<vmem>>, vector<1024x256xf32>
    tpu.vector_store %arg5[%swap3A, %swap3A_16], %add3A_15 {strides = array<i32>} : memref<1024x256xf32, #tpu.memory_space<vmem>>, vector<1024x256xf32>,
    return
  }
  func.func @transform_0(%arg0: i32) -> (i32, i32) {
    %c0_i32 = arith.constant 0 : i32
    %c0_i32_0 = arith.constant 0 : i32
    return %arg0, %c0_i32 : i32, i32
  }
  func.func @transform_1(%arg0: i32) -> (i32, i32) {
    %c0_i32 = arith.constant 0 : i32
    %c0_i32_0 = arith.constant 0 : i32
    return %arg0, %c0_i32 : i32, i32
  }
  func.func @transform_2(%arg0: i32) -> (i32, i32) {
    %c0_i32 = arith.constant 0 : i32
    %c0_i32_0 = arith.constant 0 : i32
    return %arg0, %c0_i32 : i32, i32
  }
  func.func @transform_3(%arg0: i32) -> (i32, i32) {
    %c0_i32 = arith.constant 0 : i32
    %c0_i32_0 = arith.constant 0 : i32
    %c0_i32_1 = arith.constant 0 : i32
    return %c0_i32, %c0_i32_0 : i32, i32
  }
  func.func @transform_4(%arg0: i32) -> (i32, i32) {
    %c0_i32 = arith.constant 0 : i32
    %c0_i32_0 = arith.constant 0 : i32
    return %arg0, %c0_i32 : i32, i32
  }
}

</mosaic_0001>

<sc_bundles>
// kernel: kernel.11.cloned.1.call-start
scs
__scs_entry_jumppad:
0x0: {  	(pc) =	sbr.rel $0x88, $3  }
0x1: {  	(tag) =	ssettag $0x0;
	lr =	simm.s32 $0x1  }
0x2: {  	[smem:$0x3F9B] =	sst lr;
	_ =	strace $0xD0000000  }
0x3: {  	_ = 	snop  }
0x4: {  	_ = 	snop  }
0x5: {  	_ = 	snop  }
0x6: {  	_ = 	snop  }
0x7: {  	_ = 	snop  }
__scs_overlays_trampoline_lowered:
0x8: {  	[smem:$0x3FAA] =	sst s0  }
0x9: {  	[smem:$0x3FAB] =	sst s1  }
0xa: {  	[smem:$0x3FAC] =	sst s2  }
0xb: {  	[smem:$0x3FAD] =	sst s3  }
0xc: {  	[smem:$0x3FAE] =	sst s4  }
0xd: {  	[smem:$0x3FAF] =	sst s5  }
0xe: {  	[smem:$0x3FB0] =	sst s6  }
0xf: {  	[smem:$0x3FB1] =	sst s7  }
0x10: {  	[smem:$0x3FB2] =	sst s8  }
0x11: {  	[smem:$0x3FB3] =	sst s9;
	s0 =	simm.s32 @!p0 $0x0  }
0x12: {  	s1 =	sld [smem:$0x3F99];
	s0 =	simm.s32 @p0 $0x1  }
0x13: {  	[smem:$0x3FB4] =	sst s0;
	s0 =	simm.s32 @!p1 $0x0  }
0x14: {  	s2 =	sld [smem:$0x3F98];
	s0 =	simm.s32 @p1 $0x1  }
0x15: {  	[smem:$0x3FB5] =	sst s0;
	s0 =	simm.s32 @!p2 $0x0  }
0x16: {  	s3 =	sld [smem:$0x3FDB];
	s0 =	simm.s32 @p2 $0x1  }
0x17: {  	s4 =	simm.s32 $0x1BF5;
	[smem:$0x3FB7] =	sst s0  }
0x18: {  	s0 =	sld [smem:$0x3F9A];
	_ =	swait.ge [sflag:s4], $0x0  }
0x19: {  	s7 =	sld [smem:$0x3F9B]  }
0x1a: {  	s8 =	sadd.s32 $0xFFFFE003, lr  }
0x1b: {  	s9 =	sadd.s32 $0xFFFFFEF7, lr;
	s5 =	simm.s32 $0xFFFFFFFF;
	p2 =	slt.u32 s8, $0xFFFFF086  }
0x1c: {  	p1 =	slt.u32 s9, $0xF7A;
	s5 =	simm.s32 @!p2 $0x0  }
0x1d: {  	s5 =	simm.s32 @p1 $0x1;
	p0 =	seq.s32 s7, s2  }
0x1e: {  	s7 =	smul.u32 @!p0 $0xF7A, s2;
	p2 =	seq.s32 @!p0 s5, $0x0  }
0x1f: {  	s9 =	smul.u32 $0xF7A, s1;
	s8 =	simm.s32 @!p0 $0x1BF5;
	p2 =	por !p2, p0  }
0x20: {  	[sflag:s8] =	ssyncset.s32 @!p0 $0xFFFFF086;
	s6 =	sadd.s32 @!p0 s3, s7;
	s7 =	simm.s32 @!p0 $0x108  }
0x21: {  	s3 =	sadd.s32 s3, s9;
	s6 =	sadd.s32 @!p0 $0x88, s6;
	s7 =	simm.s32 @p2 $0x1082  }
0x22: {  	[simem:s7], [sflag:s8] =	dma.local @!p0 [hbm:s6], $0xF7A  }
0x23: {  	s9 =	sor.u32 $0xD0000000, s2;
	s6 =	simm.s32 $0x108;
	_ =	swait.ge @!p0 [sflag:s8], $0x0  }
0x24: {  	s3 =	sadd.s32 $0x88, s3;
	s6 =	simm.s32 @!p1 $0x1082;
	[sflag:s4] =	ssyncset.s32 $0xFFFFF086  }
0x25: {  	[simem:s6], [sflag:s4] =	dma.local [hbm:s3], $0xF7A  }
0x26: {  	[smem:$0x3F9B] =	sst s1;
	(tag) =	ssettag s2;
	_ =	strace s9  }
0x27: {  	s1 =	sld [smem:$0x3FAB]  }
0x28: {  	s2 =	sld [smem:$0x3FAC]  }
0x29: {  	s4 =	sld [smem:$0x3FAE]  }
0x2a: {  	p0 =	seq.s32 s5, $0x0;
	s5 =	sld [smem:$0x3FAF]  }
0x2b: {  	s6 =	sld [smem:$0x3FB0]  }
0x2c: {  	s7 =	sld [smem:$0x3FB1]  }
0x2d: {  	s3 =	simm.s32 $0x108;
	s8 =	sld [smem:$0x3FB2]  }
0x2e: {  	s3 =	simm.s32 @!p0 $0x1082;
	s9 =	sld [smem:$0x3FB3]  }
0x2f: {  	lr =	sadd.s32 s0, s3;
	s0 =	sld [smem:$0x3FAA]  }
0x30: {  	s3 =	sld [smem:$0x3FAD]  }
0x31: {  	[smem:$0x3FB6] =	sst s10  }
0x32: {  	s10 =	sld [smem:$0x3FB4];
	_ =	sdelay $0x3  }
0x33: {  	p0 =	seq.s32 s10, $0x1;
	s10 =	sld [smem:$0x3FB6];
	_ =	sdelay $0x3  }
0x34: {  	[smem:$0x3FB6] =	sst s10  }
0x35: {  	s10 =	sld [smem:$0x3FB5];
	_ =	sdelay $0x3  }
0x36: {  	p1 =	seq.s32 s10, $0x1;
	s10 =	sld [smem:$0x3FB6];
	_ =	sdelay $0x3  }
0x37: {  	[smem:$0x3FB6] =	sst s10  }
0x38: {  	s10 =	sld [smem:$0x3FB7]  }
0x39: {  	_ = 	snop;
	(pc) =	sbr.ind lr, $3  }
0x3a: {  	_ = 	snop  }
0x3b: {  	_ = 	snop  }
0x3c: {  	p2 =	seq.s32 s10, $0x1;
	s10 =	sld [smem:$0x3FB6]  }
0x3d: {  	_ =	shalt  }
0x3e: {  	_ =	shalt  }
0x3f: {  	_ =	shalt  }
0x40: {  	_ =	shalt  }
0x41: {  	_ =	shalt  }
0x42: {  	_ =	shalt  }
0x43: {  	_ =	shalt  }
0x44: {  	_ =	shalt  }
0x45: {  	_ =	shalt  }
0x46: {  	_ =	shalt  }
0x47: {  	_ =	shalt  }
0x48: {  	_ =	shalt  }
0x49: {  	_ =	shalt  }
0x4a: {  	_ =	shalt  }
0x4b: {  	_ =	shalt  }
0x4c: {  	_ =	shalt  }
0x4d: {  	_ =	shalt  }
0x4e: {  	_ =	shalt  }
0x4f: {  	_ =	shalt  }
0x50: {  	_ =	shalt  }
0x51: {  	_ =	shalt  }
0x52: {  	_ =	shalt  }
0x53: {  	_ =	shalt  }
0x54: {  	_ =	shalt  }
0x55: {  	_ =	shalt  }
0x56: {  	_ =	shalt  }
0x57: {  	_ =	shalt  }
0x58: {  	_ =	shalt  }
0x59: {  	_ =	shalt  }
0x5a: {  	_ =	shalt  }
0x5b: {  	_ =	shalt  }
0x5c: {  	_ =	shalt  }
0x5d: {  	_ =	shalt  }
0x5e: {  	_ =	shalt  }
0x5f: {  	_ =	shalt  }
0x60: {  	_ =	shalt  }
0x61: {  	_ =	shalt  }
0x62: {  	_ =	shalt  }
0x63: {  	_ =	shalt  }
0x64: {  	_ =	shalt  }
0x65: {  	_ =	shalt  }
0x66: {  	_ =	shalt  }
0x67: {  	_ =	shalt  }
0x68: {  	_ =	shalt  }
0x69: {  	_ =	shalt  }
0x6a: {  	_ =	shalt  }
0x6b: {  	_ =	shalt  }
0x6c: {  	_ =	shalt  }
0x6d: {  	_ =	shalt  }
0x6e: {  	_ =	shalt  }
0x6f: {  	_ =	shalt  }
0x70: {  	_ =	shalt  }
0x71: {  	_ =	shalt  }
0x72: {  	_ =	shalt  }
0x73: {  	_ =	shalt  }
0x74: {  	_ =	shalt  }
0x75: {  	_ =	shalt  }
0x76: {  	_ =	shalt  }
0x77: {  	_ =	shalt  }
0x78: {  	_ =	shalt  }
0x79: {  	_ =	shalt  }
0x7a: {  	_ =	shalt  }
0x7b: {  	_ =	shalt  }
0x7c: {  	_ =	shalt  }
0x7d: {  	_ =	shalt  }
0x7e: {  	_ =	shalt  }
0x7f: {  	_ =	shalt  }
0x80: {  	_ =	shalt  }
0x81: {  	_ =	shalt  }
0x82: {  	_ =	shalt  }
0x83: {  	_ =	shalt  }
0x84: {  	_ =	shalt  }
0x85: {  	_ =	shalt  }
0x86: {  	_ =	shalt  }
0x87: {  	_ =	shalt  }
.Lfunc_end0:
.L_simem_size_0:
called_computation.1_lowered:
.L_overlay_start_0:
0x88: {  	s2 =	sld [smem:$0x3FD9]  }
0x89: {  	s3 =	sld [smem:$0x3FFE];
	_ =	sdelay $0x1  }
0x8a: {  	s1 =	srdreg.scid  }
0x8b: {  	s0 =	sand.u32 $0x1, s1  }
0x8c: {  	s17 =	sshll.u32 s0, $0xA;
	s2 =	sadd.s32 s3, s2  }
0x8d: {  	s2 =	sadd.s32 s2, s17  }
0x8e: {  	[smem:$0x3FC2] =	sst s2  }
0x8f: {  	_ = 	snop  }
0x90: {  	s2 =	sld [smem:$0x3FD0];
	(tm) =	ssettm $0x1  }
0x91: {  	s18 =	sld [smem:$0x3FFB];
	_ =	sdelay $0x3  }
0x92: {  	_ =	strace s18  }
0x93: {  	s3 =	sld [smem:$0x3FFC];
	_ =	sdelay $0x3  }
0x94: {  	_ =	strace s3  }
0x95: {  	s3 =	sld [smem:$0x3FFD];
	_ =	sdelay $0x3  }
0x96: {  	_ =	strace s3  }
0x97: {  	_ =	strace $0x8FFFFFFF  }
0x98: {  	s19 =	sld [smem:$0x3FDB];
	_ =	sdelay $0x1  }
0x99: {  	s4 =	simm.s32 $_scs_section_size  }
0x9a: {  	s5 =	simm.s32 $_size__tile_overlayer_lowered;
	s6 =	simm.s32 $_tile_overlayer_lowered  }
0x9b: {  	s22 =	simm.s32 $0x1BFF;
	s21 =	sshll.u32 s6, $0x1;
	s3 =	sadd.s32 s4, s19  }
0x9c: {  	s7 =	simm.s32 $0x0;
	s20 =	sshll.u32 s5, $0x1;
	s5 =	sadd.s32 s21, s3  }
0x9d: {  	[timem:s7], [sflag:s22] =	dma.local [hbm:s5], s20  }
0x9e: {  	_ =	swait.ge [sflag:s22], s20  }
0x9f: {  	s4 =	ssub.s32 $0x0, s20;
	[sflag:s22] =	ssyncset.done $0x0  }
0xa0: {  	[sflag:s22] =	ssyncadd.s32 s4;
	_ =	sdelay $0x1  }
0xa1: {  	s23 =	simm.s32 $0x1B8B  }
0xa2: {  	_ =	swait.ge [sflag:s23], $0x1  }
0xa3: {  	[sflag:s23] =	ssyncset.done $0x0  }
0xa4: {  	s25 =	simm.s32 $0x1B8E;
	s24 =	sld [smem:$0x3FFE];
	[sflag:s23] =	ssyncadd.s32 $0xFFFFFFFF  }
0xa5: {  	s26 =	simm.s32 $execute0_lowered;
	[smem:$0x3FD2] =	sst s25  }
0xa6: {  	s5 =	sshll.u32 s26, $0x1;
	_ =	strace $0x80000049;
	[dreg:$0x1] =	wrdreg $0xFFFFFFFF  }
0xa7: {  	s28 =	simm.s32 $_size_execute0_lowered;
	s3 =	sadd.s32 s3, s5;
	[dreg:$0x0] =	wrdreg $0x0  }
0xa8: {  	s5 =	sshll.u32 s28, $0x1;
	[dreg:$0x2] =	wrdreg s3  }
0xa9: {  	[dreg:$0x3] =	wrdreg s5  }
0xaa: {  	[dreg:$0x4] =	wrdreg $0xC0  }
0xab: {  	_ =	task [dreg:s7], $0x5FFFF  }
0xac: {  	[dreg:$0x1] =	wrdreg $0xFFFFFFFF  }
0xad: {  	[dreg:$0x0] =	wrdreg $0x60  }
0xae: {  	[dreg:$0x2] =	wrdreg s2  }
0xaf: {  	[dreg:$0x3] =	wrdreg s24  }
0xb0: {  	[dreg:$0x4] =	wrdreg $0xAC000  }
0xb1: {  	[dreg:$0x5] =	wrdreg $0x14C000  }
0xb2: {  	[dreg:$0x6] =	wrdreg $0x9  }
0xb3: {  	_ =	task.clear_ibuf [dreg:s7], $0x7FFFF;
	_ =	strace $0x90000049  }
0xb4: {  	s29 =	simm.s32 $0x9;
	_ =	strace $0x8000004B  }
0xb5: {  	_ =	swait.ge [sflag:s29], $0x1  }
0xb6: {  	[sflag:s29] =	ssyncadd.s32 $0xFFFFFFFF  }
0xb7: {  	_ =	strace $0x9000004B  }
0xb8: {  	_ =	sfence  }
0xb9: {  	s30 =	sld [smem:$0x0];
	_ =	sdelay $0x2  }
0xba: {  	s31 =	sshll.u32 s1, $0xD;
	s1 =	sshrl.u32 s1, $0x2  }
0xbb: {  	s3 =	sand.u32 $0x4000, s31;
	s1 =	sadd.s32 s1, s30  }
0xbc: {  	s0 =	sor.u32 s3, s0;
	s1 =	sshll.u32 s1, $0x11  }
0xbd: {  	s0 =	sor.u32 s1, s0  }
0xbe: {  	s0 =	sadd.s32 $0x8F2B, s0  }
0xbf: {  	[sflag:s0] =	ssyncadd.remote.s32 $0x1  }
0xc0: {  	_ =	sfence.sel $0xFFFF  }
0xc1: {  	[dreg:$0x0] =	wrdreg $0xFFFFFFFF;
	(pc) =	sbr.abs _section_cstart, $3  }
0xc2: {  	[dreg:$0x1] =	wrdreg $0xFFFFFFFF  }
0xc3: {  	_ =	task.clear_ibuf [dreg:s7], $0x2FFFF;
	_ =	strace $0x9FFFFFFF  }
0xc4: {  	(tm) =	ssettm $0x7FFFFFFF  }
0xc5: {  	_ =	shalt  }
tec
execute0_lowered:
.L_overlay_start_1:
0x0: {  	(tag) =	ssettag $0x1  }
0x1: {  	s0 =	rddreg [dreg:$0x0]  }
0x2: {  	s2 =	rddreg [dreg:$0x1]  }
0x3: {  	s1 =	rddreg [dreg:$0x2]  }
0x4: {  	s3 =	rddreg [dreg:$0x3];
	s4 =	simm.s32 $0x0  }
0x5: {  	s11 =	stileid.u32;
	s5 =	srdreg.scid;
	s13 =	simm.s32 $0x80  }
0x6: {  	s14 =	simm.s32 $0x2800;
	s15 =	simm.s32 $0x2C00;
	s16 =	simm.s32 $0x2880  }
0x7: {  	s17 =	simm.s32 $0x4C00;
	s18 =	simm.s32 $0x1;
	s19 =	simm.s32 $0x2A00  }
0x8: {  	s20 =	simm.s32 $0x2900;
	s21 =	simm.s32 $0x6C00;
	s28 =	simm.s32 $0x2B00  }
0x9: {  	s29 =	simm.s32 $0x4;
	s30 =	simm.s32 $0x2B80;
	s31 =	simm.s32 $0x5  }
0xa: {  	[smem:$0x7FF] =	sst s4;
	s22 =	smul.u32 $0x500, s11;
	s6 =	sadd.s32 $0x7200, s2  }
0xb: {  	s5 =	sand.u32 $0x1, s5;
	s8 =	smul.u32 $0x14000, s11;
	s9 =	sadd.s32 $0x1B200, s2  }
0xc: {  	s25 =	sshll.u32 s11, $0x6;
	_ =	strace $0x8000004A;
	s7 =	ssub.s32 $0x2, s5  }
0xd: {  	p0 =	seq.s32 s5, $0x0;
	s5 =	simm.s32 $0x0;
	s4 =	sadd.s32 s22, s2  }
0xe: {  	s2 =	sadd.s32 $0x2F200, s2;
	s10 =	sshrl.u32 s7, $0x1;
	s23 =	sshrl.u32 s8, $0x1  }
0xf: {  	s8 =	sshrl.u32 s8, $0x4;
	s6 =	smov.u32 @p0 s0;
	s22 =	simm.s32 $0x2  }
0x10: {  	s0 =	simm.s32 $0x6;
	s7 =	ssub.s32 s7, s10;
	s4 =	sadd.s32 $0x2200, s4  }
0x11: {  	s24 =	sadd.s32 s23, s1;
	s2 =	smov.u32 @p0 s9;
	s9 =	simm.s32 $0x9  }
0x12: {  	s10 =	sor.u32 $0x1C09, s25;
	s25 =	simm.s32 $0x8C00;
	[dreg:$0x5] =	wrdreg s4  }
.Ltmp0:
0x13: {  	s4 =	sadd.s32 s23, s3;
	s7 =	smax.u32 s7, $0x1;
	(pc) =	sbr.rel .LBB2_1-.Ltmp0, $4  }
0x14: {  	s2 =	sadd.s32 s2, s8;
	s26 =	sshrl.u32 s24, $0x3;
	[dreg:$0x6] =	wrdreg s7  }
0x15: {  	s23 =	simm.s32 $0x2A80;
	s24 =	simm.s32 $0x2980;
	[dreg:$0x7] =	wrdreg s2  }
0x16: {  	s7 =	sadd.s32 s6, s8;
	[dreg:$0x8] =	wrdreg s26;
	s12 =	sshrl.u32 s4, $0x3  }
0x17: {  	s26 =	simm.s32 $0x3;
	s2 =	simm.s32 $0x7;
	s4 =	simm.s32 $0x8  }
.LBB2_4:
0x18: {  	_ =	swait.ge [sflag:s29], $0x2000  }
0x19: {  	[sflag:s29] =	ssyncset.done $0x0  }
0x1a: {  	[sflag:s29] =	ssyncadd.s32 $0xFFFFE000  }
0x1b: {  	[spmem:s3] =	stream.indirect.scatter.add.bf16 [tilespmem:s25], [sflag:$0x8], $0x40, s30, s13, $0xb8;
	[tilespmem:$0x1EC00] =	vst v63  }
0x1c: {  	_ =	swait.ge [sflag:s31], $0x2000  }
0x1d: {  	[sflag:s31] =	ssyncset.done $0x0  }
0x1e: {  	[sflag:s31] =	ssyncadd.s32 $0xFFFFE000  }
0x1f: {  	_ =	swait.ge [sflag:s0], $0x2000  }
0x20: {  	[sflag:s0] =	ssyncset.done $0x0  }
0x21: {  	[sflag:s0] =	ssyncadd.s32 $0xFFFFE000  }
0x22: {  	_ =	swait.ge [sflag:s2], $0x2000  }
0x23: {  	[sflag:s2] =	ssyncset.done $0x0  }
0x24: {  	[sflag:s2] =	ssyncadd.s32 $0xFFFFE000  }
0x25: {  	_ =	swait.ge [sflag:s4], $0x2000  }
0x26: {  	[sflag:s4] =	ssyncset.done $0x0  }
0x27: {  	[sflag:s4] =	ssyncadd.s32 $0xFFFFE000  }
0x28: {  	[bflag:$0x0] =	sbarrier.arrive $0xFFFF  }
0x29: {  	s6 =	rddreg [dreg:$0x7]  }
0x2a: {  	[hbm:s6], [sflag:s10] =	dma.local [spmem:s12], $0x1400  }
0x2b: {  	_ =	swait.ge [sflag:s9], $0x1400  }
0x2c: {  	s5 =	sadd.s32 $0x1, s5;
	s11 =	rddreg [dreg:$0x6]  }
0x2d: {  	p0 =	sne.s32 s5, s11  }
.Ltmp1:
0x2e: {  	_ = 	snop;
	(pc) =	sbr.rel @!p0 .LBB2_5-.Ltmp1, $3  }
0x2f: {  	_ =	sdelay $0x1  }
0x30: {  	[sflag:s9] =	ssyncset.done $0x0  }
0x31: {  	[sflag:s9] =	ssyncadd.s32 $0xFFFFEC00  }
.LBB2_1:
0x32: {  	s6 =	simm.s32 $0x0;
	s8 =	rddreg [dreg:$0x5]  }
0x33: {  	[tilespmem:s6], [sflag:$0x9] =	stream.linear.gather [hbm4b:s8+s6], $0x2800, $0x38;
	[tilespmem:$0x1EC00] =	vst v63  }
0x34: {  	_ =	swait.ge [sflag:s9], $0x2800  }
0x35: {  	[sflag:s9] =	ssyncset.done $0x0  }
0x36: {  	s11 =	rddreg [dreg:$0x8];
	[sflag:s9] =	ssyncadd.s32 $0xFFFFD800  }
0x37: {  	[spmem:s11], [sflag:s10] =	dma.local [hbm:s7], $0x1400  }
0x38: {  	_ =	swait.ge [sflag:s9], $0x1400  }
0x39: {  	[sflag:s9] =	ssyncset.done $0x0  }
0x3a: {  	[sflag:s9] =	ssyncadd.s32 $0xFFFFEC00  }
0x3b: {  	[spmem:s12], [sflag:s10] =	dma.local [hbm:s7], $0x1400  }
0x3c: {  	_ =	swait.ge [sflag:s9], $0x1400  }
0x3d: {  	[sflag:s9] =	ssyncset.done $0x0  }
0x3e: {  	[sflag:s9] =	ssyncadd.s32 $0xFFFFEC00  }
0x3f: {  	[bflag:$0x0] =	sbarrier.arrive $0xFFFF  }
0x40: {  	v0 =	vld [tilespmem:$0x0];
	_ =	sdelay $0x1  }
0x41: {  	v1 =	vld [tilespmem:$0x10];
	_ =	sdelay $0x1  }
0x42: {  	v2 =	vld [tilespmem:$0x20]  }
0x43: {  	v3 =	vshrl.u32 v0, $0xE  }
0x44: {  	v22 =	vld [tilespmem:$0x30];
	v0 =	vand.u32 $0x3FFF, v0;
	[tilespmem:$0x2800] =	vst v3  }
0x45: {  	v23 =	vshrl.u32 v1, $0xE;
	[tilespmem:$0x2A00] =	vst v0  }
0x46: {  	v25 =	vld [tilespmem:$0x40];
	v24 =	vand.u32 $0x3FFF, v1;
	[tilespmem:$0x2810] =	vst v23  }
0x47: {  	v26 =	vshrl.u32 v2, $0xE;
	[tilespmem:$0x2A10] =	vst v24  }
0x48: {  	v28 =	vld [tilespmem:$0x50];
	v27 =	vand.u32 $0x3FFF, v2;
	[tilespmem:$0x2820] =	vst v26  }
0x49: {  	v29 =	vshrl.u32 v22, $0xE;
	[tilespmem:$0x2A20] =	vst v27  }
0x4a: {  	v31 =	vld [tilespmem:$0x60];
	v30 =	vand.u32 $0x3FFF, v22;
	[tilespmem:$0x2830] =	vst v29  }
0x4b: {  	v32 =	vshrl.u32 v25, $0xE;
	[tilespmem:$0x2A30] =	vst v30  }
0x4c: {  	v34 =	vld [tilespmem:$0x70];
	v33 =	vand.u32 $0x3FFF, v25;
	[tilespmem:$0x2840] =	vst v32  }
0x4d: {  	v35 =	vshrl.u32 v28, $0xE;
	[tilespmem:$0x2A40] =	vst v33  }
0x4e: {  	v36 =	vand.u32 $0x3FFF, v28;
	[tilespmem:$0x2850] =	vst v35  }
0x4f: {  	v37 =	vshrl.u32 v31, $0xE;
	[tilespmem:$0x2A50] =	vst v36  }
0x50: {  	v38 =	vand.u32 $0x3FFF, v31;
	[tilespmem:$0x2860] =	vst v37  }
0x51: {  	v39 =	vshrl.u32 v34, $0xE;
	[tilespmem:$0x2A60] =	vst v38  }
0x52: {  	v40 =	vand.u32 $0x3FFF, v34;
	[tilespmem:$0x2870] =	vst v39  }
0x53: {  	[tilespmem:$0x2A70] =	vst v40  }
0x54: {  	[tilespmem:s15], [sflag:$0x1] =	stream.indirect.gather [spmem:s1], $0x40, s14, s13, $0xb8;
	[tilespmem:$0x1EC00] =	vst v63  }
0x55: {  	v41 =	vld [tilespmem:$0x80];
	_ =	sdelay $0x1  }
0x56: {  	v42 =	vld [tilespmem:$0x90];
	_ =	sdelay $0x1  }
0x57: {  	v43 =	vld [tilespmem:$0xA0]  }
0x58: {  	v44 =	vshrl.u32 v41, $0xE  }
0x59: {  	v45 =	vld [tilespmem:$0xB0];
	v0 =	vand.u32 $0x3FFF, v41;
	[tilespmem:$0x2880] =	vst v44  }
0x5a: {  	v46 =	vshrl.u32 v42, $0xE;
	[tilespmem:$0x2A80] =	vst v0  }
0x5b: {  	v48 =	vld [tilespmem:$0xC0];
	v47 =	vand.u32 $0x3FFF, v42;
	[tilespmem:$0x2890] =	vst v46  }
0x5c: {  	v49 =	vshrl.u32 v43, $0xE;
	[tilespmem:$0x2A90] =	vst v47  }
0x5d: {  	v51 =	vld [tilespmem:$0xD0];
	v50 =	vand.u32 $0x3FFF, v43;
	[tilespmem:$0x28A0] =	vst v49  }
0x5e: {  	v52 =	vshrl.u32 v45, $0xE;
	[tilespmem:$0x2AA0] =	vst v50  }
0x5f: {  	v54 =	vld [tilespmem:$0xE0];
	v53 =	vand.u32 $0x3FFF, v45;
	[tilespmem:$0x28B0] =	vst v52  }
0x60: {  	v55 =	vshrl.u32 v48, $0xE;
	[tilespmem:$0x2AB0] =	vst v53  }
0x61: {  	v57 =	vld [tilespmem:$0xF0];
	v56 =	vand.u32 $0x3FFF, v48;
	[tilespmem:$0x28C0] =	vst v55  }
0x62: {  	v58 =	vshrl.u32 v51, $0xE;
	[tilespmem:$0x2AC0] =	vst v56  }
0x63: {  	v59 =	vand.u32 $0x3FFF, v51;
	[tilespmem:$0x28D0] =	vst v58  }
0x64: {  	v60 =	vshrl.u32 v54, $0xE;
	[tilespmem:$0x2AD0] =	vst v59  }
0x65: {  	v61 =	vand.u32 $0x3FFF, v54;
	[tilespmem:$0x28E0] =	vst v60  }
0x66: {  	v62 =	vshrl.u32 v57, $0xE;
	[tilespmem:$0x2AE0] =	vst v61  }
0x67: {  	v63 =	vand.u32 $0x3FFF, v57;
	[tilespmem:$0x28F0] =	vst v62  }
0x68: {  	s6 =	simm.s32 $0x0;
	[tilespmem:$0x2AF0] =	vst v63  }
0x69: {  	[tilespmem:s17], [sflag:$0x2] =	stream.indirect.gather [spmem:s1], $0x40, s16, s13, $0xb8;
	[tilespmem:$0x1EC00] =	vst v63  }
.LBB2_2:
0x6a: {  	_ =	swait.ge [sflag:s18], $0x2000  }
0x6b: {  	p0 =	seq.s32 s6, $0x0;
	[sflag:s18] =	ssyncset.done $0x0  }
0x6c: {  	s8 =	simm.s32 @!p0 $0x7;
	[sflag:s18] =	ssyncadd.s32 $0xFFFFE000  }
0x6d: {  	[spmem:s3] =	stream.indirect.scatter.add.bf16 [tilespmem:s15], [sflag:$0x5], $0x40, s19, s13, $0xb8;
	[tilespmem:$0x1EC00] =	vst v63  }
0x6e: {  	_ =	swait.ge @!p0 [sflag:s8], $0x2000  }
0x6f: {  	[sflag:s8] =	ssyncset.done @!p0 $0x0  }
0x70: {  	[sflag:s8] =	ssyncadd.s32 @!p0 $0xFFFFE000;
	s8 =	sshra.s32 s6, $0x2  }
0x71: {  	v0 =	vld [tilespmem:s8+$0x100];
	_ =	sdelay $0x4  }
0x72: {  	v1 =	vshrl.u32 v0, $0xE  }
0x73: {  	v0 =	vand.u32 $0x3FFF, v0;
	[tilespmem:$0x2900] =	vst v1  }
0x74: {  	[tilespmem:$0x2B00] =	vst v0  }
0x75: {  	v0 =	vld [tilespmem:s8+$0x110];
	_ =	sdelay $0x4  }
0x76: {  	v48 =	vshrl.u32 v0, $0xE  }
0x77: {  	v0 =	vand.u32 $0x3FFF, v0;
	[tilespmem:$0x2910] =	vst v48  }
0x78: {  	[tilespmem:$0x2B10] =	vst v0  }
0x79: {  	v0 =	vld [tilespmem:s8+$0x120];
	_ =	sdelay $0x4  }
0x7a: {  	v49 =	vshrl.u32 v0, $0xE  }
0x7b: {  	v0 =	vand.u32 $0x3FFF, v0;
	[tilespmem:$0x2920] =	vst v49  }
0x7c: {  	[tilespmem:$0x2B20] =	vst v0  }
0x7d: {  	v0 =	vld [tilespmem:s8+$0x130];
	_ =	sdelay $0x4  }
0x7e: {  	v50 =	vshrl.u32 v0, $0xE  }
0x7f: {  	v0 =	vand.u32 $0x3FFF, v0;
	[tilespmem:$0x2930] =	vst v50  }
0x80: {  	[tilespmem:$0x2B30] =	vst v0  }
0x81: {  	v0 =	vld [tilespmem:s8+$0x140];
	_ =	sdelay $0x4  }
0x82: {  	v51 =	vshrl.u32 v0, $0xE  }
0x83: {  	v0 =	vand.u32 $0x3FFF, v0;
	[tilespmem:$0x2940] =	vst v51  }
0x84: {  	[tilespmem:$0x2B40] =	vst v0  }
0x85: {  	v0 =	vld [tilespmem:s8+$0x150];
	_ =	sdelay $0x4  }
0x86: {  	v52 =	vshrl.u32 v0, $0xE  }
0x87: {  	v0 =	vand.u32 $0x3FFF, v0;
	[tilespmem:$0x2950] =	vst v52  }
0x88: {  	[tilespmem:$0x2B50] =	vst v0  }
0x89: {  	v0 =	vld [tilespmem:s8+$0x160];
	_ =	sdelay $0x4  }
0x8a: {  	v53 =	vshrl.u32 v0, $0xE  }
0x8b: {  	v0 =	vand.u32 $0x3FFF, v0;
	[tilespmem:$0x2960] =	vst v53  }
0x8c: {  	[tilespmem:$0x2B60] =	vst v0  }
0x8d: {  	v0 =	vld [tilespmem:s8+$0x170];
	_ =	sdelay $0x4  }
0x8e: {  	v54 =	vshrl.u32 v0, $0xE  }
0x8f: {  	v0 =	vand.u32 $0x3FFF, v0;
	[tilespmem:$0x2970] =	vst v54  }
0x90: {  	[tilespmem:$0x2B70] =	vst v0  }
0x91: {  	[tilespmem:s21], [sflag:$0x3] =	stream.indirect.gather [spmem:s1], $0x40, s20, s13, $0xb8;
	[tilespmem:$0x1EC00] =	vst v63  }
0x92: {  	_ =	swait.ge [sflag:s22], $0x2000  }
0x93: {  	[sflag:s22] =	ssyncset.done $0x0  }
0x94: {  	s11 =	simm.s32 @!p0 $0x8;
	[sflag:s22] =	ssyncadd.s32 $0xFFFFE000  }
0x95: {  	[spmem:s3] =	stream.indirect.scatter.add.bf16 [tilespmem:s17], [sflag:$0x6], $0x40, s23, s13, $0xb8;
	[tilespmem:$0x1EC00] =	vst v63  }
0x96: {  	_ =	swait.ge @!p0 [sflag:s11], $0x2000  }
0x97: {  	[sflag:s11] =	ssyncset.done @!p0 $0x0  }
0x98: {  	[sflag:s11] =	ssyncadd.s32 @!p0 $0xFFFFE000  }
0x99: {  	v55 =	vld [tilespmem:s8+$0x180];
	_ =	sdelay $0x4  }
0x9a: {  	v56 =	vshrl.u32 v55, $0xE  }
0x9b: {  	v0 =	vand.u32 $0x3FFF, v55;
	[tilespmem:$0x2980] =	vst v56  }
0x9c: {  	[tilespmem:$0x2B80] =	vst v0  }
0x9d: {  	v0 =	vld [tilespmem:s8+$0x190];
	_ =	sdelay $0x4  }
0x9e: {  	v57 =	vshrl.u32 v0, $0xE  }
0x9f: {  	v0 =	vand.u32 $0x3FFF, v0;
	[tilespmem:$0x2990] =	vst v57  }
0xa0: {  	[tilespmem:$0x2B90] =	vst v0  }
0xa1: {  	v0 =	vld [tilespmem:s8+$0x1A0];
	_ =	sdelay $0x4  }
0xa2: {  	v58 =	vshrl.u32 v0, $0xE  }
0xa3: {  	v0 =	vand.u32 $0x3FFF, v0;
	[tilespmem:$0x29A0] =	vst v58  }
0xa4: {  	[tilespmem:$0x2BA0] =	vst v0  }
0xa5: {  	v0 =	vld [tilespmem:s8+$0x1B0];
	_ =	sdelay $0x4  }
0xa6: {  	v59 =	vshrl.u32 v0, $0xE  }
0xa7: {  	v0 =	vand.u32 $0x3FFF, v0;
	[tilespmem:$0x29B0] =	vst v59  }
0xa8: {  	[tilespmem:$0x2BB0] =	vst v0  }
0xa9: {  	v0 =	vld [tilespmem:s8+$0x1C0];
	_ =	sdelay $0x4  }
0xaa: {  	v60 =	vshrl.u32 v0, $0xE  }
0xab: {  	v0 =	vand.u32 $0x3FFF, v0;
	[tilespmem:$0x29C0] =	vst v60  }
0xac: {  	[tilespmem:$0x2BC0] =	vst v0  }
0xad: {  	v0 =	vld [tilespmem:s8+$0x1D0];
	_ =	sdelay $0x4  }
0xae: {  	v61 =	vshrl.u32 v0, $0xE  }
0xaf: {  	v0 =	vand.u32 $0x3FFF, v0;
	[tilespmem:$0x29D0] =	vst v61  }
0xb0: {  	[tilespmem:$0x2BD0] =	vst v0  }
0xb1: {  	v0 =	vld [tilespmem:s8+$0x1E0];
	_ =	sdelay $0x4  }
0xb2: {  	v62 =	vshrl.u32 v0, $0xE  }
0xb3: {  	v0 =	vand.u32 $0x3FFF, v0;
	[tilespmem:$0x29E0] =	vst v62  }
0xb4: {  	[tilespmem:$0x2BE0] =	vst v0  }
0xb5: {  	v0 =	vld [tilespmem:s8+$0x1F0];
	_ =	sdelay $0x4  }
0xb6: {  	v63 =	vshrl.u32 v0, $0xE  }
0xb7: {  	v0 =	vand.u32 $0x3FFF, v0;
	[tilespmem:$0x29F0] =	vst v63  }
0xb8: {  	p0 =	seq.s32 s6, $0x9800;
	[tilespmem:$0x2BF0] =	vst v0  }
0xb9: {  	[tilespmem:s25], [sflag:$0x4] =	stream.indirect.gather [spmem:s1], $0x40, s24, s13, $0xb8;
	[tilespmem:$0x1EC00] =	vst v63  }
.Ltmp2:
0xba: {  	_ = 	snop;
	(pc) =	sbr.rel @p0 .LBB2_4-.Ltmp2, $4  }
0xbb: {  	_ =	swait.ge [sflag:s26], $0x2000  }
0xbc: {  	[sflag:s26] =	ssyncset.done $0x0  }
0xbd: {  	[sflag:s26] =	ssyncadd.s32 $0xFFFFE000  }
0xbe: {  	[spmem:s3] =	stream.indirect.scatter.add.bf16 [tilespmem:s21], [sflag:$0x7], $0x40, s28, s13, $0xb8;
	[tilespmem:$0x1EC00] =	vst v63  }
0xbf: {  	_ =	swait.ge [sflag:s31], $0x2000  }
0xc0: {  	[sflag:s31] =	ssyncset.done $0x0  }
0xc1: {  	[sflag:s31] =	ssyncadd.s32 $0xFFFFE000  }
0xc2: {  	v0 =	vld [tilespmem:s8+$0x200];
	_ =	sdelay $0x4  }
0xc3: {  	v1 =	vshrl.u32 v0, $0xE  }
0xc4: {  	v0 =	vand.u32 $0x3FFF, v0;
	[tilespmem:$0x2800] =	vst v1  }
0xc5: {  	[tilespmem:$0x2A00] =	vst v0  }
0xc6: {  	v0 =	vld [tilespmem:s8+$0x210];
	_ =	sdelay $0x4  }
0xc7: {  	v48 =	vshrl.u32 v0, $0xE  }
0xc8: {  	v0 =	vand.u32 $0x3FFF, v0;
	[tilespmem:$0x2810] =	vst v48  }
0xc9: {  	[tilespmem:$0x2A10] =	vst v0  }
0xca: {  	v0 =	vld [tilespmem:s8+$0x220];
	_ =	sdelay $0x4  }
0xcb: {  	v49 =	vshrl.u32 v0, $0xE  }
0xcc: {  	v0 =	vand.u32 $0x3FFF, v0;
	[tilespmem:$0x2820] =	vst v49  }
0xcd: {  	[tilespmem:$0x2A20] =	vst v0  }
0xce: {  	v0 =	vld [tilespmem:s8+$0x230];
	_ =	sdelay $0x4  }
0xcf: {  	v50 =	vshrl.u32 v0, $0xE  }
0xd0: {  	v0 =	vand.u32 $0x3FFF, v0;
	[tilespmem:$0x2830] =	vst v50  }
0xd1: {  	[tilespmem:$0x2A30] =	vst v0  }
0xd2: {  	v0 =	vld [tilespmem:s8+$0x240];
	_ =	sdelay $0x4  }
0xd3: {  	v51 =	vshrl.u32 v0, $0xE  }
0xd4: {  	v0 =	vand.u32 $0x3FFF, v0;
	[tilespmem:$0x2840] =	vst v51  }
0xd5: {  	[tilespmem:$0x2A40] =	vst v0  }
0xd6: {  	v0 =	vld [tilespmem:s8+$0x250];
	_ =	sdelay $0x4  }
0xd7: {  	v52 =	vshrl.u32 v0, $0xE  }
0xd8: {  	v0 =	vand.u32 $0x3FFF, v0;
	[tilespmem:$0x2850] =	vst v52  }
0xd9: {  	[tilespmem:$0x2A50] =	vst v0  }
0xda: {  	v0 =	vld [tilespmem:s8+$0x260];
	_ =	sdelay $0x4  }
0xdb: {  	v53 =	vshrl.u32 v0, $0xE  }
0xdc: {  	v0 =	vand.u32 $0x3FFF, v0;
	[tilespmem:$0x2860] =	vst v53  }
0xdd: {  	[tilespmem:$0x2A60] =	vst v0  }
0xde: {  	v0 =	vld [tilespmem:s8+$0x270];
	_ =	sdelay $0x4  }
0xdf: {  	v54 =	vshrl.u32 v0, $0xE  }
0xe0: {  	v0 =	vand.u32 $0x3FFF, v0;
	[tilespmem:$0x2870] =	vst v54  }
0xe1: {  	[tilespmem:$0x2A70] =	vst v0  }
0xe2: {  	[tilespmem:s15], [sflag:$0x1] =	stream.indirect.gather [spmem:s1], $0x40, s14, s13, $0xb8;
	[tilespmem:$0x1EC00] =	vst v63  }
0xe3: {  	_ =	swait.ge [sflag:s29], $0x2000  }
0xe4: {  	[sflag:s29] =	ssyncset.done $0x0  }
0xe5: {  	[sflag:s29] =	ssyncadd.s32 $0xFFFFE000  }
0xe6: {  	[spmem:s3] =	stream.indirect.scatter.add.bf16 [tilespmem:s25], [sflag:$0x8], $0x40, s30, s13, $0xb8;
	[tilespmem:$0x1EC00] =	vst v63  }
0xe7: {  	_ =	swait.ge [sflag:s0], $0x2000  }
0xe8: {  	[sflag:s0] =	ssyncset.done $0x0  }
0xe9: {  	[sflag:s0] =	ssyncadd.s32 $0xFFFFE000  }
0xea: {  	v55 =	vld [tilespmem:s8+$0x280];
	_ =	sdelay $0x4  }
0xeb: {  	v56 =	vshrl.u32 v55, $0xE  }
0xec: {  	v0 =	vand.u32 $0x3FFF, v55;
	[tilespmem:$0x2880] =	vst v56  }
0xed: {  	[tilespmem:$0x2A80] =	vst v0  }
0xee: {  	v0 =	vld [tilespmem:s8+$0x290];
	_ =	sdelay $0x4  }
0xef: {  	v57 =	vshrl.u32 v0, $0xE  }
0xf0: {  	v0 =	vand.u32 $0x3FFF, v0;
	[tilespmem:$0x2890] =	vst v57  }
0xf1: {  	[tilespmem:$0x2A90] =	vst v0  }
0xf2: {  	v0 =	vld [tilespmem:s8+$0x2A0];
	_ =	sdelay $0x4  }
0xf3: {  	v58 =	vshrl.u32 v0, $0xE  }
0xf4: {  	v0 =	vand.u32 $0x3FFF, v0;
	[tilespmem:$0x28A0] =	vst v58  }
0xf5: {  	[tilespmem:$0x2AA0] =	vst v0  }
0xf6: {  	v0 =	vld [tilespmem:s8+$0x2B0];
	_ =	sdelay $0x4  }
0xf7: {  	v59 =	vshrl.u32 v0, $0xE  }
0xf8: {  	v0 =	vand.u32 $0x3FFF, v0;
	[tilespmem:$0x28B0] =	vst v59  }
0xf9: {  	[tilespmem:$0x2AB0] =	vst v0  }
0xfa: {  	v0 =	vld [tilespmem:s8+$0x2C0];
	_ =	sdelay $0x4  }
0xfb: {  	v60 =	vshrl.u32 v0, $0xE  }
0xfc: {  	v0 =	vand.u32 $0x3FFF, v0;
	[tilespmem:$0x28C0] =	vst v60  }
0xfd: {  	[tilespmem:$0x2AC0] =	vst v0  }
0xfe: {  	v0 =	vld [tilespmem:s8+$0x2D0];
	_ =	sdelay $0x4  }
0xff: {  	v61 =	vshrl.u32 v0, $0xE  }
0x100: {  	v0 =	vand.u32 $0x3FFF, v0;
	[tilespmem:$0x28D0] =	vst v61  }
0x101: {  	[tilespmem:$0x2AD0] =	vst v0  }
0x102: {  	v0 =	vld [tilespmem:s8+$0x2E0];
	_ =	sdelay $0x4  }
0x103: {  	v62 =	vshrl.u32 v0, $0xE  }
0x104: {  	v0 =	vand.u32 $0x3FFF, v0;
	[tilespmem:$0x28E0] =	vst v62  }
0x105: {  	[tilespmem:$0x2AE0] =	vst v0  }
0x106: {  	v0 =	vld [tilespmem:s8+$0x2F0];
	_ =	sdelay $0x3  }
.Ltmp3:
0x107: {  	_ = 	snop;
	(pc) =	sbr.rel .LBB2_2-.Ltmp3, $4  }
0x108: {  	v63 =	vshrl.u32 v0, $0xE  }
0x109: {  	v0 =	vand.u32 $0x3FFF, v0;
	[tilespmem:$0x28F0] =	vst v63  }
0x10a: {  	s6 =	sadd.s32 $0x800, s6;
	[tilespmem:$0x2AF0] =	vst v0  }
0x10b: {  	[tilespmem:s17], [sflag:$0x2] =	stream.indirect.gather [spmem:s1], $0x40, s16, s13, $0xb8;
	[tilespmem:$0x1EC00] =	vst v63  }
.LBB2_5:
0x10c: {  	_ =	sfence.sel $0x180000  }
0x10d: {  	[bflag:$0x0] =	sbarrier.arrive $0xFFFF  }
0x10e: {  	_ =	strace $0x9000004A  }
0x10f: {  	s0 =	stileid.u32;
	[bflag:$0x2] =	sbarrier.arrive $0xFFFF  }
0x110: {  	p0 =	sne.s32 s0, $0x0;
	s0 =	rddreg [dreg:$0x4]  }
0x111: {  	s0 =	sadd.s32 @!p0 $0x100000, s0  }
0x112: {  	[sflag:s0] =	ssyncadd.tile.s32 @!p0 $0x1;
	_ =	shalt  }
.Lfunc_end2:
_tile_overlayer_lowered:
.L_overlay_start_2:
0x113: {  	(tag) =	ssettag $0x2  }
0x114: {  	s0 =	rddreg [dreg:$0x0];
	s2 =	stileid.u32  }
0x115: {  	s1 =	rddreg [dreg:$0x1];
	p0 =	sne.s32 s2, $0x0  }
0x116: {  	s3 =	rddreg [dreg:$0x2];
	[bflag:$0x3] =	sbarrier.arrive $0xFFFF;
	s2 =	simm.s32 @!p0 $0x1C09  }
0x117: {  	[timem:s3], [sflag:s2] =	dma.local @!p0 [hbm:s0], s1  }
0x118: {  	s0 =	simm.s32 @!p0 $0x9  }
0x119: {  	_ =	swait.ge @!p0 [sflag:s0], s1  }
0x11a: {  	s1 =	ssub.s32 @!p0 $0x0, s1;
	[sflag:s0] =	ssyncset.done @!p0 $0x0  }
0x11b: {  	[sflag:s0] =	ssyncadd.s32 @!p0 s1  }
0x11c: {  	[bflag:$0x3] =	sbarrier.arrive $0xFFFF  }
0x11d: {  	_ =	shalt  }

// kernel: kernel.14.cloned.1.call-start
scs
__scs_entry_jumppad:
0x0: {  	(pc) =	sbr.rel $0x88, $3  }
0x1: {  	(tag) =	ssettag $0x0;
	lr =	simm.s32 $0x1  }
0x2: {  	[smem:$0x3F9B] =	sst lr;
	_ =	strace $0xD0000000  }
0x3: {  	_ = 	snop  }
0x4: {  	_ = 	snop  }
0x5: {  	_ = 	snop  }
0x6: {  	_ = 	snop  }
0x7: {  	_ = 	snop  }
__scs_overlays_trampoline_lowered:
0x8: {  	[smem:$0x3FAA] =	sst s0  }
0x9: {  	[smem:$0x3FAB] =	sst s1  }
0xa: {  	[smem:$0x3FAC] =	sst s2  }
0xb: {  	[smem:$0x3FAD] =	sst s3  }
0xc: {  	[smem:$0x3FAE] =	sst s4  }
0xd: {  	[smem:$0x3FAF] =	sst s5  }
0xe: {  	[smem:$0x3FB0] =	sst s6  }
0xf: {  	[smem:$0x3FB1] =	sst s7  }
0x10: {  	[smem:$0x3FB2] =	sst s8  }
0x11: {  	[smem:$0x3FB3] =	sst s9;
	s0 =	simm.s32 @!p0 $0x0  }
0x12: {  	s1 =	sld [smem:$0x3F99];
	s0 =	simm.s32 @p0 $0x1  }
0x13: {  	[smem:$0x3FB4] =	sst s0;
	s0 =	simm.s32 @!p1 $0x0  }
0x14: {  	s2 =	sld [smem:$0x3F98];
	s0 =	simm.s32 @p1 $0x1  }
0x15: {  	[smem:$0x3FB5] =	sst s0;
	s0 =	simm.s32 @!p2 $0x0  }
0x16: {  	s3 =	sld [smem:$0x3FDB];
	s0 =	simm.s32 @p2 $0x1  }
0x17: {  	s4 =	simm.s32 $0x1BF5;
	[smem:$0x3FB7] =	sst s0  }
0x18: {  	s0 =	sld [smem:$0x3F9A];
	_ =	swait.ge [sflag:s4], $0x0  }
0x19: {  	s7 =	sld [smem:$0x3F9B]  }
0x1a: {  	s8 =	sadd.s32 $0xFFFFE003, lr  }
0x1b: {  	s9 =	sadd.s32 $0xFFFFFEF7, lr;
	s5 =	simm.s32 $0xFFFFFFFF;
	p2 =	slt.u32 s8, $0xFFFFF086  }
0x1c: {  	p1 =	slt.u32 s9, $0xF7A;
	s5 =	simm.s32 @!p2 $0x0  }
0x1d: {  	s5 =	simm.s32 @p1 $0x1;
	p0 =	seq.s32 s7, s2  }
0x1e: {  	s7 =	smul.u32 @!p0 $0xF7A, s2;
	p2 =	seq.s32 @!p0 s5, $0x0  }
0x1f: {  	s9 =	smul.u32 $0xF7A, s1;
	s8 =	simm.s32 @!p0 $0x1BF5;
	p2 =	por !p2, p0  }
0x20: {  	[sflag:s8] =	ssyncset.s32 @!p0 $0xFFFFF086;
	s6 =	sadd.s32 @!p0 s3, s7;
	s7 =	simm.s32 @!p0 $0x108  }
0x21: {  	s3 =	sadd.s32 s3, s9;
	s6 =	sadd.s32 @!p0 $0x88, s6;
	s7 =	simm.s32 @p2 $0x1082  }
0x22: {  	[simem:s7], [sflag:s8] =	dma.local @!p0 [hbm:s6], $0xF7A  }
0x23: {  	s9 =	sor.u32 $0xD0000000, s2;
	s6 =	simm.s32 $0x108;
	_ =	swait.ge @!p0 [sflag:s8], $0x0  }
0x24: {  	s3 =	sadd.s32 $0x88, s3;
	s6 =	simm.s32 @!p1 $0x1082;
	[sflag:s4] =	ssyncset.s32 $0xFFFFF086  }
0x25: {  	[simem:s6], [sflag:s4] =	dma.local [hbm:s3], $0xF7A  }
0x26: {  	[smem:$0x3F9B] =	sst s1;
	(tag) =	ssettag s2;
	_ =	strace s9  }
0x27: {  	s1 =	sld [smem:$0x3FAB]  }
0x28: {  	s2 =	sld [smem:$0x3FAC]  }
0x29: {  	s4 =	sld [smem:$0x3FAE]  }
0x2a: {  	p0 =	seq.s32 s5, $0x0;
	s5 =	sld [smem:$0x3FAF]  }
0x2b: {  	s6 =	sld [smem:$0x3FB0]  }
0x2c: {  	s7 =	sld [smem:$0x3FB1]  }
0x2d: {  	s3 =	simm.s32 $0x108;
	s8 =	sld [smem:$0x3FB2]  }
0x2e: {  	s3 =	simm.s32 @!p0 $0x1082;
	s9 =	sld [smem:$0x3FB3]  }
0x2f: {  	lr =	sadd.s32 s0, s3;
	s0 =	sld [smem:$0x3FAA]  }
0x30: {  	s3 =	sld [smem:$0x3FAD]  }
0x31: {  	[smem:$0x3FB6] =	sst s10  }
0x32: {  	s10 =	sld [smem:$0x3FB4];
	_ =	sdelay $0x3  }
0x33: {  	p0 =	seq.s32 s10, $0x1;
	s10 =	sld [smem:$0x3FB6];
	_ =	sdelay $0x3  }
0x34: {  	[smem:$0x3FB6] =	sst s10  }
0x35: {  	s10 =	sld [smem:$0x3FB5];
	_ =	sdelay $0x3  }
0x36: {  	p1 =	seq.s32 s10, $0x1;
	s10 =	sld [smem:$0x3FB6];
	_ =	sdelay $0x3  }
0x37: {  	[smem:$0x3FB6] =	sst s10  }
0x38: {  	s10 =	sld [smem:$0x3FB7]  }
0x39: {  	_ = 	snop;
	(pc) =	sbr.ind lr, $3  }
0x3a: {  	_ = 	snop  }
0x3b: {  	_ = 	snop  }
0x3c: {  	p2 =	seq.s32 s10, $0x1;
	s10 =	sld [smem:$0x3FB6]  }
0x3d: {  	_ =	shalt  }
0x3e: {  	_ =	shalt  }
0x3f: {  	_ =	shalt  }
0x40: {  	_ =	shalt  }
0x41: {  	_ =	shalt  }
0x42: {  	_ =	shalt  }
0x43: {  	_ =	shalt  }
0x44: {  	_ =	shalt  }
0x45: {  	_ =	shalt  }
0x46: {  	_ =	shalt  }
0x47: {  	_ =	shalt  }
0x48: {  	_ =	shalt  }
0x49: {  	_ =	shalt  }
0x4a: {  	_ =	shalt  }
0x4b: {  	_ =	shalt  }
0x4c: {  	_ =	shalt  }
0x4d: {  	_ =	shalt  }
0x4e: {  	_ =	shalt  }
0x4f: {  	_ =	shalt  }
0x50: {  	_ =	shalt  }
0x51: {  	_ =	shalt  }
0x52: {  	_ =	shalt  }
0x53: {  	_ =	shalt  }
0x54: {  	_ =	shalt  }
0x55: {  	_ =	shalt  }
0x56: {  	_ =	shalt  }
0x57: {  	_ =	shalt  }
0x58: {  	_ =	shalt  }
0x59: {  	_ =	shalt  }
0x5a: {  	_ =	shalt  }
0x5b: {  	_ =	shalt  }
0x5c: {  	_ =	shalt  }
0x5d: {  	_ =	shalt  }
0x5e: {  	_ =	shalt  }
0x5f: {  	_ =	shalt  }
0x60: {  	_ =	shalt  }
0x61: {  	_ =	shalt  }
0x62: {  	_ =	shalt  }
0x63: {  	_ =	shalt  }
0x64: {  	_ =	shalt  }
0x65: {  	_ =	shalt  }
0x66: {  	_ =	shalt  }
0x67: {  	_ =	shalt  }
0x68: {  	_ =	shalt  }
0x69: {  	_ =	shalt  }
0x6a: {  	_ =	shalt  }
0x6b: {  	_ =	shalt  }
0x6c: {  	_ =	shalt  }
0x6d: {  	_ =	shalt  }
0x6e: {  	_ =	shalt  }
0x6f: {  	_ =	shalt  }
0x70: {  	_ =	shalt  }
0x71: {  	_ =	shalt  }
0x72: {  	_ =	shalt  }
0x73: {  	_ =	shalt  }
0x74: {  	_ =	shalt  }
0x75: {  	_ =	shalt  }
0x76: {  	_ =	shalt  }
0x77: {  	_ =	shalt  }
0x78: {  	_ =	shalt  }
0x79: {  	_ =	shalt  }
0x7a: {  	_ =	shalt  }
0x7b: {  	_ =	shalt  }
0x7c: {  	_ =	shalt  }
0x7d: {  	_ =	shalt  }
0x7e: {  	_ =	shalt  }
0x7f: {  	_ =	shalt  }
0x80: {  	_ =	shalt  }
0x81: {  	_ =	shalt  }
0x82: {  	_ =	shalt  }
0x83: {  	_ =	shalt  }
0x84: {  	_ =	shalt  }
0x85: {  	_ =	shalt  }
0x86: {  	_ =	shalt  }
0x87: {  	_ =	shalt  }
.Lfunc_end0:
.L_simem_size_0:
called_computation.2_lowered:
.L_overlay_start_0:
0x88: {  	s2 =	sld [smem:$0x3FD9]  }
0x89: {  	s3 =	sld [smem:$0x3FFE];
	_ =	sdelay $0x1  }
0x8a: {  	s1 =	srdreg.scid  }
0x8b: {  	s0 =	sand.u32 $0x1, s1  }
0x8c: {  	s17 =	sshll.u32 s0, $0xA;
	s2 =	sadd.s32 s3, s2  }
0x8d: {  	s2 =	sadd.s32 s2, s17  }
0x8e: {  	[smem:$0x3FC2] =	sst s2  }
0x8f: {  	_ = 	snop  }
0x90: {  	s2 =	sld [smem:$0x3FD0];
	(tm) =	ssettm $0x1  }
0x91: {  	s18 =	sld [smem:$0x3FFB];
	_ =	sdelay $0x3  }
0x92: {  	_ =	strace s18  }
0x93: {  	s3 =	sld [smem:$0x3FFC];
	_ =	sdelay $0x3  }
0x94: {  	_ =	strace s3  }
0x95: {  	s3 =	sld [smem:$0x3FFD];
	_ =	sdelay $0x3  }
0x96: {  	_ =	strace s3  }
0x97: {  	_ =	strace $0x8FFFFFFF  }
0x98: {  	s19 =	sld [smem:$0x3FDB];
	_ =	sdelay $0x1  }
0x99: {  	s4 =	simm.s32 $_scs_section_size  }
0x9a: {  	s5 =	simm.s32 $_size__tile_overlayer_lowered;
	s6 =	simm.s32 $_tile_overlayer_lowered  }
0x9b: {  	s22 =	simm.s32 $0x1BFF;
	s21 =	sshll.u32 s6, $0x1;
	s3 =	sadd.s32 s4, s19  }
0x9c: {  	s7 =	simm.s32 $0x0;
	s20 =	sshll.u32 s5, $0x1;
	s5 =	sadd.s32 s21, s3  }
0x9d: {  	[timem:s7], [sflag:s22] =	dma.local [hbm:s5], s20  }
0x9e: {  	_ =	swait.ge [sflag:s22], s20  }
0x9f: {  	s4 =	ssub.s32 $0x0, s20;
	[sflag:s22] =	ssyncset.done $0x0  }
0xa0: {  	[sflag:s22] =	ssyncadd.s32 s4;
	_ =	sdelay $0x1  }
0xa1: {  	s23 =	simm.s32 $0x1B8B  }
0xa2: {  	_ =	swait.ge [sflag:s23], $0x1  }
0xa3: {  	[sflag:s23] =	ssyncset.done $0x0  }
0xa4: {  	s25 =	simm.s32 $0x1B8E;
	s24 =	sld [smem:$0x3FFE];
	[sflag:s23] =	ssyncadd.s32 $0xFFFFFFFF  }
0xa5: {  	s26 =	simm.s32 $execute0_lowered;
	[smem:$0x3FD2] =	sst s25  }
0xa6: {  	s5 =	sshll.u32 s26, $0x1;
	_ =	strace $0x8000004C;
	[dreg:$0x1] =	wrdreg $0xFFFFFFFF  }
0xa7: {  	s28 =	simm.s32 $_size_execute0_lowered;
	s3 =	sadd.s32 s3, s5;
	[dreg:$0x0] =	wrdreg $0x0  }
0xa8: {  	s5 =	sshll.u32 s28, $0x1;
	[dreg:$0x2] =	wrdreg s3  }
0xa9: {  	[dreg:$0x3] =	wrdreg s5  }
0xaa: {  	[dreg:$0x4] =	wrdreg $0xC0  }
0xab: {  	_ =	task [dreg:s7], $0x5FFFF  }
0xac: {  	[dreg:$0x1] =	wrdreg $0xFFFFFFFF  }
0xad: {  	[dreg:$0x0] =	wrdreg $0x60  }
0xae: {  	[dreg:$0x2] =	wrdreg s2  }
0xaf: {  	[dreg:$0x3] =	wrdreg s24  }
0xb0: {  	[dreg:$0x4] =	wrdreg $0xAC000  }
0xb1: {  	[dreg:$0x5] =	wrdreg $0x14C000  }
0xb2: {  	[dreg:$0x6] =	wrdreg $0x9  }
0xb3: {  	_ =	task.clear_ibuf [dreg:s7], $0x7FFFF;
	_ =	strace $0x9000004C  }
0xb4: {  	s29 =	simm.s32 $0x9;
	_ =	strace $0x8000004E  }
0xb5: {  	_ =	swait.ge [sflag:s29], $0x1  }
0xb6: {  	[sflag:s29] =	ssyncadd.s32 $0xFFFFFFFF  }
0xb7: {  	_ =	strace $0x9000004E  }
0xb8: {  	_ =	sfence  }
0xb9: {  	s30 =	sld [smem:$0x0];
	_ =	sdelay $0x2  }
0xba: {  	s31 =	sshll.u32 s1, $0xD;
	s1 =	sshrl.u32 s1, $0x2  }
0xbb: {  	s3 =	sand.u32 $0x4000, s31;
	s1 =	sadd.s32 s1, s30  }
0xbc: {  	s0 =	sor.u32 s3, s0;
	s1 =	sshll.u32 s1, $0x11  }
0xbd: {  	s0 =	sor.u32 s1, s0  }
0xbe: {  	s0 =	sadd.s32 $0x8F2B, s0  }
0xbf: {  	[sflag:s0] =	ssyncadd.remote.s32 $0x1  }
0xc0: {  	_ =	sfence.sel $0xFFFF  }
0xc1: {  	[dreg:$0x0] =	wrdreg $0xFFFFFFFF;
	(pc) =	sbr.abs _section_cstart, $3  }
0xc2: {  	[dreg:$0x1] =	wrdreg $0xFFFFFFFF  }
0xc3: {  	_ =	task.clear_ibuf [dreg:s7], $0x2FFFF;
	_ =	strace $0x9FFFFFFF  }
0xc4: {  	(tm) =	ssettm $0x7FFFFFFF  }
0xc5: {  	_ =	shalt  }
tec
execute0_lowered:
.L_overlay_start_1:
0x0: {  	(tag) =	ssettag $0x1  }
0x1: {  	s0 =	rddreg [dreg:$0x0]  }
0x2: {  	s2 =	rddreg [dreg:$0x1]  }
0x3: {  	s1 =	rddreg [dreg:$0x2]  }
0x4: {  	s3 =	rddreg [dreg:$0x3];
	s4 =	simm.s32 $0x0  }
0x5: {  	s11 =	stileid.u32;
	s5 =	srdreg.scid;
	s13 =	simm.s32 $0x80  }
0x6: {  	s14 =	simm.s32 $0x2800;
	s15 =	simm.s32 $0x2C00;
	s16 =	simm.s32 $0x2880  }
0x7: {  	s17 =	simm.s32 $0x4C00;
	s18 =	simm.s32 $0x1;
	s19 =	simm.s32 $0x2A00  }
0x8: {  	s20 =	simm.s32 $0x2900;
	s21 =	simm.s32 $0x6C00;
	s28 =	simm.s32 $0x2B00  }
0x9: {  	s29 =	simm.s32 $0x4;
	s30 =	simm.s32 $0x2B80;
	s31 =	simm.s32 $0x5  }
0xa: {  	[smem:$0x7FF] =	sst s4;
	s22 =	smul.u32 $0x500, s11;
	s6 =	sadd.s32 $0x7200, s2  }
0xb: {  	s5 =	sand.u32 $0x1, s5;
	s8 =	smul.u32 $0x14000, s11;
	s9 =	sadd.s32 $0x1B200, s2  }
0xc: {  	s25 =	sshll.u32 s11, $0x6;
	_ =	strace $0x8000004D;
	s7 =	ssub.s32 $0x2, s5  }
0xd: {  	p0 =	seq.s32 s5, $0x0;
	s5 =	simm.s32 $0x0;
	s4 =	sadd.s32 s22, s2  }
0xe: {  	s2 =	sadd.s32 $0x2F200, s2;
	s10 =	sshrl.u32 s7, $0x1;
	s23 =	sshrl.u32 s8, $0x1  }
0xf: {  	s8 =	sshrl.u32 s8, $0x4;
	s6 =	smov.u32 @p0 s0;
	s22 =	simm.s32 $0x2  }
0x10: {  	s0 =	simm.s32 $0x6;
	s7 =	ssub.s32 s7, s10;
	s4 =	sadd.s32 $0x2200, s4  }
0x11: {  	s24 =	sadd.s32 s23, s1;
	s2 =	smov.u32 @p0 s9;
	s9 =	simm.s32 $0x9  }
0x12: {  	s10 =	sor.u32 $0x1C09, s25;
	s25 =	simm.s32 $0x8C00;
	[dreg:$0x5] =	wrdreg s4  }
.Ltmp0:
0x13: {  	s4 =	sadd.s32 s23, s3;
	s7 =	smax.u32 s7, $0x1;
	(pc) =	sbr.rel .LBB2_1-.Ltmp0, $4  }
0x14: {  	s2 =	sadd.s32 s2, s8;
	s26 =	sshrl.u32 s24, $0x3;
	[dreg:$0x6] =	wrdreg s7  }
0x15: {  	s23 =	simm.s32 $0x2A80;
	s24 =	simm.s32 $0x2980;
	[dreg:$0x7] =	wrdreg s2  }
0x16: {  	s7 =	sadd.s32 s6, s8;
	[dreg:$0x8] =	wrdreg s26;
	s12 =	sshrl.u32 s4, $0x3  }
0x17: {  	s26 =	simm.s32 $0x3;
	s2 =	simm.s32 $0x7;
	s4 =	simm.s32 $0x8  }
.LBB2_4:
0x18: {  	_ =	swait.ge [sflag:s29], $0x2000  }
0x19: {  	[sflag:s29] =	ssyncset.done $0x0  }
0x1a: {  	[sflag:s29] =	ssyncadd.s32 $0xFFFFE000  }
0x1b: {  	[spmem:s3] =	stream.indirect.scatter.add.bf16 [tilespmem:s25], [sflag:$0x8], $0x40, s30, s13, $0xb8;
	[tilespmem:$0x1EC00] =	vst v63  }
0x1c: {  	_ =	swait.ge [sflag:s31], $0x2000  }
0x1d: {  	[sflag:s31] =	ssyncset.done $0x0  }
0x1e: {  	[sflag:s31] =	ssyncadd.s32 $0xFFFFE000  }
0x1f: {  	_ =	swait.ge [sflag:s0], $0x2000  }
0x20: {  	[sflag:s0] =	ssyncset.done $0x0  }
0x21: {  	[sflag:s0] =	ssyncadd.s32 $0xFFFFE000  }
0x22: {  	_ =	swait.ge [sflag:s2], $0x2000  }
0x23: {  	[sflag:s2] =	ssyncset.done $0x0  }
0x24: {  	[sflag:s2] =	ssyncadd.s32 $0xFFFFE000  }
0x25: {  	_ =	swait.ge [sflag:s4], $0x2000  }
0x26: {  	[sflag:s4] =	ssyncset.done $0x0  }
0x27: {  	[sflag:s4] =	ssyncadd.s32 $0xFFFFE000  }
0x28: {  	[bflag:$0x0] =	sbarrier.arrive $0xFFFF  }
0x29: {  	s6 =	rddreg [dreg:$0x7]  }
0x2a: {  	[hbm:s6], [sflag:s10] =	dma.local [spmem:s12], $0x1400  }
0x2b: {  	_ =	swait.ge [sflag:s9], $0x1400  }
0x2c: {  	s5 =	sadd.s32 $0x1, s5;
	s11 =	rddreg [dreg:$0x6]  }
0x2d: {  	p0 =	sne.s32 s5, s11  }
.Ltmp1:
0x2e: {  	_ = 	snop;
	(pc) =	sbr.rel @!p0 .LBB2_5-.Ltmp1, $3  }
0x2f: {  	_ =	sdelay $0x1  }
0x30: {  	[sflag:s9] =	ssyncset.done $0x0  }
0x31: {  	[sflag:s9] =	ssyncadd.s32 $0xFFFFEC00  }
.LBB2_1:
0x32: {  	s6 =	simm.s32 $0x0;
	s8 =	rddreg [dreg:$0x5]  }
0x33: {  	[tilespmem:s6], [sflag:$0x9] =	stream.linear.gather [hbm4b:s8+s6], $0x2800, $0x38;
	[tilespmem:$0x1EC00] =	vst v63  }
0x34: {  	_ =	swait.ge [sflag:s9], $0x2800  }
0x35: {  	[sflag:s9] =	ssyncset.done $0x0  }
0x36: {  	s11 =	rddreg [dreg:$0x8];
	[sflag:s9] =	ssyncadd.s32 $0xFFFFD800  }
0x37: {  	[spmem:s11], [sflag:s10] =	dma.local [hbm:s7], $0x1400  }
0x38: {  	_ =	swait.ge [sflag:s9], $0x1400  }
0x39: {  	[sflag:s9] =	ssyncset.done $0x0  }
0x3a: {  	[sflag:s9] =	ssyncadd.s32 $0xFFFFEC00  }
0x3b: {  	[spmem:s12], [sflag:s10] =	dma.local [hbm:s7], $0x1400  }
0x3c: {  	_ =	swait.ge [sflag:s9], $0x1400  }
0x3d: {  	[sflag:s9] =	ssyncset.done $0x0  }
0x3e: {  	[sflag:s9] =	ssyncadd.s32 $0xFFFFEC00  }
0x3f: {  	[bflag:$0x0] =	sbarrier.arrive $0xFFFF  }
0x40: {  	v0 =	vld [tilespmem:$0x0];
	_ =	sdelay $0x1  }
0x41: {  	v1 =	vld [tilespmem:$0x10];
	_ =	sdelay $0x1  }
0x42: {  	v2 =	vld [tilespmem:$0x20]  }
0x43: {  	v3 =	vshrl.u32 v0, $0xE  }
0x44: {  	v22 =	vld [tilespmem:$0x30];
	v0 =	vand.u32 $0x3FFF, v0;
	[tilespmem:$0x2800] =	vst v3  }
0x45: {  	v23 =	vshrl.u32 v1, $0xE;
	[tilespmem:$0x2A00] =	vst v0  }
0x46: {  	v25 =	vld [tilespmem:$0x40];
	v24 =	vand.u32 $0x3FFF, v1;
	[tilespmem:$0x2810] =	vst v23  }
0x47: {  	v26 =	vshrl.u32 v2, $0xE;
	[tilespmem:$0x2A10] =	vst v24  }
0x48: {  	v28 =	vld [tilespmem:$0x50];
	v27 =	vand.u32 $0x3FFF, v2;
	[tilespmem:$0x2820] =	vst v26  }
0x49: {  	v29 =	vshrl.u32 v22, $0xE;
	[tilespmem:$0x2A20] =	vst v27  }
0x4a: {  	v31 =	vld [tilespmem:$0x60];
	v30 =	vand.u32 $0x3FFF, v22;
	[tilespmem:$0x2830] =	vst v29  }
0x4b: {  	v32 =	vshrl.u32 v25, $0xE;
	[tilespmem:$0x2A30] =	vst v30  }
0x4c: {  	v34 =	vld [tilespmem:$0x70];
	v33 =	vand.u32 $0x3FFF, v25;
	[tilespmem:$0x2840] =	vst v32  }
0x4d: {  	v35 =	vshrl.u32 v28, $0xE;
	[tilespmem:$0x2A40] =	vst v33  }
0x4e: {  	v36 =	vand.u32 $0x3FFF, v28;
	[tilespmem:$0x2850] =	vst v35  }
0x4f: {  	v37 =	vshrl.u32 v31, $0xE;
	[tilespmem:$0x2A50] =	vst v36  }
0x50: {  	v38 =	vand.u32 $0x3FFF, v31;
	[tilespmem:$0x2860] =	vst v37  }
0x51: {  	v39 =	vshrl.u32 v34, $0xE;
	[tilespmem:$0x2A60] =	vst v38  }
0x52: {  	v40 =	vand.u32 $0x3FFF, v34;
	[tilespmem:$0x2870] =	vst v39  }
0x53: {  	[tilespmem:$0x2A70] =	vst v40  }
0x54: {  	[tilespmem:s15], [sflag:$0x1] =	stream.indirect.gather [spmem:s1], $0x40, s14, s13, $0xb8;
	[tilespmem:$0x1EC00] =	vst v63  }
0x55: {  	v41 =	vld [tilespmem:$0x80];
	_ =	sdelay $0x1  }
0x56: {  	v42 =	vld [tilespmem:$0x90];
	_ =	sdelay $0x1  }
0x57: {  	v43 =	vld [tilespmem:$0xA0]  }
0x58: {  	v44 =	vshrl.u32 v41, $0xE  }
0x59: {  	v45 =	vld [tilespmem:$0xB0];
	v0 =	vand.u32 $0x3FFF, v41;
	[tilespmem:$0x2880] =	vst v44  }
0x5a: {  	v46 =	vshrl.u32 v42, $0xE;
	[tilespmem:$0x2A80] =	vst v0  }
0x5b: {  	v48 =	vld [tilespmem:$0xC0];
	v47 =	vand.u32 $0x3FFF, v42;
	[tilespmem:$0x2890] =	vst v46  }
0x5c: {  	v49 =	vshrl.u32 v43, $0xE;
	[tilespmem:$0x2A90] =	vst v47  }
0x5d: {  	v51 =	vld [tilespmem:$0xD0];
	v50 =	vand.u32 $0x3FFF, v43;
	[tilespmem:$0x28A0] =	vst v49  }
0x5e: {  	v52 =	vshrl.u32 v45, $0xE;
	[tilespmem:$0x2AA0] =	vst v50  }
0x5f: {  	v54 =	vld [tilespmem:$0xE0];
	v53 =	vand.u32 $0x3FFF, v45;
	[tilespmem:$0x28B0] =	vst v52  }
0x60: {  	v55 =	vshrl.u32 v48, $0xE;
	[tilespmem:$0x2AB0] =	vst v53  }
0x61: {  	v57 =	vld [tilespmem:$0xF0];
	v56 =	vand.u32 $0x3FFF, v48;
	[tilespmem:$0x28C0] =	vst v55  }
0x62: {  	v58 =	vshrl.u32 v51, $0xE;
	[tilespmem:$0x2AC0] =	vst v56  }
0x63: {  	v59 =	vand.u32 $0x3FFF, v51;
	[tilespmem:$0x28D0] =	vst v58  }
0x64: {  	v60 =	vshrl.u32 v54, $0xE;
	[tilespmem:$0x2AD0] =	vst v59  }
0x65: {  	v61 =	vand.u32 $0x3FFF, v54;
	[tilespmem:$0x28E0] =	vst v60  }
0x66: {  	v62 =	vshrl.u32 v57, $0xE;
	[tilespmem:$0x2AE0] =	vst v61  }
0x67: {  	v63 =	vand.u32 $0x3FFF, v57;
	[tilespmem:$0x28F0] =	vst v62  }
0x68: {  	s6 =	simm.s32 $0x0;
	[tilespmem:$0x2AF0] =	vst v63  }
0x69: {  	[tilespmem:s17], [sflag:$0x2] =	stream.indirect.gather [spmem:s1], $0x40, s16, s13, $0xb8;
	[tilespmem:$0x1EC00] =	vst v63  }
.LBB2_2:
0x6a: {  	_ =	swait.ge [sflag:s18], $0x2000  }
0x6b: {  	p0 =	seq.s32 s6, $0x0;
	[sflag:s18] =	ssyncset.done $0x0  }
0x6c: {  	s8 =	simm.s32 @!p0 $0x7;
	[sflag:s18] =	ssyncadd.s32 $0xFFFFE000  }
0x6d: {  	[spmem:s3] =	stream.indirect.scatter.add.bf16 [tilespmem:s15], [sflag:$0x5], $0x40, s19, s13, $0xb8;
	[tilespmem:$0x1EC00] =	vst v63  }
0x6e: {  	_ =	swait.ge @!p0 [sflag:s8], $0x2000  }
0x6f: {  	[sflag:s8] =	ssyncset.done @!p0 $0x0  }
0x70: {  	[sflag:s8] =	ssyncadd.s32 @!p0 $0xFFFFE000;
	s8 =	sshra.s32 s6, $0x2  }
0x71: {  	v0 =	vld [tilespmem:s8+$0x100];
	_ =	sdelay $0x4  }
0x72: {  	v1 =	vshrl.u32 v0, $0xE  }
0x73: {  	v0 =	vand.u32 $0x3FFF, v0;
	[tilespmem:$0x2900] =	vst v1  }
0x74: {  	[tilespmem:$0x2B00] =	vst v0  }
0x75: {  	v0 =	vld [tilespmem:s8+$0x110];
	_ =	sdelay $0x4  }
0x76: {  	v48 =	vshrl.u32 v0, $0xE  }
0x77: {  	v0 =	vand.u32 $0x3FFF, v0;
	[tilespmem:$0x2910] =	vst v48  }
0x78: {  	[tilespmem:$0x2B10] =	vst v0  }
0x79: {  	v0 =	vld [tilespmem:s8+$0x120];
	_ =	sdelay $0x4  }
0x7a: {  	v49 =	vshrl.u32 v0, $0xE  }
0x7b: {  	v0 =	vand.u32 $0x3FFF, v0;
	[tilespmem:$0x2920] =	vst v49  }
0x7c: {  	[tilespmem:$0x2B20] =	vst v0  }
0x7d: {  	v0 =	vld [tilespmem:s8+$0x130];
	_ =	sdelay $0x4  }
0x7e: {  	v50 =	vshrl.u32 v0, $0xE  }
0x7f: {  	v0 =	vand.u32 $0x3FFF, v0;
	[tilespmem:$0x2930] =	vst v50  }
0x80: {  	[tilespmem:$0x2B30] =	vst v0  }
0x81: {  	v0 =	vld [tilespmem:s8+$0x140];
	_ =	sdelay $0x4  }
0x82: {  	v51 =	vshrl.u32 v0, $0xE  }
0x83: {  	v0 =	vand.u32 $0x3FFF, v0;
	[tilespmem:$0x2940] =	vst v51  }
0x84: {  	[tilespmem:$0x2B40] =	vst v0  }
0x85: {  	v0 =	vld [tilespmem:s8+$0x150];
	_ =	sdelay $0x4  }
0x86: {  	v52 =	vshrl.u32 v0, $0xE  }
0x87: {  	v0 =	vand.u32 $0x3FFF, v0;
	[tilespmem:$0x2950] =	vst v52  }
0x88: {  	[tilespmem:$0x2B50] =	vst v0  }
0x89: {  	v0 =	vld [tilespmem:s8+$0x160];
	_ =	sdelay $0x4  }
0x8a: {  	v53 =	vshrl.u32 v0, $0xE  }
0x8b: {  	v0 =	vand.u32 $0x3FFF, v0;
	[tilespmem:$0x2960] =	vst v53  }
0x8c: {  	[tilespmem:$0x2B60] =	vst v0  }
0x8d: {  	v0 =	vld [tilespmem:s8+$0x170];
	_ =	sdelay $0x4  }
0x8e: {  	v54 =	vshrl.u32 v0, $0xE  }
0x8f: {  	v0 =	vand.u32 $0x3FFF, v0;
	[tilespmem:$0x2970] =	vst v54  }
0x90: {  	[tilespmem:$0x2B70] =	vst v0  }
0x91: {  	[tilespmem:s21], [sflag:$0x3] =	stream.indirect.gather [spmem:s1], $0x40, s20, s13, $0xb8;
	[tilespmem:$0x1EC00] =	vst v63  }
0x92: {  	_ =	swait.ge [sflag:s22], $0x2000  }
0x93: {  	[sflag:s22] =	ssyncset.done $0x0  }
0x94: {  	s11 =	simm.s32 @!p0 $0x8;
	[sflag:s22] =	ssyncadd.s32 $0xFFFFE000  }
0x95: {  	[spmem:s3] =	stream.indirect.scatter.add.bf16 [tilespmem:s17], [sflag:$0x6], $0x40, s23, s13, $0xb8;
	[tilespmem:$0x1EC00] =	vst v63  }
0x96: {  	_ =	swait.ge @!p0 [sflag:s11], $0x2000  }
0x97: {  	[sflag:s11] =	ssyncset.done @!p0 $0x0  }
0x98: {  	[sflag:s11] =	ssyncadd.s32 @!p0 $0xFFFFE000  }
0x99: {  	v55 =	vld [tilespmem:s8+$0x180];
	_ =	sdelay $0x4  }
0x9a: {  	v56 =	vshrl.u32 v55, $0xE  }
0x9b: {  	v0 =	vand.u32 $0x3FFF, v55;
	[tilespmem:$0x2980] =	vst v56  }
0x9c: {  	[tilespmem:$0x2B80] =	vst v0  }
0x9d: {  	v0 =	vld [tilespmem:s8+$0x190];
	_ =	sdelay $0x4  }
0x9e: {  	v57 =	vshrl.u32 v0, $0xE  }
0x9f: {  	v0 =	vand.u32 $0x3FFF, v0;
	[tilespmem:$0x2990] =	vst v57  }
0xa0: {  	[tilespmem:$0x2B90] =	vst v0  }
0xa1: {  	v0 =	vld [tilespmem:s8+$0x1A0];
	_ =	sdelay $0x4  }
0xa2: {  	v58 =	vshrl.u32 v0, $0xE  }
0xa3: {  	v0 =	vand.u32 $0x3FFF, v0;
	[tilespmem:$0x29A0] =	vst v58  }
0xa4: {  	[tilespmem:$0x2BA0] =	vst v0  }
0xa5: {  	v0 =	vld [tilespmem:s8+$0x1B0];
	_ =	sdelay $0x4  }
0xa6: {  	v59 =	vshrl.u32 v0, $0xE  }
0xa7: {  	v0 =	vand.u32 $0x3FFF, v0;
	[tilespmem:$0x29B0] =	vst v59  }
0xa8: {  	[tilespmem:$0x2BB0] =	vst v0  }
0xa9: {  	v0 =	vld [tilespmem:s8+$0x1C0];
	_ =	sdelay $0x4  }
0xaa: {  	v60 =	vshrl.u32 v0, $0xE  }
0xab: {  	v0 =	vand.u32 $0x3FFF, v0;
	[tilespmem:$0x29C0] =	vst v60  }
0xac: {  	[tilespmem:$0x2BC0] =	vst v0  }
0xad: {  	v0 =	vld [tilespmem:s8+$0x1D0];
	_ =	sdelay $0x4  }
0xae: {  	v61 =	vshrl.u32 v0, $0xE  }
0xaf: {  	v0 =	vand.u32 $0x3FFF, v0;
	[tilespmem:$0x29D0] =	vst v61  }
0xb0: {  	[tilespmem:$0x2BD0] =	vst v0  }
0xb1: {  	v0 =	vld [tilespmem:s8+$0x1E0];
	_ =	sdelay $0x4  }
0xb2: {  	v62 =	vshrl.u32 v0, $0xE  }
0xb3: {  	v0 =	vand.u32 $0x3FFF, v0;
	[tilespmem:$0x29E0] =	vst v62  }
0xb4: {  	[tilespmem:$0x2BE0] =	vst v0  }
0xb5: {  	v0 =	vld [tilespmem:s8+$0x1F0];
	_ =	sdelay $0x4  }
0xb6: {  	v63 =	vshrl.u32 v0, $0xE  }
0xb7: {  	v0 =	vand.u32 $0x3FFF, v0;
	[tilespmem:$0x29F0] =	vst v63  }
0xb8: {  	p0 =	seq.s32 s6, $0x9800;
	[tilespmem:$0x2BF0] =	vst v0  }
0xb9: {  	[tilespmem:s25], [sflag:$0x4] =	stream.indirect.gather [spmem:s1], $0x40, s24, s13, $0xb8;
	[tilespmem:$0x1EC00] =	vst v63  }
.Ltmp2:
0xba: {  	_ = 	snop;
	(pc) =	sbr.rel @p0 .LBB2_4-.Ltmp2, $4  }
0xbb: {  	_ =	swait.ge [sflag:s26], $0x2000  }
0xbc: {  	[sflag:s26] =	ssyncset.done $0x0  }
0xbd: {  	[sflag:s26] =	ssyncadd.s32 $0xFFFFE000  }
0xbe: {  	[spmem:s3] =	stream.indirect.scatter.add.bf16 [tilespmem:s21], [sflag:$0x7], $0x40, s28, s13, $0xb8;
	[tilespmem:$0x1EC00] =	vst v63  }
0xbf: {  	_ =	swait.ge [sflag:s31], $0x2000  }
0xc0: {  	[sflag:s31] =	ssyncset.done $0x0  }
0xc1: {  	[sflag:s31] =	ssyncadd.s32 $0xFFFFE000  }
0xc2: {  	v0 =	vld [tilespmem:s8+$0x200];
	_ =	sdelay $0x4  }
0xc3: {  	v1 =	vshrl.u32 v0, $0xE  }
0xc4: {  	v0 =	vand.u32 $0x3FFF, v0;
	[tilespmem:$0x2800] =	vst v1  }
0xc5: {  	[tilespmem:$0x2A00] =	vst v0  }
0xc6: {  	v0 =	vld [tilespmem:s8+$0x210];
	_ =	sdelay $0x4  }
0xc7: {  	v48 =	vshrl.u32 v0, $0xE  }
0xc8: {  	v0 =	vand.u32 $0x3FFF, v0;
	[tilespmem:$0x2810] =	vst v48  }
0xc9: {  	[tilespmem:$0x2A10] =	vst v0  }
0xca: {  	v0 =	vld [tilespmem:s8+$0x220];
	_ =	sdelay $0x4  }
0xcb: {  	v49 =	vshrl.u32 v0, $0xE  }
0xcc: {  	v0 =	vand.u32 $0x3FFF, v0;
	[tilespmem:$0x2820] =	vst v49  }
0xcd: {  	[tilespmem:$0x2A20] =	vst v0  }
0xce: {  	v0 =	vld [tilespmem:s8+$0x230];
	_ =	sdelay $0x4  }
0xcf: {  	v50 =	vshrl.u32 v0, $0xE  }
0xd0: {  	v0 =	vand.u32 $0x3FFF, v0;
	[tilespmem:$0x2830] =	vst v50  }
0xd1: {  	[tilespmem:$0x2A30] =	vst v0  }
0xd2: {  	v0 =	vld [tilespmem:s8+$0x240];
	_ =	sdelay $0x4  }
0xd3: {  	v51 =	vshrl.u32 v0, $0xE  }
0xd4: {  	v0 =	vand.u32 $0x3FFF, v0;
	[tilespmem:$0x2840] =	vst v51  }
0xd5: {  	[tilespmem:$0x2A40] =	vst v0  }
0xd6: {  	v0 =	vld [tilespmem:s8+$0x250];
	_ =	sdelay $0x4  }
0xd7: {  	v52 =	vshrl.u32 v0, $0xE  }
0xd8: {  	v0 =	vand.u32 $0x3FFF, v0;
	[tilespmem:$0x2850] =	vst v52  }
0xd9: {  	[tilespmem:$0x2A50] =	vst v0  }
0xda: {  	v0 =	vld [tilespmem:s8+$0x260];
	_ =	sdelay $0x4  }
0xdb: {  	v53 =	vshrl.u32 v0, $0xE  }
0xdc: {  	v0 =	vand.u32 $0x3FFF, v0;
	[tilespmem:$0x2860] =	vst v53  }
0xdd: {  	[tilespmem:$0x2A60] =	vst v0  }
0xde: {  	v0 =	vld [tilespmem:s8+$0x270];
	_ =	sdelay $0x4  }
0xdf: {  	v54 =	vshrl.u32 v0, $0xE  }
0xe0: {  	v0 =	vand.u32 $0x3FFF, v0;
	[tilespmem:$0x2870] =	vst v54  }
0xe1: {  	[tilespmem:$0x2A70] =	vst v0  }
0xe2: {  	[tilespmem:s15], [sflag:$0x1] =	stream.indirect.gather [spmem:s1], $0x40, s14, s13, $0xb8;
	[tilespmem:$0x1EC00] =	vst v63  }
0xe3: {  	_ =	swait.ge [sflag:s29], $0x2000  }
0xe4: {  	[sflag:s29] =	ssyncset.done $0x0  }
0xe5: {  	[sflag:s29] =	ssyncadd.s32 $0xFFFFE000  }
0xe6: {  	[spmem:s3] =	stream.indirect.scatter.add.bf16 [tilespmem:s25], [sflag:$0x8], $0x40, s30, s13, $0xb8;
	[tilespmem:$0x1EC00] =	vst v63  }
0xe7: {  	_ =	swait.ge [sflag:s0], $0x2000  }
0xe8: {  	[sflag:s0] =	ssyncset.done $0x0  }
0xe9: {  	[sflag:s0] =	ssyncadd.s32 $0xFFFFE000  }
0xea: {  	v55 =	vld [tilespmem:s8+$0x280];
	_ =	sdelay $0x4  }
0xeb: {  	v56 =	vshrl.u32 v55, $0xE  }
0xec: {  	v0 =	vand.u32 $0x3FFF, v55;
	[tilespmem:$0x2880] =	vst v56  }
0xed: {  	[tilespmem:$0x2A80] =	vst v0  }
0xee: {  	v0 =	vld [tilespmem:s8+$0x290];
	_ =	sdelay $0x4  }
0xef: {  	v57 =	vshrl.u32 v0, $0xE  }
0xf0: {  	v0 =	vand.u32 $0x3FFF, v0;
	[tilespmem:$0x2890] =	vst v57  }
0xf1: {  	[tilespmem:$0x2A90] =	vst v0  }
0xf2: {  	v0 =	vld [tilespmem:s8+$0x2A0];
	_ =	sdelay $0x4  }
0xf3: {  	v58 =	vshrl.u32 v0, $0xE  }
0xf4: {  	v0 =	vand.u32 $0x3FFF, v0;
	[tilespmem:$0x28A0] =	vst v58  }
0xf5: {  	[tilespmem:$0x2AA0] =	vst v0  }
0xf6: {  	v0 =	vld [tilespmem:s8+$0x2B0];
	_ =	sdelay $0x4  }
0xf7: {  	v59 =	vshrl.u32 v0, $0xE  }
0xf8: {  	v0 =	vand.u32 $0x3FFF, v0;
	[tilespmem:$0x28B0] =	vst v59  }
0xf9: {  	[tilespmem:$0x2AB0] =	vst v0  }
0xfa: {  	v0 =	vld [tilespmem:s8+$0x2C0];
	_ =	sdelay $0x4  }
0xfb: {  	v60 =	vshrl.u32 v0, $0xE  }
0xfc: {  	v0 =	vand.u32 $0x3FFF, v0;
	[tilespmem:$0x28C0] =	vst v60  }
0xfd: {  	[tilespmem:$0x2AC0] =	vst v0  }
0xfe: {  	v0 =	vld [tilespmem:s8+$0x2D0];
	_ =	sdelay $0x4  }
0xff: {  	v61 =	vshrl.u32 v0, $0xE  }
0x100: {  	v0 =	vand.u32 $0x3FFF, v0;
	[tilespmem:$0x28D0] =	vst v61  }
0x101: {  	[tilespmem:$0x2AD0] =	vst v0  }
0x102: {  	v0 =	vld [tilespmem:s8+$0x2E0];
	_ =	sdelay $0x4  }
0x103: {  	v62 =	vshrl.u32 v0, $0xE  }
0x104: {  	v0 =	vand.u32 $0x3FFF, v0;
	[tilespmem:$0x28E0] =	vst v62  }
0x105: {  	[tilespmem:$0x2AE0] =	vst v0  }
0x106: {  	v0 =	vld [tilespmem:s8+$0x2F0];
	_ =	sdelay $0x3  }
.Ltmp3:
0x107: {  	_ = 	snop;
	(pc) =	sbr.rel .LBB2_2-.Ltmp3, $4  }
0x108: {  	v63 =	vshrl.u32 v0, $0xE  }
0x109: {  	v0 =	vand.u32 $0x3FFF, v0;
	[tilespmem:$0x28F0] =	vst v63  }
0x10a: {  	s6 =	sadd.s32 $0x800, s6;
	[tilespmem:$0x2AF0] =	vst v0  }
0x10b: {  	[tilespmem:s17], [sflag:$0x2] =	stream.indirect.gather [spmem:s1], $0x40, s16, s13, $0xb8;
	[tilespmem:$0x1EC00] =	vst v63  }
.LBB2_5:
0x10c: {  	_ =	sfence.sel $0x180000  }
0x10d: {  	[bflag:$0x0] =	sbarrier.arrive $0xFFFF  }
0x10e: {  	_ =	strace $0x9000004D  }
0x10f: {  	s0 =	stileid.u32;
	[bflag:$0x2] =	sbarrier.arrive $0xFFFF  }
0x110: {  	p0 =	sne.s32 s0, $0x0;
	s0 =	rddreg [dreg:$0x4]  }
0x111: {  	s0 =	sadd.s32 @!p0 $0x100000, s0  }
0x112: {  	[sflag:s0] =	ssyncadd.tile.s32 @!p0 $0x1;
	_ =	shalt  }
.Lfunc_end2:
_tile_overlayer_lowered:
.L_overlay_start_2:
0x113: {  	(tag) =	ssettag $0x2  }
0x114: {  	s0 =	rddreg [dreg:$0x0];
	s2 =	stileid.u32  }
0x115: {  	s1 =	rddreg [dreg:$0x1];
	p0 =	sne.s32 s2, $0x0  }
0x116: {  	s3 =	rddreg [dreg:$0x2];
	[bflag:$0x3] =	sbarrier.arrive $0xFFFF;
	s2 =	simm.s32 @!p0 $0x1C09  }
0x117: {  	[timem:s3], [sflag:s2] =	dma.local @!p0 [hbm:s0], s1  }
0x118: {  	s0 =	simm.s32 @!p0 $0x9  }
0x119: {  	_ =	swait.ge @!p0 [sflag:s0], s1  }
0x11a: {  	s1 =	ssub.s32 @!p0 $0x0, s1;
	[sflag:s0] =	ssyncset.done @!p0 $0x0  }
0x11b: {  	[sflag:s0] =	ssyncadd.s32 @!p0 s1  }
0x11c: {  	[bflag:$0x3] =	sbarrier.arrive $0xFFFF  }
0x11d: {  	_ =	shalt  }

// kernel: kernel.8.cloned.1.call-start
scs
__scs_entry_jumppad:
0x0: {  	(pc) =	sbr.rel $0x88, $3  }
0x1: {  	(tag) =	ssettag $0x0;
	lr =	simm.s32 $0x1  }
0x2: {  	[smem:$0x3F9B] =	sst lr;
	_ =	strace $0xD0000000  }
0x3: {  	_ = 	snop  }
0x4: {  	_ = 	snop  }
0x5: {  	_ = 	snop  }
0x6: {  	_ = 	snop  }
0x7: {  	_ = 	snop  }
__scs_overlays_trampoline_lowered:
0x8: {  	[smem:$0x3FAA] =	sst s0  }
0x9: {  	[smem:$0x3FAB] =	sst s1  }
0xa: {  	[smem:$0x3FAC] =	sst s2  }
0xb: {  	[smem:$0x3FAD] =	sst s3  }
0xc: {  	[smem:$0x3FAE] =	sst s4  }
0xd: {  	[smem:$0x3FAF] =	sst s5  }
0xe: {  	[smem:$0x3FB0] =	sst s6  }
0xf: {  	[smem:$0x3FB1] =	sst s7  }
0x10: {  	[smem:$0x3FB2] =	sst s8  }
0x11: {  	[smem:$0x3FB3] =	sst s9;
	s0 =	simm.s32 @!p0 $0x0  }
0x12: {  	s1 =	sld [smem:$0x3F99];
	s0 =	simm.s32 @p0 $0x1  }
0x13: {  	[smem:$0x3FB4] =	sst s0;
	s0 =	simm.s32 @!p1 $0x0  }
0x14: {  	s2 =	sld [smem:$0x3F98];
	s0 =	simm.s32 @p1 $0x1  }
0x15: {  	[smem:$0x3FB5] =	sst s0;
	s0 =	simm.s32 @!p2 $0x0  }
0x16: {  	s3 =	sld [smem:$0x3FDB];
	s0 =	simm.s32 @p2 $0x1  }
0x17: {  	s4 =	simm.s32 $0x1BF5;
	[smem:$0x3FB7] =	sst s0  }
0x18: {  	s0 =	sld [smem:$0x3F9A];
	_ =	swait.ge [sflag:s4], $0x0  }
0x19: {  	s7 =	sld [smem:$0x3F9B]  }
0x1a: {  	s8 =	sadd.s32 $0xFFFFE003, lr  }
0x1b: {  	s9 =	sadd.s32 $0xFFFFFEF7, lr;
	s5 =	simm.s32 $0xFFFFFFFF;
	p2 =	slt.u32 s8, $0xFFFFF086  }
0x1c: {  	p1 =	slt.u32 s9, $0xF7A;
	s5 =	simm.s32 @!p2 $0x0  }
0x1d: {  	s5 =	simm.s32 @p1 $0x1;
	p0 =	seq.s32 s7, s2  }
0x1e: {  	s7 =	smul.u32 @!p0 $0xF7A, s2;
	p2 =	seq.s32 @!p0 s5, $0x0  }
0x1f: {  	s9 =	smul.u32 $0xF7A, s1;
	s8 =	simm.s32 @!p0 $0x1BF5;
	p2 =	por !p2, p0  }
0x20: {  	[sflag:s8] =	ssyncset.s32 @!p0 $0xFFFFF086;
	s6 =	sadd.s32 @!p0 s3, s7;
	s7 =	simm.s32 @!p0 $0x108  }
0x21: {  	s3 =	sadd.s32 s3, s9;
	s6 =	sadd.s32 @!p0 $0x88, s6;
	s7 =	simm.s32 @p2 $0x1082  }
0x22: {  	[simem:s7], [sflag:s8] =	dma.local @!p0 [hbm:s6], $0xF7A  }
0x23: {  	s9 =	sor.u32 $0xD0000000, s2;
	s6 =	simm.s32 $0x108;
	_ =	swait.ge @!p0 [sflag:s8], $0x0  }
0x24: {  	s3 =	sadd.s32 $0x88, s3;
	s6 =	simm.s32 @!p1 $0x1082;
	[sflag:s4] =	ssyncset.s32 $0xFFFFF086  }
0x25: {  	[simem:s6], [sflag:s4] =	dma.local [hbm:s3], $0xF7A  }
0x26: {  	[smem:$0x3F9B] =	sst s1;
	(tag) =	ssettag s2;
	_ =	strace s9  }
0x27: {  	s1 =	sld [smem:$0x3FAB]  }
0x28: {  	s2 =	sld [smem:$0x3FAC]  }
0x29: {  	s4 =	sld [smem:$0x3FAE]  }
0x2a: {  	p0 =	seq.s32 s5, $0x0;
	s5 =	sld [smem:$0x3FAF]  }
0x2b: {  	s6 =	sld [smem:$0x3FB0]  }
0x2c: {  	s7 =	sld [smem:$0x3FB1]  }
0x2d: {  	s3 =	simm.s32 $0x108;
	s8 =	sld [smem:$0x3FB2]  }
0x2e: {  	s3 =	simm.s32 @!p0 $0x1082;
	s9 =	sld [smem:$0x3FB3]  }
0x2f: {  	lr =	sadd.s32 s0, s3;
	s0 =	sld [smem:$0x3FAA]  }
0x30: {  	s3 =	sld [smem:$0x3FAD]  }
0x31: {  	[smem:$0x3FB6] =	sst s10  }
0x32: {  	s10 =	sld [smem:$0x3FB4];
	_ =	sdelay $0x3  }
0x33: {  	p0 =	seq.s32 s10, $0x1;
	s10 =	sld [smem:$0x3FB6];
	_ =	sdelay $0x3  }
0x34: {  	[smem:$0x3FB6] =	sst s10  }
0x35: {  	s10 =	sld [smem:$0x3FB5];
	_ =	sdelay $0x3  }
0x36: {  	p1 =	seq.s32 s10, $0x1;
	s10 =	sld [smem:$0x3FB6];
	_ =	sdelay $0x3  }
0x37: {  	[smem:$0x3FB6] =	sst s10  }
0x38: {  	s10 =	sld [smem:$0x3FB7]  }
0x39: {  	_ = 	snop;
	(pc) =	sbr.ind lr, $3  }
0x3a: {  	_ = 	snop  }
0x3b: {  	_ = 	snop  }
0x3c: {  	p2 =	seq.s32 s10, $0x1;
	s10 =	sld [smem:$0x3FB6]  }
0x3d: {  	_ =	shalt  }
0x3e: {  	_ =	shalt  }
0x3f: {  	_ =	shalt  }
0x40: {  	_ =	shalt  }
0x41: {  	_ =	shalt  }
0x42: {  	_ =	shalt  }
0x43: {  	_ =	shalt  }
0x44: {  	_ =	shalt  }
0x45: {  	_ =	shalt  }
0x46: {  	_ =	shalt  }
0x47: {  	_ =	shalt  }
0x48: {  	_ =	shalt  }
0x49: {  	_ =	shalt  }
0x4a: {  	_ =	shalt  }
0x4b: {  	_ =	shalt  }
0x4c: {  	_ =	shalt  }
0x4d: {  	_ =	shalt  }
0x4e: {  	_ =	shalt  }
0x4f: {  	_ =	shalt  }
0x50: {  	_ =	shalt  }
0x51: {  	_ =	shalt  }
0x52: {  	_ =	shalt  }
0x53: {  	_ =	shalt  }
0x54: {  	_ =	shalt  }
0x55: {  	_ =	shalt  }
0x56: {  	_ =	shalt  }
0x57: {  	_ =	shalt  }
0x58: {  	_ =	shalt  }
0x59: {  	_ =	shalt  }
0x5a: {  	_ =	shalt  }
0x5b: {  	_ =	shalt  }
0x5c: {  	_ =	shalt  }
0x5d: {  	_ =	shalt  }
0x5e: {  	_ =	shalt  }
0x5f: {  	_ =	shalt  }
0x60: {  	_ =	shalt  }
0x61: {  	_ =	shalt  }
0x62: {  	_ =	shalt  }
0x63: {  	_ =	shalt  }
0x64: {  	_ =	shalt  }
0x65: {  	_ =	shalt  }
0x66: {  	_ =	shalt  }
0x67: {  	_ =	shalt  }
0x68: {  	_ =	shalt  }
0x69: {  	_ =	shalt  }
0x6a: {  	_ =	shalt  }
0x6b: {  	_ =	shalt  }
0x6c: {  	_ =	shalt  }
0x6d: {  	_ =	shalt  }
0x6e: {  	_ =	shalt  }
0x6f: {  	_ =	shalt  }
0x70: {  	_ =	shalt  }
0x71: {  	_ =	shalt  }
0x72: {  	_ =	shalt  }
0x73: {  	_ =	shalt  }
0x74: {  	_ =	shalt  }
0x75: {  	_ =	shalt  }
0x76: {  	_ =	shalt  }
0x77: {  	_ =	shalt  }
0x78: {  	_ =	shalt  }
0x79: {  	_ =	shalt  }
0x7a: {  	_ =	shalt  }
0x7b: {  	_ =	shalt  }
0x7c: {  	_ =	shalt  }
0x7d: {  	_ =	shalt  }
0x7e: {  	_ =	shalt  }
0x7f: {  	_ =	shalt  }
0x80: {  	_ =	shalt  }
0x81: {  	_ =	shalt  }
0x82: {  	_ =	shalt  }
0x83: {  	_ =	shalt  }
0x84: {  	_ =	shalt  }
0x85: {  	_ =	shalt  }
0x86: {  	_ =	shalt  }
0x87: {  	_ =	shalt  }
.Lfunc_end0:
.L_simem_size_0:
called_computation_lowered:
.L_overlay_start_0:
0x88: {  	s2 =	sld [smem:$0x3FD9]  }
0x89: {  	s3 =	sld [smem:$0x3FFE];
	_ =	sdelay $0x1  }
0x8a: {  	s1 =	srdreg.scid  }
0x8b: {  	s0 =	sand.u32 $0x1, s1  }
0x8c: {  	s17 =	sshll.u32 s0, $0xA;
	s2 =	sadd.s32 s3, s2  }
0x8d: {  	s2 =	sadd.s32 s2, s17  }
0x8e: {  	[smem:$0x3FC2] =	sst s2  }
0x8f: {  	_ = 	snop  }
0x90: {  	s2 =	sld [smem:$0x3FD0];
	(tm) =	ssettm $0x1  }
0x91: {  	s18 =	sld [smem:$0x3FFB];
	_ =	sdelay $0x3  }
0x92: {  	_ =	strace s18  }
0x93: {  	s3 =	sld [smem:$0x3FFC];
	_ =	sdelay $0x3  }
0x94: {  	_ =	strace s3  }
0x95: {  	s3 =	sld [smem:$0x3FFD];
	_ =	sdelay $0x3  }
0x96: {  	_ =	strace s3  }
0x97: {  	_ =	strace $0x8FFFFFFF  }
0x98: {  	s19 =	sld [smem:$0x3FDB];
	_ =	sdelay $0x1  }
0x99: {  	s4 =	simm.s32 $_scs_section_size  }
0x9a: {  	s5 =	simm.s32 $_size__tile_overlayer_lowered;
	s6 =	simm.s32 $_tile_overlayer_lowered  }
0x9b: {  	s22 =	simm.s32 $0x1BFF;
	s21 =	sshll.u32 s6, $0x1;
	s3 =	sadd.s32 s4, s19  }
0x9c: {  	s7 =	simm.s32 $0x0;
	s20 =	sshll.u32 s5, $0x1;
	s5 =	sadd.s32 s21, s3  }
0x9d: {  	[timem:s7], [sflag:s22] =	dma.local [hbm:s5], s20  }
0x9e: {  	_ =	swait.ge [sflag:s22], s20  }
0x9f: {  	s4 =	ssub.s32 $0x0, s20;
	[sflag:s22] =	ssyncset.done $0x0  }
0xa0: {  	[sflag:s22] =	ssyncadd.s32 s4;
	_ =	sdelay $0x1  }
0xa1: {  	s23 =	simm.s32 $0x1B8B  }
0xa2: {  	_ =	swait.ge [sflag:s23], $0x1  }
0xa3: {  	[sflag:s23] =	ssyncset.done $0x0  }
0xa4: {  	s25 =	simm.s32 $0x1B8E;
	s24 =	sld [smem:$0x3FFE];
	[sflag:s23] =	ssyncadd.s32 $0xFFFFFFFF  }
0xa5: {  	s26 =	simm.s32 $execute0_lowered;
	[smem:$0x3FD2] =	sst s25  }
0xa6: {  	s5 =	sshll.u32 s26, $0x1;
	_ =	strace $0x80000046;
	[dreg:$0x1] =	wrdreg $0xFFFFFFFF  }
0xa7: {  	s28 =	simm.s32 $_size_execute0_lowered;
	s3 =	sadd.s32 s3, s5;
	[dreg:$0x0] =	wrdreg $0x0  }
0xa8: {  	s5 =	sshll.u32 s28, $0x1;
	[dreg:$0x2] =	wrdreg s3  }
0xa9: {  	[dreg:$0x3] =	wrdreg s5  }
0xaa: {  	[dreg:$0x4] =	wrdreg $0xC0  }
0xab: {  	_ =	task [dreg:s7], $0x5FFFF  }
0xac: {  	[dreg:$0x1] =	wrdreg $0xFFFFFFFF  }
0xad: {  	[dreg:$0x0] =	wrdreg $0x60  }
0xae: {  	[dreg:$0x2] =	wrdreg s24  }
0xaf: {  	[dreg:$0x3] =	wrdreg s2  }
0xb0: {  	[dreg:$0x4] =	wrdreg $0x41000  }
0xb1: {  	[dreg:$0x5] =	wrdreg $0x9  }
0xb2: {  	_ =	task.clear_ibuf [dreg:s7], $0x6FFFF;
	_ =	strace $0x90000046  }
0xb3: {  	s29 =	simm.s32 $0x9;
	_ =	strace $0x80000048  }
0xb4: {  	_ =	swait.ge [sflag:s29], $0x1  }
0xb5: {  	[sflag:s29] =	ssyncadd.s32 $0xFFFFFFFF  }
0xb6: {  	_ =	strace $0x90000048  }
0xb7: {  	_ =	sfence  }
0xb8: {  	s30 =	sld [smem:$0x0];
	_ =	sdelay $0x2  }
0xb9: {  	s31 =	sshll.u32 s1, $0xD;
	s1 =	sshrl.u32 s1, $0x2  }
0xba: {  	s3 =	sand.u32 $0x4000, s31;
	s1 =	sadd.s32 s1, s30  }
0xbb: {  	s0 =	sor.u32 s3, s0;
	s1 =	sshll.u32 s1, $0x11  }
0xbc: {  	s0 =	sor.u32 s1, s0  }
0xbd: {  	s0 =	sadd.s32 $0x8F2B, s0  }
0xbe: {  	[sflag:s0] =	ssyncadd.remote.s32 $0x1  }
0xbf: {  	_ =	sfence.sel $0xFFFF  }
0xc0: {  	[dreg:$0x0] =	wrdreg $0xFFFFFFFF;
	(pc) =	sbr.abs _section_cstart, $3  }
0xc1: {  	[dreg:$0x1] =	wrdreg $0xFFFFFFFF  }
0xc2: {  	_ =	task.clear_ibuf [dreg:s7], $0x2FFFF;
	_ =	strace $0x9FFFFFFF  }
0xc3: {  	(tm) =	ssettm $0x7FFFFFFF  }
tec
execute0_lowered:
.L_overlay_start_1:
0x0: {  	(tag) =	ssettag $0x1  }
0x1: {  	s3 =	rddreg [dreg:$0x0]  }
0x2: {  	s21 =	rddreg [dreg:$0x1];
	s1 =	srdreg.scid  }
0x3: {  	s0 =	stileid.u32;
	s5 =	rddreg [dreg:$0x2];
	s2 =	simm.s32 $0x0  }
0x4: {  	s24 =	simm.s32 $0x1400;
	s25 =	simm.s32 $0x3C00;
	s4 =	smul.u32 $0x500, s0  }
0x5: {  	s26 =	simm.s32 $0x3E80;
	s28 =	simm.s32 $0x0;
	s7 =	smul.u32 $0xA000, s0  }
0x6: {  	s12 =	sand.u32 $0x1, s1;
	s1 =	rddreg [dreg:$0x3];
	s17 =	smul.u32 $0x280, s0  }
0x7: {  	[smem:$0x7FF] =	sst s2;
	s6 =	smul.u32 $0x280, s12;
	s29 =	ssub.s32 $0x2, s12  }
0x8: {  	_ =	strace $0x80000047;
	s18 =	smul.u32 $0x2800, s12;
	s30 =	sshrl.u32 s29, $0x1  }
0x9: {  	s31 =	sshrl.u32 s7, $0x2;
	s4 =	sadd.s32 s6, s4;
	s22 =	ssub.s32 s29, s30  }
0xa: {  	s19 =	sadd.s32 s17, s18;
	s4 =	sadd.s32 s4, s3;
	s3 =	sadd.s32 s17, s5  }
0xb: {  	s5 =	sadd.s32 s31, s5;
	s23 =	sshrl.u32 s19, $0x3;
	s22 =	smax.u32 s22, $0x1  }
0xc: {  	s4 =	sadd.s32 $0x2200, s4;
	s6 =	sadd.s32 $0x2800, s3;
	s7 =	sadd.s32 $0x5000, s3  }
0xd: {  	s8 =	sadd.s32 $0x7800, s3;
	s9 =	sadd.s32 $0xA000, s3;
	s10 =	sadd.s32 $0xC800, s3  }
0xe: {  	s11 =	sadd.s32 $0xF000, s3;
	s12 =	sadd.s32 $0x11800, s3;
	s13 =	sadd.s32 $0x14000, s3  }
0xf: {  	s14 =	sadd.s32 $0x16800, s3;
	s15 =	sadd.s32 $0x19000, s3;
	s16 =	sadd.s32 $0x1B800, s3  }
0x10: {  	s17 =	sadd.s32 $0x1E000, s3;
	s18 =	sadd.s32 $0x20800, s3;
	s19 =	sadd.s32 $0x23000, s3  }
0x11: {  	v0 =	vimm.f32 $0.0e+00;
	v1 =	vimm.f32 $1.000000000e+00;
	s20 =	sadd.s32 $0x25800, s3;
	s21 =	sadd.s32 s21, s23;
	s23 =	simm.s32 $0x1  }
.LBB2_1:
0x12: {  	[tilespmem:s2], [sflag:$0x1] =	stream.linear.gather [hbm4b:s4+s2], $0x1400, $0x38;
	[tilespmem:$0x6900] =	vst v63  }
0x13: {  	_ =	swait.ge [sflag:s23], $0x1400  }
0x14: {  	[sflag:s23] =	ssyncset.done $0x0  }
0x15: {  	s29 =	simm.s32 $0x0;
	[sflag:s23] =	ssyncadd.s32 $0xFFFFEC00  }
.LBB2_2:
0x16: {  	p0 =	sne.s32 s29, $0x9FC0  }
.Ltmp0:
0x17: {  	_ = 	snop;
	(pc) =	sbr.rel @p0 .LBB2_2-.Ltmp0, $3  }
0x18: {  	_ =	sdelay $0x1  }
0x19: {  	s30 =	sshra.s32 s29, $0x2  }
0x1a: {  	s29 =	sadd.s32 $0x40, s29;
	[tilespmem:s30+$0x1400] =	vst v0  }
0x1b: {  	s29 =	simm.s32 $0x0  }
.LBB2_4:
0x1c: {  	s30 =	sshra.s32 s29, $0x2  }
0x1d: {  	v2 =	vld [tilespmem:s30+$0x0];
	_ =	sdelay $0x4  }
0x1e: {  	v2 =	vand.u32 $0x3FFF, v2;
	_ =	sdelay $0x4  }
0x1f: {  	[tilespmem:v2+s24+$0x0] =	vst.idx.add.f32.msk $0xffff, v1  }
0x20: {  	v2 =	vld [tilespmem:s30+$0x10];
	_ =	sdelay $0x4  }
0x21: {  	v2 =	vand.u32 $0x3FFF, v2;
	_ =	sdelay $0x4  }
0x22: {  	[tilespmem:v2+s24+$0x0] =	vst.idx.add.f32.msk $0xffff, v1  }
0x23: {  	v2 =	vld [tilespmem:s30+$0x20];
	_ =	sdelay $0x4  }
0x24: {  	v2 =	vand.u32 $0x3FFF, v2;
	_ =	sdelay $0x4  }
0x25: {  	[tilespmem:v2+s24+$0x0] =	vst.idx.add.f32.msk $0xffff, v1  }
0x26: {  	v2 =	vld [tilespmem:s30+$0x30];
	_ =	sdelay $0x4  }
0x27: {  	v2 =	vand.u32 $0x3FFF, v2;
	_ =	sdelay $0x4  }
0x28: {  	[tilespmem:v2+s24+$0x0] =	vst.idx.add.f32.msk $0xffff, v1  }
0x29: {  	v2 =	vld [tilespmem:s30+$0x40];
	_ =	sdelay $0x4  }
0x2a: {  	v2 =	vand.u32 $0x3FFF, v2;
	_ =	sdelay $0x4  }
0x2b: {  	[tilespmem:v2+s24+$0x0] =	vst.idx.add.f32.msk $0xffff, v1  }
0x2c: {  	v2 =	vld [tilespmem:s30+$0x50];
	_ =	sdelay $0x4  }
0x2d: {  	v2 =	vand.u32 $0x3FFF, v2;
	_ =	sdelay $0x4  }
0x2e: {  	[tilespmem:v2+s24+$0x0] =	vst.idx.add.f32.msk $0xffff, v1  }
0x2f: {  	v2 =	vld [tilespmem:s30+$0x60];
	_ =	sdelay $0x4  }
0x30: {  	v2 =	vand.u32 $0x3FFF, v2;
	_ =	sdelay $0x4  }
0x31: {  	[tilespmem:v2+s24+$0x0] =	vst.idx.add.f32.msk $0xffff, v1  }
0x32: {  	v2 =	vld [tilespmem:s30+$0x70];
	_ =	sdelay $0x4  }
0x33: {  	p0 =	sne.s32 s29, $0x4E00;
	v2 =	vand.u32 $0x3FFF, v2  }
.Ltmp1:
0x34: {  	_ = 	snop;
	(pc) =	sbr.rel @p0 .LBB2_4-.Ltmp1, $2  }
0x35: {  	_ =	sdelay $0x2  }
0x36: {  	s29 =	sadd.s32 $0x200, s29;
	[tilespmem:v2+s24+$0x0] =	vst.idx.add.f32.msk $0xffff, v1  }
0x37: {  	[spmem:s5] =	stream.linear.scatter [tilespmem:s24], [sflag:$0x1], $0x2800, $0x38;
	[tilespmem:$0x6900] =	vst v63  }
0x38: {  	_ =	swait.ge [sflag:s23], $0x2800  }
0x39: {  	[sflag:s23] =	ssyncset.done $0x0  }
0x3a: {  	[sflag:s23] =	ssyncadd.s32 $0xFFFFD800  }
0x3b: {  	[bflag:$0x0] =	sbarrier.arrive $0xFFFF  }
0x3c: {  	[tilespmem:$0x3E80] =	vst v0  }
0x3d: {  	[tilespmem:$0x3E90] =	vst v0  }
0x3e: {  	[tilespmem:$0x3EA0] =	vst v0  }
0x3f: {  	[tilespmem:$0x3EB0] =	vst v0  }
0x40: {  	[tilespmem:$0x3EC0] =	vst v0  }
0x41: {  	[tilespmem:$0x3ED0] =	vst v0  }
0x42: {  	[tilespmem:$0x3EE0] =	vst v0  }
0x43: {  	[tilespmem:$0x3EF0] =	vst v0  }
0x44: {  	[tilespmem:$0x3F00] =	vst v0  }
0x45: {  	[tilespmem:$0x3F10] =	vst v0  }
0x46: {  	[tilespmem:$0x3F20] =	vst v0  }
0x47: {  	[tilespmem:$0x3F30] =	vst v0  }
0x48: {  	[tilespmem:$0x3F40] =	vst v0  }
0x49: {  	[tilespmem:$0x3F50] =	vst v0  }
0x4a: {  	[tilespmem:$0x3F60] =	vst v0  }
0x4b: {  	[tilespmem:$0x3F70] =	vst v0  }
0x4c: {  	[tilespmem:$0x3F80] =	vst v0  }
0x4d: {  	[tilespmem:$0x3F90] =	vst v0  }
0x4e: {  	[tilespmem:$0x3FA0] =	vst v0  }
0x4f: {  	[tilespmem:$0x3FB0] =	vst v0  }
0x50: {  	[tilespmem:$0x3FC0] =	vst v0  }
0x51: {  	[tilespmem:$0x3FD0] =	vst v0  }
0x52: {  	[tilespmem:$0x3FE0] =	vst v0  }
0x53: {  	[tilespmem:$0x3FF0] =	vst v0  }
0x54: {  	[tilespmem:$0x4000] =	vst v0  }
0x55: {  	[tilespmem:$0x4010] =	vst v0  }
0x56: {  	[tilespmem:$0x4020] =	vst v0  }
0x57: {  	[tilespmem:$0x4030] =	vst v0  }
0x58: {  	[tilespmem:$0x4040] =	vst v0  }
0x59: {  	[tilespmem:$0x4050] =	vst v0  }
0x5a: {  	[tilespmem:$0x4060] =	vst v0  }
0x5b: {  	[tilespmem:$0x4070] =	vst v0  }
0x5c: {  	[tilespmem:$0x4080] =	vst v0  }
0x5d: {  	[tilespmem:$0x4090] =	vst v0  }
0x5e: {  	[tilespmem:$0x40A0] =	vst v0  }
0x5f: {  	[tilespmem:$0x40B0] =	vst v0  }
0x60: {  	[tilespmem:$0x40C0] =	vst v0  }
0x61: {  	[tilespmem:$0x40D0] =	vst v0  }
0x62: {  	[tilespmem:$0x40E0] =	vst v0  }
0x63: {  	[tilespmem:$0x40F0] =	vst v0  }
0x64: {  	[tilespmem:s25], [sflag:$0x1] =	stream.linear.gather [spmem:s3], $0x280, $0x38;
	[tilespmem:$0x6900] =	vst v63  }
0x65: {  	_ =	swait.ge [sflag:s23], $0x280  }
0x66: {  	[sflag:s23] =	ssyncset.done $0x0  }
0x67: {  	s29 =	simm.s32 $0x0;
	[sflag:s23] =	ssyncadd.s32 $0xFFFFFD80  }
0x68: {  	s30 =	simm.s32 $0x40;
	v2 =	vld [tilespmem:s29+$0x3C00]  }
.LBB2_6:
0x69: {  	p0 =	sne.s32 s30, $0x9C0;
	v3 =	vld [tilespmem:s29+$0x3E80];
	_ =	sdelay $0x2  }
.Ltmp2:
0x6a: {  	(pc) =	sbr.rel @p0 .LBB2_6-.Ltmp2, $4  }
0x6b: {  	_ = 	snop  }
0x6c: {  	v3 =	vadd.f32 v2, v3  }
0x6d: {  	s31 =	sshra.s32 s30, $0x2  }
0x6e: {  	s30 =	sadd.s32 $0x40, s30;
	v2 =	vld [tilespmem:s31+$0x3C00];
	[tilespmem:s29+$0x3E80] =	vst v3;
	s29 =	smov.u32 s31  }
0x6f: {  	v3 =	vld [tilespmem:s29+$0x3E80];
	_ =	sdelay $0x4  }
0x70: {  	v2 =	vadd.f32 v2, v3;
	_ =	sdelay $0x1  }
0x71: {  	[tilespmem:s29+$0x3E80] =	vst v2  }
0x72: {  	[tilespmem:s25], [sflag:$0x1] =	stream.linear.gather [spmem:s6], $0x280, $0x38;
	[tilespmem:$0x6900] =	vst v63  }
0x73: {  	_ =	swait.ge [sflag:s23], $0x280  }
0x74: {  	[sflag:s23] =	ssyncset.done $0x0  }
0x75: {  	s29 =	simm.s32 $0x0;
	[sflag:s23] =	ssyncadd.s32 $0xFFFFFD80  }
0x76: {  	s30 =	simm.s32 $0x40;
	v2 =	vld [tilespmem:s29+$0x3C00]  }
.LBB2_8:
0x77: {  	p0 =	sne.s32 s30, $0x9C0;
	v3 =	vld [tilespmem:s29+$0x3E80];
	_ =	sdelay $0x2  }
.Ltmp3:
0x78: {  	(pc) =	sbr.rel @p0 .LBB2_8-.Ltmp3, $4  }
0x79: {  	_ = 	snop  }
0x7a: {  	v3 =	vadd.f32 v2, v3  }
0x7b: {  	s31 =	sshra.s32 s30, $0x2  }
0x7c: {  	s30 =	sadd.s32 $0x40, s30;
	v2 =	vld [tilespmem:s31+$0x3C00];
	[tilespmem:s29+$0x3E80] =	vst v3;
	s29 =	smov.u32 s31  }
0x7d: {  	v3 =	vld [tilespmem:s29+$0x3E80];
	_ =	sdelay $0x4  }
0x7e: {  	v2 =	vadd.f32 v2, v3;
	_ =	sdelay $0x1  }
0x7f: {  	[tilespmem:s29+$0x3E80] =	vst v2  }
0x80: {  	[tilespmem:s25], [sflag:$0x1] =	stream.linear.gather [spmem:s7], $0x280, $0x38;
	[tilespmem:$0x6900] =	vst v63  }
0x81: {  	_ =	swait.ge [sflag:s23], $0x280  }
0x82: {  	[sflag:s23] =	ssyncset.done $0x0  }
0x83: {  	s29 =	simm.s32 $0x0;
	[sflag:s23] =	ssyncadd.s32 $0xFFFFFD80  }
0x84: {  	s30 =	simm.s32 $0x40;
	v2 =	vld [tilespmem:s29+$0x3C00]  }
.LBB2_10:
0x85: {  	p0 =	sne.s32 s30, $0x9C0;
	v3 =	vld [tilespmem:s29+$0x3E80];
	_ =	sdelay $0x2  }
.Ltmp4:
0x86: {  	(pc) =	sbr.rel @p0 .LBB2_10-.Ltmp4, $4  }
0x87: {  	_ = 	snop  }
0x88: {  	v3 =	vadd.f32 v2, v3  }
0x89: {  	s31 =	sshra.s32 s30, $0x2  }
0x8a: {  	s30 =	sadd.s32 $0x40, s30;
	v2 =	vld [tilespmem:s31+$0x3C00];
	[tilespmem:s29+$0x3E80] =	vst v3;
	s29 =	smov.u32 s31  }
0x8b: {  	v3 =	vld [tilespmem:s29+$0x3E80];
	_ =	sdelay $0x4  }
0x8c: {  	v2 =	vadd.f32 v2, v3;
	_ =	sdelay $0x1  }
0x8d: {  	[tilespmem:s29+$0x3E80] =	vst v2  }
0x8e: {  	[tilespmem:s25], [sflag:$0x1] =	stream.linear.gather [spmem:s8], $0x280, $0x38;
	[tilespmem:$0x6900] =	vst v63  }
0x8f: {  	_ =	swait.ge [sflag:s23], $0x280  }
0x90: {  	[sflag:s23] =	ssyncset.done $0x0  }
0x91: {  	s29 =	simm.s32 $0x0;
	[sflag:s23] =	ssyncadd.s32 $0xFFFFFD80  }
0x92: {  	s30 =	simm.s32 $0x40;
	v2 =	vld [tilespmem:s29+$0x3C00]  }
.LBB2_12:
0x93: {  	p0 =	sne.s32 s30, $0x9C0;
	v3 =	vld [tilespmem:s29+$0x3E80];
	_ =	sdelay $0x2  }
.Ltmp5:
0x94: {  	(pc) =	sbr.rel @p0 .LBB2_12-.Ltmp5, $4  }
0x95: {  	_ = 	snop  }
0x96: {  	v3 =	vadd.f32 v2, v3  }
0x97: {  	s31 =	sshra.s32 s30, $0x2  }
0x98: {  	s30 =	sadd.s32 $0x40, s30;
	v2 =	vld [tilespmem:s31+$0x3C00];
	[tilespmem:s29+$0x3E80] =	vst v3;
	s29 =	smov.u32 s31  }
0x99: {  	v3 =	vld [tilespmem:s29+$0x3E80];
	_ =	sdelay $0x4  }
0x9a: {  	v2 =	vadd.f32 v2, v3;
	_ =	sdelay $0x1  }
0x9b: {  	[tilespmem:s29+$0x3E80] =	vst v2  }
0x9c: {  	[tilespmem:s25], [sflag:$0x1] =	stream.linear.gather [spmem:s9], $0x280, $0x38;
	[tilespmem:$0x6900] =	vst v63  }
0x9d: {  	_ =	swait.ge [sflag:s23], $0x280  }
0x9e: {  	[sflag:s23] =	ssyncset.done $0x0  }
0x9f: {  	s29 =	simm.s32 $0x0;
	[sflag:s23] =	ssyncadd.s32 $0xFFFFFD80  }
0xa0: {  	s30 =	simm.s32 $0x40;
	v2 =	vld [tilespmem:s29+$0x3C00]  }
.LBB2_14:
0xa1: {  	p0 =	sne.s32 s30, $0x9C0;
	v3 =	vld [tilespmem:s29+$0x3E80];
	_ =	sdelay $0x2  }
.Ltmp6:
0xa2: {  	(pc) =	sbr.rel @p0 .LBB2_14-.Ltmp6, $4  }
0xa3: {  	_ = 	snop  }
0xa4: {  	v3 =	vadd.f32 v2, v3  }
0xa5: {  	s31 =	sshra.s32 s30, $0x2  }
0xa6: {  	s30 =	sadd.s32 $0x40, s30;
	v2 =	vld [tilespmem:s31+$0x3C00];
	[tilespmem:s29+$0x3E80] =	vst v3;
	s29 =	smov.u32 s31  }
0xa7: {  	v3 =	vld [tilespmem:s29+$0x3E80];
	_ =	sdelay $0x4  }
0xa8: {  	v2 =	vadd.f32 v2, v3;
	_ =	sdelay $0x1  }
0xa9: {  	[tilespmem:s29+$0x3E80] =	vst v2  }
0xaa: {  	[tilespmem:s25], [sflag:$0x1] =	stream.linear.gather [spmem:s10], $0x280, $0x38;
	[tilespmem:$0x6900] =	vst v63  }
0xab: {  	_ =	swait.ge [sflag:s23], $0x280  }
0xac: {  	[sflag:s23] =	ssyncset.done $0x0  }
0xad: {  	s29 =	simm.s32 $0x0;
	[sflag:s23] =	ssyncadd.s32 $0xFFFFFD80  }
0xae: {  	s30 =	simm.s32 $0x40;
	v2 =	vld [tilespmem:s29+$0x3C00]  }
.LBB2_16:
0xaf: {  	p0 =	sne.s32 s30, $0x9C0;
	v3 =	vld [tilespmem:s29+$0x3E80];
	_ =	sdelay $0x2  }
.Ltmp7:
0xb0: {  	(pc) =	sbr.rel @p0 .LBB2_16-.Ltmp7, $4  }
0xb1: {  	_ = 	snop  }
0xb2: {  	v3 =	vadd.f32 v2, v3  }
0xb3: {  	s31 =	sshra.s32 s30, $0x2  }
0xb4: {  	s30 =	sadd.s32 $0x40, s30;
	v2 =	vld [tilespmem:s31+$0x3C00];
	[tilespmem:s29+$0x3E80] =	vst v3;
	s29 =	smov.u32 s31  }
0xb5: {  	v3 =	vld [tilespmem:s29+$0x3E80];
	_ =	sdelay $0x4  }
0xb6: {  	v2 =	vadd.f32 v2, v3;
	_ =	sdelay $0x1  }
0xb7: {  	[tilespmem:s29+$0x3E80] =	vst v2  }
0xb8: {  	[tilespmem:s25], [sflag:$0x1] =	stream.linear.gather [spmem:s11], $0x280, $0x38;
	[tilespmem:$0x6900] =	vst v63  }
0xb9: {  	_ =	swait.ge [sflag:s23], $0x280  }
0xba: {  	[sflag:s23] =	ssyncset.done $0x0  }
0xbb: {  	s29 =	simm.s32 $0x0;
	[sflag:s23] =	ssyncadd.s32 $0xFFFFFD80  }
0xbc: {  	s30 =	simm.s32 $0x40;
	v2 =	vld [tilespmem:s29+$0x3C00]  }
.LBB2_18:
0xbd: {  	p0 =	sne.s32 s30, $0x9C0;
	v3 =	vld [tilespmem:s29+$0x3E80];
	_ =	sdelay $0x2  }
.Ltmp8:
0xbe: {  	(pc) =	sbr.rel @p0 .LBB2_18-.Ltmp8, $4  }
0xbf: {  	_ = 	snop  }
0xc0: {  	v3 =	vadd.f32 v2, v3  }
0xc1: {  	s31 =	sshra.s32 s30, $0x2  }
0xc2: {  	s30 =	sadd.s32 $0x40, s30;
	v2 =	vld [tilespmem:s31+$0x3C00];
	[tilespmem:s29+$0x3E80] =	vst v3;
	s29 =	smov.u32 s31  }
0xc3: {  	v3 =	vld [tilespmem:s29+$0x3E80];
	_ =	sdelay $0x4  }
0xc4: {  	v2 =	vadd.f32 v2, v3;
	_ =	sdelay $0x1  }
0xc5: {  	[tilespmem:s29+$0x3E80] =	vst v2  }
0xc6: {  	[tilespmem:s25], [sflag:$0x1] =	stream.linear.gather [spmem:s12], $0x280, $0x38;
	[tilespmem:$0x6900] =	vst v63  }
0xc7: {  	_ =	swait.ge [sflag:s23], $0x280  }
0xc8: {  	[sflag:s23] =	ssyncset.done $0x0  }
0xc9: {  	s29 =	simm.s32 $0x0;
	[sflag:s23] =	ssyncadd.s32 $0xFFFFFD80  }
0xca: {  	s30 =	simm.s32 $0x40;
	v2 =	vld [tilespmem:s29+$0x3C00]  }
.LBB2_20:
0xcb: {  	p0 =	sne.s32 s30, $0x9C0;
	v3 =	vld [tilespmem:s29+$0x3E80];
	_ =	sdelay $0x2  }
.Ltmp9:
0xcc: {  	(pc) =	sbr.rel @p0 .LBB2_20-.Ltmp9, $4  }
0xcd: {  	_ = 	snop  }
0xce: {  	v3 =	vadd.f32 v2, v3  }
0xcf: {  	s31 =	sshra.s32 s30, $0x2  }
0xd0: {  	s30 =	sadd.s32 $0x40, s30;
	v2 =	vld [tilespmem:s31+$0x3C00];
	[tilespmem:s29+$0x3E80] =	vst v3;
	s29 =	smov.u32 s31  }
0xd1: {  	v3 =	vld [tilespmem:s29+$0x3E80];
	_ =	sdelay $0x4  }
0xd2: {  	v2 =	vadd.f32 v2, v3;
	_ =	sdelay $0x1  }
0xd3: {  	[tilespmem:s29+$0x3E80] =	vst v2  }
0xd4: {  	[tilespmem:s25], [sflag:$0x1] =	stream.linear.gather [spmem:s13], $0x280, $0x38;
	[tilespmem:$0x6900] =	vst v63  }
0xd5: {  	_ =	swait.ge [sflag:s23], $0x280  }
0xd6: {  	[sflag:s23] =	ssyncset.done $0x0  }
0xd7: {  	s29 =	simm.s32 $0x0;
	[sflag:s23] =	ssyncadd.s32 $0xFFFFFD80  }
0xd8: {  	s30 =	simm.s32 $0x40;
	v2 =	vld [tilespmem:s29+$0x3C00]  }
.LBB2_22:
0xd9: {  	p0 =	sne.s32 s30, $0x9C0;
	v3 =	vld [tilespmem:s29+$0x3E80];
	_ =	sdelay $0x2  }
.Ltmp10:
0xda: {  	(pc) =	sbr.rel @p0 .LBB2_22-.Ltmp10, $4  }
0xdb: {  	_ = 	snop  }
0xdc: {  	v3 =	vadd.f32 v2, v3  }
0xdd: {  	s31 =	sshra.s32 s30, $0x2  }
0xde: {  	s30 =	sadd.s32 $0x40, s30;
	v2 =	vld [tilespmem:s31+$0x3C00];
	[tilespmem:s29+$0x3E80] =	vst v3;
	s29 =	smov.u32 s31  }
0xdf: {  	v3 =	vld [tilespmem:s29+$0x3E80];
	_ =	sdelay $0x4  }
0xe0: {  	v2 =	vadd.f32 v2, v3;
	_ =	sdelay $0x1  }
0xe1: {  	[tilespmem:s29+$0x3E80] =	vst v2  }
0xe2: {  	[tilespmem:s25], [sflag:$0x1] =	stream.linear.gather [spmem:s14], $0x280, $0x38;
	[tilespmem:$0x6900] =	vst v63  }
0xe3: {  	_ =	swait.ge [sflag:s23], $0x280  }
0xe4: {  	[sflag:s23] =	ssyncset.done $0x0  }
0xe5: {  	s29 =	simm.s32 $0x0;
	[sflag:s23] =	ssyncadd.s32 $0xFFFFFD80  }
0xe6: {  	s30 =	simm.s32 $0x40;
	v2 =	vld [tilespmem:s29+$0x3C00]  }
.LBB2_24:
0xe7: {  	p0 =	sne.s32 s30, $0x9C0;
	v3 =	vld [tilespmem:s29+$0x3E80];
	_ =	sdelay $0x2  }
.Ltmp11:
0xe8: {  	(pc) =	sbr.rel @p0 .LBB2_24-.Ltmp11, $4  }
0xe9: {  	_ = 	snop  }
0xea: {  	v3 =	vadd.f32 v2, v3  }
0xeb: {  	s31 =	sshra.s32 s30, $0x2  }
0xec: {  	s30 =	sadd.s32 $0x40, s30;
	v2 =	vld [tilespmem:s31+$0x3C00];
	[tilespmem:s29+$0x3E80] =	vst v3;
	s29 =	smov.u32 s31  }
0xed: {  	v3 =	vld [tilespmem:s29+$0x3E80];
	_ =	sdelay $0x4  }
0xee: {  	v2 =	vadd.f32 v2, v3;
	_ =	sdelay $0x1  }
0xef: {  	[tilespmem:s29+$0x3E80] =	vst v2  }
0xf0: {  	[tilespmem:s25], [sflag:$0x1] =	stream.linear.gather [spmem:s15], $0x280, $0x38;
	[tilespmem:$0x6900] =	vst v63  }
0xf1: {  	_ =	swait.ge [sflag:s23], $0x280  }
0xf2: {  	[sflag:s23] =	ssyncset.done $0x0  }
0xf3: {  	s29 =	simm.s32 $0x0;
	[sflag:s23] =	ssyncadd.s32 $0xFFFFFD80  }
0xf4: {  	s30 =	simm.s32 $0x40;
	v2 =	vld [tilespmem:s29+$0x3C00]  }
.LBB2_26:
0xf5: {  	p0 =	sne.s32 s30, $0x9C0;
	v3 =	vld [tilespmem:s29+$0x3E80];
	_ =	sdelay $0x2  }
.Ltmp12:
0xf6: {  	(pc) =	sbr.rel @p0 .LBB2_26-.Ltmp12, $4  }
0xf7: {  	_ = 	snop  }
0xf8: {  	v3 =	vadd.f32 v2, v3  }
0xf9: {  	s31 =	sshra.s32 s30, $0x2  }
0xfa: {  	s30 =	sadd.s32 $0x40, s30;
	v2 =	vld [tilespmem:s31+$0x3C00];
	[tilespmem:s29+$0x3E80] =	vst v3;
	s29 =	smov.u32 s31  }
0xfb: {  	v3 =	vld [tilespmem:s29+$0x3E80];
	_ =	sdelay $0x4  }
0xfc: {  	v2 =	vadd.f32 v2, v3;
	_ =	sdelay $0x1  }
0xfd: {  	[tilespmem:s29+$0x3E80] =	vst v2  }
0xfe: {  	[tilespmem:s25], [sflag:$0x1] =	stream.linear.gather [spmem:s16], $0x280, $0x38;
	[tilespmem:$0x6900] =	vst v63  }
0xff: {  	_ =	swait.ge [sflag:s23], $0x280  }
0x100: {  	[sflag:s23] =	ssyncset.done $0x0  }
0x101: {  	s29 =	simm.s32 $0x0;
	[sflag:s23] =	ssyncadd.s32 $0xFFFFFD80  }
0x102: {  	s30 =	simm.s32 $0x40;
	v2 =	vld [tilespmem:s29+$0x3C00]  }
.LBB2_28:
0x103: {  	p0 =	sne.s32 s30, $0x9C0;
	v3 =	vld [tilespmem:s29+$0x3E80];
	_ =	sdelay $0x2  }
.Ltmp13:
0x104: {  	(pc) =	sbr.rel @p0 .LBB2_28-.Ltmp13, $4  }
0x105: {  	_ = 	snop  }
0x106: {  	v3 =	vadd.f32 v2, v3  }
0x107: {  	s31 =	sshra.s32 s30, $0x2  }
0x108: {  	s30 =	sadd.s32 $0x40, s30;
	v2 =	vld [tilespmem:s31+$0x3C00];
	[tilespmem:s29+$0x3E80] =	vst v3;
	s29 =	smov.u32 s31  }
0x109: {  	v3 =	vld [tilespmem:s29+$0x3E80];
	_ =	sdelay $0x4  }
0x10a: {  	v2 =	vadd.f32 v2, v3;
	_ =	sdelay $0x1  }
0x10b: {  	[tilespmem:s29+$0x3E80] =	vst v2  }
0x10c: {  	[tilespmem:s25], [sflag:$0x1] =	stream.linear.gather [spmem:s17], $0x280, $0x38;
	[tilespmem:$0x6900] =	vst v63  }
0x10d: {  	_ =	swait.ge [sflag:s23], $0x280  }
0x10e: {  	[sflag:s23] =	ssyncset.done $0x0  }
0x10f: {  	s29 =	simm.s32 $0x0;
	[sflag:s23] =	ssyncadd.s32 $0xFFFFFD80  }
0x110: {  	s30 =	simm.s32 $0x40;
	v2 =	vld [tilespmem:s29+$0x3C00]  }
.LBB2_30:
0x111: {  	p0 =	sne.s32 s30, $0x9C0;
	v3 =	vld [tilespmem:s29+$0x3E80];
	_ =	sdelay $0x2  }
.Ltmp14:
0x112: {  	(pc) =	sbr.rel @p0 .LBB2_30-.Ltmp14, $4  }
0x113: {  	_ = 	snop  }
0x114: {  	v3 =	vadd.f32 v2, v3  }
0x115: {  	s31 =	sshra.s32 s30, $0x2  }
0x116: {  	s30 =	sadd.s32 $0x40, s30;
	v2 =	vld [tilespmem:s31+$0x3C00];
	[tilespmem:s29+$0x3E80] =	vst v3;
	s29 =	smov.u32 s31  }
0x117: {  	v3 =	vld [tilespmem:s29+$0x3E80];
	_ =	sdelay $0x4  }
0x118: {  	v2 =	vadd.f32 v2, v3;
	_ =	sdelay $0x1  }
0x119: {  	[tilespmem:s29+$0x3E80] =	vst v2  }
0x11a: {  	[tilespmem:s25], [sflag:$0x1] =	stream.linear.gather [spmem:s18], $0x280, $0x38;
	[tilespmem:$0x6900] =	vst v63  }
0x11b: {  	_ =	swait.ge [sflag:s23], $0x280  }
0x11c: {  	[sflag:s23] =	ssyncset.done $0x0  }
0x11d: {  	s29 =	simm.s32 $0x0;
	[sflag:s23] =	ssyncadd.s32 $0xFFFFFD80  }
0x11e: {  	s30 =	simm.s32 $0x40;
	v2 =	vld [tilespmem:s29+$0x3C00]  }
.LBB2_32:
0x11f: {  	p0 =	sne.s32 s30, $0x9C0;
	v3 =	vld [tilespmem:s29+$0x3E80];
	_ =	sdelay $0x2  }
.Ltmp15:
0x120: {  	(pc) =	sbr.rel @p0 .LBB2_32-.Ltmp15, $4  }
0x121: {  	_ = 	snop  }
0x122: {  	v3 =	vadd.f32 v2, v3  }
0x123: {  	s31 =	sshra.s32 s30, $0x2  }
0x124: {  	s30 =	sadd.s32 $0x40, s30;
	v2 =	vld [tilespmem:s31+$0x3C00];
	[tilespmem:s29+$0x3E80] =	vst v3;
	s29 =	smov.u32 s31  }
0x125: {  	v3 =	vld [tilespmem:s29+$0x3E80];
	_ =	sdelay $0x4  }
0x126: {  	v2 =	vadd.f32 v2, v3;
	_ =	sdelay $0x1  }
0x127: {  	[tilespmem:s29+$0x3E80] =	vst v2  }
0x128: {  	[tilespmem:s25], [sflag:$0x1] =	stream.linear.gather [spmem:s19], $0x280, $0x38;
	[tilespmem:$0x6900] =	vst v63  }
0x129: {  	_ =	swait.ge [sflag:s23], $0x280  }
0x12a: {  	[sflag:s23] =	ssyncset.done $0x0  }
0x12b: {  	s29 =	simm.s32 $0x0;
	[sflag:s23] =	ssyncadd.s32 $0xFFFFFD80  }
0x12c: {  	s30 =	simm.s32 $0x40;
	v2 =	vld [tilespmem:s29+$0x3C00]  }
.LBB2_34:
0x12d: {  	p0 =	sne.s32 s30, $0x9C0;
	v3 =	vld [tilespmem:s29+$0x3E80];
	_ =	sdelay $0x2  }
.Ltmp16:
0x12e: {  	(pc) =	sbr.rel @p0 .LBB2_34-.Ltmp16, $4  }
0x12f: {  	_ = 	snop  }
0x130: {  	v3 =	vadd.f32 v2, v3  }
0x131: {  	s31 =	sshra.s32 s30, $0x2  }
0x132: {  	s30 =	sadd.s32 $0x40, s30;
	v2 =	vld [tilespmem:s31+$0x3C00];
	[tilespmem:s29+$0x3E80] =	vst v3;
	s29 =	smov.u32 s31  }
0x133: {  	v3 =	vld [tilespmem:s29+$0x3E80];
	_ =	sdelay $0x4  }
0x134: {  	v2 =	vadd.f32 v2, v3;
	_ =	sdelay $0x1  }
0x135: {  	[tilespmem:s29+$0x3E80] =	vst v2  }
0x136: {  	[tilespmem:s25], [sflag:$0x1] =	stream.linear.gather [spmem:s20], $0x280, $0x38;
	[tilespmem:$0x6900] =	vst v63  }
0x137: {  	_ =	swait.ge [sflag:s23], $0x280  }
0x138: {  	[sflag:s23] =	ssyncset.done $0x0  }
0x139: {  	s29 =	simm.s32 $0x0;
	[sflag:s23] =	ssyncadd.s32 $0xFFFFFD80  }
0x13a: {  	s30 =	simm.s32 $0x40;
	v2 =	vld [tilespmem:s29+$0x3C00]  }
.LBB2_36:
0x13b: {  	p0 =	sne.s32 s30, $0x9C0;
	v3 =	vld [tilespmem:s29+$0x3E80];
	_ =	sdelay $0x2  }
.Ltmp17:
0x13c: {  	(pc) =	sbr.rel @p0 .LBB2_36-.Ltmp17, $4  }
0x13d: {  	_ = 	snop  }
0x13e: {  	v3 =	vadd.f32 v2, v3  }
0x13f: {  	s31 =	sshra.s32 s30, $0x2  }
0x140: {  	s30 =	sadd.s32 $0x40, s30;
	v2 =	vld [tilespmem:s31+$0x3C00];
	[tilespmem:s29+$0x3E80] =	vst v3;
	s29 =	smov.u32 s31  }
0x141: {  	v3 =	vld [tilespmem:s29+$0x3E80];
	_ =	sdelay $0x4  }
0x142: {  	s28 =	sadd.s32 $0x1, s28;
	v2 =	vadd.f32 v2, v3  }
0x143: {  	p0 =	sne.s32 s28, s22  }
.Ltmp18:
0x144: {  	[tilespmem:s29+$0x3E80] =	vst v2;
	(pc) =	sbr.rel @p0 .LBB2_1-.Ltmp18, $4  }
0x145: {  	[hbm4b:s21+s2] =	stream.linear.scatter [tilespmem:s26], [sflag:$0x1], $0x280, $0x38;
	[tilespmem:$0x6900] =	vst v63  }
0x146: {  	_ =	swait.ge [sflag:s23], $0x280  }
0x147: {  	[sflag:s23] =	ssyncset.done $0x0  }
0x148: {  	[sflag:s23] =	ssyncadd.s32 $0xFFFFFD80  }
0x149: {  	_ =	sfence.sel $0x180000  }
0x14a: {  	[bflag:$0x0] =	sbarrier.arrive $0xFFFF  }
0x14b: {  	p0 =	sne.s32 s0, $0x0;
	_ =	strace $0x90000047  }
0x14c: {  	s0 =	sadd.s32 @!p0 $0x100000, s1;
	[bflag:$0x2] =	sbarrier.arrive $0xFFFF  }
0x14d: {  	[sflag:s0] =	ssyncadd.tile.s32 @!p0 $0x1;
	_ =	shalt  }
.Lfunc_end2:
_tile_overlayer_lowered:
.L_overlay_start_2:
0x14e: {  	(tag) =	ssettag $0x2  }
0x14f: {  	s0 =	rddreg [dreg:$0x0];
	s2 =	stileid.u32  }
0x150: {  	s1 =	rddreg [dreg:$0x1];
	p0 =	sne.s32 s2, $0x0  }
0x151: {  	s3 =	rddreg [dreg:$0x2];
	[bflag:$0x3] =	sbarrier.arrive $0xFFFF;
	s2 =	simm.s32 @!p0 $0x1C01  }
0x152: {  	[timem:s3], [sflag:s2] =	dma.local @!p0 [hbm:s0], s1  }
0x153: {  	s0 =	simm.s32 @!p0 $0x1  }
0x154: {  	_ =	swait.ge @!p0 [sflag:s0], s1  }
0x155: {  	s1 =	ssub.s32 @!p0 $0x0, s1;
	[sflag:s0] =	ssyncset.done @!p0 $0x0  }
0x156: {  	[sflag:s0] =	ssyncadd.s32 @!p0 s1  }
0x157: {  	[bflag:$0x3] =	sbarrier.arrive $0xFFFF  }
0x158: {  	_ =	shalt  }

</sc_bundles>
